<compile_context>
chip_gen: v7x
topology: tpu7x:2x2x1
jax: 0.10.2.dev20260603
libtpu: 0.0.44.dev20260713+nightly
codegen_flags: <defaults>
</compile_context>

<pallas_src>
import functools

import jax
import jax.numpy as jnp
from jax import lax
from jax.experimental import pallas as pl
from jax.experimental.pallas import tpu as pltpu
from jax.experimental.pallas import tpu_sc as plsc

N = 10000
E = 320000
D = 128

NC = 2
NS = 16
NW = NC * NS
E_PER_W = E // NW
CHUNK = 128
REAL = 125
N_CHUNKS = E_PER_W // REAL
E_PAD = N_CHUNKS * CHUNK
N_PAIRS = N_CHUNKS // 2
WB_TILES = 10
WB_ROWS = N // WB_TILES


def _sc_spmm(packed3, val3, embeds, zeros_blk):
    mesh = plsc.VectorSubcoreMesh(core_axis_name="c", subcore_axis_name="s")

    @functools.partial(
        pl.kernel,
        out_type=jax.ShapeDtypeStruct((NC, N, D), jnp.float32),
        mesh=mesh,
        scratch_types=[
            pltpu.VMEM_SHARED((N, D), jnp.float32),
            pltpu.VMEM((E_PAD,), jnp.int32),
            pltpu.VMEM((CHUNK,), jnp.int32),
            pltpu.VMEM((CHUNK,), jnp.int32),
            pltpu.VMEM((CHUNK,), jnp.int32),
            pltpu.VMEM((CHUNK,), jnp.int32),
            pltpu.VMEM((CHUNK,), jnp.float32),
            pltpu.VMEM((CHUNK,), jnp.float32),
            pltpu.VMEM((CHUNK, D), jnp.float32),
            pltpu.VMEM((CHUNK, D), jnp.float32),
            pltpu.SemaphoreType.DMA,
            pltpu.SemaphoreType.DMA,
            pltpu.SemaphoreType.DMA,
            pltpu.SemaphoreType.DMA,
        ],
    )
    def k(packed_h, val_h, emb_h, zero_h, out_h,
          acc, packed, colb0, colb1, rowb0, rowb1, valf0, valf1, buf0, buf1,
          gs0, gs1, ss0, ss1):
        cid = lax.axis_index("c")
        sid = lax.axis_index("s")
        wid = cid * NS + sid

        pltpu.sync_copy(packed_h.at[wid], packed)

        def unpack(ci, colb, rowb):
            for g in range(CHUNK // 16):
                sl = pl.ds(g * 16, 16)
                p = packed[pl.ds(ci * CHUNK + g * 16, 16)]
                colb[sl] = lax.bitwise_and(p, 0xFFFF)
                rowb[sl] = lax.shift_right_logical(p, 16)

        def gather_start(ci, buf, colb, valf, sem):
            pltpu.async_copy(emb_h.at[colb], buf, sem)
            pltpu.async_copy(val_h.at[wid, pl.ds(ci * CHUNK, CHUNK)], valf, sem)

        def gather_wait(ci, buf, colb, valf, sem):
            pltpu.make_async_copy(emb_h.at[colb], buf, sem).wait()
            pltpu.make_async_copy(
                val_h.at[wid, pl.ds(ci * CHUNK, CHUNK)], valf, sem).wait()

        def scatter_start(buf, rowb, sem):
            pltpu.async_copy(buf, acc.at[rowb], sem, add=True)

        def scatter_wait(buf, rowb, sem):
            pltpu.make_async_copy(buf, acc.at[rowb], sem).wait()

        def scale(buf, valf):
            def g_body(g, carry):
                vv = valf[pl.ds(g * 16, 16)]
                for t in range(16):
                    v = vv[t]
                    e = g * 16 + t
                    for j in range(D // 16):
                        sl = pl.ds(j * 16, 16)
                        buf[e, sl] = buf[e, sl] * v
                return carry

            lax.fori_loop(0, CHUNK // 16, g_body, 0)

        unpack(0, colb0, rowb0)
        gather_start(0, buf0, colb0, valf0, gs0)
        unpack(1, colb1, rowb1)
        gather_start(1, buf1, colb1, valf1, gs1)

        @pl.when(sid < WB_TILES)
        def _():
            pltpu.sync_copy(zero_h, acc.at[pl.ds(sid * WB_ROWS, WB_ROWS)])

        plsc.subcore_barrier()

        def pair_body(i, carry):
            c0 = 2 * i
            c1 = 2 * i + 1
            gather_wait(c0, buf0, colb0, valf0, gs0)
            scale(buf0, valf0)
            scatter_start(buf0, rowb0, ss0)

            gather_wait(c1, buf1, colb1, valf1, gs1)
            scale(buf1, valf1)
            scatter_start(buf1, rowb1, ss1)

            @pl.when(i < N_PAIRS - 1)
            def _():
                scatter_wait(buf0, rowb0, ss0)
                unpack(c0 + 2, colb0, rowb0)
                gather_start(c0 + 2, buf0, colb0, valf0, gs0)

                scatter_wait(buf1, rowb1, ss1)
                unpack(c1 + 2, colb1, rowb1)
                gather_start(c1 + 2, buf1, colb1, valf1, gs1)

            return carry

        lax.fori_loop(0, N_PAIRS, pair_body, 0)

        scatter_wait(buf0, rowb0, ss0)
        scatter_wait(buf1, rowb1, ss1)

        plsc.subcore_barrier()

        @pl.when(sid < WB_TILES)
        def _():
            sl = pl.ds(sid * WB_ROWS, WB_ROWS)
            pltpu.sync_copy(acc.at[sl], out_h.at[cid, sl])

    return k(packed3, val3, embeds, zeros_blk)


def _tc_add(partials):
    def body(p_ref, o_ref):
        o_ref[...] = p_ref[0] + p_ref[1]

    return pl.pallas_call(
        body,
        out_shape=jax.ShapeDtypeStruct((N, D), jnp.float32),
        grid=(10,),
        in_specs=[pl.BlockSpec((NC, N // 10, D), lambda i: (0, i, 0))],
        out_specs=pl.BlockSpec((N // 10, D), lambda i: (i, 0)),
    )(partials)


def kernel(edge_index, edge_values, embeds):
    row = edge_index[0].astype(jnp.int32).reshape(NW, N_CHUNKS, REAL)
    col = edge_index[1].astype(jnp.int32).reshape(NW, N_CHUNKS, REAL)
    val = edge_values.reshape(NW, N_CHUNKS, REAL)
    pad = ((0, 0), (0, 0), (0, CHUNK - REAL))
    spread = (jnp.arange(NW * N_CHUNKS * (CHUNK - REAL), dtype=jnp.int32)
              * 677 % N).reshape(NW, N_CHUNKS, CHUNK - REAL)
    rowp = jnp.concatenate([row, spread], axis=2)
    colp = jnp.concatenate([col, spread], axis=2)
    packed3 = ((rowp << 16) | colp).reshape(NW, E_PAD)
    val3 = jnp.pad(val, pad).reshape(NW, E_PAD)
    zeros_blk = jnp.zeros((WB_ROWS, D), jnp.float32)
    partials = _sc_spmm(packed3, val3, embeds, zeros_blk)
    return _tc_add(partials)

# --- scband reference (transcript-rebuilt; emitter-appended) ---
"""Pipeline reference for scband-gcnlayer-sp-73924977098826 (READ-ONLY COPY).

The authoritative reference and input builder live on the scoring server;
editing this copy changes nothing except your own understanding.
"""

import jax, jax.numpy as jnp
import numpy as np

N_NODES = 10000
N_EDGES = 320000
D_FEAT = 128


def setup_inputs(seed: int = 0) -> dict:
    key = jax.random.key(seed)
    k1, k2, k3 = jax.random.split(key, 3)
    edge_index = jax.random.randint(k1, (2, N_EDGES), 0, N_NODES, dtype=jnp.int32)
    edge_values = jax.random.uniform(k2, (N_EDGES,), dtype=jnp.float32)
    embeds = jax.random.normal(k3, (N_NODES, D_FEAT), dtype=jnp.float32)
    return {"edge_index": edge_index, "edge_values": edge_values, "embeds": embeds}


def reference(edge_index, edge_values, embeds):
    # Faithful translation of GCNLayer_sp.forward: sparse adj (COO) matmul embeds.
    # res[i, :] = sum_{e: row[e]==i} val[e] * embeds[col[e], :]
    row = edge_index[0]
    col = edge_index[1]
    gathered = jnp.take(embeds, col, axis=0) * edge_values[:, None]
    res = jax.ops.segment_sum(gathered, row, num_segments=embeds.shape[0])
    return res

if __name__ == "__main__":
    import jax
    _d = setup_inputs()
    print(jax.jit(kernel)(*tuple(_d.values())))

</pallas_src>

<mosaic_0001>
#map = affine_map<(d0, d1) -> (0, 0)>
#map1 = affine_map<(d0, d1) -> (0, 0, 0)>
module attributes {stable_mosaic.version = 14 : i64} {
  func.func @k(%arg0: i32, %arg1: i32, %arg2: memref<32x10240xi32, #tpu.memory_space<hbm>>, %arg3: memref<32x10240xf32, #tpu.memory_space<hbm>>, %arg4: memref<10000x128xf32, #tpu.memory_space<hbm>>, %arg5: memref<1000x128xf32, #tpu.memory_space<hbm>>, %arg6: memref<2x10000x128xf32, #tpu.memory_space<hbm>>, %arg7: memref<10000x128xf32, #tpu.memory_space<vmem_shared>>, %arg8: memref<10240xi32, #tpu.memory_space<vmem>>, %arg9: memref<128xi32, #tpu.memory_space<vmem>>, %arg10: memref<128xi32, #tpu.memory_space<vmem>>, %arg11: memref<128xi32, #tpu.memory_space<vmem>>, %arg12: memref<128xi32, #tpu.memory_space<vmem>>, %arg13: memref<128xf32, #tpu.memory_space<vmem>>, %arg14: memref<128xf32, #tpu.memory_space<vmem>>, %arg15: memref<128x128xf32, #tpu.memory_space<vmem>>, %arg16: memref<128x128xf32, #tpu.memory_space<vmem>>, %arg17: memref<!tpu.dma_semaphore, #tpu.memory_space<semaphore_mem>>, %arg18: memref<!tpu.dma_semaphore, #tpu.memory_space<semaphore_mem>>, %arg19: memref<!tpu.dma_semaphore, #tpu.memory_space<semaphore_mem>>, %arg20: memref<!tpu.dma_semaphore, #tpu.memory_space<semaphore_mem>>) attributes {dimension_semantics = [#tpu.dimension_semantics<core_parallel>, #tpu.dimension_semantics<subcore_parallel>], iteration_bounds = array<i64: 2, 16>, scalar_prefetch = 0 : i64, scratch_operands = 14 : i64, tpu.core_type = #tpu.core_type<sc_vector_subcore>, window_params = [{transform_indices = #map}, {transform_indices = #map}, {transform_indices = #map}, {transform_indices = #map}, {transform_indices = #map1}]} {
    %mul3A = arith.constant 16 : i32
    %mul3A_0 = arith.muli %arg0, %mul3A : i32
    %add3A = arith.addi %mul3A_0, %arg1 : i32
    "tpu.region"() ({
      %run_scoped3A = tpu.sem_alloc : memref<!tpu.dma_semaphore, #tpu.memory_space<semaphore_mem>>
      %dma_start3A_304 = arith.constant 0 : i32
      %dma_start3A_305 = tpu.memref_slice %arg2[%add3A, %dma_start3A_304] : memref<32x10240xi32, #tpu.memory_space<hbm>> -> memref<1x10240xi32, #tpu.memory_space<hbm>>
      %dma_start3A_306 = tpu.memref_squeeze %dma_start3A_305 : memref<1x10240xi32, #tpu.memory_space<hbm>> -> memref<10240xi32, #tpu.memory_space<hbm>>
      %dma_start3A_307 = arith.constant 0 : i32
      %dma_start3A_308 = tpu.memref_slice %arg2[%add3A, %dma_start3A_307] : memref<32x10240xi32, #tpu.memory_space<hbm>> -> memref<1x10240xi32, #tpu.memory_space<hbm>>
      %dma_start3A_309 = tpu.memref_squeeze %dma_start3A_308 : memref<1x10240xi32, #tpu.memory_space<hbm>> -> memref<10240xi32, #tpu.memory_space<hbm>>
      tpu.enqueue_dma source(%dma_start3A_309 : memref<10240xi32, #tpu.memory_space<hbm>>) target(%arg8 : memref<10240xi32, #tpu.memory_space<vmem>>) target_semaphore(%run_scoped3A : memref<!tpu.dma_semaphore, #tpu.memory_space<semaphore_mem>>)
      %dma_wait3A_310 = arith.constant 0 : i32
      %dma_wait3A_311 = tpu.memref_slice %arg2[%add3A, %dma_wait3A_310] : memref<32x10240xi32, #tpu.memory_space<hbm>> -> memref<1x10240xi32, #tpu.memory_space<hbm>>
      %dma_wait3A_312 = tpu.memref_squeeze %dma_wait3A_311 : memref<1x10240xi32, #tpu.memory_space<hbm>> -> memref<10240xi32, #tpu.memory_space<hbm>>
      %dma_wait3A_313 = arith.constant 0 : i32
      %dma_wait3A_314 = tpu.memref_slice %arg2[%add3A, %dma_wait3A_313] : memref<32x10240xi32, #tpu.memory_space<hbm>> -> memref<1x10240xi32, #tpu.memory_space<hbm>>
      %dma_wait3A_315 = tpu.memref_squeeze %dma_wait3A_314 : memref<1x10240xi32, #tpu.memory_space<hbm>> -> memref<10240xi32, #tpu.memory_space<hbm>>
      tpu.wait_dma2 semaphore(%run_scoped3A : memref<!tpu.dma_semaphore, #tpu.memory_space<semaphore_mem>>) src(%dma_wait3A_315 : memref<10240xi32, #tpu.memory_space<hbm>>) dst(%arg8 : memref<10240xi32, #tpu.memory_space<vmem>>)
      tpu.yield
    }) : () -> ()
    %get3A = arith.constant 0 : index
    %get3A_1 = tpu.vector_load %arg8[%get3A] {strides = array<i32>} : memref<10240xi32, #tpu.memory_space<vmem>>, vector<16xi32>,
    %get3A_2 = vector.shape_cast %get3A_1 : vector<16xi32> to vector<16xi32>
    %and3A = arith.constant 65535 : i32
    %and3A_3 = vector.broadcast %and3A : i32 to vector<16xi32>
    %and3A_4 = arith.andi %get3A_2, %and3A_3 : vector<16xi32>
    %swap3A = arith.constant 0 : index
    %swap3A_5 = tpu.vector_load %arg9[%swap3A] {strides = array<i32>} : memref<128xi32, #tpu.memory_space<vmem>>, vector<16xi32>,
    %swap3A_6 = vector.shape_cast %swap3A_5 : vector<16xi32> to vector<16xi32>
    %swap3A_7 = vector.shape_cast %and3A_4 : vector<16xi32> to vector<16xi32>
    tpu.vector_store %arg9[%swap3A], %swap3A_7 {strides = array<i32>} : memref<128xi32, #tpu.memory_space<vmem>>, vector<16xi32>,
    %shift_right_logical3A = arith.constant 16 : i32
    %shift_right_logical3A_8 = vector.broadcast %shift_right_logical3A : i32 to vector<16xi32>
    %shift_right_logical3A_9 = arith.shrui %get3A_2, %shift_right_logical3A_8 : vector<16xi32>
    %swap3A_10 = arith.constant 0 : index
    %swap3A_11 = tpu.vector_load %arg11[%swap3A_10] {strides = array<i32>} : memref<128xi32, #tpu.memory_space<vmem>>, vector<16xi32>,
    %swap3A_12 = vector.shape_cast %swap3A_11 : vector<16xi32> to vector<16xi32>
    %swap3A_13 = vector.shape_cast %shift_right_logical3A_9 : vector<16xi32> to vector<16xi32>
    tpu.vector_store %arg11[%swap3A_10], %swap3A_13 {strides = array<i32>} : memref<128xi32, #tpu.memory_space<vmem>>, vector<16xi32>,
    %get3A_14 = arith.constant 16 : index
    %get3A_15 = tpu.vector_load %arg8[%get3A_14] {strides = array<i32>} : memref<10240xi32, #tpu.memory_space<vmem>>, vector<16xi32>,
    %get3A_16 = vector.shape_cast %get3A_15 : vector<16xi32> to vector<16xi32>
    %and3A_17 = arith.constant 65535 : i32
    %and3A_18 = vector.broadcast %and3A_17 : i32 to vector<16xi32>
    %and3A_19 = arith.andi %get3A_16, %and3A_18 : vector<16xi32>
    %swap3A_20 = arith.constant 16 : index
    %swap3A_21 = tpu.vector_load %arg9[%swap3A_20] {strides = array<i32>} : memref<128xi32, #tpu.memory_space<vmem>>, vector<16xi32>,
    %swap3A_22 = vector.shape_cast %swap3A_21 : vector<16xi32> to vector<16xi32>
    %swap3A_23 = vector.shape_cast %and3A_19 : vector<16xi32> to vector<16xi32>
    tpu.vector_store %arg9[%swap3A_20], %swap3A_23 {strides = array<i32>} : memref<128xi32, #tpu.memory_space<vmem>>, vector<16xi32>,
    %shift_right_logical3A_24 = arith.constant 16 : i32
    %shift_right_logical3A_25 = vector.broadcast %shift_right_logical3A_24 : i32 to vector<16xi32>
    %shift_right_logical3A_26 = arith.shrui %get3A_16, %shift_right_logical3A_25 : vector<16xi32>
    %swap3A_27 = arith.constant 16 : index
    %swap3A_28 = tpu.vector_load %arg11[%swap3A_27] {strides = array<i32>} : memref<128xi32, #tpu.memory_space<vmem>>, vector<16xi32>,
    %swap3A_29 = vector.shape_cast %swap3A_28 : vector<16xi32> to vector<16xi32>
    %swap3A_30 = vector.shape_cast %shift_right_logical3A_26 : vector<16xi32> to vector<16xi32>
    tpu.vector_store %arg11[%swap3A_27], %swap3A_30 {strides = array<i32>} : memref<128xi32, #tpu.memory_space<vmem>>, vector<16xi32>,
    %get3A_31 = arith.constant 32 : index
    %get3A_32 = tpu.vector_load %arg8[%get3A_31] {strides = array<i32>} : memref<10240xi32, #tpu.memory_space<vmem>>, vector<16xi32>,
    %get3A_33 = vector.shape_cast %get3A_32 : vector<16xi32> to vector<16xi32>
    %and3A_34 = arith.constant 65535 : i32
    %and3A_35 = vector.broadcast %and3A_34 : i32 to vector<16xi32>
    %and3A_36 = arith.andi %get3A_33, %and3A_35 : vector<16xi32>
    %swap3A_37 = arith.constant 32 : index
    %swap3A_38 = tpu.vector_load %arg9[%swap3A_37] {strides = array<i32>} : memref<128xi32, #tpu.memory_space<vmem>>, vector<16xi32>,
    %swap3A_39 = vector.shape_cast %swap3A_38 : vector<16xi32> to vector<16xi32>
    %swap3A_40 = vector.shape_cast %and3A_36 : vector<16xi32> to vector<16xi32>
    tpu.vector_store %arg9[%swap3A_37], %swap3A_40 {strides = array<i32>} : memref<128xi32, #tpu.memory_space<vmem>>, vector<16xi32>,
    %shift_right_logical3A_41 = arith.constant 16 : i32
    %shift_right_logical3A_42 = vector.broadcast %shift_right_logical3A_41 : i32 to vector<16xi32>
    %shift_right_logical3A_43 = arith.shrui %get3A_33, %shift_right_logical3A_42 : vector<16xi32>
    %swap3A_44 = arith.constant 32 : index
    %swap3A_45 = tpu.vector_load %arg11[%swap3A_44] {strides = array<i32>} : memref<128xi32, #tpu.memory_space<vmem>>, vector<16xi32>,
    %swap3A_46 = vector.shape_cast %swap3A_45 : vector<16xi32> to vector<16xi32>
    %swap3A_47 = vector.shape_cast %shift_right_logical3A_43 : vector<16xi32> to vector<16xi32>
    tpu.vector_store %arg11[%swap3A_44], %swap3A_47 {strides = array<i32>} : memref<128xi32, #tpu.memory_space<vmem>>, vector<16xi32>,
    %get3A_48 = arith.constant 48 : index
    %get3A_49 = tpu.vector_load %arg8[%get3A_48] {strides = array<i32>} : memref<10240xi32, #tpu.memory_space<vmem>>, vector<16xi32>,
    %get3A_50 = vector.shape_cast %get3A_49 : vector<16xi32> to vector<16xi32>
    %and3A_51 = arith.constant 65535 : i32
    %and3A_52 = vector.broadcast %and3A_51 : i32 to vector<16xi32>
    %and3A_53 = arith.andi %get3A_50, %and3A_52 : vector<16xi32>
    %swap3A_54 = arith.constant 48 : index
    %swap3A_55 = tpu.vector_load %arg9[%swap3A_54] {strides = array<i32>} : memref<128xi32, #tpu.memory_space<vmem>>, vector<16xi32>,
    %swap3A_56 = vector.shape_cast %swap3A_55 : vector<16xi32> to vector<16xi32>
    %swap3A_57 = vector.shape_cast %and3A_53 : vector<16xi32> to vector<16xi32>
    tpu.vector_store %arg9[%swap3A_54], %swap3A_57 {strides = array<i32>} : memref<128xi32, #tpu.memory_space<vmem>>, vector<16xi32>,
    %shift_right_logical3A_58 = arith.constant 16 : i32
    %shift_right_logical3A_59 = vector.broadcast %shift_right_logical3A_58 : i32 to vector<16xi32>
    %shift_right_logical3A_60 = arith.shrui %get3A_50, %shift_right_logical3A_59 : vector<16xi32>
    %swap3A_61 = arith.constant 48 : index
    %swap3A_62 = tpu.vector_load %arg11[%swap3A_61] {strides = array<i32>} : memref<128xi32, #tpu.memory_space<vmem>>, vector<16xi32>,
    %swap3A_63 = vector.shape_cast %swap3A_62 : vector<16xi32> to vector<16xi32>
    %swap3A_64 = vector.shape_cast %shift_right_logical3A_60 : vector<16xi32> to vector<16xi32>
    tpu.vector_store %arg11[%swap3A_61], %swap3A_64 {strides = array<i32>} : memref<128xi32, #tpu.memory_space<vmem>>, vector<16xi32>,
    %get3A_65 = arith.constant 64 : index
    %get3A_66 = tpu.vector_load %arg8[%get3A_65] {strides = array<i32>} : memref<10240xi32, #tpu.memory_space<vmem>>, vector<16xi32>,
    %get3A_67 = vector.shape_cast %get3A_66 : vector<16xi32> to vector<16xi32>
    %and3A_68 = arith.constant 65535 : i32
    %and3A_69 = vector.broadcast %and3A_68 : i32 to vector<16xi32>
    %and3A_70 = arith.andi %get3A_67, %and3A_69 : vector<16xi32>
    %swap3A_71 = arith.constant 64 : index
    %swap3A_72 = tpu.vector_load %arg9[%swap3A_71] {strides = array<i32>} : memref<128xi32, #tpu.memory_space<vmem>>, vector<16xi32>,
    %swap3A_73 = vector.shape_cast %swap3A_72 : vector<16xi32> to vector<16xi32>
    %swap3A_74 = vector.shape_cast %and3A_70 : vector<16xi32> to vector<16xi32>
    tpu.vector_store %arg9[%swap3A_71], %swap3A_74 {strides = array<i32>} : memref<128xi32, #tpu.memory_space<vmem>>, vector<16xi32>,
    %shift_right_logical3A_75 = arith.constant 16 : i32
    %shift_right_logical3A_76 = vector.broadcast %shift_right_logical3A_75 : i32 to vector<16xi32>
    %shift_right_logical3A_77 = arith.shrui %get3A_67, %shift_right_logical3A_76 : vector<16xi32>
    %swap3A_78 = arith.constant 64 : index
    %swap3A_79 = tpu.vector_load %arg11[%swap3A_78] {strides = array<i32>} : memref<128xi32, #tpu.memory_space<vmem>>, vector<16xi32>,
    %swap3A_80 = vector.shape_cast %swap3A_79 : vector<16xi32> to vector<16xi32>
    %swap3A_81 = vector.shape_cast %shift_right_logical3A_77 : vector<16xi32> to vector<16xi32>
    tpu.vector_store %arg11[%swap3A_78], %swap3A_81 {strides = array<i32>} : memref<128xi32, #tpu.memory_space<vmem>>, vector<16xi32>,
    %get3A_82 = arith.constant 80 : index
    %get3A_83 = tpu.vector_load %arg8[%get3A_82] {strides = array<i32>} : memref<10240xi32, #tpu.memory_space<vmem>>, vector<16xi32>,
    %get3A_84 = vector.shape_cast %get3A_83 : vector<16xi32> to vector<16xi32>
    %and3A_85 = arith.constant 65535 : i32
    %and3A_86 = vector.broadcast %and3A_85 : i32 to vector<16xi32>
    %and3A_87 = arith.andi %get3A_84, %and3A_86 : vector<16xi32>
    %swap3A_88 = arith.constant 80 : index
    %swap3A_89 = tpu.vector_load %arg9[%swap3A_88] {strides = array<i32>} : memref<128xi32, #tpu.memory_space<vmem>>, vector<16xi32>,
    %swap3A_90 = vector.shape_cast %swap3A_89 : vector<16xi32> to vector<16xi32>
    %swap3A_91 = vector.shape_cast %and3A_87 : vector<16xi32> to vector<16xi32>
    tpu.vector_store %arg9[%swap3A_88], %swap3A_91 {strides = array<i32>} : memref<128xi32, #tpu.memory_space<vmem>>, vector<16xi32>,
    %shift_right_logical3A_92 = arith.constant 16 : i32
    %shift_right_logical3A_93 = vector.broadcast %shift_right_logical3A_92 : i32 to vector<16xi32>
    %shift_right_logical3A_94 = arith.shrui %get3A_84, %shift_right_logical3A_93 : vector<16xi32>
    %swap3A_95 = arith.constant 80 : index
    %swap3A_96 = tpu.vector_load %arg11[%swap3A_95] {strides = array<i32>} : memref<128xi32, #tpu.memory_space<vmem>>, vector<16xi32>,
    %swap3A_97 = vector.shape_cast %swap3A_96 : vector<16xi32> to vector<16xi32>
    %swap3A_98 = vector.shape_cast %shift_right_logical3A_94 : vector<16xi32> to vector<16xi32>
    tpu.vector_store %arg11[%swap3A_95], %swap3A_98 {strides = array<i32>} : memref<128xi32, #tpu.memory_space<vmem>>, vector<16xi32>,
    %get3A_99 = arith.constant 96 : index
    %get3A_100 = tpu.vector_load %arg8[%get3A_99] {strides = array<i32>} : memref<10240xi32, #tpu.memory_space<vmem>>, vector<16xi32>,
    %get3A_101 = vector.shape_cast %get3A_100 : vector<16xi32> to vector<16xi32>
    %and3A_102 = arith.constant 65535 : i32
    %and3A_103 = vector.broadcast %and3A_102 : i32 to vector<16xi32>
    %and3A_104 = arith.andi %get3A_101, %and3A_103 : vector<16xi32>
    %swap3A_105 = arith.constant 96 : index
    %swap3A_106 = tpu.vector_load %arg9[%swap3A_105] {strides = array<i32>} : memref<128xi32, #tpu.memory_space<vmem>>, vector<16xi32>,
    %swap3A_107 = vector.shape_cast %swap3A_106 : vector<16xi32> to vector<16xi32>
    %swap3A_108 = vector.shape_cast %and3A_104 : vector<16xi32> to vector<16xi32>
    tpu.vector_store %arg9[%swap3A_105], %swap3A_108 {strides = array<i32>} : memref<128xi32, #tpu.memory_space<vmem>>, vector<16xi32>,
    %shift_right_logical3A_109 = arith.constant 16 : i32
    %shift_right_logical3A_110 = vector.broadcast %shift_right_logical3A_109 : i32 to vector<16xi32>
    %shift_right_logical3A_111 = arith.shrui %get3A_101, %shift_right_logical3A_110 : vector<16xi32>
    %swap3A_112 = arith.constant 96 : index
    %swap3A_113 = tpu.vector_load %arg11[%swap3A_112] {strides = array<i32>} : memref<128xi32, #tpu.memory_space<vmem>>, vector<16xi32>,
    %swap3A_114 = vector.shape_cast %swap3A_113 : vector<16xi32> to vector<16xi32>
    %swap3A_115 = vector.shape_cast %shift_right_logical3A_111 : vector<16xi32> to vector<16xi32>
    tpu.vector_store %arg11[%swap3A_112], %swap3A_115 {strides = array<i32>} : memref<128xi32, #tpu.memory_space<vmem>>, vector<16xi32>,
    %get3A_116 = arith.constant 112 : index
    %get3A_117 = tpu.vector_load %arg8[%get3A_116] {strides = array<i32>} : memref<10240xi32, #tpu.memory_space<vmem>>, vector<16xi32>,
    %get3A_118 = vector.shape_cast %get3A_117 : vector<16xi32> to vector<16xi32>
    %and3A_119 = arith.constant 65535 : i32
    %and3A_120 = vector.broadcast %and3A_119 : i32 to vector<16xi32>
    %and3A_121 = arith.andi %get3A_118, %and3A_120 : vector<16xi32>
    %swap3A_122 = arith.constant 112 : index
    %swap3A_123 = tpu.vector_load %arg9[%swap3A_122] {strides = array<i32>} : memref<128xi32, #tpu.memory_space<vmem>>, vector<16xi32>,
    %swap3A_124 = vector.shape_cast %swap3A_123 : vector<16xi32> to vector<16xi32>
    %swap3A_125 = vector.shape_cast %and3A_121 : vector<16xi32> to vector<16xi32>
    tpu.vector_store %arg9[%swap3A_122], %swap3A_125 {strides = array<i32>} : memref<128xi32, #tpu.memory_space<vmem>>, vector<16xi32>,
    %shift_right_logical3A_126 = arith.constant 16 : i32
    %shift_right_logical3A_127 = vector.broadcast %shift_right_logical3A_126 : i32 to vector<16xi32>
    %shift_right_logical3A_128 = arith.shrui %get3A_118, %shift_right_logical3A_127 : vector<16xi32>
    %swap3A_129 = arith.constant 112 : index
    %swap3A_130 = tpu.vector_load %arg11[%swap3A_129] {strides = array<i32>} : memref<128xi32, #tpu.memory_space<vmem>>, vector<16xi32>,
    %swap3A_131 = vector.shape_cast %swap3A_130 : vector<16xi32> to vector<16xi32>
    %swap3A_132 = vector.shape_cast %shift_right_logical3A_128 : vector<16xi32> to vector<16xi32>
    tpu.vector_store %arg11[%swap3A_129], %swap3A_132 {strides = array<i32>} : memref<128xi32, #tpu.memory_space<vmem>>, vector<16xi32>,
    %dma_start3A = arith.constant 0 : i32
    %dma_start3A_133 = arith.constant 0 : i32
    %dma_start3A_134 = tpu.memref_slice %arg4[%dma_start3A, %dma_start3A_133] : memref<10000x128xf32, #tpu.memory_space<hbm>> -> memref<10000x128xf32, #tpu.memory_space<hbm>>
    tpu.enqueue_indirect_dma source(%dma_start3A_134 : memref<10000x128xf32, #tpu.memory_space<hbm>>) target(%arg15 : memref<128x128xf32, #tpu.memory_space<vmem>>) offsets(%arg9 : memref<128xi32, #tpu.memory_space<vmem>>) semaphore(%arg17 : memref<!tpu.dma_semaphore, #tpu.memory_space<semaphore_mem>>)
    %dma_start3A_135 = arith.constant 0 : i32
    %dma_start3A_136 = tpu.memref_slice %arg3[%add3A, %dma_start3A_135] : memref<32x10240xf32, #tpu.memory_space<hbm>> -> memref<1x128xf32, #tpu.memory_space<hbm>>
    %dma_start3A_137 = tpu.memref_squeeze %dma_start3A_136 : memref<1x128xf32, #tpu.memory_space<hbm>> -> memref<128xf32, #tpu.memory_space<hbm>>
    %dma_start3A_138 = arith.constant 0 : i32
    %dma_start3A_139 = tpu.memref_slice %arg3[%add3A, %dma_start3A_138] : memref<32x10240xf32, #tpu.memory_space<hbm>> -> memref<1x128xf32, #tpu.memory_space<hbm>>
    %dma_start3A_140 = tpu.memref_squeeze %dma_start3A_139 : memref<1x128xf32, #tpu.memory_space<hbm>> -> memref<128xf32, #tpu.memory_space<hbm>>
    tpu.enqueue_dma source(%dma_start3A_140 : memref<128xf32, #tpu.memory_space<hbm>>) target(%arg13 : memref<128xf32, #tpu.memory_space<vmem>>) target_semaphore(%arg17 : memref<!tpu.dma_semaphore, #tpu.memory_space<semaphore_mem>>)
    %get3A_141 = arith.constant 128 : index
    %get3A_142 = tpu.vector_load %arg8[%get3A_141] {strides = array<i32>} : memref<10240xi32, #tpu.memory_space<vmem>>, vector<16xi32>,
    %get3A_143 = vector.shape_cast %get3A_142 : vector<16xi32> to vector<16xi32>
    %and3A_144 = arith.constant 65535 : i32
    %and3A_145 = vector.broadcast %and3A_144 : i32 to vector<16xi32>
    %and3A_146 = arith.andi %get3A_143, %and3A_145 : vector<16xi32>
    %swap3A_147 = arith.constant 0 : index
    %swap3A_148 = tpu.vector_load %arg10[%swap3A_147] {strides = array<i32>} : memref<128xi32, #tpu.memory_space<vmem>>, vector<16xi32>,
    %swap3A_149 = vector.shape_cast %swap3A_148 : vector<16xi32> to vector<16xi32>
    %swap3A_150 = vector.shape_cast %and3A_146 : vector<16xi32> to vector<16xi32>
    tpu.vector_store %arg10[%swap3A_147], %swap3A_150 {strides = array<i32>} : memref<128xi32, #tpu.memory_space<vmem>>, vector<16xi32>,
    %shift_right_logical3A_151 = arith.constant 16 : i32
    %shift_right_logical3A_152 = vector.broadcast %shift_right_logical3A_151 : i32 to vector<16xi32>
    %shift_right_logical3A_153 = arith.shrui %get3A_143, %shift_right_logical3A_152 : vector<16xi32>
    %swap3A_154 = arith.constant 0 : index
    %swap3A_155 = tpu.vector_load %arg12[%swap3A_154] {strides = array<i32>} : memref<128xi32, #tpu.memory_space<vmem>>, vector<16xi32>,
    %swap3A_156 = vector.shape_cast %swap3A_155 : vector<16xi32> to vector<16xi32>
    %swap3A_157 = vector.shape_cast %shift_right_logical3A_153 : vector<16xi32> to vector<16xi32>
    tpu.vector_store %arg12[%swap3A_154], %swap3A_157 {strides = array<i32>} : memref<128xi32, #tpu.memory_space<vmem>>, vector<16xi32>,
    %get3A_158 = arith.constant 144 : index
    %get3A_159 = tpu.vector_load %arg8[%get3A_158] {strides = array<i32>} : memref<10240xi32, #tpu.memory_space<vmem>>, vector<16xi32>,
    %get3A_160 = vector.shape_cast %get3A_159 : vector<16xi32> to vector<16xi32>
    %and3A_161 = arith.constant 65535 : i32
    %and3A_162 = vector.broadcast %and3A_161 : i32 to vector<16xi32>
    %and3A_163 = arith.andi %get3A_160, %and3A_162 : vector<16xi32>
    %swap3A_164 = arith.constant 16 : index
    %swap3A_165 = tpu.vector_load %arg10[%swap3A_164] {strides = array<i32>} : memref<128xi32, #tpu.memory_space<vmem>>, vector<16xi32>,
    %swap3A_166 = vector.shape_cast %swap3A_165 : vector<16xi32> to vector<16xi32>
    %swap3A_167 = vector.shape_cast %and3A_163 : vector<16xi32> to vector<16xi32>
    tpu.vector_store %arg10[%swap3A_164], %swap3A_167 {strides = array<i32>} : memref<128xi32, #tpu.memory_space<vmem>>, vector<16xi32>,
    %shift_right_logical3A_168 = arith.constant 16 : i32
    %shift_right_logical3A_169 = vector.broadcast %shift_right_logical3A_168 : i32 to vector<16xi32>
    %shift_right_logical3A_170 = arith.shrui %get3A_160, %shift_right_logical3A_169 : vector<16xi32>
    %swap3A_171 = arith.constant 16 : index
    %swap3A_172 = tpu.vector_load %arg12[%swap3A_171] {strides = array<i32>} : memref<128xi32, #tpu.memory_space<vmem>>, vector<16xi32>,
    %swap3A_173 = vector.shape_cast %swap3A_172 : vector<16xi32> to vector<16xi32>
    %swap3A_174 = vector.shape_cast %shift_right_logical3A_170 : vector<16xi32> to vector<16xi32>
    tpu.vector_store %arg12[%swap3A_171], %swap3A_174 {strides = array<i32>} : memref<128xi32, #tpu.memory_space<vmem>>, vector<16xi32>,
    %get3A_175 = arith.constant 160 : index
    %get3A_176 = tpu.vector_load %arg8[%get3A_175] {strides = array<i32>} : memref<10240xi32, #tpu.memory_space<vmem>>, vector<16xi32>,
    %get3A_177 = vector.shape_cast %get3A_176 : vector<16xi32> to vector<16xi32>
    %and3A_178 = arith.constant 65535 : i32
    %and3A_179 = vector.broadcast %and3A_178 : i32 to vector<16xi32>
    %and3A_180 = arith.andi %get3A_177, %and3A_179 : vector<16xi32>
    %swap3A_181 = arith.constant 32 : index
    %swap3A_182 = tpu.vector_load %arg10[%swap3A_181] {strides = array<i32>} : memref<128xi32, #tpu.memory_space<vmem>>, vector<16xi32>,
    %swap3A_183 = vector.shape_cast %swap3A_182 : vector<16xi32> to vector<16xi32>
    %swap3A_184 = vector.shape_cast %and3A_180 : vector<16xi32> to vector<16xi32>
    tpu.vector_store %arg10[%swap3A_181], %swap3A_184 {strides = array<i32>} : memref<128xi32, #tpu.memory_space<vmem>>, vector<16xi32>,
    %shift_right_logical3A_185 = arith.constant 16 : i32
    %shift_right_logical3A_186 = vector.broadcast %shift_right_logical3A_185 : i32 to vector<16xi32>
    %shift_right_logical3A_187 = arith.shrui %get3A_177, %shift_right_logical3A_186 : vector<16xi32>
    %swap3A_188 = arith.constant 32 : index
    %swap3A_189 = tpu.vector_load %arg12[%swap3A_188] {strides = array<i32>} : memref<128xi32, #tpu.memory_space<vmem>>, vector<16xi32>,
    %swap3A_190 = vector.shape_cast %swap3A_189 : vector<16xi32> to vector<16xi32>
    %swap3A_191 = vector.shape_cast %shift_right_logical3A_187 : vector<16xi32> to vector<16xi32>
    tpu.vector_store %arg12[%swap3A_188], %swap3A_191 {strides = array<i32>} : memref<128xi32, #tpu.memory_space<vmem>>, vector<16xi32>,
    %get3A_192 = arith.constant 176 : index
    %get3A_193 = tpu.vector_load %arg8[%get3A_192] {strides = array<i32>} : memref<10240xi32, #tpu.memory_space<vmem>>, vector<16xi32>,
    %get3A_194 = vector.shape_cast %get3A_193 : vector<16xi32> to vector<16xi32>
    %and3A_195 = arith.constant 65535 : i32
    %and3A_196 = vector.broadcast %and3A_195 : i32 to vector<16xi32>
    %and3A_197 = arith.andi %get3A_194, %and3A_196 : vector<16xi32>
    %swap3A_198 = arith.constant 48 : index
    %swap3A_199 = tpu.vector_load %arg10[%swap3A_198] {strides = array<i32>} : memref<128xi32, #tpu.memory_space<vmem>>, vector<16xi32>,
    %swap3A_200 = vector.shape_cast %swap3A_199 : vector<16xi32> to vector<16xi32>
    %swap3A_201 = vector.shape_cast %and3A_197 : vector<16xi32> to vector<16xi32>
    tpu.vector_store %arg10[%swap3A_198], %swap3A_201 {strides = array<i32>} : memref<128xi32, #tpu.memory_space<vmem>>, vector<16xi32>,
    %shift_right_logical3A_202 = arith.constant 16 : i32
    %shift_right_logical3A_203 = vector.broadcast %shift_right_logical3A_202 : i32 to vector<16xi32>
    %shift_right_logical3A_204 = arith.shrui %get3A_194, %shift_right_logical3A_203 : vector<16xi32>
    %swap3A_205 = arith.constant 48 : index
    %swap3A_206 = tpu.vector_load %arg12[%swap3A_205] {strides = array<i32>} : memref<128xi32, #tpu.memory_space<vmem>>, vector<16xi32>,
    %swap3A_207 = vector.shape_cast %swap3A_206 : vector<16xi32> to vector<16xi32>
    %swap3A_208 = vector.shape_cast %shift_right_logical3A_204 : vector<16xi32> to vector<16xi32>
    tpu.vector_store %arg12[%swap3A_205], %swap3A_208 {strides = array<i32>} : memref<128xi32, #tpu.memory_space<vmem>>, vector<16xi32>,
    %get3A_209 = arith.constant 192 : index
    %get3A_210 = tpu.vector_load %arg8[%get3A_209] {strides = array<i32>} : memref<10240xi32, #tpu.memory_space<vmem>>, vector<16xi32>,
    %get3A_211 = vector.shape_cast %get3A_210 : vector<16xi32> to vector<16xi32>
    %and3A_212 = arith.constant 65535 : i32
    %and3A_213 = vector.broadcast %and3A_212 : i32 to vector<16xi32>
    %and3A_214 = arith.andi %get3A_211, %and3A_213 : vector<16xi32>
    %swap3A_215 = arith.constant 64 : index
    %swap3A_216 = tpu.vector_load %arg10[%swap3A_215] {strides = array<i32>} : memref<128xi32, #tpu.memory_space<vmem>>, vector<16xi32>,
    %swap3A_217 = vector.shape_cast %swap3A_216 : vector<16xi32> to vector<16xi32>
    %swap3A_218 = vector.shape_cast %and3A_214 : vector<16xi32> to vector<16xi32>
    tpu.vector_store %arg10[%swap3A_215], %swap3A_218 {strides = array<i32>} : memref<128xi32, #tpu.memory_space<vmem>>, vector<16xi32>,
    %shift_right_logical3A_219 = arith.constant 16 : i32
    %shift_right_logical3A_220 = vector.broadcast %shift_right_logical3A_219 : i32 to vector<16xi32>
    %shift_right_logical3A_221 = arith.shrui %get3A_211, %shift_right_logical3A_220 : vector<16xi32>
    %swap3A_222 = arith.constant 64 : index
    %swap3A_223 = tpu.vector_load %arg12[%swap3A_222] {strides = array<i32>} : memref<128xi32, #tpu.memory_space<vmem>>, vector<16xi32>,
    %swap3A_224 = vector.shape_cast %swap3A_223 : vector<16xi32> to vector<16xi32>
    %swap3A_225 = vector.shape_cast %shift_right_logical3A_221 : vector<16xi32> to vector<16xi32>
    tpu.vector_store %arg12[%swap3A_222], %swap3A_225 {strides = array<i32>} : memref<128xi32, #tpu.memory_space<vmem>>, vector<16xi32>,
    %get3A_226 = arith.constant 208 : index
    %get3A_227 = tpu.vector_load %arg8[%get3A_226] {strides = array<i32>} : memref<10240xi32, #tpu.memory_space<vmem>>, vector<16xi32>,
    %get3A_228 = vector.shape_cast %get3A_227 : vector<16xi32> to vector<16xi32>
    %and3A_229 = arith.constant 65535 : i32
    %and3A_230 = vector.broadcast %and3A_229 : i32 to vector<16xi32>
    %and3A_231 = arith.andi %get3A_228, %and3A_230 : vector<16xi32>
    %swap3A_232 = arith.constant 80 : index
    %swap3A_233 = tpu.vector_load %arg10[%swap3A_232] {strides = array<i32>} : memref<128xi32, #tpu.memory_space<vmem>>, vector<16xi32>,
    %swap3A_234 = vector.shape_cast %swap3A_233 : vector<16xi32> to vector<16xi32>
    %swap3A_235 = vector.shape_cast %and3A_231 : vector<16xi32> to vector<16xi32>
    tpu.vector_store %arg10[%swap3A_232], %swap3A_235 {strides = array<i32>} : memref<128xi32, #tpu.memory_space<vmem>>, vector<16xi32>,
    %shift_right_logical3A_236 = arith.constant 16 : i32
    %shift_right_logical3A_237 = vector.broadcast %shift_right_logical3A_236 : i32 to vector<16xi32>
    %shift_right_logical3A_238 = arith.shrui %get3A_228, %shift_right_logical3A_237 : vector<16xi32>
    %swap3A_239 = arith.constant 80 : index
    %swap3A_240 = tpu.vector_load %arg12[%swap3A_239] {strides = array<i32>} : memref<128xi32, #tpu.memory_space<vmem>>, vector<16xi32>,
    %swap3A_241 = vector.shape_cast %swap3A_240 : vector<16xi32> to vector<16xi32>
    %swap3A_242 = vector.shape_cast %shift_right_logical3A_238 : vector<16xi32> to vector<16xi32>
    tpu.vector_store %arg12[%swap3A_239], %swap3A_242 {strides = array<i32>} : memref<128xi32, #tpu.memory_space<vmem>>, vector<16xi32>,
    %get3A_243 = arith.constant 224 : index
    %get3A_244 = tpu.vector_load %arg8[%get3A_243] {strides = array<i32>} : memref<10240xi32, #tpu.memory_space<vmem>>, vector<16xi32>,
    %get3A_245 = vector.shape_cast %get3A_244 : vector<16xi32> to vector<16xi32>
    %and3A_246 = arith.constant 65535 : i32
    %and3A_247 = vector.broadcast %and3A_246 : i32 to vector<16xi32>
    %and3A_248 = arith.andi %get3A_245, %and3A_247 : vector<16xi32>
    %swap3A_249 = arith.constant 96 : index
    %swap3A_250 = tpu.vector_load %arg10[%swap3A_249] {strides = array<i32>} : memref<128xi32, #tpu.memory_space<vmem>>, vector<16xi32>,
    %swap3A_251 = vector.shape_cast %swap3A_250 : vector<16xi32> to vector<16xi32>
    %swap3A_252 = vector.shape_cast %and3A_248 : vector<16xi32> to vector<16xi32>
    tpu.vector_store %arg10[%swap3A_249], %swap3A_252 {strides = array<i32>} : memref<128xi32, #tpu.memory_space<vmem>>, vector<16xi32>,
    %shift_right_logical3A_253 = arith.constant 16 : i32
    %shift_right_logical3A_254 = vector.broadcast %shift_right_logical3A_253 : i32 to vector<16xi32>
    %shift_right_logical3A_255 = arith.shrui %get3A_245, %shift_right_logical3A_254 : vector<16xi32>
    %swap3A_256 = arith.constant 96 : index
    %swap3A_257 = tpu.vector_load %arg12[%swap3A_256] {strides = array<i32>} : memref<128xi32, #tpu.memory_space<vmem>>, vector<16xi32>,
    %swap3A_258 = vector.shape_cast %swap3A_257 : vector<16xi32> to vector<16xi32>
    %swap3A_259 = vector.shape_cast %shift_right_logical3A_255 : vector<16xi32> to vector<16xi32>
    tpu.vector_store %arg12[%swap3A_256], %swap3A_259 {strides = array<i32>} : memref<128xi32, #tpu.memory_space<vmem>>, vector<16xi32>,
    %get3A_260 = arith.constant 240 : index
    %get3A_261 = tpu.vector_load %arg8[%get3A_260] {strides = array<i32>} : memref<10240xi32, #tpu.memory_space<vmem>>, vector<16xi32>,
    %get3A_262 = vector.shape_cast %get3A_261 : vector<16xi32> to vector<16xi32>
    %and3A_263 = arith.constant 65535 : i32
    %and3A_264 = vector.broadcast %and3A_263 : i32 to vector<16xi32>
    %and3A_265 = arith.andi %get3A_262, %and3A_264 : vector<16xi32>
    %swap3A_266 = arith.constant 112 : index
    %swap3A_267 = tpu.vector_load %arg10[%swap3A_266] {strides = array<i32>} : memref<128xi32, #tpu.memory_space<vmem>>, vector<16xi32>,
    %swap3A_268 = vector.shape_cast %swap3A_267 : vector<16xi32> to vector<16xi32>
    %swap3A_269 = vector.shape_cast %and3A_265 : vector<16xi32> to vector<16xi32>
    tpu.vector_store %arg10[%swap3A_266], %swap3A_269 {strides = array<i32>} : memref<128xi32, #tpu.memory_space<vmem>>, vector<16xi32>,
    %shift_right_logical3A_270 = arith.constant 16 : i32
    %shift_right_logical3A_271 = vector.broadcast %shift_right_logical3A_270 : i32 to vector<16xi32>
    %shift_right_logical3A_272 = arith.shrui %get3A_262, %shift_right_logical3A_271 : vector<16xi32>
    %swap3A_273 = arith.constant 112 : index
    %swap3A_274 = tpu.vector_load %arg12[%swap3A_273] {strides = array<i32>} : memref<128xi32, #tpu.memory_space<vmem>>, vector<16xi32>,
    %swap3A_275 = vector.shape_cast %swap3A_274 : vector<16xi32> to vector<16xi32>
    %swap3A_276 = vector.shape_cast %shift_right_logical3A_272 : vector<16xi32> to vector<16xi32>
    tpu.vector_store %arg12[%swap3A_273], %swap3A_276 {strides = array<i32>} : memref<128xi32, #tpu.memory_space<vmem>>, vector<16xi32>,
    %dma_start3A_277 = arith.constant 0 : i32
    %dma_start3A_278 = arith.constant 0 : i32
    %dma_start3A_279 = tpu.memref_slice %arg4[%dma_start3A_277, %dma_start3A_278] : memref<10000x128xf32, #tpu.memory_space<hbm>> -> memref<10000x128xf32, #tpu.memory_space<hbm>>
    tpu.enqueue_indirect_dma source(%dma_start3A_279 : memref<10000x128xf32, #tpu.memory_space<hbm>>) target(%arg16 : memref<128x128xf32, #tpu.memory_space<vmem>>) offsets(%arg10 : memref<128xi32, #tpu.memory_space<vmem>>) semaphore(%arg18 : memref<!tpu.dma_semaphore, #tpu.memory_space<semaphore_mem>>)
    %dma_start3A_280 = arith.constant 128 : i32
    %dma_start3A_281 = tpu.memref_slice %arg3[%add3A, %dma_start3A_280] : memref<32x10240xf32, #tpu.memory_space<hbm>> -> memref<1x128xf32, #tpu.memory_space<hbm>>
    %dma_start3A_282 = tpu.memref_squeeze %dma_start3A_281 : memref<1x128xf32, #tpu.memory_space<hbm>> -> memref<128xf32, #tpu.memory_space<hbm>>
    %dma_start3A_283 = arith.constant 128 : i32
    %dma_start3A_284 = tpu.memref_slice %arg3[%add3A, %dma_start3A_283] : memref<32x10240xf32, #tpu.memory_space<hbm>> -> memref<1x128xf32, #tpu.memory_space<hbm>>
    %dma_start3A_285 = tpu.memref_squeeze %dma_start3A_284 : memref<1x128xf32, #tpu.memory_space<hbm>> -> memref<128xf32, #tpu.memory_space<hbm>>
    tpu.enqueue_dma source(%dma_start3A_285 : memref<128xf32, #tpu.memory_space<hbm>>) target(%arg14 : memref<128xf32, #tpu.memory_space<vmem>>) target_semaphore(%arg18 : memref<!tpu.dma_semaphore, #tpu.memory_space<semaphore_mem>>)
    %lt3A = arith.constant 10 : i32
    %lt3A_286 = arith.cmpi slt, %arg1, %lt3A : i32
    %convert_element_type3A = arith.extui %lt3A_286 : i1 to i32
    %cond3A = arith.constant 0 : i32
    %cond3A_287 = arith.cmpi ne, %convert_element_type3A, %cond3A : i32
    scf.if %cond3A_287 {
      %mul3A_304 = arith.constant 1000 : i32
      %mul3A_305 = arith.muli %arg1, %mul3A_304 : i32
      "tpu.region"() ({
        %run_scoped3A = tpu.sem_alloc : memref<!tpu.dma_semaphore, #tpu.memory_space<semaphore_mem>>
        %dma_start3A_306 = arith.constant 0 : i32
        %dma_start3A_307 = tpu.memref_slice %arg7[%mul3A_305, %dma_start3A_306] : memref<10000x128xf32, #tpu.memory_space<vmem_shared>> -> memref<1000x128xf32, #tpu.memory_space<vmem_shared>>
        tpu.enqueue_dma source(%arg5 : memref<1000x128xf32, #tpu.memory_space<hbm>>) target(%dma_start3A_307 : memref<1000x128xf32, #tpu.memory_space<vmem_shared>>) target_semaphore(%run_scoped3A : memref<!tpu.dma_semaphore, #tpu.memory_space<semaphore_mem>>)
        %dma_wait3A_308 = arith.constant 0 : i32
        %dma_wait3A_309 = tpu.memref_slice %arg7[%mul3A_305, %dma_wait3A_308] : memref<10000x128xf32, #tpu.memory_space<vmem_shared>> -> memref<1000x128xf32, #tpu.memory_space<vmem_shared>>
        tpu.wait_dma2 semaphore(%run_scoped3A : memref<!tpu.dma_semaphore, #tpu.memory_space<semaphore_mem>>) src(%arg5 : memref<1000x128xf32, #tpu.memory_space<hbm>>) dst(%dma_wait3A_309 : memref<1000x128xf32, #tpu.memory_space<vmem_shared>>)
        tpu.yield
      }) : () -> ()
    } else {
    }
    %barrier3A = arith.constant 0 : index
    tpu.barrier barrier_id(%barrier3A)
    %scan3A = arith.constant 0 : i32
    %scan3A_288 = arith.constant 0 : i32
    %scan3A_289 = arith.constant 40 : i32
    %scan3A_290 = arith.addi %scan3A_288, %scan3A_289 : i32
    %scan3A_291 = arith.constant 1 : i32
    scf.for %scan3A_304 = %scan3A_288 to %scan3A_290 step %scan3A_291  : i32 {
      %mul3A_305 = arith.constant 2 : i32
      %mul3A_306 = arith.muli %mul3A_305, %scan3A_304 : i32
      %mul3A_307 = arith.constant 2 : i32
      %mul3A_308 = arith.muli %mul3A_307, %scan3A_304 : i32
      %add3A_309 = arith.constant 1 : i32
      %add3A_310 = arith.addi %mul3A_308, %add3A_309 : i32
      %dma_wait3A_311 = arith.constant 0 : i32
      %dma_wait3A_312 = arith.constant 0 : i32
      %dma_wait3A_313 = tpu.memref_slice %arg4[%dma_wait3A_311, %dma_wait3A_312] : memref<10000x128xf32, #tpu.memory_space<hbm>> -> memref<10000x128xf32, #tpu.memory_space<hbm>>
      tpu.wait_indirect_dma semaphore(%arg17 : memref<!tpu.dma_semaphore, #tpu.memory_space<semaphore_mem>>) src(%dma_wait3A_313 : memref<10000x128xf32, #tpu.memory_space<hbm>>) dst(%arg15 : memref<128x128xf32, #tpu.memory_space<vmem>>)
      %mul3A_314 = arith.constant 128 : i32
      %mul3A_315 = arith.muli %mul3A_306, %mul3A_314 : i32
      %dma_wait3A_316 = tpu.memref_slice %arg3[%add3A, %mul3A_315] : memref<32x10240xf32, #tpu.memory_space<hbm>> -> memref<1x128xf32, #tpu.memory_space<hbm>>
      %dma_wait3A_317 = tpu.memref_squeeze %dma_wait3A_316 : memref<1x128xf32, #tpu.memory_space<hbm>> -> memref<128xf32, #tpu.memory_space<hbm>>
      %dma_wait3A_318 = tpu.memref_slice %arg3[%add3A, %mul3A_315] : memref<32x10240xf32, #tpu.memory_space<hbm>> -> memref<1x128xf32, #tpu.memory_space<hbm>>
      %dma_wait3A_319 = tpu.memref_squeeze %dma_wait3A_318 : memref<1x128xf32, #tpu.memory_space<hbm>> -> memref<128xf32, #tpu.memory_space<hbm>>
      tpu.wait_dma2 semaphore(%arg17 : memref<!tpu.dma_semaphore, #tpu.memory_space<semaphore_mem>>) src(%dma_wait3A_319 : memref<128xf32, #tpu.memory_space<hbm>>) dst(%arg13 : memref<128xf32, #tpu.memory_space<vmem>>)
      %scan3A_320 = arith.constant 0 : i32
      %scan3A_321 = arith.constant 0 : i32
      %scan3A_322 = arith.constant 8 : i32
      %scan3A_323 = arith.addi %scan3A_321, %scan3A_322 : i32
      %scan3A_324 = arith.constant 1 : i32
      scf.for %scan3A_352 = %scan3A_321 to %scan3A_323 step %scan3A_324  : i32 {
        %mul3A_353 = arith.constant 16 : i32
        %mul3A_354 = arith.muli %scan3A_352, %mul3A_353 : i32
        %get3A_355 = arith.index_cast %mul3A_354 : i32 to index
        %get3A_356 = tpu.vector_load %arg13[%get3A_355] {strides = array<i32>} : memref<128xf32, #tpu.memory_space<vmem>>, vector<16xf32>,
        %get3A_357 = vector.shape_cast %get3A_356 : vector<16xf32> to vector<16xf32>
        %slice3A = vector.extract_strided_slice %get3A_357 {offsets = [0], sizes = [1], strides = [1]} : vector<16xf32> to vector<1xf32>
        %squeeze3A = vector.extract %slice3A[0] : f32 from vector<1xf32>
        %mul3A_358 = arith.constant 16 : i32
        %mul3A_359 = arith.muli %scan3A_352, %mul3A_358 : i32
        %add3A_360 = arith.constant 0 : i32
        %add3A_361 = arith.addi %mul3A_359, %add3A_360 : i32
        %get3A_362 = arith.index_cast %add3A_361 : i32 to index
        %get3A_363 = arith.constant 0 : index
        %get3A_364 = tpu.vector_load %arg15[%get3A_362, %get3A_363] {strides = array<i32>} : memref<128x128xf32, #tpu.memory_space<vmem>>, vector<1x16xf32>,
        %get3A_365 = vector.shape_cast %get3A_364 : vector<1x16xf32> to vector<16xf32>
        %mul3A_366 = vector.broadcast %squeeze3A : f32 to vector<16xf32>
        %mul3A_367 = arith.mulf %get3A_365, %mul3A_366 : vector<16xf32>
        %swap3A_368 = arith.index_cast %add3A_361 : i32 to index
        %swap3A_369 = arith.constant 0 : index
        %swap3A_370 = tpu.vector_load %arg15[%swap3A_368, %swap3A_369] {strides = array<i32>} : memref<128x128xf32, #tpu.memory_space<vmem>>, vector<1x16xf32>,
        %swap3A_371 = vector.shape_cast %swap3A_370 : vector<1x16xf32> to vector<16xf32>
        %swap3A_372 = vector.shape_cast %mul3A_367 : vector<16xf32> to vector<1x16xf32>
        tpu.vector_store %arg15[%swap3A_368, %swap3A_369], %swap3A_372 {strides = array<i32>} : memref<128x128xf32, #tpu.memory_space<vmem>>, vector<1x16xf32>,
        %get3A_373 = arith.index_cast %add3A_361 : i32 to index
        %get3A_374 = arith.constant 16 : index
        %get3A_375 = tpu.vector_load %arg15[%get3A_373, %get3A_374] {strides = array<i32>} : memref<128x128xf32, #tpu.memory_space<vmem>>, vector<1x16xf32>,
        %get3A_376 = vector.shape_cast %get3A_375 : vector<1x16xf32> to vector<16xf32>
        %mul3A_377 = vector.broadcast %squeeze3A : f32 to vector<16xf32>
        %mul3A_378 = arith.mulf %get3A_376, %mul3A_377 : vector<16xf32>
        %swap3A_379 = arith.index_cast %add3A_361 : i32 to index
        %swap3A_380 = arith.constant 16 : index
        %swap3A_381 = tpu.vector_load %arg15[%swap3A_379, %swap3A_380] {strides = array<i32>} : memref<128x128xf32, #tpu.memory_space<vmem>>, vector<1x16xf32>,
        %swap3A_382 = vector.shape_cast %swap3A_381 : vector<1x16xf32> to vector<16xf32>
        %swap3A_383 = vector.shape_cast %mul3A_378 : vector<16xf32> to vector<1x16xf32>
        tpu.vector_store %arg15[%swap3A_379, %swap3A_380], %swap3A_383 {strides = array<i32>} : memref<128x128xf32, #tpu.memory_space<vmem>>, vector<1x16xf32>,
        %get3A_384 = arith.index_cast %add3A_361 : i32 to index
        %get3A_385 = arith.constant 32 : index
        %get3A_386 = tpu.vector_load %arg15[%get3A_384, %get3A_385] {strides = array<i32>} : memref<128x128xf32, #tpu.memory_space<vmem>>, vector<1x16xf32>,
        %get3A_387 = vector.shape_cast %get3A_386 : vector<1x16xf32> to vector<16xf32>
        %mul3A_388 = vector.broadcast %squeeze3A : f32 to vector<16xf32>
        %mul3A_389 = arith.mulf %get3A_387, %mul3A_388 : vector<16xf32>
        %swap3A_390 = arith.index_cast %add3A_361 : i32 to index
        %swap3A_391 = arith.constant 32 : index
        %swap3A_392 = tpu.vector_load %arg15[%swap3A_390, %swap3A_391] {strides = array<i32>} : memref<128x128xf32, #tpu.memory_space<vmem>>, vector<1x16xf32>,
        %swap3A_393 = vector.shape_cast %swap3A_392 : vector<1x16xf32> to vector<16xf32>
        %swap3A_394 = vector.shape_cast %mul3A_389 : vector<16xf32> to vector<1x16xf32>
        tpu.vector_store %arg15[%swap3A_390, %swap3A_391], %swap3A_394 {strides = array<i32>} : memref<128x128xf32, #tpu.memory_space<vmem>>, vector<1x16xf32>,
        %get3A_395 = arith.index_cast %add3A_361 : i32 to index
        %get3A_396 = arith.constant 48 : index
        %get3A_397 = tpu.vector_load %arg15[%get3A_395, %get3A_396] {strides = array<i32>} : memref<128x128xf32, #tpu.memory_space<vmem>>, vector<1x16xf32>,
        %get3A_398 = vector.shape_cast %get3A_397 : vector<1x16xf32> to vector<16xf32>
        %mul3A_399 = vector.broadcast %squeeze3A : f32 to vector<16xf32>
        %mul3A_400 = arith.mulf %get3A_398, %mul3A_399 : vector<16xf32>
        %swap3A_401 = arith.index_cast %add3A_361 : i32 to index
        %swap3A_402 = arith.constant 48 : index
        %swap3A_403 = tpu.vector_load %arg15[%swap3A_401, %swap3A_402] {strides = array<i32>} : memref<128x128xf32, #tpu.memory_space<vmem>>, vector<1x16xf32>,
        %swap3A_404 = vector.shape_cast %swap3A_403 : vector<1x16xf32> to vector<16xf32>
        %swap3A_405 = vector.shape_cast %mul3A_400 : vector<16xf32> to vector<1x16xf32>
        tpu.vector_store %arg15[%swap3A_401, %swap3A_402], %swap3A_405 {strides = array<i32>} : memref<128x128xf32, #tpu.memory_space<vmem>>, vector<1x16xf32>,
        %get3A_406 = arith.index_cast %add3A_361 : i32 to index
        %get3A_407 = arith.constant 64 : index
        %get3A_408 = tpu.vector_load %arg15[%get3A_406, %get3A_407] {strides = array<i32>} : memref<128x128xf32, #tpu.memory_space<vmem>>, vector<1x16xf32>,
        %get3A_409 = vector.shape_cast %get3A_408 : vector<1x16xf32> to vector<16xf32>
        %mul3A_410 = vector.broadcast %squeeze3A : f32 to vector<16xf32>
        %mul3A_411 = arith.mulf %get3A_409, %mul3A_410 : vector<16xf32>
        %swap3A_412 = arith.index_cast %add3A_361 : i32 to index
        %swap3A_413 = arith.constant 64 : index
        %swap3A_414 = tpu.vector_load %arg15[%swap3A_412, %swap3A_413] {strides = array<i32>} : memref<128x128xf32, #tpu.memory_space<vmem>>, vector<1x16xf32>,
        %swap3A_415 = vector.shape_cast %swap3A_414 : vector<1x16xf32> to vector<16xf32>
        %swap3A_416 = vector.shape_cast %mul3A_411 : vector<16xf32> to vector<1x16xf32>
        tpu.vector_store %arg15[%swap3A_412, %swap3A_413], %swap3A_416 {strides = array<i32>} : memref<128x128xf32, #tpu.memory_space<vmem>>, vector<1x16xf32>,
        %get3A_417 = arith.index_cast %add3A_361 : i32 to index
        %get3A_418 = arith.constant 80 : index
        %get3A_419 = tpu.vector_load %arg15[%get3A_417, %get3A_418] {strides = array<i32>} : memref<128x128xf32, #tpu.memory_space<vmem>>, vector<1x16xf32>,
        %get3A_420 = vector.shape_cast %get3A_419 : vector<1x16xf32> to vector<16xf32>
        %mul3A_421 = vector.broadcast %squeeze3A : f32 to vector<16xf32>
        %mul3A_422 = arith.mulf %get3A_420, %mul3A_421 : vector<16xf32>
        %swap3A_423 = arith.index_cast %add3A_361 : i32 to index
        %swap3A_424 = arith.constant 80 : index
        %swap3A_425 = tpu.vector_load %arg15[%swap3A_423, %swap3A_424] {strides = array<i32>} : memref<128x128xf32, #tpu.memory_space<vmem>>, vector<1x16xf32>,
        %swap3A_426 = vector.shape_cast %swap3A_425 : vector<1x16xf32> to vector<16xf32>
        %swap3A_427 = vector.shape_cast %mul3A_422 : vector<16xf32> to vector<1x16xf32>
        tpu.vector_store %arg15[%swap3A_423, %swap3A_424], %swap3A_427 {strides = array<i32>} : memref<128x128xf32, #tpu.memory_space<vmem>>, vector<1x16xf32>,
        %get3A_428 = arith.index_cast %add3A_361 : i32 to index
        %get3A_429 = arith.constant 96 : index
        %get3A_430 = tpu.vector_load %arg15[%get3A_428, %get3A_429] {strides = array<i32>} : memref<128x128xf32, #tpu.memory_space<vmem>>, vector<1x16xf32>,
        %get3A_431 = vector.shape_cast %get3A_430 : vector<1x16xf32> to vector<16xf32>
        %mul3A_432 = vector.broadcast %squeeze3A : f32 to vector<16xf32>
        %mul3A_433 = arith.mulf %get3A_431, %mul3A_432 : vector<16xf32>
        %swap3A_434 = arith.index_cast %add3A_361 : i32 to index
        %swap3A_435 = arith.constant 96 : index
        %swap3A_436 = tpu.vector_load %arg15[%swap3A_434, %swap3A_435] {strides = array<i32>} : memref<128x128xf32, #tpu.memory_space<vmem>>, vector<1x16xf32>,
        %swap3A_437 = vector.shape_cast %swap3A_436 : vector<1x16xf32> to vector<16xf32>
        %swap3A_438 = vector.shape_cast %mul3A_433 : vector<16xf32> to vector<1x16xf32>
        tpu.vector_store %arg15[%swap3A_434, %swap3A_435], %swap3A_438 {strides = array<i32>} : memref<128x128xf32, #tpu.memory_space<vmem>>, vector<1x16xf32>,
        %get3A_439 = arith.index_cast %add3A_361 : i32 to index
        %get3A_440 = arith.constant 112 : index
        %get3A_441 = tpu.vector_load %arg15[%get3A_439, %get3A_440] {strides = array<i32>} : memref<128x128xf32, #tpu.memory_space<vmem>>, vector<1x16xf32>,
        %get3A_442 = vector.shape_cast %get3A_441 : vector<1x16xf32> to vector<16xf32>
        %mul3A_443 = vector.broadcast %squeeze3A : f32 to vector<16xf32>
        %mul3A_444 = arith.mulf %get3A_442, %mul3A_443 : vector<16xf32>
        %swap3A_445 = arith.index_cast %add3A_361 : i32 to index
        %swap3A_446 = arith.constant 112 : index
        %swap3A_447 = tpu.vector_load %arg15[%swap3A_445, %swap3A_446] {strides = array<i32>} : memref<128x128xf32, #tpu.memory_space<vmem>>, vector<1x16xf32>,
        %swap3A_448 = vector.shape_cast %swap3A_447 : vector<1x16xf32> to vector<16xf32>
        %swap3A_449 = vector.shape_cast %mul3A_444 : vector<16xf32> to vector<1x16xf32>
        tpu.vector_store %arg15[%swap3A_445, %swap3A_446], %swap3A_449 {strides = array<i32>} : memref<128x128xf32, #tpu.memory_space<vmem>>, vector<1x16xf32>,
        %slice3A_450 = vector.extract_strided_slice %get3A_357 {offsets = [1], sizes = [1], strides = [1]} : vector<16xf32> to vector<1xf32>
        %squeeze3A_451 = vector.extract %slice3A_450[0] : f32 from vector<1xf32>
        %mul3A_452 = arith.constant 16 : i32
        %mul3A_453 = arith.muli %scan3A_352, %mul3A_452 : i32
        %add3A_454 = arith.constant 1 : i32
        %add3A_455 = arith.addi %mul3A_453, %add3A_454 : i32
        %get3A_456 = arith.index_cast %add3A_455 : i32 to index
        %get3A_457 = arith.constant 0 : index
        %get3A_458 = tpu.vector_load %arg15[%get3A_456, %get3A_457] {strides = array<i32>} : memref<128x128xf32, #tpu.memory_space<vmem>>, vector<1x16xf32>,
        %get3A_459 = vector.shape_cast %get3A_458 : vector<1x16xf32> to vector<16xf32>
        %mul3A_460 = vector.broadcast %squeeze3A_451 : f32 to vector<16xf32>
        %mul3A_461 = arith.mulf %get3A_459, %mul3A_460 : vector<16xf32>
        %swap3A_462 = arith.index_cast %add3A_455 : i32 to index
        %swap3A_463 = arith.constant 0 : index
        %swap3A_464 = tpu.vector_load %arg15[%swap3A_462, %swap3A_463] {strides = array<i32>} : memref<128x128xf32, #tpu.memory_space<vmem>>, vector<1x16xf32>,
        %swap3A_465 = vector.shape_cast %swap3A_464 : vector<1x16xf32> to vector<16xf32>
        %swap3A_466 = vector.shape_cast %mul3A_461 : vector<16xf32> to vector<1x16xf32>
        tpu.vector_store %arg15[%swap3A_462, %swap3A_463], %swap3A_466 {strides = array<i32>} : memref<128x128xf32, #tpu.memory_space<vmem>>, vector<1x16xf32>,
        %get3A_467 = arith.index_cast %add3A_455 : i32 to index
        %get3A_468 = arith.constant 16 : index
        %get3A_469 = tpu.vector_load %arg15[%get3A_467, %get3A_468] {strides = array<i32>} : memref<128x128xf32, #tpu.memory_space<vmem>>, vector<1x16xf32>,
        %get3A_470 = vector.shape_cast %get3A_469 : vector<1x16xf32> to vector<16xf32>
        %mul3A_471 = vector.broadcast %squeeze3A_451 : f32 to vector<16xf32>
        %mul3A_472 = arith.mulf %get3A_470, %mul3A_471 : vector<16xf32>
        %swap3A_473 = arith.index_cast %add3A_455 : i32 to index
        %swap3A_474 = arith.constant 16 : index
        %swap3A_475 = tpu.vector_load %arg15[%swap3A_473, %swap3A_474] {strides = array<i32>} : memref<128x128xf32, #tpu.memory_space<vmem>>, vector<1x16xf32>,
        %swap3A_476 = vector.shape_cast %swap3A_475 : vector<1x16xf32> to vector<16xf32>
        %swap3A_477 = vector.shape_cast %mul3A_472 : vector<16xf32> to vector<1x16xf32>
        tpu.vector_store %arg15[%swap3A_473, %swap3A_474], %swap3A_477 {strides = array<i32>} : memref<128x128xf32, #tpu.memory_space<vmem>>, vector<1x16xf32>,
        %get3A_478 = arith.index_cast %add3A_455 : i32 to index
        %get3A_479 = arith.constant 32 : index
        %get3A_480 = tpu.vector_load %arg15[%get3A_478, %get3A_479] {strides = array<i32>} : memref<128x128xf32, #tpu.memory_space<vmem>>, vector<1x16xf32>,
        %get3A_481 = vector.shape_cast %get3A_480 : vector<1x16xf32> to vector<16xf32>
        %mul3A_482 = vector.broadcast %squeeze3A_451 : f32 to vector<16xf32>
        %mul3A_483 = arith.mulf %get3A_481, %mul3A_482 : vector<16xf32>
        %swap3A_484 = arith.index_cast %add3A_455 : i32 to index
        %swap3A_485 = arith.constant 32 : index
        %swap3A_486 = tpu.vector_load %arg15[%swap3A_484, %swap3A_485] {strides = array<i32>} : memref<128x128xf32, #tpu.memory_space<vmem>>, vector<1x16xf32>,
        %swap3A_487 = vector.shape_cast %swap3A_486 : vector<1x16xf32> to vector<16xf32>
        %swap3A_488 = vector.shape_cast %mul3A_483 : vector<16xf32> to vector<1x16xf32>
        tpu.vector_store %arg15[%swap3A_484, %swap3A_485], %swap3A_488 {strides = array<i32>} : memref<128x128xf32, #tpu.memory_space<vmem>>, vector<1x16xf32>,
        %get3A_489 = arith.index_cast %add3A_455 : i32 to index
        %get3A_490 = arith.constant 48 : index
        %get3A_491 = tpu.vector_load %arg15[%get3A_489, %get3A_490] {strides = array<i32>} : memref<128x128xf32, #tpu.memory_space<vmem>>, vector<1x16xf32>,
        %get3A_492 = vector.shape_cast %get3A_491 : vector<1x16xf32> to vector<16xf32>
        %mul3A_493 = vector.broadcast %squeeze3A_451 : f32 to vector<16xf32>
        %mul3A_494 = arith.mulf %get3A_492, %mul3A_493 : vector<16xf32>
        %swap3A_495 = arith.index_cast %add3A_455 : i32 to index
        %swap3A_496 = arith.constant 48 : index
        %swap3A_497 = tpu.vector_load %arg15[%swap3A_495, %swap3A_496] {strides = array<i32>} : memref<128x128xf32, #tpu.memory_space<vmem>>, vector<1x16xf32>,
        %swap3A_498 = vector.shape_cast %swap3A_497 : vector<1x16xf32> to vector<16xf32>
        %swap3A_499 = vector.shape_cast %mul3A_494 : vector<16xf32> to vector<1x16xf32>
        tpu.vector_store %arg15[%swap3A_495, %swap3A_496], %swap3A_499 {strides = array<i32>} : memref<128x128xf32, #tpu.memory_space<vmem>>, vector<1x16xf32>,
        %get3A_500 = arith.index_cast %add3A_455 : i32 to index
        %get3A_501 = arith.constant 64 : index
        %get3A_502 = tpu.vector_load %arg15[%get3A_500, %get3A_501] {strides = array<i32>} : memref<128x128xf32, #tpu.memory_space<vmem>>, vector<1x16xf32>,
        %get3A_503 = vector.shape_cast %get3A_502 : vector<1x16xf32> to vector<16xf32>
        %mul3A_504 = vector.broadcast %squeeze3A_451 : f32 to vector<16xf32>
        %mul3A_505 = arith.mulf %get3A_503, %mul3A_504 : vector<16xf32>
        %swap3A_506 = arith.index_cast %add3A_455 : i32 to index
        %swap3A_507 = arith.constant 64 : index
        %swap3A_508 = tpu.vector_load %arg15[%swap3A_506, %swap3A_507] {strides = array<i32>} : memref<128x128xf32, #tpu.memory_space<vmem>>, vector<1x16xf32>,
        %swap3A_509 = vector.shape_cast %swap3A_508 : vector<1x16xf32> to vector<16xf32>
        %swap3A_510 = vector.shape_cast %mul3A_505 : vector<16xf32> to vector<1x16xf32>
        tpu.vector_store %arg15[%swap3A_506, %swap3A_507], %swap3A_510 {strides = array<i32>} : memref<128x128xf32, #tpu.memory_space<vmem>>, vector<1x16xf32>,
        %get3A_511 = arith.index_cast %add3A_455 : i32 to index
        %get3A_512 = arith.constant 80 : index
        %get3A_513 = tpu.vector_load %arg15[%get3A_511, %get3A_512] {strides = array<i32>} : memref<128x128xf32, #tpu.memory_space<vmem>>, vector<1x16xf32>,
        %get3A_514 = vector.shape_cast %get3A_513 : vector<1x16xf32> to vector<16xf32>
        %mul3A_515 = vector.broadcast %squeeze3A_451 : f32 to vector<16xf32>
        %mul3A_516 = arith.mulf %get3A_514, %mul3A_515 : vector<16xf32>
        %swap3A_517 = arith.index_cast %add3A_455 : i32 to index
        %swap3A_518 = arith.constant 80 : index
        %swap3A_519 = tpu.vector_load %arg15[%swap3A_517, %swap3A_518] {strides = array<i32>} : memref<128x128xf32, #tpu.memory_space<vmem>>, vector<1x16xf32>,
        %swap3A_520 = vector.shape_cast %swap3A_519 : vector<1x16xf32> to vector<16xf32>
        %swap3A_521 = vector.shape_cast %mul3A_516 : vector<16xf32> to vector<1x16xf32>
        tpu.vector_store %arg15[%swap3A_517, %swap3A_518], %swap3A_521 {strides = array<i32>} : memref<128x128xf32, #tpu.memory_space<vmem>>, vector<1x16xf32>,
        %get3A_522 = arith.index_cast %add3A_455 : i32 to index
        %get3A_523 = arith.constant 96 : index
        %get3A_524 = tpu.vector_load %arg15[%get3A_522, %get3A_523] {strides = array<i32>} : memref<128x128xf32, #tpu.memory_space<vmem>>, vector<1x16xf32>,
        %get3A_525 = vector.shape_cast %get3A_524 : vector<1x16xf32> to vector<16xf32>
        %mul3A_526 = vector.broadcast %squeeze3A_451 : f32 to vector<16xf32>
        %mul3A_527 = arith.mulf %get3A_525, %mul3A_526 : vector<16xf32>
        %swap3A_528 = arith.index_cast %add3A_455 : i32 to index
        %swap3A_529 = arith.constant 96 : index
        %swap3A_530 = tpu.vector_load %arg15[%swap3A_528, %swap3A_529] {strides = array<i32>} : memref<128x128xf32, #tpu.memory_space<vmem>>, vector<1x16xf32>,
        %swap3A_531 = vector.shape_cast %swap3A_530 : vector<1x16xf32> to vector<16xf32>
        %swap3A_532 = vector.shape_cast %mul3A_527 : vector<16xf32> to vector<1x16xf32>
        tpu.vector_store %arg15[%swap3A_528, %swap3A_529], %swap3A_532 {strides = array<i32>} : memref<128x128xf32, #tpu.memory_space<vmem>>, vector<1x16xf32>,
        %get3A_533 = arith.index_cast %add3A_455 : i32 to index
        %get3A_534 = arith.constant 112 : index
        %get3A_535 = tpu.vector_load %arg15[%get3A_533, %get3A_534] {strides = array<i32>} : memref<128x128xf32, #tpu.memory_space<vmem>>, vector<1x16xf32>,
        %get3A_536 = vector.shape_cast %get3A_535 : vector<1x16xf32> to vector<16xf32>
        %mul3A_537 = vector.broadcast %squeeze3A_451 : f32 to vector<16xf32>
        %mul3A_538 = arith.mulf %get3A_536, %mul3A_537 : vector<16xf32>
        %swap3A_539 = arith.index_cast %add3A_455 : i32 to index
        %swap3A_540 = arith.constant 112 : index
        %swap3A_541 = tpu.vector_load %arg15[%swap3A_539, %swap3A_540] {strides = array<i32>} : memref<128x128xf32, #tpu.memory_space<vmem>>, vector<1x16xf32>,
        %swap3A_542 = vector.shape_cast %swap3A_541 : vector<1x16xf32> to vector<16xf32>
        %swap3A_543 = vector.shape_cast %mul3A_538 : vector<16xf32> to vector<1x16xf32>
        tpu.vector_store %arg15[%swap3A_539, %swap3A_540], %swap3A_543 {strides = array<i32>} : memref<128x128xf32, #tpu.memory_space<vmem>>, vector<1x16xf32>,
        %slice3A_544 = vector.extract_strided_slice %get3A_357 {offsets = [2], sizes = [1], strides = [1]} : vector<16xf32> to vector<1xf32>
        %squeeze3A_545 = vector.extract %slice3A_544[0] : f32 from vector<1xf32>
        %mul3A_546 = arith.constant 16 : i32
        %mul3A_547 = arith.muli %scan3A_352, %mul3A_546 : i32
        %add3A_548 = arith.constant 2 : i32
        %add3A_549 = arith.addi %mul3A_547, %add3A_548 : i32
        %get3A_550 = arith.index_cast %add3A_549 : i32 to index
        %get3A_551 = arith.constant 0 : index
        %get3A_552 = tpu.vector_load %arg15[%get3A_550, %get3A_551] {strides = array<i32>} : memref<128x128xf32, #tpu.memory_space<vmem>>, vector<1x16xf32>,
        %get3A_553 = vector.shape_cast %get3A_552 : vector<1x16xf32> to vector<16xf32>
        %mul3A_554 = vector.broadcast %squeeze3A_545 : f32 to vector<16xf32>
        %mul3A_555 = arith.mulf %get3A_553, %mul3A_554 : vector<16xf32>
        %swap3A_556 = arith.index_cast %add3A_549 : i32 to index
        %swap3A_557 = arith.constant 0 : index
        %swap3A_558 = tpu.vector_load %arg15[%swap3A_556, %swap3A_557] {strides = array<i32>} : memref<128x128xf32, #tpu.memory_space<vmem>>, vector<1x16xf32>,
        %swap3A_559 = vector.shape_cast %swap3A_558 : vector<1x16xf32> to vector<16xf32>
        %swap3A_560 = vector.shape_cast %mul3A_555 : vector<16xf32> to vector<1x16xf32>
        tpu.vector_store %arg15[%swap3A_556, %swap3A_557], %swap3A_560 {strides = array<i32>} : memref<128x128xf32, #tpu.memory_space<vmem>>, vector<1x16xf32>,
        %get3A_561 = arith.index_cast %add3A_549 : i32 to index
        %get3A_562 = arith.constant 16 : index
        %get3A_563 = tpu.vector_load %arg15[%get3A_561, %get3A_562] {strides = array<i32>} : memref<128x128xf32, #tpu.memory_space<vmem>>, vector<1x16xf32>,
        %get3A_564 = vector.shape_cast %get3A_563 : vector<1x16xf32> to vector<16xf32>
        %mul3A_565 = vector.broadcast %squeeze3A_545 : f32 to vector<16xf32>
        %mul3A_566 = arith.mulf %get3A_564, %mul3A_565 : vector<16xf32>
        %swap3A_567 = arith.index_cast %add3A_549 : i32 to index
        %swap3A_568 = arith.constant 16 : index
        %swap3A_569 = tpu.vector_load %arg15[%swap3A_567, %swap3A_568] {strides = array<i32>} : memref<128x128xf32, #tpu.memory_space<vmem>>, vector<1x16xf32>,
        %swap3A_570 = vector.shape_cast %swap3A_569 : vector<1x16xf32> to vector<16xf32>
        %swap3A_571 = vector.shape_cast %mul3A_566 : vector<16xf32> to vector<1x16xf32>
        tpu.vector_store %arg15[%swap3A_567, %swap3A_568], %swap3A_571 {strides = array<i32>} : memref<128x128xf32, #tpu.memory_space<vmem>>, vector<1x16xf32>,
        %get3A_572 = arith.index_cast %add3A_549 : i32 to index
        %get3A_573 = arith.constant 32 : index
        %get3A_574 = tpu.vector_load %arg15[%get3A_572, %get3A_573] {strides = array<i32>} : memref<128x128xf32, #tpu.memory_space<vmem>>, vector<1x16xf32>,
        %get3A_575 = vector.shape_cast %get3A_574 : vector<1x16xf32> to vector<16xf32>
        %mul3A_576 = vector.broadcast %squeeze3A_545 : f32 to vector<16xf32>
        %mul3A_577 = arith.mulf %get3A_575, %mul3A_576 : vector<16xf32>
        %swap3A_578 = arith.index_cast %add3A_549 : i32 to index
        %swap3A_579 = arith.constant 32 : index
        %swap3A_580 = tpu.vector_load %arg15[%swap3A_578, %swap3A_579] {strides = array<i32>} : memref<128x128xf32, #tpu.memory_space<vmem>>, vector<1x16xf32>,
        %swap3A_581 = vector.shape_cast %swap3A_580 : vector<1x16xf32> to vector<16xf32>
        %swap3A_582 = vector.shape_cast %mul3A_577 : vector<16xf32> to vector<1x16xf32>
        tpu.vector_store %arg15[%swap3A_578, %swap3A_579], %swap3A_582 {strides = array<i32>} : memref<128x128xf32, #tpu.memory_space<vmem>>, vector<1x16xf32>,
        %get3A_583 = arith.index_cast %add3A_549 : i32 to index
        %get3A_584 = arith.constant 48 : index
        %get3A_585 = tpu.vector_load %arg15[%get3A_583, %get3A_584] {strides = array<i32>} : memref<128x128xf32, #tpu.memory_space<vmem>>, vector<1x16xf32>,
        %get3A_586 = vector.shape_cast %get3A_585 : vector<1x16xf32> to vector<16xf32>
        %mul3A_587 = vector.broadcast %squeeze3A_545 : f32 to vector<16xf32>
        %mul3A_588 = arith.mulf %get3A_586, %mul3A_587 : vector<16xf32>
        %swap3A_589 = arith.index_cast %add3A_549 : i32 to index
        %swap3A_590 = arith.constant 48 : index
        %swap3A_591 = tpu.vector_load %arg15[%swap3A_589, %swap3A_590] {strides = array<i32>} : memref<128x128xf32, #tpu.memory_space<vmem>>, vector<1x16xf32>,
        %swap3A_592 = vector.shape_cast %swap3A_591 : vector<1x16xf32> to vector<16xf32>
        %swap3A_593 = vector.shape_cast %mul3A_588 : vector<16xf32> to vector<1x16xf32>
        tpu.vector_store %arg15[%swap3A_589, %swap3A_590], %swap3A_593 {strides = array<i32>} : memref<128x128xf32, #tpu.memory_space<vmem>>, vector<1x16xf32>,
        %get3A_594 = arith.index_cast %add3A_549 : i32 to index
        %get3A_595 = arith.constant 64 : index
        %get3A_596 = tpu.vector_load %arg15[%get3A_594, %get3A_595] {strides = array<i32>} : memref<128x128xf32, #tpu.memory_space<vmem>>, vector<1x16xf32>,
        %get3A_597 = vector.shape_cast %get3A_596 : vector<1x16xf32> to vector<16xf32>
        %mul3A_598 = vector.broadcast %squeeze3A_545 : f32 to vector<16xf32>
        %mul3A_599 = arith.mulf %get3A_597, %mul3A_598 : vector<16xf32>
        %swap3A_600 = arith.index_cast %add3A_549 : i32 to index
        %swap3A_601 = arith.constant 64 : index
        %swap3A_602 = tpu.vector_load %arg15[%swap3A_600, %swap3A_601] {strides = array<i32>} : memref<128x128xf32, #tpu.memory_space<vmem>>, vector<1x16xf32>,
        %swap3A_603 = vector.shape_cast %swap3A_602 : vector<1x16xf32> to vector<16xf32>
        %swap3A_604 = vector.shape_cast %mul3A_599 : vector<16xf32> to vector<1x16xf32>
        tpu.vector_store %arg15[%swap3A_600, %swap3A_601], %swap3A_604 {strides = array<i32>} : memref<128x128xf32, #tpu.memory_space<vmem>>, vector<1x16xf32>,
        %get3A_605 = arith.index_cast %add3A_549 : i32 to index
        %get3A_606 = arith.constant 80 : index
        %get3A_607 = tpu.vector_load %arg15[%get3A_605, %get3A_606] {strides = array<i32>} : memref<128x128xf32, #tpu.memory_space<vmem>>, vector<1x16xf32>,
        %get3A_608 = vector.shape_cast %get3A_607 : vector<1x16xf32> to vector<16xf32>
        %mul3A_609 = vector.broadcast %squeeze3A_545 : f32 to vector<16xf32>
        %mul3A_610 = arith.mulf %get3A_608, %mul3A_609 : vector<16xf32>
        %swap3A_611 = arith.index_cast %add3A_549 : i32 to index
        %swap3A_612 = arith.constant 80 : index
        %swap3A_613 = tpu.vector_load %arg15[%swap3A_611, %swap3A_612] {strides = array<i32>} : memref<128x128xf32, #tpu.memory_space<vmem>>, vector<1x16xf32>,
        %swap3A_614 = vector.shape_cast %swap3A_613 : vector<1x16xf32> to vector<16xf32>
        %swap3A_615 = vector.shape_cast %mul3A_610 : vector<16xf32> to vector<1x16xf32>
        tpu.vector_store %arg15[%swap3A_611, %swap3A_612], %swap3A_615 {strides = array<i32>} : memref<128x128xf32, #tpu.memory_space<vmem>>, vector<1x16xf32>,
        %get3A_616 = arith.index_cast %add3A_549 : i32 to index
        %get3A_617 = arith.constant 96 : index
        %get3A_618 = tpu.vector_load %arg15[%get3A_616, %get3A_617] {strides = array<i32>} : memref<128x128xf32, #tpu.memory_space<vmem>>, vector<1x16xf32>,
        %get3A_619 = vector.shape_cast %get3A_618 : vector<1x16xf32> to vector<16xf32>
        %mul3A_620 = vector.broadcast %squeeze3A_545 : f32 to vector<16xf32>
        %mul3A_621 = arith.mulf %get3A_619, %mul3A_620 : vector<16xf32>
        %swap3A_622 = arith.index_cast %add3A_549 : i32 to index
        %swap3A_623 = arith.constant 96 : index
        %swap3A_624 = tpu.vector_load %arg15[%swap3A_622, %swap3A_623] {strides = array<i32>} : memref<128x128xf32, #tpu.memory_space<vmem>>, vector<1x16xf32>,
        %swap3A_625 = vector.shape_cast %swap3A_624 : vector<1x16xf32> to vector<16xf32>
        %swap3A_626 = vector.shape_cast %mul3A_621 : vector<16xf32> to vector<1x16xf32>
        tpu.vector_store %arg15[%swap3A_622, %swap3A_623], %swap3A_626 {strides = array<i32>} : memref<128x128xf32, #tpu.memory_space<vmem>>, vector<1x16xf32>,
        %get3A_627 = arith.index_cast %add3A_549 : i32 to index
        %get3A_628 = arith.constant 112 : index
        %get3A_629 = tpu.vector_load %arg15[%get3A_627, %get3A_628] {strides = array<i32>} : memref<128x128xf32, #tpu.memory_space<vmem>>, vector<1x16xf32>,
        %get3A_630 = vector.shape_cast %get3A_629 : vector<1x16xf32> to vector<16xf32>
        %mul3A_631 = vector.broadcast %squeeze3A_545 : f32 to vector<16xf32>
        %mul3A_632 = arith.mulf %get3A_630, %mul3A_631 : vector<16xf32>
        %swap3A_633 = arith.index_cast %add3A_549 : i32 to index
        %swap3A_634 = arith.constant 112 : index
        %swap3A_635 = tpu.vector_load %arg15[%swap3A_633, %swap3A_634] {strides = array<i32>} : memref<128x128xf32, #tpu.memory_space<vmem>>, vector<1x16xf32>,
        %swap3A_636 = vector.shape_cast %swap3A_635 : vector<1x16xf32> to vector<16xf32>
        %swap3A_637 = vector.shape_cast %mul3A_632 : vector<16xf32> to vector<1x16xf32>
        tpu.vector_store %arg15[%swap3A_633, %swap3A_634], %swap3A_637 {strides = array<i32>} : memref<128x128xf32, #tpu.memory_space<vmem>>, vector<1x16xf32>,
        %slice3A_638 = vector.extract_strided_slice %get3A_357 {offsets = [3], sizes = [1], strides = [1]} : vector<16xf32> to vector<1xf32>
        %squeeze3A_639 = vector.extract %slice3A_638[0] : f32 from vector<1xf32>
        %mul3A_640 = arith.constant 16 : i32
        %mul3A_641 = arith.muli %scan3A_352, %mul3A_640 : i32
        %add3A_642 = arith.constant 3 : i32
        %add3A_643 = arith.addi %mul3A_641, %add3A_642 : i32
        %get3A_644 = arith.index_cast %add3A_643 : i32 to index
        %get3A_645 = arith.constant 0 : index
        %get3A_646 = tpu.vector_load %arg15[%get3A_644, %get3A_645] {strides = array<i32>} : memref<128x128xf32, #tpu.memory_space<vmem>>, vector<1x16xf32>,
        %get3A_647 = vector.shape_cast %get3A_646 : vector<1x16xf32> to vector<16xf32>
        %mul3A_648 = vector.broadcast %squeeze3A_639 : f32 to vector<16xf32>
        %mul3A_649 = arith.mulf %get3A_647, %mul3A_648 : vector<16xf32>
        %swap3A_650 = arith.index_cast %add3A_643 : i32 to index
        %swap3A_651 = arith.constant 0 : index
        %swap3A_652 = tpu.vector_load %arg15[%swap3A_650, %swap3A_651] {strides = array<i32>} : memref<128x128xf32, #tpu.memory_space<vmem>>, vector<1x16xf32>,
        %swap3A_653 = vector.shape_cast %swap3A_652 : vector<1x16xf32> to vector<16xf32>
        %swap3A_654 = vector.shape_cast %mul3A_649 : vector<16xf32> to vector<1x16xf32>
        tpu.vector_store %arg15[%swap3A_650, %swap3A_651], %swap3A_654 {strides = array<i32>} : memref<128x128xf32, #tpu.memory_space<vmem>>, vector<1x16xf32>,
        %get3A_655 = arith.index_cast %add3A_643 : i32 to index
        %get3A_656 = arith.constant 16 : index
        %get3A_657 = tpu.vector_load %arg15[%get3A_655, %get3A_656] {strides = array<i32>} : memref<128x128xf32, #tpu.memory_space<vmem>>, vector<1x16xf32>,
        %get3A_658 = vector.shape_cast %get3A_657 : vector<1x16xf32> to vector<16xf32>
        %mul3A_659 = vector.broadcast %squeeze3A_639 : f32 to vector<16xf32>
        %mul3A_660 = arith.mulf %get3A_658, %mul3A_659 : vector<16xf32>
        %swap3A_661 = arith.index_cast %add3A_643 : i32 to index
        %swap3A_662 = arith.constant 16 : index
        %swap3A_663 = tpu.vector_load %arg15[%swap3A_661, %swap3A_662] {strides = array<i32>} : memref<128x128xf32, #tpu.memory_space<vmem>>, vector<1x16xf32>,
        %swap3A_664 = vector.shape_cast %swap3A_663 : vector<1x16xf32> to vector<16xf32>
        %swap3A_665 = vector.shape_cast %mul3A_660 : vector<16xf32> to vector<1x16xf32>
        tpu.vector_store %arg15[%swap3A_661, %swap3A_662], %swap3A_665 {strides = array<i32>} : memref<128x128xf32, #tpu.memory_space<vmem>>, vector<1x16xf32>,
        %get3A_666 = arith.index_cast %add3A_643 : i32 to index
        %get3A_667 = arith.constant 32 : index
        %get3A_668 = tpu.vector_load %arg15[%get3A_666, %get3A_667] {strides = array<i32>} : memref<128x128xf32, #tpu.memory_space<vmem>>, vector<1x16xf32>,
        %get3A_669 = vector.shape_cast %get3A_668 : vector<1x16xf32> to vector<16xf32>
        %mul3A_670 = vector.broadcast %squeeze3A_639 : f32 to vector<16xf32>
        %mul3A_671 = arith.mulf %get3A_669, %mul3A_670 : vector<16xf32>
        %swap3A_672 = arith.index_cast %add3A_643 : i32 to index
        %swap3A_673 = arith.constant 32 : index
        %swap3A_674 = tpu.vector_load %arg15[%swap3A_672, %swap3A_673] {strides = array<i32>} : memref<128x128xf32, #tpu.memory_space<vmem>>, vector<1x16xf32>,
        %swap3A_675 = vector.shape_cast %swap3A_674 : vector<1x16xf32> to vector<16xf32>
        %swap3A_676 = vector.shape_cast %mul3A_671 : vector<16xf32> to vector<1x16xf32>
        tpu.vector_store %arg15[%swap3A_672, %swap3A_673], %swap3A_676 {strides = array<i32>} : memref<128x128xf32, #tpu.memory_space<vmem>>, vector<1x16xf32>,
        %get3A_677 = arith.index_cast %add3A_643 : i32 to index
        %get3A_678 = arith.constant 48 : index
        %get3A_679 = tpu.vector_load %arg15[%get3A_677, %get3A_678] {strides = array<i32>} : memref<128x128xf32, #tpu.memory_space<vmem>>, vector<1x16xf32>,
        %get3A_680 = vector.shape_cast %get3A_679 : vector<1x16xf32> to vector<16xf32>
        %mul3A_681 = vector.broadcast %squeeze3A_639 : f32 to vector<16xf32>
        %mul3A_682 = arith.mulf %get3A_680, %mul3A_681 : vector<16xf32>
        %swap3A_683 = arith.index_cast %add3A_643 : i32 to index
        %swap3A_684 = arith.constant 48 : index
        %swap3A_685 = tpu.vector_load %arg15[%swap3A_683, %swap3A_684] {strides = array<i32>} : memref<128x128xf32, #tpu.memory_space<vmem>>, vector<1x16xf32>,
        %swap3A_686 = vector.shape_cast %swap3A_685 : vector<1x16xf32> to vector<16xf32>
        %swap3A_687 = vector.shape_cast %mul3A_682 : vector<16xf32> to vector<1x16xf32>
        tpu.vector_store %arg15[%swap3A_683, %swap3A_684], %swap3A_687 {strides = array<i32>} : memref<128x128xf32, #tpu.memory_space<vmem>>, vector<1x16xf32>,
        %get3A_688 = arith.index_cast %add3A_643 : i32 to index
        %get3A_689 = arith.constant 64 : index
        %get3A_690 = tpu.vector_load %arg15[%get3A_688, %get3A_689] {strides = array<i32>} : memref<128x128xf32, #tpu.memory_space<vmem>>, vector<1x16xf32>,
        %get3A_691 = vector.shape_cast %get3A_690 : vector<1x16xf32> to vector<16xf32>
        %mul3A_692 = vector.broadcast %squeeze3A_639 : f32 to vector<16xf32>
        %mul3A_693 = arith.mulf %get3A_691, %mul3A_692 : vector<16xf32>
        %swap3A_694 = arith.index_cast %add3A_643 : i32 to index
        %swap3A_695 = arith.constant 64 : index
        %swap3A_696 = tpu.vector_load %arg15[%swap3A_694, %swap3A_695] {strides = array<i32>} : memref<128x128xf32, #tpu.memory_space<vmem>>, vector<1x16xf32>,
        %swap3A_697 = vector.shape_cast %swap3A_696 : vector<1x16xf32> to vector<16xf32>
        %swap3A_698 = vector.shape_cast %mul3A_693 : vector<16xf32> to vector<1x16xf32>
        tpu.vector_store %arg15[%swap3A_694, %swap3A_695], %swap3A_698 {strides = array<i32>} : memref<128x128xf32, #tpu.memory_space<vmem>>, vector<1x16xf32>,
        %get3A_699 = arith.index_cast %add3A_643 : i32 to index
        %get3A_700 = arith.constant 80 : index
        %get3A_701 = tpu.vector_load %arg15[%get3A_699, %get3A_700] {strides = array<i32>} : memref<128x128xf32, #tpu.memory_space<vmem>>, vector<1x16xf32>,
        %get3A_702 = vector.shape_cast %get3A_701 : vector<1x16xf32> to vector<16xf32>
        %mul3A_703 = vector.broadcast %squeeze3A_639 : f32 to vector<16xf32>
        %mul3A_704 = arith.mulf %get3A_702, %mul3A_703 : vector<16xf32>
        %swap3A_705 = arith.index_cast %add3A_643 : i32 to index
        %swap3A_706 = arith.constant 80 : index
        %swap3A_707 = tpu.vector_load %arg15[%swap3A_705, %swap3A_706] {strides = array<i32>} : memref<128x128xf32, #tpu.memory_space<vmem>>, vector<1x16xf32>,
        %swap3A_708 = vector.shape_cast %swap3A_707 : vector<1x16xf32> to vector<16xf32>
        %swap3A_709 = vector.shape_cast %mul3A_704 : vector<16xf32> to vector<1x16xf32>
        tpu.vector_store %arg15[%swap3A_705, %swap3A_706], %swap3A_709 {strides = array<i32>} : memref<128x128xf32, #tpu.memory_space<vmem>>, vector<1x16xf32>,
        %get3A_710 = arith.index_cast %add3A_643 : i32 to index
        %get3A_711 = arith.constant 96 : index
        %get3A_712 = tpu.vector_load %arg15[%get3A_710, %get3A_711] {strides = array<i32>} : memref<128x128xf32, #tpu.memory_space<vmem>>, vector<1x16xf32>,
        %get3A_713 = vector.shape_cast %get3A_712 : vector<1x16xf32> to vector<16xf32>
        %mul3A_714 = vector.broadcast %squeeze3A_639 : f32 to vector<16xf32>
        %mul3A_715 = arith.mulf %get3A_713, %mul3A_714 : vector<16xf32>
        %swap3A_716 = arith.index_cast %add3A_643 : i32 to index
        %swap3A_717 = arith.constant 96 : index
        %swap3A_718 = tpu.vector_load %arg15[%swap3A_716, %swap3A_717] {strides = array<i32>} : memref<128x128xf32, #tpu.memory_space<vmem>>, vector<1x16xf32>,
        %swap3A_719 = vector.shape_cast %swap3A_718 : vector<1x16xf32> to vector<16xf32>
        %swap3A_720 = vector.shape_cast %mul3A_715 : vector<16xf32> to vector<1x16xf32>
        tpu.vector_store %arg15[%swap3A_716, %swap3A_717], %swap3A_720 {strides = array<i32>} : memref<128x128xf32, #tpu.memory_space<vmem>>, vector<1x16xf32>,
        %get3A_721 = arith.index_cast %add3A_643 : i32 to index
        %get3A_722 = arith.constant 112 : index
        %get3A_723 = tpu.vector_load %arg15[%get3A_721, %get3A_722] {strides = array<i32>} : memref<128x128xf32, #tpu.memory_space<vmem>>, vector<1x16xf32>,
        %get3A_724 = vector.shape_cast %get3A_723 : vector<1x16xf32> to vector<16xf32>
        %mul3A_725 = vector.broadcast %squeeze3A_639 : f32 to vector<16xf32>
        %mul3A_726 = arith.mulf %get3A_724, %mul3A_725 : vector<16xf32>
        %swap3A_727 = arith.index_cast %add3A_643 : i32 to index
        %swap3A_728 = arith.constant 112 : index
        %swap3A_729 = tpu.vector_load %arg15[%swap3A_727, %swap3A_728] {strides = array<i32>} : memref<128x128xf32, #tpu.memory_space<vmem>>, vector<1x16xf32>,
        %swap3A_730 = vector.shape_cast %swap3A_729 : vector<1x16xf32> to vector<16xf32>
        %swap3A_731 = vector.shape_cast %mul3A_726 : vector<16xf32> to vector<1x16xf32>
        tpu.vector_store %arg15[%swap3A_727, %swap3A_728], %swap3A_731 {strides = array<i32>} : memref<128x128xf32, #tpu.memory_space<vmem>>, vector<1x16xf32>,
        %slice3A_732 = vector.extract_strided_slice %get3A_357 {offsets = [4], sizes = [1], strides = [1]} : vector<16xf32> to vector<1xf32>
        %squeeze3A_733 = vector.extract %slice3A_732[0] : f32 from vector<1xf32>
        %mul3A_734 = arith.constant 16 : i32
        %mul3A_735 = arith.muli %scan3A_352, %mul3A_734 : i32
        %add3A_736 = arith.constant 4 : i32
        %add3A_737 = arith.addi %mul3A_735, %add3A_736 : i32
        %get3A_738 = arith.index_cast %add3A_737 : i32 to index
        %get3A_739 = arith.constant 0 : index
        %get3A_740 = tpu.vector_load %arg15[%get3A_738, %get3A_739] {strides = array<i32>} : memref<128x128xf32, #tpu.memory_space<vmem>>, vector<1x16xf32>,
        %get3A_741 = vector.shape_cast %get3A_740 : vector<1x16xf32> to vector<16xf32>
        %mul3A_742 = vector.broadcast %squeeze3A_733 : f32 to vector<16xf32>
        %mul3A_743 = arith.mulf %get3A_741, %mul3A_742 : vector<16xf32>
        %swap3A_744 = arith.index_cast %add3A_737 : i32 to index
        %swap3A_745 = arith.constant 0 : index
        %swap3A_746 = tpu.vector_load %arg15[%swap3A_744, %swap3A_745] {strides = array<i32>} : memref<128x128xf32, #tpu.memory_space<vmem>>, vector<1x16xf32>,
        %swap3A_747 = vector.shape_cast %swap3A_746 : vector<1x16xf32> to vector<16xf32>
        %swap3A_748 = vector.shape_cast %mul3A_743 : vector<16xf32> to vector<1x16xf32>
        tpu.vector_store %arg15[%swap3A_744, %swap3A_745], %swap3A_748 {strides = array<i32>} : memref<128x128xf32, #tpu.memory_space<vmem>>, vector<1x16xf32>,
        %get3A_749 = arith.index_cast %add3A_737 : i32 to index
        %get3A_750 = arith.constant 16 : index
        %get3A_751 = tpu.vector_load %arg15[%get3A_749, %get3A_750] {strides = array<i32>} : memref<128x128xf32, #tpu.memory_space<vmem>>, vector<1x16xf32>,
        %get3A_752 = vector.shape_cast %get3A_751 : vector<1x16xf32> to vector<16xf32>
        %mul3A_753 = vector.broadcast %squeeze3A_733 : f32 to vector<16xf32>
        %mul3A_754 = arith.mulf %get3A_752, %mul3A_753 : vector<16xf32>
        %swap3A_755 = arith.index_cast %add3A_737 : i32 to index
        %swap3A_756 = arith.constant 16 : index
        %swap3A_757 = tpu.vector_load %arg15[%swap3A_755, %swap3A_756] {strides = array<i32>} : memref<128x128xf32, #tpu.memory_space<vmem>>, vector<1x16xf32>,
        %swap3A_758 = vector.shape_cast %swap3A_757 : vector<1x16xf32> to vector<16xf32>
        %swap3A_759 = vector.shape_cast %mul3A_754 : vector<16xf32> to vector<1x16xf32>
        tpu.vector_store %arg15[%swap3A_755, %swap3A_756], %swap3A_759 {strides = array<i32>} : memref<128x128xf32, #tpu.memory_space<vmem>>, vector<1x16xf32>,
        %get3A_760 = arith.index_cast %add3A_737 : i32 to index
        %get3A_761 = arith.constant 32 : index
        %get3A_762 = tpu.vector_load %arg15[%get3A_760, %get3A_761] {strides = array<i32>} : memref<128x128xf32, #tpu.memory_space<vmem>>, vector<1x16xf32>,
        %get3A_763 = vector.shape_cast %get3A_762 : vector<1x16xf32> to vector<16xf32>
        %mul3A_764 = vector.broadcast %squeeze3A_733 : f32 to vector<16xf32>
        %mul3A_765 = arith.mulf %get3A_763, %mul3A_764 : vector<16xf32>
        %swap3A_766 = arith.index_cast %add3A_737 : i32 to index
        %swap3A_767 = arith.constant 32 : index
        %swap3A_768 = tpu.vector_load %arg15[%swap3A_766, %swap3A_767] {strides = array<i32>} : memref<128x128xf32, #tpu.memory_space<vmem>>, vector<1x16xf32>,
        %swap3A_769 = vector.shape_cast %swap3A_768 : vector<1x16xf32> to vector<16xf32>
        %swap3A_770 = vector.shape_cast %mul3A_765 : vector<16xf32> to vector<1x16xf32>
        tpu.vector_store %arg15[%swap3A_766, %swap3A_767], %swap3A_770 {strides = array<i32>} : memref<128x128xf32, #tpu.memory_space<vmem>>, vector<1x16xf32>,
        %get3A_771 = arith.index_cast %add3A_737 : i32 to index
        %get3A_772 = arith.constant 48 : index
        %get3A_773 = tpu.vector_load %arg15[%get3A_771, %get3A_772] {strides = array<i32>} : memref<128x128xf32, #tpu.memory_space<vmem>>, vector<1x16xf32>,
        %get3A_774 = vector.shape_cast %get3A_773 : vector<1x16xf32> to vector<16xf32>
        %mul3A_775 = vector.broadcast %squeeze3A_733 : f32 to vector<16xf32>
        %mul3A_776 = arith.mulf %get3A_774, %mul3A_775 : vector<16xf32>
        %swap3A_777 = arith.index_cast %add3A_737 : i32 to index
        %swap3A_778 = arith.constant 48 : index
        %swap3A_779 = tpu.vector_load %arg15[%swap3A_777, %swap3A_778] {strides = array<i32>} : memref<128x128xf32, #tpu.memory_space<vmem>>, vector<1x16xf32>,
        %swap3A_780 = vector.shape_cast %swap3A_779 : vector<1x16xf32> to vector<16xf32>
        %swap3A_781 = vector.shape_cast %mul3A_776 : vector<16xf32> to vector<1x16xf32>
        tpu.vector_store %arg15[%swap3A_777, %swap3A_778], %swap3A_781 {strides = array<i32>} : memref<128x128xf32, #tpu.memory_space<vmem>>, vector<1x16xf32>,
        %get3A_782 = arith.index_cast %add3A_737 : i32 to index
        %get3A_783 = arith.constant 64 : index
        %get3A_784 = tpu.vector_load %arg15[%get3A_782, %get3A_783] {strides = array<i32>} : memref<128x128xf32, #tpu.memory_space<vmem>>, vector<1x16xf32>,
        %get3A_785 = vector.shape_cast %get3A_784 : vector<1x16xf32> to vector<16xf32>
        %mul3A_786 = vector.broadcast %squeeze3A_733 : f32 to vector<16xf32>
        %mul3A_787 = arith.mulf %get3A_785, %mul3A_786 : vector<16xf32>
        %swap3A_788 = arith.index_cast %add3A_737 : i32 to index
        %swap3A_789 = arith.constant 64 : index
        %swap3A_790 = tpu.vector_load %arg15[%swap3A_788, %swap3A_789] {strides = array<i32>} : memref<128x128xf32, #tpu.memory_space<vmem>>, vector<1x16xf32>,
        %swap3A_791 = vector.shape_cast %swap3A_790 : vector<1x16xf32> to vector<16xf32>
        %swap3A_792 = vector.shape_cast %mul3A_787 : vector<16xf32> to vector<1x16xf32>
        tpu.vector_store %arg15[%swap3A_788, %swap3A_789], %swap3A_792 {strides = array<i32>} : memref<128x128xf32, #tpu.memory_space<vmem>>, vector<1x16xf32>,
        %get3A_793 = arith.index_cast %add3A_737 : i32 to index
        %get3A_794 = arith.constant 80 : index
        %get3A_795 = tpu.vector_load %arg15[%get3A_793, %get3A_794] {strides = array<i32>} : memref<128x128xf32, #tpu.memory_space<vmem>>, vector<1x16xf32>,
        %get3A_796 = vector.shape_cast %get3A_795 : vector<1x16xf32> to vector<16xf32>
        %mul3A_797 = vector.broadcast %squeeze3A_733 : f32 to vector<16xf32>
        %mul3A_798 = arith.mulf %get3A_796, %mul3A_797 : vector<16xf32>
        %swap3A_799 = arith.index_cast %add3A_737 : i32 to index
        %swap3A_800 = arith.constant 80 : index
        %swap3A_801 = tpu.vector_load %arg15[%swap3A_799, %swap3A_800] {strides = array<i32>} : memref<128x128xf32, #tpu.memory_space<vmem>>, vector<1x16xf32>,
        %swap3A_802 = vector.shape_cast %swap3A_801 : vector<1x16xf32> to vector<16xf32>
        %swap3A_803 = vector.shape_cast %mul3A_798 : vector<16xf32> to vector<1x16xf32>
        tpu.vector_store %arg15[%swap3A_799, %swap3A_800], %swap3A_803 {strides = array<i32>} : memref<128x128xf32, #tpu.memory_space<vmem>>, vector<1x16xf32>,
        %get3A_804 = arith.index_cast %add3A_737 : i32 to index
        %get3A_805 = arith.constant 96 : index
        %get3A_806 = tpu.vector_load %arg15[%get3A_804, %get3A_805] {strides = array<i32>} : memref<128x128xf32, #tpu.memory_space<vmem>>, vector<1x16xf32>,
        %get3A_807 = vector.shape_cast %get3A_806 : vector<1x16xf32> to vector<16xf32>
        %mul3A_808 = vector.broadcast %squeeze3A_733 : f32 to vector<16xf32>
        %mul3A_809 = arith.mulf %get3A_807, %mul3A_808 : vector<16xf32>
        %swap3A_810 = arith.index_cast %add3A_737 : i32 to index
        %swap3A_811 = arith.constant 96 : index
        %swap3A_812 = tpu.vector_load %arg15[%swap3A_810, %swap3A_811] {strides = array<i32>} : memref<128x128xf32, #tpu.memory_space<vmem>>, vector<1x16xf32>,
        %swap3A_813 = vector.shape_cast %swap3A_812 : vector<1x16xf32> to vector<16xf32>
        %swap3A_814 = vector.shape_cast %mul3A_809 : vector<16xf32> to vector<1x16xf32>
        tpu.vector_store %arg15[%swap3A_810, %swap3A_811], %swap3A_814 {strides = array<i32>} : memref<128x128xf32, #tpu.memory_space<vmem>>, vector<1x16xf32>,
        %get3A_815 = arith.index_cast %add3A_737 : i32 to index
        %get3A_816 = arith.constant 112 : index
        %get3A_817 = tpu.vector_load %arg15[%get3A_815, %get3A_816] {strides = array<i32>} : memref<128x128xf32, #tpu.memory_space<vmem>>, vector<1x16xf32>,
        %get3A_818 = vector.shape_cast %get3A_817 : vector<1x16xf32> to vector<16xf32>
        %mul3A_819 = vector.broadcast %squeeze3A_733 : f32 to vector<16xf32>
        %mul3A_820 = arith.mulf %get3A_818, %mul3A_819 : vector<16xf32>
        %swap3A_821 = arith.index_cast %add3A_737 : i32 to index
        %swap3A_822 = arith.constant 112 : index
        %swap3A_823 = tpu.vector_load %arg15[%swap3A_821, %swap3A_822] {strides = array<i32>} : memref<128x128xf32, #tpu.memory_space<vmem>>, vector<1x16xf32>,
        %swap3A_824 = vector.shape_cast %swap3A_823 : vector<1x16xf32> to vector<16xf32>
        %swap3A_825 = vector.shape_cast %mul3A_820 : vector<16xf32> to vector<1x16xf32>
        tpu.vector_store %arg15[%swap3A_821, %swap3A_822], %swap3A_825 {strides = array<i32>} : memref<128x128xf32, #tpu.memory_space<vmem>>, vector<1x16xf32>,
        %slice3A_826 = vector.extract_strided_slice %get3A_357 {offsets = [5], sizes = [1], strides = [1]} : vector<16xf32> to vector<1xf32>
        %squeeze3A_827 = vector.extract %slice3A_826[0] : f32 from vector<1xf32>
        %mul3A_828 = arith.constant 16 : i32
        %mul3A_829 = arith.muli %scan3A_352, %mul3A_828 : i32
        %add3A_830 = arith.constant 5 : i32
        %add3A_831 = arith.addi %mul3A_829, %add3A_830 : i32
        %get3A_832 = arith.index_cast %add3A_831 : i32 to index
        %get3A_833 = arith.constant 0 : index
        %get3A_834 = tpu.vector_load %arg15[%get3A_832, %get3A_833] {strides = array<i32>} : memref<128x128xf32, #tpu.memory_space<vmem>>, vector<1x16xf32>,
        %get3A_835 = vector.shape_cast %get3A_834 : vector<1x16xf32> to vector<16xf32>
        %mul3A_836 = vector.broadcast %squeeze3A_827 : f32 to vector<16xf32>
        %mul3A_837 = arith.mulf %get3A_835, %mul3A_836 : vector<16xf32>
        %swap3A_838 = arith.index_cast %add3A_831 : i32 to index
        %swap3A_839 = arith.constant 0 : index
        %swap3A_840 = tpu.vector_load %arg15[%swap3A_838, %swap3A_839] {strides = array<i32>} : memref<128x128xf32, #tpu.memory_space<vmem>>, vector<1x16xf32>,
        %swap3A_841 = vector.shape_cast %swap3A_840 : vector<1x16xf32> to vector<16xf32>
        %swap3A_842 = vector.shape_cast %mul3A_837 : vector<16xf32> to vector<1x16xf32>
        tpu.vector_store %arg15[%swap3A_838, %swap3A_839], %swap3A_842 {strides = array<i32>} : memref<128x128xf32, #tpu.memory_space<vmem>>, vector<1x16xf32>,
        %get3A_843 = arith.index_cast %add3A_831 : i32 to index
        %get3A_844 = arith.constant 16 : index
        %get3A_845 = tpu.vector_load %arg15[%get3A_843, %get3A_844] {strides = array<i32>} : memref<128x128xf32, #tpu.memory_space<vmem>>, vector<1x16xf32>,
        %get3A_846 = vector.shape_cast %get3A_845 : vector<1x16xf32> to vector<16xf32>
        %mul3A_847 = vector.broadcast %squeeze3A_827 : f32 to vector<16xf32>
        %mul3A_848 = arith.mulf %get3A_846, %mul3A_847 : vector<16xf32>
        %swap3A_849 = arith.index_cast %add3A_831 : i32 to index
        %swap3A_850 = arith.constant 16 : index
        %swap3A_851 = tpu.vector_load %arg15[%swap3A_849, %swap3A_850] {strides = array<i32>} : memref<128x128xf32, #tpu.memory_space<vmem>>, vector<1x16xf32>,
        %swap3A_852 = vector.shape_cast %swap3A_851 : vector<1x16xf32> to vector<16xf32>
        %swap3A_853 = vector.shape_cast %mul3A_848 : vector<16xf32> to vector<1x16xf32>
        tpu.vector_store %arg15[%swap3A_849, %swap3A_850], %swap3A_853 {strides = array<i32>} : memref<128x128xf32, #tpu.memory_space<vmem>>, vector<1x16xf32>,
        %get3A_854 = arith.index_cast %add3A_831 : i32 to index
        %get3A_855 = arith.constant 32 : index
        %get3A_856 = tpu.vector_load %arg15[%get3A_854, %get3A_855] {strides = array<i32>} : memref<128x128xf32, #tpu.memory_space<vmem>>, vector<1x16xf32>,
        %get3A_857 = vector.shape_cast %get3A_856 : vector<1x16xf32> to vector<16xf32>
        %mul3A_858 = vector.broadcast %squeeze3A_827 : f32 to vector<16xf32>
        %mul3A_859 = arith.mulf %get3A_857, %mul3A_858 : vector<16xf32>
        %swap3A_860 = arith.index_cast %add3A_831 : i32 to index
        %swap3A_861 = arith.constant 32 : index
        %swap3A_862 = tpu.vector_load %arg15[%swap3A_860, %swap3A_861] {strides = array<i32>} : memref<128x128xf32, #tpu.memory_space<vmem>>, vector<1x16xf32>,
        %swap3A_863 = vector.shape_cast %swap3A_862 : vector<1x16xf32> to vector<16xf32>
        %swap3A_864 = vector.shape_cast %mul3A_859 : vector<16xf32> to vector<1x16xf32>
        tpu.vector_store %arg15[%swap3A_860, %swap3A_861], %swap3A_864 {strides = array<i32>} : memref<128x128xf32, #tpu.memory_space<vmem>>, vector<1x16xf32>,
        %get3A_865 = arith.index_cast %add3A_831 : i32 to index
        %get3A_866 = arith.constant 48 : index
        %get3A_867 = tpu.vector_load %arg15[%get3A_865, %get3A_866] {strides = array<i32>} : memref<128x128xf32, #tpu.memory_space<vmem>>, vector<1x16xf32>,
        %get3A_868 = vector.shape_cast %get3A_867 : vector<1x16xf32> to vector<16xf32>
        %mul3A_869 = vector.broadcast %squeeze3A_827 : f32 to vector<16xf32>
        %mul3A_870 = arith.mulf %get3A_868, %mul3A_869 : vector<16xf32>
        %swap3A_871 = arith.index_cast %add3A_831 : i32 to index
        %swap3A_872 = arith.constant 48 : index
        %swap3A_873 = tpu.vector_load %arg15[%swap3A_871, %swap3A_872] {strides = array<i32>} : memref<128x128xf32, #tpu.memory_space<vmem>>, vector<1x16xf32>,
        %swap3A_874 = vector.shape_cast %swap3A_873 : vector<1x16xf32> to vector<16xf32>
        %swap3A_875 = vector.shape_cast %mul3A_870 : vector<16xf32> to vector<1x16xf32>
        tpu.vector_store %arg15[%swap3A_871, %swap3A_872], %swap3A_875 {strides = array<i32>} : memref<128x128xf32, #tpu.memory_space<vmem>>, vector<1x16xf32>,
        %get3A_876 = arith.index_cast %add3A_831 : i32 to index
        %get3A_877 = arith.constant 64 : index
        %get3A_878 = tpu.vector_load %arg15[%get3A_876, %get3A_877] {strides = array<i32>} : memref<128x128xf32, #tpu.memory_space<vmem>>, vector<1x16xf32>,
        %get3A_879 = vector.shape_cast %get3A_878 : vector<1x16xf32> to vector<16xf32>
        %mul3A_880 = vector.broadcast %squeeze3A_827 : f32 to vector<16xf32>
        %mul3A_881 = arith.mulf %get3A_879, %mul3A_880 : vector<16xf32>
        %swap3A_882 = arith.index_cast %add3A_831 : i32 to index
        %swap3A_883 = arith.constant 64 : index
        %swap3A_884 = tpu.vector_load %arg15[%swap3A_882, %swap3A_883] {strides = array<i32>} : memref<128x128xf32, #tpu.memory_space<vmem>>, vector<1x16xf32>,
        %swap3A_885 = vector.shape_cast %swap3A_884 : vector<1x16xf32> to vector<16xf32>
        %swap3A_886 = vector.shape_cast %mul3A_881 : vector<16xf32> to vector<1x16xf32>
        tpu.vector_store %arg15[%swap3A_882, %swap3A_883], %swap3A_886 {strides = array<i32>} : memref<128x128xf32, #tpu.memory_space<vmem>>, vector<1x16xf32>,
        %get3A_887 = arith.index_cast %add3A_831 : i32 to index
        %get3A_888 = arith.constant 80 : index
        %get3A_889 = tpu.vector_load %arg15[%get3A_887, %get3A_888] {strides = array<i32>} : memref<128x128xf32, #tpu.memory_space<vmem>>, vector<1x16xf32>,
        %get3A_890 = vector.shape_cast %get3A_889 : vector<1x16xf32> to vector<16xf32>
        %mul3A_891 = vector.broadcast %squeeze3A_827 : f32 to vector<16xf32>
        %mul3A_892 = arith.mulf %get3A_890, %mul3A_891 : vector<16xf32>
        %swap3A_893 = arith.index_cast %add3A_831 : i32 to index
        %swap3A_894 = arith.constant 80 : index
        %swap3A_895 = tpu.vector_load %arg15[%swap3A_893, %swap3A_894] {strides = array<i32>} : memref<128x128xf32, #tpu.memory_space<vmem>>, vector<1x16xf32>,
        %swap3A_896 = vector.shape_cast %swap3A_895 : vector<1x16xf32> to vector<16xf32>
        %swap3A_897 = vector.shape_cast %mul3A_892 : vector<16xf32> to vector<1x16xf32>
        tpu.vector_store %arg15[%swap3A_893, %swap3A_894], %swap3A_897 {strides = array<i32>} : memref<128x128xf32, #tpu.memory_space<vmem>>, vector<1x16xf32>,
        %get3A_898 = arith.index_cast %add3A_831 : i32 to index
        %get3A_899 = arith.constant 96 : index
        %get3A_900 = tpu.vector_load %arg15[%get3A_898, %get3A_899] {strides = array<i32>} : memref<128x128xf32, #tpu.memory_space<vmem>>, vector<1x16xf32>,
        %get3A_901 = vector.shape_cast %get3A_900 : vector<1x16xf32> to vector<16xf32>
        %mul3A_902 = vector.broadcast %squeeze3A_827 : f32 to vector<16xf32>
        %mul3A_903 = arith.mulf %get3A_901, %mul3A_902 : vector<16xf32>
        %swap3A_904 = arith.index_cast %add3A_831 : i32 to index
        %swap3A_905 = arith.constant 96 : index
        %swap3A_906 = tpu.vector_load %arg15[%swap3A_904, %swap3A_905] {strides = array<i32>} : memref<128x128xf32, #tpu.memory_space<vmem>>, vector<1x16xf32>,
        %swap3A_907 = vector.shape_cast %swap3A_906 : vector<1x16xf32> to vector<16xf32>
        %swap3A_908 = vector.shape_cast %mul3A_903 : vector<16xf32> to vector<1x16xf32>
        tpu.vector_store %arg15[%swap3A_904, %swap3A_905], %swap3A_908 {strides = array<i32>} : memref<128x128xf32, #tpu.memory_space<vmem>>, vector<1x16xf32>,
        %get3A_909 = arith.index_cast %add3A_831 : i32 to index
        %get3A_910 = arith.constant 112 : index
        %get3A_911 = tpu.vector_load %arg15[%get3A_909, %get3A_910] {strides = array<i32>} : memref<128x128xf32, #tpu.memory_space<vmem>>, vector<1x16xf32>,
        %get3A_912 = vector.shape_cast %get3A_911 : vector<1x16xf32> to vector<16xf32>
        %mul3A_913 = vector.broadcast %squeeze3A_827 : f32 to vector<16xf32>
        %mul3A_914 = arith.mulf %get3A_912, %mul3A_913 : vector<16xf32>
        %swap3A_915 = arith.index_cast %add3A_831 : i32 to index
        %swap3A_916 = arith.constant 112 : index
        %swap3A_917 = tpu.vector_load %arg15[%swap3A_915, %swap3A_916] {strides = array<i32>} : memref<128x128xf32, #tpu.memory_space<vmem>>, vector<1x16xf32>,
        %swap3A_918 = vector.shape_cast %swap3A_917 : vector<1x16xf32> to vector<16xf32>
        %swap3A_919 = vector.shape_cast %mul3A_914 : vector<16xf32> to vector<1x16xf32>
        tpu.vector_store %arg15[%swap3A_915, %swap3A_916], %swap3A_919 {strides = array<i32>} : memref<128x128xf32, #tpu.memory_space<vmem>>, vector<1x16xf32>,
        %slice3A_920 = vector.extract_strided_slice %get3A_357 {offsets = [6], sizes = [1], strides = [1]} : vector<16xf32> to vector<1xf32>
        %squeeze3A_921 = vector.extract %slice3A_920[0] : f32 from vector<1xf32>
        %mul3A_922 = arith.constant 16 : i32
        %mul3A_923 = arith.muli %scan3A_352, %mul3A_922 : i32
        %add3A_924 = arith.constant 6 : i32
        %add3A_925 = arith.addi %mul3A_923, %add3A_924 : i32
        %get3A_926 = arith.index_cast %add3A_925 : i32 to index
        %get3A_927 = arith.constant 0 : index
        %get3A_928 = tpu.vector_load %arg15[%get3A_926, %get3A_927] {strides = array<i32>} : memref<128x128xf32, #tpu.memory_space<vmem>>, vector<1x16xf32>,
        %get3A_929 = vector.shape_cast %get3A_928 : vector<1x16xf32> to vector<16xf32>
        %mul3A_930 = vector.broadcast %squeeze3A_921 : f32 to vector<16xf32>
        %mul3A_931 = arith.mulf %get3A_929, %mul3A_930 : vector<16xf32>
        %swap3A_932 = arith.index_cast %add3A_925 : i32 to index
        %swap3A_933 = arith.constant 0 : index
        %swap3A_934 = tpu.vector_load %arg15[%swap3A_932, %swap3A_933] {strides = array<i32>} : memref<128x128xf32, #tpu.memory_space<vmem>>, vector<1x16xf32>,
        %swap3A_935 = vector.shape_cast %swap3A_934 : vector<1x16xf32> to vector<16xf32>
        %swap3A_936 = vector.shape_cast %mul3A_931 : vector<16xf32> to vector<1x16xf32>
        tpu.vector_store %arg15[%swap3A_932, %swap3A_933], %swap3A_936 {strides = array<i32>} : memref<128x128xf32, #tpu.memory_space<vmem>>, vector<1x16xf32>,
        %get3A_937 = arith.index_cast %add3A_925 : i32 to index
        %get3A_938 = arith.constant 16 : index
        %get3A_939 = tpu.vector_load %arg15[%get3A_937, %get3A_938] {strides = array<i32>} : memref<128x128xf32, #tpu.memory_space<vmem>>, vector<1x16xf32>,
        %get3A_940 = vector.shape_cast %get3A_939 : vector<1x16xf32> to vector<16xf32>
        %mul3A_941 = vector.broadcast %squeeze3A_921 : f32 to vector<16xf32>
        %mul3A_942 = arith.mulf %get3A_940, %mul3A_941 : vector<16xf32>
        %swap3A_943 = arith.index_cast %add3A_925 : i32 to index
        %swap3A_944 = arith.constant 16 : index
        %swap3A_945 = tpu.vector_load %arg15[%swap3A_943, %swap3A_944] {strides = array<i32>} : memref<128x128xf32, #tpu.memory_space<vmem>>, vector<1x16xf32>,
        %swap3A_946 = vector.shape_cast %swap3A_945 : vector<1x16xf32> to vector<16xf32>
        %swap3A_947 = vector.shape_cast %mul3A_942 : vector<16xf32> to vector<1x16xf32>
        tpu.vector_store %arg15[%swap3A_943, %swap3A_944], %swap3A_947 {strides = array<i32>} : memref<128x128xf32, #tpu.memory_space<vmem>>, vector<1x16xf32>,
        %get3A_948 = arith.index_cast %add3A_925 : i32 to index
        %get3A_949 = arith.constant 32 : index
        %get3A_950 = tpu.vector_load %arg15[%get3A_948, %get3A_949] {strides = array<i32>} : memref<128x128xf32, #tpu.memory_space<vmem>>, vector<1x16xf32>,
        %get3A_951 = vector.shape_cast %get3A_950 : vector<1x16xf32> to vector<16xf32>
        %mul3A_952 = vector.broadcast %squeeze3A_921 : f32 to vector<16xf32>
        %mul3A_953 = arith.mulf %get3A_951, %mul3A_952 : vector<16xf32>
        %swap3A_954 = arith.index_cast %add3A_925 : i32 to index
        %swap3A_955 = arith.constant 32 : index
        %swap3A_956 = tpu.vector_load %arg15[%swap3A_954, %swap3A_955] {strides = array<i32>} : memref<128x128xf32, #tpu.memory_space<vmem>>, vector<1x16xf32>,
        %swap3A_957 = vector.shape_cast %swap3A_956 : vector<1x16xf32> to vector<16xf32>
        %swap3A_958 = vector.shape_cast %mul3A_953 : vector<16xf32> to vector<1x16xf32>
        tpu.vector_store %arg15[%swap3A_954, %swap3A_955], %swap3A_958 {strides = array<i32>} : memref<128x128xf32, #tpu.memory_space<vmem>>, vector<1x16xf32>,
        %get3A_959 = arith.index_cast %add3A_925 : i32 to index
        %get3A_960 = arith.constant 48 : index
        %get3A_961 = tpu.vector_load %arg15[%get3A_959, %get3A_960] {strides = array<i32>} : memref<128x128xf32, #tpu.memory_space<vmem>>, vector<1x16xf32>,
        %get3A_962 = vector.shape_cast %get3A_961 : vector<1x16xf32> to vector<16xf32>
        %mul3A_963 = vector.broadcast %squeeze3A_921 : f32 to vector<16xf32>
        %mul3A_964 = arith.mulf %get3A_962, %mul3A_963 : vector<16xf32>
        %swap3A_965 = arith.index_cast %add3A_925 : i32 to index
        %swap3A_966 = arith.constant 48 : index
        %swap3A_967 = tpu.vector_load %arg15[%swap3A_965, %swap3A_966] {strides = array<i32>} : memref<128x128xf32, #tpu.memory_space<vmem>>, vector<1x16xf32>,
        %swap3A_968 = vector.shape_cast %swap3A_967 : vector<1x16xf32> to vector<16xf32>
        %swap3A_969 = vector.shape_cast %mul3A_964 : vector<16xf32> to vector<1x16xf32>
        tpu.vector_store %arg15[%swap3A_965, %swap3A_966], %swap3A_969 {strides = array<i32>} : memref<128x128xf32, #tpu.memory_space<vmem>>, vector<1x16xf32>,
        %get3A_970 = arith.index_cast %add3A_925 : i32 to index
        %get3A_971 = arith.constant 64 : index
        %get3A_972 = tpu.vector_load %arg15[%get3A_970, %get3A_971] {strides = array<i32>} : memref<128x128xf32, #tpu.memory_space<vmem>>, vector<1x16xf32>,
        %get3A_973 = vector.shape_cast %get3A_972 : vector<1x16xf32> to vector<16xf32>
        %mul3A_974 = vector.broadcast %squeeze3A_921 : f32 to vector<16xf32>
        %mul3A_975 = arith.mulf %get3A_973, %mul3A_974 : vector<16xf32>
        %swap3A_976 = arith.index_cast %add3A_925 : i32 to index
        %swap3A_977 = arith.constant 64 : index
        %swap3A_978 = tpu.vector_load %arg15[%swap3A_976, %swap3A_977] {strides = array<i32>} : memref<128x128xf32, #tpu.memory_space<vmem>>, vector<1x16xf32>,
        %swap3A_979 = vector.shape_cast %swap3A_978 : vector<1x16xf32> to vector<16xf32>
        %swap3A_980 = vector.shape_cast %mul3A_975 : vector<16xf32> to vector<1x16xf32>
        tpu.vector_store %arg15[%swap3A_976, %swap3A_977], %swap3A_980 {strides = array<i32>} : memref<128x128xf32, #tpu.memory_space<vmem>>, vector<1x16xf32>,
        %get3A_981 = arith.index_cast %add3A_925 : i32 to index
        %get3A_982 = arith.constant 80 : index
        %get3A_983 = tpu.vector_load %arg15[%get3A_981, %get3A_982] {strides = array<i32>} : memref<128x128xf32, #tpu.memory_space<vmem>>, vector<1x16xf32>,
        %get3A_984 = vector.shape_cast %get3A_983 : vector<1x16xf32> to vector<16xf32>
        %mul3A_985 = vector.broadcast %squeeze3A_921 : f32 to vector<16xf32>
        %mul3A_986 = arith.mulf %get3A_984, %mul3A_985 : vector<16xf32>
        %swap3A_987 = arith.index_cast %add3A_925 : i32 to index
        %swap3A_988 = arith.constant 80 : index
        %swap3A_989 = tpu.vector_load %arg15[%swap3A_987, %swap3A_988] {strides = array<i32>} : memref<128x128xf32, #tpu.memory_space<vmem>>, vector<1x16xf32>,
        %swap3A_990 = vector.shape_cast %swap3A_989 : vector<1x16xf32> to vector<16xf32>
        %swap3A_991 = vector.shape_cast %mul3A_986 : vector<16xf32> to vector<1x16xf32>
        tpu.vector_store %arg15[%swap3A_987, %swap3A_988], %swap3A_991 {strides = array<i32>} : memref<128x128xf32, #tpu.memory_space<vmem>>, vector<1x16xf32>,
        %get3A_992 = arith.index_cast %add3A_925 : i32 to index
        %get3A_993 = arith.constant 96 : index
        %get3A_994 = tpu.vector_load %arg15[%get3A_992, %get3A_993] {strides = array<i32>} : memref<128x128xf32, #tpu.memory_space<vmem>>, vector<1x16xf32>,
        %get3A_995 = vector.shape_cast %get3A_994 : vector<1x16xf32> to vector<16xf32>
        %mul3A_996 = vector.broadcast %squeeze3A_921 : f32 to vector<16xf32>
        %mul3A_997 = arith.mulf %get3A_995, %mul3A_996 : vector<16xf32>
        %swap3A_998 = arith.index_cast %add3A_925 : i32 to index
        %swap3A_999 = arith.constant 96 : index
        %swap3A_1000 = tpu.vector_load %arg15[%swap3A_998, %swap3A_999] {strides = array<i32>} : memref<128x128xf32, #tpu.memory_space<vmem>>, vector<1x16xf32>,
        %swap3A_1001 = vector.shape_cast %swap3A_1000 : vector<1x16xf32> to vector<16xf32>
        %swap3A_1002 = vector.shape_cast %mul3A_997 : vector<16xf32> to vector<1x16xf32>
        tpu.vector_store %arg15[%swap3A_998, %swap3A_999], %swap3A_1002 {strides = array<i32>} : memref<128x128xf32, #tpu.memory_space<vmem>>, vector<1x16xf32>,
        %get3A_1003 = arith.index_cast %add3A_925 : i32 to index
        %get3A_1004 = arith.constant 112 : index
        %get3A_1005 = tpu.vector_load %arg15[%get3A_1003, %get3A_1004] {strides = array<i32>} : memref<128x128xf32, #tpu.memory_space<vmem>>, vector<1x16xf32>,
        %get3A_1006 = vector.shape_cast %get3A_1005 : vector<1x16xf32> to vector<16xf32>
        %mul3A_1007 = vector.broadcast %squeeze3A_921 : f32 to vector<16xf32>
        %mul3A_1008 = arith.mulf %get3A_1006, %mul3A_1007 : vector<16xf32>
        %swap3A_1009 = arith.index_cast %add3A_925 : i32 to index
        %swap3A_1010 = arith.constant 112 : index
        %swap3A_1011 = tpu.vector_load %arg15[%swap3A_1009, %swap3A_1010] {strides = array<i32>} : memref<128x128xf32, #tpu.memory_space<vmem>>, vector<1x16xf32>,
        %swap3A_1012 = vector.shape_cast %swap3A_1011 : vector<1x16xf32> to vector<16xf32>
        %swap3A_1013 = vector.shape_cast %mul3A_1008 : vector<16xf32> to vector<1x16xf32>
        tpu.vector_store %arg15[%swap3A_1009, %swap3A_1010], %swap3A_1013 {strides = array<i32>} : memref<128x128xf32, #tpu.memory_space<vmem>>, vector<1x16xf32>,
        %slice3A_1014 = vector.extract_strided_slice %get3A_357 {offsets = [7], sizes = [1], strides = [1]} : vector<16xf32> to vector<1xf32>
        %squeeze3A_1015 = vector.extract %slice3A_1014[0] : f32 from vector<1xf32>
        %mul3A_1016 = arith.constant 16 : i32
        %mul3A_1017 = arith.muli %scan3A_352, %mul3A_1016 : i32
        %add3A_1018 = arith.constant 7 : i32
        %add3A_1019 = arith.addi %mul3A_1017, %add3A_1018 : i32
        %get3A_1020 = arith.index_cast %add3A_1019 : i32 to index
        %get3A_1021 = arith.constant 0 : index
        %get3A_1022 = tpu.vector_load %arg15[%get3A_1020, %get3A_1021] {strides = array<i32>} : memref<128x128xf32, #tpu.memory_space<vmem>>, vector<1x16xf32>,
        %get3A_1023 = vector.shape_cast %get3A_1022 : vector<1x16xf32> to vector<16xf32>
        %mul3A_1024 = vector.broadcast %squeeze3A_1015 : f32 to vector<16xf32>
        %mul3A_1025 = arith.mulf %get3A_1023, %mul3A_1024 : vector<16xf32>
        %swap3A_1026 = arith.index_cast %add3A_1019 : i32 to index
        %swap3A_1027 = arith.constant 0 : index
        %swap3A_1028 = tpu.vector_load %arg15[%swap3A_1026, %swap3A_1027] {strides = array<i32>} : memref<128x128xf32, #tpu.memory_space<vmem>>, vector<1x16xf32>,
        %swap3A_1029 = vector.shape_cast %swap3A_1028 : vector<1x16xf32> to vector<16xf32>
        %swap3A_1030 = vector.shape_cast %mul3A_1025 : vector<16xf32> to vector<1x16xf32>
        tpu.vector_store %arg15[%swap3A_1026, %swap3A_1027], %swap3A_1030 {strides = array<i32>} : memref<128x128xf32, #tpu.memory_space<vmem>>, vector<1x16xf32>,
        %get3A_1031 = arith.index_cast %add3A_1019 : i32 to index
        %get3A_1032 = arith.constant 16 : index
        %get3A_1033 = tpu.vector_load %arg15[%get3A_1031, %get3A_1032] {strides = array<i32>} : memref<128x128xf32, #tpu.memory_space<vmem>>, vector<1x16xf32>,
        %get3A_1034 = vector.shape_cast %get3A_1033 : vector<1x16xf32> to vector<16xf32>
        %mul3A_1035 = vector.broadcast %squeeze3A_1015 : f32 to vector<16xf32>
        %mul3A_1036 = arith.mulf %get3A_1034, %mul3A_1035 : vector<16xf32>
        %swap3A_1037 = arith.index_cast %add3A_1019 : i32 to index
        %swap3A_1038 = arith.constant 16 : index
        %swap3A_1039 = tpu.vector_load %arg15[%swap3A_1037, %swap3A_1038] {strides = array<i32>} : memref<128x128xf32, #tpu.memory_space<vmem>>, vector<1x16xf32>,
        %swap3A_1040 = vector.shape_cast %swap3A_1039 : vector<1x16xf32> to vector<16xf32>
        %swap3A_1041 = vector.shape_cast %mul3A_1036 : vector<16xf32> to vector<1x16xf32>
        tpu.vector_store %arg15[%swap3A_1037, %swap3A_1038], %swap3A_1041 {strides = array<i32>} : memref<128x128xf32, #tpu.memory_space<vmem>>, vector<1x16xf32>,
        %get3A_1042 = arith.index_cast %add3A_1019 : i32 to index
        %get3A_1043 = arith.constant 32 : index
        %get3A_1044 = tpu.vector_load %arg15[%get3A_1042, %get3A_1043] {strides = array<i32>} : memref<128x128xf32, #tpu.memory_space<vmem>>, vector<1x16xf32>,
        %get3A_1045 = vector.shape_cast %get3A_1044 : vector<1x16xf32> to vector<16xf32>
        %mul3A_1046 = vector.broadcast %squeeze3A_1015 : f32 to vector<16xf32>
        %mul3A_1047 = arith.mulf %get3A_1045, %mul3A_1046 : vector<16xf32>
        %swap3A_1048 = arith.index_cast %add3A_1019 : i32 to index
        %swap3A_1049 = arith.constant 32 : index
        %swap3A_1050 = tpu.vector_load %arg15[%swap3A_1048, %swap3A_1049] {strides = array<i32>} : memref<128x128xf32, #tpu.memory_space<vmem>>, vector<1x16xf32>,
        %swap3A_1051 = vector.shape_cast %swap3A_1050 : vector<1x16xf32> to vector<16xf32>
        %swap3A_1052 = vector.shape_cast %mul3A_1047 : vector<16xf32> to vector<1x16xf32>
        tpu.vector_store %arg15[%swap3A_1048, %swap3A_1049], %swap3A_1052 {strides = array<i32>} : memref<128x128xf32, #tpu.memory_space<vmem>>, vector<1x16xf32>,
        %get3A_1053 = arith.index_cast %add3A_1019 : i32 to index
        %get3A_1054 = arith.constant 48 : index
        %get3A_1055 = tpu.vector_load %arg15[%get3A_1053, %get3A_1054] {strides = array<i32>} : memref<128x128xf32, #tpu.memory_space<vmem>>, vector<1x16xf32>,
        %get3A_1056 = vector.shape_cast %get3A_1055 : vector<1x16xf32> to vector<16xf32>
        %mul3A_1057 = vector.broadcast %squeeze3A_1015 : f32 to vector<16xf32>
        %mul3A_1058 = arith.mulf %get3A_1056, %mul3A_1057 : vector<16xf32>
        %swap3A_1059 = arith.index_cast %add3A_1019 : i32 to index
        %swap3A_1060 = arith.constant 48 : index
        %swap3A_1061 = tpu.vector_load %arg15[%swap3A_1059, %swap3A_1060] {strides = array<i32>} : memref<128x128xf32, #tpu.memory_space<vmem>>, vector<1x16xf32>,
        %swap3A_1062 = vector.shape_cast %swap3A_1061 : vector<1x16xf32> to vector<16xf32>
        %swap3A_1063 = vector.shape_cast %mul3A_1058 : vector<16xf32> to vector<1x16xf32>
        tpu.vector_store %arg15[%swap3A_1059, %swap3A_1060], %swap3A_1063 {strides = array<i32>} : memref<128x128xf32, #tpu.memory_space<vmem>>, vector<1x16xf32>,
        %get3A_1064 = arith.index_cast %add3A_1019 : i32 to index
        %get3A_1065 = arith.constant 64 : index
        %get3A_1066 = tpu.vector_load %arg15[%get3A_1064, %get3A_1065] {strides = array<i32>} : memref<128x128xf32, #tpu.memory_space<vmem>>, vector<1x16xf32>,
        %get3A_1067 = vector.shape_cast %get3A_1066 : vector<1x16xf32> to vector<16xf32>
        %mul3A_1068 = vector.broadcast %squeeze3A_1015 : f32 to vector<16xf32>
        %mul3A_1069 = arith.mulf %get3A_1067, %mul3A_1068 : vector<16xf32>
        %swap3A_1070 = arith.index_cast %add3A_1019 : i32 to index
        %swap3A_1071 = arith.constant 64 : index
        %swap3A_1072 = tpu.vector_load %arg15[%swap3A_1070, %swap3A_1071] {strides = array<i32>} : memref<128x128xf32, #tpu.memory_space<vmem>>, vector<1x16xf32>,
        %swap3A_1073 = vector.shape_cast %swap3A_1072 : vector<1x16xf32> to vector<16xf32>
        %swap3A_1074 = vector.shape_cast %mul3A_1069 : vector<16xf32> to vector<1x16xf32>
        tpu.vector_store %arg15[%swap3A_1070, %swap3A_1071], %swap3A_1074 {strides = array<i32>} : memref<128x128xf32, #tpu.memory_space<vmem>>, vector<1x16xf32>,
        %get3A_1075 = arith.index_cast %add3A_1019 : i32 to index
        %get3A_1076 = arith.constant 80 : index
        %get3A_1077 = tpu.vector_load %arg15[%get3A_1075, %get3A_1076] {strides = array<i32>} : memref<128x128xf32, #tpu.memory_space<vmem>>, vector<1x16xf32>,
        %get3A_1078 = vector.shape_cast %get3A_1077 : vector<1x16xf32> to vector<16xf32>
        %mul3A_1079 = vector.broadcast %squeeze3A_1015 : f32 to vector<16xf32>
        %mul3A_1080 = arith.mulf %get3A_1078, %mul3A_1079 : vector<16xf32>
        %swap3A_1081 = arith.index_cast %add3A_1019 : i32 to index
        %swap3A_1082 = arith.constant 80 : index
        %swap3A_1083 = tpu.vector_load %arg15[%swap3A_1081, %swap3A_1082] {strides = array<i32>} : memref<128x128xf32, #tpu.memory_space<vmem>>, vector<1x16xf32>,
        %swap3A_1084 = vector.shape_cast %swap3A_1083 : vector<1x16xf32> to vector<16xf32>
        %swap3A_1085 = vector.shape_cast %mul3A_1080 : vector<16xf32> to vector<1x16xf32>
        tpu.vector_store %arg15[%swap3A_1081, %swap3A_1082], %swap3A_1085 {strides = array<i32>} : memref<128x128xf32, #tpu.memory_space<vmem>>, vector<1x16xf32>,
        %get3A_1086 = arith.index_cast %add3A_1019 : i32 to index
        %get3A_1087 = arith.constant 96 : index
        %get3A_1088 = tpu.vector_load %arg15[%get3A_1086, %get3A_1087] {strides = array<i32>} : memref<128x128xf32, #tpu.memory_space<vmem>>, vector<1x16xf32>,
        %get3A_1089 = vector.shape_cast %get3A_1088 : vector<1x16xf32> to vector<16xf32>
        %mul3A_1090 = vector.broadcast %squeeze3A_1015 : f32 to vector<16xf32>
        %mul3A_1091 = arith.mulf %get3A_1089, %mul3A_1090 : vector<16xf32>
        %swap3A_1092 = arith.index_cast %add3A_1019 : i32 to index
        %swap3A_1093 = arith.constant 96 : index
        %swap3A_1094 = tpu.vector_load %arg15[%swap3A_1092, %swap3A_1093] {strides = array<i32>} : memref<128x128xf32, #tpu.memory_space<vmem>>, vector<1x16xf32>,
        %swap3A_1095 = vector.shape_cast %swap3A_1094 : vector<1x16xf32> to vector<16xf32>
        %swap3A_1096 = vector.shape_cast %mul3A_1091 : vector<16xf32> to vector<1x16xf32>
        tpu.vector_store %arg15[%swap3A_1092, %swap3A_1093], %swap3A_1096 {strides = array<i32>} : memref<128x128xf32, #tpu.memory_space<vmem>>, vector<1x16xf32>,
        %get3A_1097 = arith.index_cast %add3A_1019 : i32 to index
        %get3A_1098 = arith.constant 112 : index
        %get3A_1099 = tpu.vector_load %arg15[%get3A_1097, %get3A_1098] {strides = array<i32>} : memref<128x128xf32, #tpu.memory_space<vmem>>, vector<1x16xf32>,
        %get3A_1100 = vector.shape_cast %get3A_1099 : vector<1x16xf32> to vector<16xf32>
        %mul3A_1101 = vector.broadcast %squeeze3A_1015 : f32 to vector<16xf32>
        %mul3A_1102 = arith.mulf %get3A_1100, %mul3A_1101 : vector<16xf32>
        %swap3A_1103 = arith.index_cast %add3A_1019 : i32 to index
        %swap3A_1104 = arith.constant 112 : index
        %swap3A_1105 = tpu.vector_load %arg15[%swap3A_1103, %swap3A_1104] {strides = array<i32>} : memref<128x128xf32, #tpu.memory_space<vmem>>, vector<1x16xf32>,
        %swap3A_1106 = vector.shape_cast %swap3A_1105 : vector<1x16xf32> to vector<16xf32>
        %swap3A_1107 = vector.shape_cast %mul3A_1102 : vector<16xf32> to vector<1x16xf32>
        tpu.vector_store %arg15[%swap3A_1103, %swap3A_1104], %swap3A_1107 {strides = array<i32>} : memref<128x128xf32, #tpu.memory_space<vmem>>, vector<1x16xf32>,
        %slice3A_1108 = vector.extract_strided_slice %get3A_357 {offsets = [8], sizes = [1], strides = [1]} : vector<16xf32> to vector<1xf32>
        %squeeze3A_1109 = vector.extract %slice3A_1108[0] : f32 from vector<1xf32>
        %mul3A_1110 = arith.constant 16 : i32
        %mul3A_1111 = arith.muli %scan3A_352, %mul3A_1110 : i32
        %add3A_1112 = arith.constant 8 : i32
        %add3A_1113 = arith.addi %mul3A_1111, %add3A_1112 : i32
        %get3A_1114 = arith.index_cast %add3A_1113 : i32 to index
        %get3A_1115 = arith.constant 0 : index
        %get3A_1116 = tpu.vector_load %arg15[%get3A_1114, %get3A_1115] {strides = array<i32>} : memref<128x128xf32, #tpu.memory_space<vmem>>, vector<1x16xf32>,
        %get3A_1117 = vector.shape_cast %get3A_1116 : vector<1x16xf32> to vector<16xf32>
        %mul3A_1118 = vector.broadcast %squeeze3A_1109 : f32 to vector<16xf32>
        %mul3A_1119 = arith.mulf %get3A_1117, %mul3A_1118 : vector<16xf32>
        %swap3A_1120 = arith.index_cast %add3A_1113 : i32 to index
        %swap3A_1121 = arith.constant 0 : index
        %swap3A_1122 = tpu.vector_load %arg15[%swap3A_1120, %swap3A_1121] {strides = array<i32>} : memref<128x128xf32, #tpu.memory_space<vmem>>, vector<1x16xf32>,
        %swap3A_1123 = vector.shape_cast %swap3A_1122 : vector<1x16xf32> to vector<16xf32>
        %swap3A_1124 = vector.shape_cast %mul3A_1119 : vector<16xf32> to vector<1x16xf32>
        tpu.vector_store %arg15[%swap3A_1120, %swap3A_1121], %swap3A_1124 {strides = array<i32>} : memref<128x128xf32, #tpu.memory_space<vmem>>, vector<1x16xf32>,
        %get3A_1125 = arith.index_cast %add3A_1113 : i32 to index
        %get3A_1126 = arith.constant 16 : index
        %get3A_1127 = tpu.vector_load %arg15[%get3A_1125, %get3A_1126] {strides = array<i32>} : memref<128x128xf32, #tpu.memory_space<vmem>>, vector<1x16xf32>,
        %get3A_1128 = vector.shape_cast %get3A_1127 : vector<1x16xf32> to vector<16xf32>
        %mul3A_1129 = vector.broadcast %squeeze3A_1109 : f32 to vector<16xf32>
        %mul3A_1130 = arith.mulf %get3A_1128, %mul3A_1129 : vector<16xf32>
        %swap3A_1131 = arith.index_cast %add3A_1113 : i32 to index
        %swap3A_1132 = arith.constant 16 : index
        %swap3A_1133 = tpu.vector_load %arg15[%swap3A_1131, %swap3A_1132] {strides = array<i32>} : memref<128x128xf32, #tpu.memory_space<vmem>>, vector<1x16xf32>,
        %swap3A_1134 = vector.shape_cast %swap3A_1133 : vector<1x16xf32> to vector<16xf32>
        %swap3A_1135 = vector.shape_cast %mul3A_1130 : vector<16xf32> to vector<1x16xf32>
        tpu.vector_store %arg15[%swap3A_1131, %swap3A_1132], %swap3A_1135 {strides = array<i32>} : memref<128x128xf32, #tpu.memory_space<vmem>>, vector<1x16xf32>,
        %get3A_1136 = arith.index_cast %add3A_1113 : i32 to index
        %get3A_1137 = arith.constant 32 : index
        %get3A_1138 = tpu.vector_load %arg15[%get3A_1136, %get3A_1137] {strides = array<i32>} : memref<128x128xf32, #tpu.memory_space<vmem>>, vector<1x16xf32>,
        %get3A_1139 = vector.shape_cast %get3A_1138 : vector<1x16xf32> to vector<16xf32>
        %mul3A_1140 = vector.broadcast %squeeze3A_1109 : f32 to vector<16xf32>
        %mul3A_1141 = arith.mulf %get3A_1139, %mul3A_1140 : vector<16xf32>
        %swap3A_1142 = arith.index_cast %add3A_1113 : i32 to index
        %swap3A_1143 = arith.constant 32 : index
        %swap3A_1144 = tpu.vector_load %arg15[%swap3A_1142, %swap3A_1143] {strides = array<i32>} : memref<128x128xf32, #tpu.memory_space<vmem>>, vector<1x16xf32>,
        %swap3A_1145 = vector.shape_cast %swap3A_1144 : vector<1x16xf32> to vector<16xf32>
        %swap3A_1146 = vector.shape_cast %mul3A_1141 : vector<16xf32> to vector<1x16xf32>
        tpu.vector_store %arg15[%swap3A_1142, %swap3A_1143], %swap3A_1146 {strides = array<i32>} : memref<128x128xf32, #tpu.memory_space<vmem>>, vector<1x16xf32>,
        %get3A_1147 = arith.index_cast %add3A_1113 : i32 to index
        %get3A_1148 = arith.constant 48 : index
        %get3A_1149 = tpu.vector_load %arg15[%get3A_1147, %get3A_1148] {strides = array<i32>} : memref<128x128xf32, #tpu.memory_space<vmem>>, vector<1x16xf32>,
        %get3A_1150 = vector.shape_cast %get3A_1149 : vector<1x16xf32> to vector<16xf32>
        %mul3A_1151 = vector.broadcast %squeeze3A_1109 : f32 to vector<16xf32>
        %mul3A_1152 = arith.mulf %get3A_1150, %mul3A_1151 : vector<16xf32>
        %swap3A_1153 = arith.index_cast %add3A_1113 : i32 to index
        %swap3A_1154 = arith.constant 48 : index
        %swap3A_1155 = tpu.vector_load %arg15[%swap3A_1153, %swap3A_1154] {strides = array<i32>} : memref<128x128xf32, #tpu.memory_space<vmem>>, vector<1x16xf32>,
        %swap3A_1156 = vector.shape_cast %swap3A_1155 : vector<1x16xf32> to vector<16xf32>
        %swap3A_1157 = vector.shape_cast %mul3A_1152 : vector<16xf32> to vector<1x16xf32>
        tpu.vector_store %arg15[%swap3A_1153, %swap3A_1154], %swap3A_1157 {strides = array<i32>} : memref<128x128xf32, #tpu.memory_space<vmem>>, vector<1x16xf32>,
        %get3A_1158 = arith.index_cast %add3A_1113 : i32 to index
        %get3A_1159 = arith.constant 64 : index
        %get3A_1160 = tpu.vector_load %arg15[%get3A_1158, %get3A_1159] {strides = array<i32>} : memref<128x128xf32, #tpu.memory_space<vmem>>, vector<1x16xf32>,
        %get3A_1161 = vector.shape_cast %get3A_1160 : vector<1x16xf32> to vector<16xf32>
        %mul3A_1162 = vector.broadcast %squeeze3A_1109 : f32 to vector<16xf32>
        %mul3A_1163 = arith.mulf %get3A_1161, %mul3A_1162 : vector<16xf32>
        %swap3A_1164 = arith.index_cast %add3A_1113 : i32 to index
        %swap3A_1165 = arith.constant 64 : index
        %swap3A_1166 = tpu.vector_load %arg15[%swap3A_1164, %swap3A_1165] {strides = array<i32>} : memref<128x128xf32, #tpu.memory_space<vmem>>, vector<1x16xf32>,
        %swap3A_1167 = vector.shape_cast %swap3A_1166 : vector<1x16xf32> to vector<16xf32>
        %swap3A_1168 = vector.shape_cast %mul3A_1163 : vector<16xf32> to vector<1x16xf32>
        tpu.vector_store %arg15[%swap3A_1164, %swap3A_1165], %swap3A_1168 {strides = array<i32>} : memref<128x128xf32, #tpu.memory_space<vmem>>, vector<1x16xf32>,
        %get3A_1169 = arith.index_cast %add3A_1113 : i32 to index
        %get3A_1170 = arith.constant 80 : index
        %get3A_1171 = tpu.vector_load %arg15[%get3A_1169, %get3A_1170] {strides = array<i32>} : memref<128x128xf32, #tpu.memory_space<vmem>>, vector<1x16xf32>,
        %get3A_1172 = vector.shape_cast %get3A_1171 : vector<1x16xf32> to vector<16xf32>
        %mul3A_1173 = vector.broadcast %squeeze3A_1109 : f32 to vector<16xf32>
        %mul3A_1174 = arith.mulf %get3A_1172, %mul3A_1173 : vector<16xf32>
        %swap3A_1175 = arith.index_cast %add3A_1113 : i32 to index
        %swap3A_1176 = arith.constant 80 : index
        %swap3A_1177 = tpu.vector_load %arg15[%swap3A_1175, %swap3A_1176] {strides = array<i32>} : memref<128x128xf32, #tpu.memory_space<vmem>>, vector<1x16xf32>,
        %swap3A_1178 = vector.shape_cast %swap3A_1177 : vector<1x16xf32> to vector<16xf32>
        %swap3A_1179 = vector.shape_cast %mul3A_1174 : vector<16xf32> to vector<1x16xf32>
        tpu.vector_store %arg15[%swap3A_1175, %swap3A_1176], %swap3A_1179 {strides = array<i32>} : memref<128x128xf32, #tpu.memory_space<vmem>>, vector<1x16xf32>,
        %get3A_1180 = arith.index_cast %add3A_1113 : i32 to index
        %get3A_1181 = arith.constant 96 : index
        %get3A_1182 = tpu.vector_load %arg15[%get3A_1180, %get3A_1181] {strides = array<i32>} : memref<128x128xf32, #tpu.memory_space<vmem>>, vector<1x16xf32>,
        %get3A_1183 = vector.shape_cast %get3A_1182 : vector<1x16xf32> to vector<16xf32>
        %mul3A_1184 = vector.broadcast %squeeze3A_1109 : f32 to vector<16xf32>
        %mul3A_1185 = arith.mulf %get3A_1183, %mul3A_1184 : vector<16xf32>
        %swap3A_1186 = arith.index_cast %add3A_1113 : i32 to index
        %swap3A_1187 = arith.constant 96 : index
        %swap3A_1188 = tpu.vector_load %arg15[%swap3A_1186, %swap3A_1187] {strides = array<i32>} : memref<128x128xf32, #tpu.memory_space<vmem>>, vector<1x16xf32>,
        %swap3A_1189 = vector.shape_cast %swap3A_1188 : vector<1x16xf32> to vector<16xf32>
        %swap3A_1190 = vector.shape_cast %mul3A_1185 : vector<16xf32> to vector<1x16xf32>
        tpu.vector_store %arg15[%swap3A_1186, %swap3A_1187], %swap3A_1190 {strides = array<i32>} : memref<128x128xf32, #tpu.memory_space<vmem>>, vector<1x16xf32>,
        %get3A_1191 = arith.index_cast %add3A_1113 : i32 to index
        %get3A_1192 = arith.constant 112 : index
        %get3A_1193 = tpu.vector_load %arg15[%get3A_1191, %get3A_1192] {strides = array<i32>} : memref<128x128xf32, #tpu.memory_space<vmem>>, vector<1x16xf32>,
        %get3A_1194 = vector.shape_cast %get3A_1193 : vector<1x16xf32> to vector<16xf32>
        %mul3A_1195 = vector.broadcast %squeeze3A_1109 : f32 to vector<16xf32>
        %mul3A_1196 = arith.mulf %get3A_1194, %mul3A_1195 : vector<16xf32>
        %swap3A_1197 = arith.index_cast %add3A_1113 : i32 to index
        %swap3A_1198 = arith.constant 112 : index
        %swap3A_1199 = tpu.vector_load %arg15[%swap3A_1197, %swap3A_1198] {strides = array<i32>} : memref<128x128xf32, #tpu.memory_space<vmem>>, vector<1x16xf32>,
        %swap3A_1200 = vector.shape_cast %swap3A_1199 : vector<1x16xf32> to vector<16xf32>
        %swap3A_1201 = vector.shape_cast %mul3A_1196 : vector<16xf32> to vector<1x16xf32>
        tpu.vector_store %arg15[%swap3A_1197, %swap3A_1198], %swap3A_1201 {strides = array<i32>} : memref<128x128xf32, #tpu.memory_space<vmem>>, vector<1x16xf32>,
        %slice3A_1202 = vector.extract_strided_slice %get3A_357 {offsets = [9], sizes = [1], strides = [1]} : vector<16xf32> to vector<1xf32>
        %squeeze3A_1203 = vector.extract %slice3A_1202[0] : f32 from vector<1xf32>
        %mul3A_1204 = arith.constant 16 : i32
        %mul3A_1205 = arith.muli %scan3A_352, %mul3A_1204 : i32
        %add3A_1206 = arith.constant 9 : i32
        %add3A_1207 = arith.addi %mul3A_1205, %add3A_1206 : i32
        %get3A_1208 = arith.index_cast %add3A_1207 : i32 to index
        %get3A_1209 = arith.constant 0 : index
        %get3A_1210 = tpu.vector_load %arg15[%get3A_1208, %get3A_1209] {strides = array<i32>} : memref<128x128xf32, #tpu.memory_space<vmem>>, vector<1x16xf32>,
        %get3A_1211 = vector.shape_cast %get3A_1210 : vector<1x16xf32> to vector<16xf32>
        %mul3A_1212 = vector.broadcast %squeeze3A_1203 : f32 to vector<16xf32>
        %mul3A_1213 = arith.mulf %get3A_1211, %mul3A_1212 : vector<16xf32>
        %swap3A_1214 = arith.index_cast %add3A_1207 : i32 to index
        %swap3A_1215 = arith.constant 0 : index
        %swap3A_1216 = tpu.vector_load %arg15[%swap3A_1214, %swap3A_1215] {strides = array<i32>} : memref<128x128xf32, #tpu.memory_space<vmem>>, vector<1x16xf32>,
        %swap3A_1217 = vector.shape_cast %swap3A_1216 : vector<1x16xf32> to vector<16xf32>
        %swap3A_1218 = vector.shape_cast %mul3A_1213 : vector<16xf32> to vector<1x16xf32>
        tpu.vector_store %arg15[%swap3A_1214, %swap3A_1215], %swap3A_1218 {strides = array<i32>} : memref<128x128xf32, #tpu.memory_space<vmem>>, vector<1x16xf32>,
        %get3A_1219 = arith.index_cast %add3A_1207 : i32 to index
        %get3A_1220 = arith.constant 16 : index
        %get3A_1221 = tpu.vector_load %arg15[%get3A_1219, %get3A_1220] {strides = array<i32>} : memref<128x128xf32, #tpu.memory_space<vmem>>, vector<1x16xf32>,
        %get3A_1222 = vector.shape_cast %get3A_1221 : vector<1x16xf32> to vector<16xf32>
        %mul3A_1223 = vector.broadcast %squeeze3A_1203 : f32 to vector<16xf32>
        %mul3A_1224 = arith.mulf %get3A_1222, %mul3A_1223 : vector<16xf32>
        %swap3A_1225 = arith.index_cast %add3A_1207 : i32 to index
        %swap3A_1226 = arith.constant 16 : index
        %swap3A_1227 = tpu.vector_load %arg15[%swap3A_1225, %swap3A_1226] {strides = array<i32>} : memref<128x128xf32, #tpu.memory_space<vmem>>, vector<1x16xf32>,
        %swap3A_1228 = vector.shape_cast %swap3A_1227 : vector<1x16xf32> to vector<16xf32>
        %swap3A_1229 = vector.shape_cast %mul3A_1224 : vector<16xf32> to vector<1x16xf32>
        tpu.vector_store %arg15[%swap3A_1225, %swap3A_1226], %swap3A_1229 {strides = array<i32>} : memref<128x128xf32, #tpu.memory_space<vmem>>, vector<1x16xf32>,
        %get3A_1230 = arith.index_cast %add3A_1207 : i32 to index
        %get3A_1231 = arith.constant 32 : index
        %get3A_1232 = tpu.vector_load %arg15[%get3A_1230, %get3A_1231] {strides = array<i32>} : memref<128x128xf32, #tpu.memory_space<vmem>>, vector<1x16xf32>,
        %get3A_1233 = vector.shape_cast %get3A_1232 : vector<1x16xf32> to vector<16xf32>
        %mul3A_1234 = vector.broadcast %squeeze3A_1203 : f32 to vector<16xf32>
        %mul3A_1235 = arith.mulf %get3A_1233, %mul3A_1234 : vector<16xf32>
        %swap3A_1236 = arith.index_cast %add3A_1207 : i32 to index
        %swap3A_1237 = arith.constant 32 : index
        %swap3A_1238 = tpu.vector_load %arg15[%swap3A_1236, %swap3A_1237] {strides = array<i32>} : memref<128x128xf32, #tpu.memory_space<vmem>>, vector<1x16xf32>,
        %swap3A_1239 = vector.shape_cast %swap3A_1238 : vector<1x16xf32> to vector<16xf32>
        %swap3A_1240 = vector.shape_cast %mul3A_1235 : vector<16xf32> to vector<1x16xf32>
        tpu.vector_store %arg15[%swap3A_1236, %swap3A_1237], %swap3A_1240 {strides = array<i32>} : memref<128x128xf32, #tpu.memory_space<vmem>>, vector<1x16xf32>,
        %get3A_1241 = arith.index_cast %add3A_1207 : i32 to index
        %get3A_1242 = arith.constant 48 : index
        %get3A_1243 = tpu.vector_load %arg15[%get3A_1241, %get3A_1242] {strides = array<i32>} : memref<128x128xf32, #tpu.memory_space<vmem>>, vector<1x16xf32>,
        %get3A_1244 = vector.shape_cast %get3A_1243 : vector<1x16xf32> to vector<16xf32>
        %mul3A_1245 = vector.broadcast %squeeze3A_1203 : f32 to vector<16xf32>
        %mul3A_1246 = arith.mulf %get3A_1244, %mul3A_1245 : vector<16xf32>
        %swap3A_1247 = arith.index_cast %add3A_1207 : i32 to index
        %swap3A_1248 = arith.constant 48 : index
        %swap3A_1249 = tpu.vector_load %arg15[%swap3A_1247, %swap3A_1248] {strides = array<i32>} : memref<128x128xf32, #tpu.memory_space<vmem>>, vector<1x16xf32>,
        %swap3A_1250 = vector.shape_cast %swap3A_1249 : vector<1x16xf32> to vector<16xf32>
        %swap3A_1251 = vector.shape_cast %mul3A_1246 : vector<16xf32> to vector<1x16xf32>
        tpu.vector_store %arg15[%swap3A_1247, %swap3A_1248], %swap3A_1251 {strides = array<i32>} : memref<128x128xf32, #tpu.memory_space<vmem>>, vector<1x16xf32>,
        %get3A_1252 = arith.index_cast %add3A_1207 : i32 to index
        %get3A_1253 = arith.constant 64 : index
        %get3A_1254 = tpu.vector_load %arg15[%get3A_1252, %get3A_1253] {strides = array<i32>} : memref<128x128xf32, #tpu.memory_space<vmem>>, vector<1x16xf32>,
        %get3A_1255 = vector.shape_cast %get3A_1254 : vector<1x16xf32> to vector<16xf32>
        %mul3A_1256 = vector.broadcast %squeeze3A_1203 : f32 to vector<16xf32>
        %mul3A_1257 = arith.mulf %get3A_1255, %mul3A_1256 : vector<16xf32>
        %swap3A_1258 = arith.index_cast %add3A_1207 : i32 to index
        %swap3A_1259 = arith.constant 64 : index
        %swap3A_1260 = tpu.vector_load %arg15[%swap3A_1258, %swap3A_1259] {strides = array<i32>} : memref<128x128xf32, #tpu.memory_space<vmem>>, vector<1x16xf32>,
        %swap3A_1261 = vector.shape_cast %swap3A_1260 : vector<1x16xf32> to vector<16xf32>
        %swap3A_1262 = vector.shape_cast %mul3A_1257 : vector<16xf32> to vector<1x16xf32>
        tpu.vector_store %arg15[%swap3A_1258, %swap3A_1259], %swap3A_1262 {strides = array<i32>} : memref<128x128xf32, #tpu.memory_space<vmem>>, vector<1x16xf32>,
        %get3A_1263 = arith.index_cast %add3A_1207 : i32 to index
        %get3A_1264 = arith.constant 80 : index
        %get3A_1265 = tpu.vector_load %arg15[%get3A_1263, %get3A_1264] {strides = array<i32>} : memref<128x128xf32, #tpu.memory_space<vmem>>, vector<1x16xf32>,
        %get3A_1266 = vector.shape_cast %get3A_1265 : vector<1x16xf32> to vector<16xf32>
        %mul3A_1267 = vector.broadcast %squeeze3A_1203 : f32 to vector<16xf32>
        %mul3A_1268 = arith.mulf %get3A_1266, %mul3A_1267 : vector<16xf32>
        %swap3A_1269 = arith.index_cast %add3A_1207 : i32 to index
        %swap3A_1270 = arith.constant 80 : index
        %swap3A_1271 = tpu.vector_load %arg15[%swap3A_1269, %swap3A_1270] {strides = array<i32>} : memref<128x128xf32, #tpu.memory_space<vmem>>, vector<1x16xf32>,
        %swap3A_1272 = vector.shape_cast %swap3A_1271 : vector<1x16xf32> to vector<16xf32>
        %swap3A_1273 = vector.shape_cast %mul3A_1268 : vector<16xf32> to vector<1x16xf32>
        tpu.vector_store %arg15[%swap3A_1269, %swap3A_1270], %swap3A_1273 {strides = array<i32>} : memref<128x128xf32, #tpu.memory_space<vmem>>, vector<1x16xf32>,
        %get3A_1274 = arith.index_cast %add3A_1207 : i32 to index
        %get3A_1275 = arith.constant 96 : index
        %get3A_1276 = tpu.vector_load %arg15[%get3A_1274, %get3A_1275] {strides = array<i32>} : memref<128x128xf32, #tpu.memory_space<vmem>>, vector<1x16xf32>,
        %get3A_1277 = vector.shape_cast %get3A_1276 : vector<1x16xf32> to vector<16xf32>
        %mul3A_1278 = vector.broadcast %squeeze3A_1203 : f32 to vector<16xf32>
        %mul3A_1279 = arith.mulf %get3A_1277, %mul3A_1278 : vector<16xf32>
        %swap3A_1280 = arith.index_cast %add3A_1207 : i32 to index
        %swap3A_1281 = arith.constant 96 : index
        %swap3A_1282 = tpu.vector_load %arg15[%swap3A_1280, %swap3A_1281] {strides = array<i32>} : memref<128x128xf32, #tpu.memory_space<vmem>>, vector<1x16xf32>,
        %swap3A_1283 = vector.shape_cast %swap3A_1282 : vector<1x16xf32> to vector<16xf32>
        %swap3A_1284 = vector.shape_cast %mul3A_1279 : vector<16xf32> to vector<1x16xf32>
        tpu.vector_store %arg15[%swap3A_1280, %swap3A_1281], %swap3A_1284 {strides = array<i32>} : memref<128x128xf32, #tpu.memory_space<vmem>>, vector<1x16xf32>,
        %get3A_1285 = arith.index_cast %add3A_1207 : i32 to index
        %get3A_1286 = arith.constant 112 : index
        %get3A_1287 = tpu.vector_load %arg15[%get3A_1285, %get3A_1286] {strides = array<i32>} : memref<128x128xf32, #tpu.memory_space<vmem>>, vector<1x16xf32>,
        %get3A_1288 = vector.shape_cast %get3A_1287 : vector<1x16xf32> to vector<16xf32>
        %mul3A_1289 = vector.broadcast %squeeze3A_1203 : f32 to vector<16xf32>
        %mul3A_1290 = arith.mulf %get3A_1288, %mul3A_1289 : vector<16xf32>
        %swap3A_1291 = arith.index_cast %add3A_1207 : i32 to index
        %swap3A_1292 = arith.constant 112 : index
        %swap3A_1293 = tpu.vector_load %arg15[%swap3A_1291, %swap3A_1292] {strides = array<i32>} : memref<128x128xf32, #tpu.memory_space<vmem>>, vector<1x16xf32>,
        %swap3A_1294 = vector.shape_cast %swap3A_1293 : vector<1x16xf32> to vector<16xf32>
        %swap3A_1295 = vector.shape_cast %mul3A_1290 : vector<16xf32> to vector<1x16xf32>
        tpu.vector_store %arg15[%swap3A_1291, %swap3A_1292], %swap3A_1295 {strides = array<i32>} : memref<128x128xf32, #tpu.memory_space<vmem>>, vector<1x16xf32>,
        %slice3A_1296 = vector.extract_strided_slice %get3A_357 {offsets = [10], sizes = [1], strides = [1]} : vector<16xf32> to vector<1xf32>
        %squeeze3A_1297 = vector.extract %slice3A_1296[0] : f32 from vector<1xf32>
        %mul3A_1298 = arith.constant 16 : i32
        %mul3A_1299 = arith.muli %scan3A_352, %mul3A_1298 : i32
        %add3A_1300 = arith.constant 10 : i32
        %add3A_1301 = arith.addi %mul3A_1299, %add3A_1300 : i32
        %get3A_1302 = arith.index_cast %add3A_1301 : i32 to index
        %get3A_1303 = arith.constant 0 : index
        %get3A_1304 = tpu.vector_load %arg15[%get3A_1302, %get3A_1303] {strides = array<i32>} : memref<128x128xf32, #tpu.memory_space<vmem>>, vector<1x16xf32>,
        %get3A_1305 = vector.shape_cast %get3A_1304 : vector<1x16xf32> to vector<16xf32>
        %mul3A_1306 = vector.broadcast %squeeze3A_1297 : f32 to vector<16xf32>
        %mul3A_1307 = arith.mulf %get3A_1305, %mul3A_1306 : vector<16xf32>
        %swap3A_1308 = arith.index_cast %add3A_1301 : i32 to index
        %swap3A_1309 = arith.constant 0 : index
        %swap3A_1310 = tpu.vector_load %arg15[%swap3A_1308, %swap3A_1309] {strides = array<i32>} : memref<128x128xf32, #tpu.memory_space<vmem>>, vector<1x16xf32>,
        %swap3A_1311 = vector.shape_cast %swap3A_1310 : vector<1x16xf32> to vector<16xf32>
        %swap3A_1312 = vector.shape_cast %mul3A_1307 : vector<16xf32> to vector<1x16xf32>
        tpu.vector_store %arg15[%swap3A_1308, %swap3A_1309], %swap3A_1312 {strides = array<i32>} : memref<128x128xf32, #tpu.memory_space<vmem>>, vector<1x16xf32>,
        %get3A_1313 = arith.index_cast %add3A_1301 : i32 to index
        %get3A_1314 = arith.constant 16 : index
        %get3A_1315 = tpu.vector_load %arg15[%get3A_1313, %get3A_1314] {strides = array<i32>} : memref<128x128xf32, #tpu.memory_space<vmem>>, vector<1x16xf32>,
        %get3A_1316 = vector.shape_cast %get3A_1315 : vector<1x16xf32> to vector<16xf32>
        %mul3A_1317 = vector.broadcast %squeeze3A_1297 : f32 to vector<16xf32>
        %mul3A_1318 = arith.mulf %get3A_1316, %mul3A_1317 : vector<16xf32>
        %swap3A_1319 = arith.index_cast %add3A_1301 : i32 to index
        %swap3A_1320 = arith.constant 16 : index
        %swap3A_1321 = tpu.vector_load %arg15[%swap3A_1319, %swap3A_1320] {strides = array<i32>} : memref<128x128xf32, #tpu.memory_space<vmem>>, vector<1x16xf32>,
        %swap3A_1322 = vector.shape_cast %swap3A_1321 : vector<1x16xf32> to vector<16xf32>
        %swap3A_1323 = vector.shape_cast %mul3A_1318 : vector<16xf32> to vector<1x16xf32>
        tpu.vector_store %arg15[%swap3A_1319, %swap3A_1320], %swap3A_1323 {strides = array<i32>} : memref<128x128xf32, #tpu.memory_space<vmem>>, vector<1x16xf32>,
        %get3A_1324 = arith.index_cast %add3A_1301 : i32 to index
        %get3A_1325 = arith.constant 32 : index
        %get3A_1326 = tpu.vector_load %arg15[%get3A_1324, %get3A_1325] {strides = array<i32>} : memref<128x128xf32, #tpu.memory_space<vmem>>, vector<1x16xf32>,
        %get3A_1327 = vector.shape_cast %get3A_1326 : vector<1x16xf32> to vector<16xf32>
        %mul3A_1328 = vector.broadcast %squeeze3A_1297 : f32 to vector<16xf32>
        %mul3A_1329 = arith.mulf %get3A_1327, %mul3A_1328 : vector<16xf32>
        %swap3A_1330 = arith.index_cast %add3A_1301 : i32 to index
        %swap3A_1331 = arith.constant 32 : index
        %swap3A_1332 = tpu.vector_load %arg15[%swap3A_1330, %swap3A_1331] {strides = array<i32>} : memref<128x128xf32, #tpu.memory_space<vmem>>, vector<1x16xf32>,
        %swap3A_1333 = vector.shape_cast %swap3A_1332 : vector<1x16xf32> to vector<16xf32>
        %swap3A_1334 = vector.shape_cast %mul3A_1329 : vector<16xf32> to vector<1x16xf32>
        tpu.vector_store %arg15[%swap3A_1330, %swap3A_1331], %swap3A_1334 {strides = array<i32>} : memref<128x128xf32, #tpu.memory_space<vmem>>, vector<1x16xf32>,
        %get3A_1335 = arith.index_cast %add3A_1301 : i32 to index
        %get3A_1336 = arith.constant 48 : index
        %get3A_1337 = tpu.vector_load %arg15[%get3A_1335, %get3A_1336] {strides = array<i32>} : memref<128x128xf32, #tpu.memory_space<vmem>>, vector<1x16xf32>,
        %get3A_1338 = vector.shape_cast %get3A_1337 : vector<1x16xf32> to vector<16xf32>
        %mul3A_1339 = vector.broadcast %squeeze3A_1297 : f32 to vector<16xf32>
        %mul3A_1340 = arith.mulf %get3A_1338, %mul3A_1339 : vector<16xf32>
        %swap3A_1341 = arith.index_cast %add3A_1301 : i32 to index
        %swap3A_1342 = arith.constant 48 : index
        %swap3A_1343 = tpu.vector_load %arg15[%swap3A_1341, %swap3A_1342] {strides = array<i32>} : memref<128x128xf32, #tpu.memory_space<vmem>>, vector<1x16xf32>,
        %swap3A_1344 = vector.shape_cast %swap3A_1343 : vector<1x16xf32> to vector<16xf32>
        %swap3A_1345 = vector.shape_cast %mul3A_1340 : vector<16xf32> to vector<1x16xf32>
        tpu.vector_store %arg15[%swap3A_1341, %swap3A_1342], %swap3A_1345 {strides = array<i32>} : memref<128x128xf32, #tpu.memory_space<vmem>>, vector<1x16xf32>,
        %get3A_1346 = arith.index_cast %add3A_1301 : i32 to index
        %get3A_1347 = arith.constant 64 : index
        %get3A_1348 = tpu.vector_load %arg15[%get3A_1346, %get3A_1347] {strides = array<i32>} : memref<128x128xf32, #tpu.memory_space<vmem>>, vector<1x16xf32>,
        %get3A_1349 = vector.shape_cast %get3A_1348 : vector<1x16xf32> to vector<16xf32>
        %mul3A_1350 = vector.broadcast %squeeze3A_1297 : f32 to vector<16xf32>
        %mul3A_1351 = arith.mulf %get3A_1349, %mul3A_1350 : vector<16xf32>
        %swap3A_1352 = arith.index_cast %add3A_1301 : i32 to index
        %swap3A_1353 = arith.constant 64 : index
        %swap3A_1354 = tpu.vector_load %arg15[%swap3A_1352, %swap3A_1353] {strides = array<i32>} : memref<128x128xf32, #tpu.memory_space<vmem>>, vector<1x16xf32>,
        %swap3A_1355 = vector.shape_cast %swap3A_1354 : vector<1x16xf32> to vector<16xf32>
        %swap3A_1356 = vector.shape_cast %mul3A_1351 : vector<16xf32> to vector<1x16xf32>
        tpu.vector_store %arg15[%swap3A_1352, %swap3A_1353], %swap3A_1356 {strides = array<i32>} : memref<128x128xf32, #tpu.memory_space<vmem>>, vector<1x16xf32>,
        %get3A_1357 = arith.index_cast %add3A_1301 : i32 to index
        %get3A_1358 = arith.constant 80 : index
        %get3A_1359 = tpu.vector_load %arg15[%get3A_1357, %get3A_1358] {strides = array<i32>} : memref<128x128xf32, #tpu.memory_space<vmem>>, vector<1x16xf32>,
        %get3A_1360 = vector.shape_cast %get3A_1359 : vector<1x16xf32> to vector<16xf32>
        %mul3A_1361 = vector.broadcast %squeeze3A_1297 : f32 to vector<16xf32>
        %mul3A_1362 = arith.mulf %get3A_1360, %mul3A_1361 : vector<16xf32>
        %swap3A_1363 = arith.index_cast %add3A_1301 : i32 to index
        %swap3A_1364 = arith.constant 80 : index
        %swap3A_1365 = tpu.vector_load %arg15[%swap3A_1363, %swap3A_1364] {strides = array<i32>} : memref<128x128xf32, #tpu.memory_space<vmem>>, vector<1x16xf32>,
        %swap3A_1366 = vector.shape_cast %swap3A_1365 : vector<1x16xf32> to vector<16xf32>
        %swap3A_1367 = vector.shape_cast %mul3A_1362 : vector<16xf32> to vector<1x16xf32>
        tpu.vector_store %arg15[%swap3A_1363, %swap3A_1364], %swap3A_1367 {strides = array<i32>} : memref<128x128xf32, #tpu.memory_space<vmem>>, vector<1x16xf32>,
        %get3A_1368 = arith.index_cast %add3A_1301 : i32 to index
        %get3A_1369 = arith.constant 96 : index
        %get3A_1370 = tpu.vector_load %arg15[%get3A_1368, %get3A_1369] {strides = array<i32>} : memref<128x128xf32, #tpu.memory_space<vmem>>, vector<1x16xf32>,
        %get3A_1371 = vector.shape_cast %get3A_1370 : vector<1x16xf32> to vector<16xf32>
        %mul3A_1372 = vector.broadcast %squeeze3A_1297 : f32 to vector<16xf32>
        %mul3A_1373 = arith.mulf %get3A_1371, %mul3A_1372 : vector<16xf32>
        %swap3A_1374 = arith.index_cast %add3A_1301 : i32 to index
        %swap3A_1375 = arith.constant 96 : index
        %swap3A_1376 = tpu.vector_load %arg15[%swap3A_1374, %swap3A_1375] {strides = array<i32>} : memref<128x128xf32, #tpu.memory_space<vmem>>, vector<1x16xf32>,
        %swap3A_1377 = vector.shape_cast %swap3A_1376 : vector<1x16xf32> to vector<16xf32>
        %swap3A_1378 = vector.shape_cast %mul3A_1373 : vector<16xf32> to vector<1x16xf32>
        tpu.vector_store %arg15[%swap3A_1374, %swap3A_1375], %swap3A_1378 {strides = array<i32>} : memref<128x128xf32, #tpu.memory_space<vmem>>, vector<1x16xf32>,
        %get3A_1379 = arith.index_cast %add3A_1301 : i32 to index
        %get3A_1380 = arith.constant 112 : index
        %get3A_1381 = tpu.vector_load %arg15[%get3A_1379, %get3A_1380] {strides = array<i32>} : memref<128x128xf32, #tpu.memory_space<vmem>>, vector<1x16xf32>,
        %get3A_1382 = vector.shape_cast %get3A_1381 : vector<1x16xf32> to vector<16xf32>
        %mul3A_1383 = vector.broadcast %squeeze3A_1297 : f32 to vector<16xf32>
        %mul3A_1384 = arith.mulf %get3A_1382, %mul3A_1383 : vector<16xf32>
        %swap3A_1385 = arith.index_cast %add3A_1301 : i32 to index
        %swap3A_1386 = arith.constant 112 : index
        %swap3A_1387 = tpu.vector_load %arg15[%swap3A_1385, %swap3A_1386] {strides = array<i32>} : memref<128x128xf32, #tpu.memory_space<vmem>>, vector<1x16xf32>,
        %swap3A_1388 = vector.shape_cast %swap3A_1387 : vector<1x16xf32> to vector<16xf32>
        %swap3A_1389 = vector.shape_cast %mul3A_1384 : vector<16xf32> to vector<1x16xf32>
        tpu.vector_store %arg15[%swap3A_1385, %swap3A_1386], %swap3A_1389 {strides = array<i32>} : memref<128x128xf32, #tpu.memory_space<vmem>>, vector<1x16xf32>,
        %slice3A_1390 = vector.extract_strided_slice %get3A_357 {offsets = [11], sizes = [1], strides = [1]} : vector<16xf32> to vector<1xf32>
        %squeeze3A_1391 = vector.extract %slice3A_1390[0] : f32 from vector<1xf32>
        %mul3A_1392 = arith.constant 16 : i32
        %mul3A_1393 = arith.muli %scan3A_352, %mul3A_1392 : i32
        %add3A_1394 = arith.constant 11 : i32
        %add3A_1395 = arith.addi %mul3A_1393, %add3A_1394 : i32
        %get3A_1396 = arith.index_cast %add3A_1395 : i32 to index
        %get3A_1397 = arith.constant 0 : index
        %get3A_1398 = tpu.vector_load %arg15[%get3A_1396, %get3A_1397] {strides = array<i32>} : memref<128x128xf32, #tpu.memory_space<vmem>>, vector<1x16xf32>,
        %get3A_1399 = vector.shape_cast %get3A_1398 : vector<1x16xf32> to vector<16xf32>
        %mul3A_1400 = vector.broadcast %squeeze3A_1391 : f32 to vector<16xf32>
        %mul3A_1401 = arith.mulf %get3A_1399, %mul3A_1400 : vector<16xf32>
        %swap3A_1402 = arith.index_cast %add3A_1395 : i32 to index
        %swap3A_1403 = arith.constant 0 : index
        %swap3A_1404 = tpu.vector_load %arg15[%swap3A_1402, %swap3A_1403] {strides = array<i32>} : memref<128x128xf32, #tpu.memory_space<vmem>>, vector<1x16xf32>,
        %swap3A_1405 = vector.shape_cast %swap3A_1404 : vector<1x16xf32> to vector<16xf32>
        %swap3A_1406 = vector.shape_cast %mul3A_1401 : vector<16xf32> to vector<1x16xf32>
        tpu.vector_store %arg15[%swap3A_1402, %swap3A_1403], %swap3A_1406 {strides = array<i32>} : memref<128x128xf32, #tpu.memory_space<vmem>>, vector<1x16xf32>,
        %get3A_1407 = arith.index_cast %add3A_1395 : i32 to index
        %get3A_1408 = arith.constant 16 : index
        %get3A_1409 = tpu.vector_load %arg15[%get3A_1407, %get3A_1408] {strides = array<i32>} : memref<128x128xf32, #tpu.memory_space<vmem>>, vector<1x16xf32>,
        %get3A_1410 = vector.shape_cast %get3A_1409 : vector<1x16xf32> to vector<16xf32>
        %mul3A_1411 = vector.broadcast %squeeze3A_1391 : f32 to vector<16xf32>
        %mul3A_1412 = arith.mulf %get3A_1410, %mul3A_1411 : vector<16xf32>
        %swap3A_1413 = arith.index_cast %add3A_1395 : i32 to index
        %swap3A_1414 = arith.constant 16 : index
        %swap3A_1415 = tpu.vector_load %arg15[%swap3A_1413, %swap3A_1414] {strides = array<i32>} : memref<128x128xf32, #tpu.memory_space<vmem>>, vector<1x16xf32>,
        %swap3A_1416 = vector.shape_cast %swap3A_1415 : vector<1x16xf32> to vector<16xf32>
        %swap3A_1417 = vector.shape_cast %mul3A_1412 : vector<16xf32> to vector<1x16xf32>
        tpu.vector_store %arg15[%swap3A_1413, %swap3A_1414], %swap3A_1417 {strides = array<i32>} : memref<128x128xf32, #tpu.memory_space<vmem>>, vector<1x16xf32>,
        %get3A_1418 = arith.index_cast %add3A_1395 : i32 to index
        %get3A_1419 = arith.constant 32 : index
        %get3A_1420 = tpu.vector_load %arg15[%get3A_1418, %get3A_1419] {strides = array<i32>} : memref<128x128xf32, #tpu.memory_space<vmem>>, vector<1x16xf32>,
        %get3A_1421 = vector.shape_cast %get3A_1420 : vector<1x16xf32> to vector<16xf32>
        %mul3A_1422 = vector.broadcast %squeeze3A_1391 : f32 to vector<16xf32>
        %mul3A_1423 = arith.mulf %get3A_1421, %mul3A_1422 : vector<16xf32>
        %swap3A_1424 = arith.index_cast %add3A_1395 : i32 to index
        %swap3A_1425 = arith.constant 32 : index
        %swap3A_1426 = tpu.vector_load %arg15[%swap3A_1424, %swap3A_1425] {strides = array<i32>} : memref<128x128xf32, #tpu.memory_space<vmem>>, vector<1x16xf32>,
        %swap3A_1427 = vector.shape_cast %swap3A_1426 : vector<1x16xf32> to vector<16xf32>
        %swap3A_1428 = vector.shape_cast %mul3A_1423 : vector<16xf32> to vector<1x16xf32>
        tpu.vector_store %arg15[%swap3A_1424, %swap3A_1425], %swap3A_1428 {strides = array<i32>} : memref<128x128xf32, #tpu.memory_space<vmem>>, vector<1x16xf32>,
        %get3A_1429 = arith.index_cast %add3A_1395 : i32 to index
        %get3A_1430 = arith.constant 48 : index
        %get3A_1431 = tpu.vector_load %arg15[%get3A_1429, %get3A_1430] {strides = array<i32>} : memref<128x128xf32, #tpu.memory_space<vmem>>, vector<1x16xf32>,
        %get3A_1432 = vector.shape_cast %get3A_1431 : vector<1x16xf32> to vector<16xf32>
        %mul3A_1433 = vector.broadcast %squeeze3A_1391 : f32 to vector<16xf32>
        %mul3A_1434 = arith.mulf %get3A_1432, %mul3A_1433 : vector<16xf32>
        %swap3A_1435 = arith.index_cast %add3A_1395 : i32 to index
        %swap3A_1436 = arith.constant 48 : index
        %swap3A_1437 = tpu.vector_load %arg15[%swap3A_1435, %swap3A_1436] {strides = array<i32>} : memref<128x128xf32, #tpu.memory_space<vmem>>, vector<1x16xf32>,
        %swap3A_1438 = vector.shape_cast %swap3A_1437 : vector<1x16xf32> to vector<16xf32>
        %swap3A_1439 = vector.shape_cast %mul3A_1434 : vector<16xf32> to vector<1x16xf32>
        tpu.vector_store %arg15[%swap3A_1435, %swap3A_1436], %swap3A_1439 {strides = array<i32>} : memref<128x128xf32, #tpu.memory_space<vmem>>, vector<1x16xf32>,
        %get3A_1440 = arith.index_cast %add3A_1395 : i32 to index
        %get3A_1441 = arith.constant 64 : index
        %get3A_1442 = tpu.vector_load %arg15[%get3A_1440, %get3A_1441] {strides = array<i32>} : memref<128x128xf32, #tpu.memory_space<vmem>>, vector<1x16xf32>,
        %get3A_1443 = vector.shape_cast %get3A_1442 : vector<1x16xf32> to vector<16xf32>
        %mul3A_1444 = vector.broadcast %squeeze3A_1391 : f32 to vector<16xf32>
        %mul3A_1445 = arith.mulf %get3A_1443, %mul3A_1444 : vector<16xf32>
        %swap3A_1446 = arith.index_cast %add3A_1395 : i32 to index
        %swap3A_1447 = arith.constant 64 : index
        %swap3A_1448 = tpu.vector_load %arg15[%swap3A_1446, %swap3A_1447] {strides = array<i32>} : memref<128x128xf32, #tpu.memory_space<vmem>>, vector<1x16xf32>,
        %swap3A_1449 = vector.shape_cast %swap3A_1448 : vector<1x16xf32> to vector<16xf32>
        %swap3A_1450 = vector.shape_cast %mul3A_1445 : vector<16xf32> to vector<1x16xf32>
        tpu.vector_store %arg15[%swap3A_1446, %swap3A_1447], %swap3A_1450 {strides = array<i32>} : memref<128x128xf32, #tpu.memory_space<vmem>>, vector<1x16xf32>,
        %get3A_1451 = arith.index_cast %add3A_1395 : i32 to index
        %get3A_1452 = arith.constant 80 : index
        %get3A_1453 = tpu.vector_load %arg15[%get3A_1451, %get3A_1452] {strides = array<i32>} : memref<128x128xf32, #tpu.memory_space<vmem>>, vector<1x16xf32>,
        %get3A_1454 = vector.shape_cast %get3A_1453 : vector<1x16xf32> to vector<16xf32>
        %mul3A_1455 = vector.broadcast %squeeze3A_1391 : f32 to vector<16xf32>
        %mul3A_1456 = arith.mulf %get3A_1454, %mul3A_1455 : vector<16xf32>
        %swap3A_1457 = arith.index_cast %add3A_1395 : i32 to index
        %swap3A_1458 = arith.constant 80 : index
        %swap3A_1459 = tpu.vector_load %arg15[%swap3A_1457, %swap3A_1458] {strides = array<i32>} : memref<128x128xf32, #tpu.memory_space<vmem>>, vector<1x16xf32>,
        %swap3A_1460 = vector.shape_cast %swap3A_1459 : vector<1x16xf32> to vector<16xf32>
        %swap3A_1461 = vector.shape_cast %mul3A_1456 : vector<16xf32> to vector<1x16xf32>
        tpu.vector_store %arg15[%swap3A_1457, %swap3A_1458], %swap3A_1461 {strides = array<i32>} : memref<128x128xf32, #tpu.memory_space<vmem>>, vector<1x16xf32>,
        %get3A_1462 = arith.index_cast %add3A_1395 : i32 to index
        %get3A_1463 = arith.constant 96 : index
        %get3A_1464 = tpu.vector_load %arg15[%get3A_1462, %get3A_1463] {strides = array<i32>} : memref<128x128xf32, #tpu.memory_space<vmem>>, vector<1x16xf32>,
        %get3A_1465 = vector.shape_cast %get3A_1464 : vector<1x16xf32> to vector<16xf32>
        %mul3A_1466 = vector.broadcast %squeeze3A_1391 : f32 to vector<16xf32>
        %mul3A_1467 = arith.mulf %get3A_1465, %mul3A_1466 : vector<16xf32>
        %swap3A_1468 = arith.index_cast %add3A_1395 : i32 to index
        %swap3A_1469 = arith.constant 96 : index
        %swap3A_1470 = tpu.vector_load %arg15[%swap3A_1468, %swap3A_1469] {strides = array<i32>} : memref<128x128xf32, #tpu.memory_space<vmem>>, vector<1x16xf32>,
        %swap3A_1471 = vector.shape_cast %swap3A_1470 : vector<1x16xf32> to vector<16xf32>
        %swap3A_1472 = vector.shape_cast %mul3A_1467 : vector<16xf32> to vector<1x16xf32>
        tpu.vector_store %arg15[%swap3A_1468, %swap3A_1469], %swap3A_1472 {strides = array<i32>} : memref<128x128xf32, #tpu.memory_space<vmem>>, vector<1x16xf32>,
        %get3A_1473 = arith.index_cast %add3A_1395 : i32 to index
        %get3A_1474 = arith.constant 112 : index
        %get3A_1475 = tpu.vector_load %arg15[%get3A_1473, %get3A_1474] {strides = array<i32>} : memref<128x128xf32, #tpu.memory_space<vmem>>, vector<1x16xf32>,
        %get3A_1476 = vector.shape_cast %get3A_1475 : vector<1x16xf32> to vector<16xf32>
        %mul3A_1477 = vector.broadcast %squeeze3A_1391 : f32 to vector<16xf32>
        %mul3A_1478 = arith.mulf %get3A_1476, %mul3A_1477 : vector<16xf32>
        %swap3A_1479 = arith.index_cast %add3A_1395 : i32 to index
        %swap3A_1480 = arith.constant 112 : index
        %swap3A_1481 = tpu.vector_load %arg15[%swap3A_1479, %swap3A_1480] {strides = array<i32>} : memref<128x128xf32, #tpu.memory_space<vmem>>, vector<1x16xf32>,
        %swap3A_1482 = vector.shape_cast %swap3A_1481 : vector<1x16xf32> to vector<16xf32>
        %swap3A_1483 = vector.shape_cast %mul3A_1478 : vector<16xf32> to vector<1x16xf32>
        tpu.vector_store %arg15[%swap3A_1479, %swap3A_1480], %swap3A_1483 {strides = array<i32>} : memref<128x128xf32, #tpu.memory_space<vmem>>, vector<1x16xf32>,
        %slice3A_1484 = vector.extract_strided_slice %get3A_357 {offsets = [12], sizes = [1], strides = [1]} : vector<16xf32> to vector<1xf32>
        %squeeze3A_1485 = vector.extract %slice3A_1484[0] : f32 from vector<1xf32>
        %mul3A_1486 = arith.constant 16 : i32
        %mul3A_1487 = arith.muli %scan3A_352, %mul3A_1486 : i32
        %add3A_1488 = arith.constant 12 : i32
        %add3A_1489 = arith.addi %mul3A_1487, %add3A_1488 : i32
        %get3A_1490 = arith.index_cast %add3A_1489 : i32 to index
        %get3A_1491 = arith.constant 0 : index
        %get3A_1492 = tpu.vector_load %arg15[%get3A_1490, %get3A_1491] {strides = array<i32>} : memref<128x128xf32, #tpu.memory_space<vmem>>, vector<1x16xf32>,
        %get3A_1493 = vector.shape_cast %get3A_1492 : vector<1x16xf32> to vector<16xf32>
        %mul3A_1494 = vector.broadcast %squeeze3A_1485 : f32 to vector<16xf32>
        %mul3A_1495 = arith.mulf %get3A_1493, %mul3A_1494 : vector<16xf32>
        %swap3A_1496 = arith.index_cast %add3A_1489 : i32 to index
        %swap3A_1497 = arith.constant 0 : index
        %swap3A_1498 = tpu.vector_load %arg15[%swap3A_1496, %swap3A_1497] {strides = array<i32>} : memref<128x128xf32, #tpu.memory_space<vmem>>, vector<1x16xf32>,
        %swap3A_1499 = vector.shape_cast %swap3A_1498 : vector<1x16xf32> to vector<16xf32>
        %swap3A_1500 = vector.shape_cast %mul3A_1495 : vector<16xf32> to vector<1x16xf32>
        tpu.vector_store %arg15[%swap3A_1496, %swap3A_1497], %swap3A_1500 {strides = array<i32>} : memref<128x128xf32, #tpu.memory_space<vmem>>, vector<1x16xf32>,
        %get3A_1501 = arith.index_cast %add3A_1489 : i32 to index
        %get3A_1502 = arith.constant 16 : index
        %get3A_1503 = tpu.vector_load %arg15[%get3A_1501, %get3A_1502] {strides = array<i32>} : memref<128x128xf32, #tpu.memory_space<vmem>>, vector<1x16xf32>,
        %get3A_1504 = vector.shape_cast %get3A_1503 : vector<1x16xf32> to vector<16xf32>
        %mul3A_1505 = vector.broadcast %squeeze3A_1485 : f32 to vector<16xf32>
        %mul3A_1506 = arith.mulf %get3A_1504, %mul3A_1505 : vector<16xf32>
        %swap3A_1507 = arith.index_cast %add3A_1489 : i32 to index
        %swap3A_1508 = arith.constant 16 : index
        %swap3A_1509 = tpu.vector_load %arg15[%swap3A_1507, %swap3A_1508] {strides = array<i32>} : memref<128x128xf32, #tpu.memory_space<vmem>>, vector<1x16xf32>,
        %swap3A_1510 = vector.shape_cast %swap3A_1509 : vector<1x16xf32> to vector<16xf32>
        %swap3A_1511 = vector.shape_cast %mul3A_1506 : vector<16xf32> to vector<1x16xf32>
        tpu.vector_store %arg15[%swap3A_1507, %swap3A_1508], %swap3A_1511 {strides = array<i32>} : memref<128x128xf32, #tpu.memory_space<vmem>>, vector<1x16xf32>,
        %get3A_1512 = arith.index_cast %add3A_1489 : i32 to index
        %get3A_1513 = arith.constant 32 : index
        %get3A_1514 = tpu.vector_load %arg15[%get3A_1512, %get3A_1513] {strides = array<i32>} : memref<128x128xf32, #tpu.memory_space<vmem>>, vector<1x16xf32>,
        %get3A_1515 = vector.shape_cast %get3A_1514 : vector<1x16xf32> to vector<16xf32>
        %mul3A_1516 = vector.broadcast %squeeze3A_1485 : f32 to vector<16xf32>
        %mul3A_1517 = arith.mulf %get3A_1515, %mul3A_1516 : vector<16xf32>
        %swap3A_1518 = arith.index_cast %add3A_1489 : i32 to index
        %swap3A_1519 = arith.constant 32 : index
        %swap3A_1520 = tpu.vector_load %arg15[%swap3A_1518, %swap3A_1519] {strides = array<i32>} : memref<128x128xf32, #tpu.memory_space<vmem>>, vector<1x16xf32>,
        %swap3A_1521 = vector.shape_cast %swap3A_1520 : vector<1x16xf32> to vector<16xf32>
        %swap3A_1522 = vector.shape_cast %mul3A_1517 : vector<16xf32> to vector<1x16xf32>
        tpu.vector_store %arg15[%swap3A_1518, %swap3A_1519], %swap3A_1522 {strides = array<i32>} : memref<128x128xf32, #tpu.memory_space<vmem>>, vector<1x16xf32>,
        %get3A_1523 = arith.index_cast %add3A_1489 : i32 to index
        %get3A_1524 = arith.constant 48 : index
        %get3A_1525 = tpu.vector_load %arg15[%get3A_1523, %get3A_1524] {strides = array<i32>} : memref<128x128xf32, #tpu.memory_space<vmem>>, vector<1x16xf32>,
        %get3A_1526 = vector.shape_cast %get3A_1525 : vector<1x16xf32> to vector<16xf32>
        %mul3A_1527 = vector.broadcast %squeeze3A_1485 : f32 to vector<16xf32>
        %mul3A_1528 = arith.mulf %get3A_1526, %mul3A_1527 : vector<16xf32>
        %swap3A_1529 = arith.index_cast %add3A_1489 : i32 to index
        %swap3A_1530 = arith.constant 48 : index
        %swap3A_1531 = tpu.vector_load %arg15[%swap3A_1529, %swap3A_1530] {strides = array<i32>} : memref<128x128xf32, #tpu.memory_space<vmem>>, vector<1x16xf32>,
        %swap3A_1532 = vector.shape_cast %swap3A_1531 : vector<1x16xf32> to vector<16xf32>
        %swap3A_1533 = vector.shape_cast %mul3A_1528 : vector<16xf32> to vector<1x16xf32>
        tpu.vector_store %arg15[%swap3A_1529, %swap3A_1530], %swap3A_1533 {strides = array<i32>} : memref<128x128xf32, #tpu.memory_space<vmem>>, vector<1x16xf32>,
        %get3A_1534 = arith.index_cast %add3A_1489 : i32 to index
        %get3A_1535 = arith.constant 64 : index
        %get3A_1536 = tpu.vector_load %arg15[%get3A_1534, %get3A_1535] {strides = array<i32>} : memref<128x128xf32, #tpu.memory_space<vmem>>, vector<1x16xf32>,
        %get3A_1537 = vector.shape_cast %get3A_1536 : vector<1x16xf32> to vector<16xf32>
        %mul3A_1538 = vector.broadcast %squeeze3A_1485 : f32 to vector<16xf32>
        %mul3A_1539 = arith.mulf %get3A_1537, %mul3A_1538 : vector<16xf32>
        %swap3A_1540 = arith.index_cast %add3A_1489 : i32 to index
        %swap3A_1541 = arith.constant 64 : index
        %swap3A_1542 = tpu.vector_load %arg15[%swap3A_1540, %swap3A_1541] {strides = array<i32>} : memref<128x128xf32, #tpu.memory_space<vmem>>, vector<1x16xf32>,
        %swap3A_1543 = vector.shape_cast %swap3A_1542 : vector<1x16xf32> to vector<16xf32>
        %swap3A_1544 = vector.shape_cast %mul3A_1539 : vector<16xf32> to vector<1x16xf32>
        tpu.vector_store %arg15[%swap3A_1540, %swap3A_1541], %swap3A_1544 {strides = array<i32>} : memref<128x128xf32, #tpu.memory_space<vmem>>, vector<1x16xf32>,
        %get3A_1545 = arith.index_cast %add3A_1489 : i32 to index
        %get3A_1546 = arith.constant 80 : index
        %get3A_1547 = tpu.vector_load %arg15[%get3A_1545, %get3A_1546] {strides = array<i32>} : memref<128x128xf32, #tpu.memory_space<vmem>>, vector<1x16xf32>,
        %get3A_1548 = vector.shape_cast %get3A_1547 : vector<1x16xf32> to vector<16xf32>
        %mul3A_1549 = vector.broadcast %squeeze3A_1485 : f32 to vector<16xf32>
        %mul3A_1550 = arith.mulf %get3A_1548, %mul3A_1549 : vector<16xf32>
        %swap3A_1551 = arith.index_cast %add3A_1489 : i32 to index
        %swap3A_1552 = arith.constant 80 : index
        %swap3A_1553 = tpu.vector_load %arg15[%swap3A_1551, %swap3A_1552] {strides = array<i32>} : memref<128x128xf32, #tpu.memory_space<vmem>>, vector<1x16xf32>,
        %swap3A_1554 = vector.shape_cast %swap3A_1553 : vector<1x16xf32> to vector<16xf32>
        %swap3A_1555 = vector.shape_cast %mul3A_1550 : vector<16xf32> to vector<1x16xf32>
        tpu.vector_store %arg15[%swap3A_1551, %swap3A_1552], %swap3A_1555 {strides = array<i32>} : memref<128x128xf32, #tpu.memory_space<vmem>>, vector<1x16xf32>,
        %get3A_1556 = arith.index_cast %add3A_1489 : i32 to index
        %get3A_1557 = arith.constant 96 : index
        %get3A_1558 = tpu.vector_load %arg15[%get3A_1556, %get3A_1557] {strides = array<i32>} : memref<128x128xf32, #tpu.memory_space<vmem>>, vector<1x16xf32>,
        %get3A_1559 = vector.shape_cast %get3A_1558 : vector<1x16xf32> to vector<16xf32>
        %mul3A_1560 = vector.broadcast %squeeze3A_1485 : f32 to vector<16xf32>
        %mul3A_1561 = arith.mulf %get3A_1559, %mul3A_1560 : vector<16xf32>
        %swap3A_1562 = arith.index_cast %add3A_1489 : i32 to index
        %swap3A_1563 = arith.constant 96 : index
        %swap3A_1564 = tpu.vector_load %arg15[%swap3A_1562, %swap3A_1563] {strides = array<i32>} : memref<128x128xf32, #tpu.memory_space<vmem>>, vector<1x16xf32>,
        %swap3A_1565 = vector.shape_cast %swap3A_1564 : vector<1x16xf32> to vector<16xf32>
        %swap3A_1566 = vector.shape_cast %mul3A_1561 : vector<16xf32> to vector<1x16xf32>
        tpu.vector_store %arg15[%swap3A_1562, %swap3A_1563], %swap3A_1566 {strides = array<i32>} : memref<128x128xf32, #tpu.memory_space<vmem>>, vector<1x16xf32>,
        %get3A_1567 = arith.index_cast %add3A_1489 : i32 to index
        %get3A_1568 = arith.constant 112 : index
        %get3A_1569 = tpu.vector_load %arg15[%get3A_1567, %get3A_1568] {strides = array<i32>} : memref<128x128xf32, #tpu.memory_space<vmem>>, vector<1x16xf32>,
        %get3A_1570 = vector.shape_cast %get3A_1569 : vector<1x16xf32> to vector<16xf32>
        %mul3A_1571 = vector.broadcast %squeeze3A_1485 : f32 to vector<16xf32>
        %mul3A_1572 = arith.mulf %get3A_1570, %mul3A_1571 : vector<16xf32>
        %swap3A_1573 = arith.index_cast %add3A_1489 : i32 to index
        %swap3A_1574 = arith.constant 112 : index
        %swap3A_1575 = tpu.vector_load %arg15[%swap3A_1573, %swap3A_1574] {strides = array<i32>} : memref<128x128xf32, #tpu.memory_space<vmem>>, vector<1x16xf32>,
        %swap3A_1576 = vector.shape_cast %swap3A_1575 : vector<1x16xf32> to vector<16xf32>
        %swap3A_1577 = vector.shape_cast %mul3A_1572 : vector<16xf32> to vector<1x16xf32>
        tpu.vector_store %arg15[%swap3A_1573, %swap3A_1574], %swap3A_1577 {strides = array<i32>} : memref<128x128xf32, #tpu.memory_space<vmem>>, vector<1x16xf32>,
        %slice3A_1578 = vector.extract_strided_slice %get3A_357 {offsets = [13], sizes = [1], strides = [1]} : vector<16xf32> to vector<1xf32>
        %squeeze3A_1579 = vector.extract %slice3A_1578[0] : f32 from vector<1xf32>
        %mul3A_1580 = arith.constant 16 : i32
        %mul3A_1581 = arith.muli %scan3A_352, %mul3A_1580 : i32
        %add3A_1582 = arith.constant 13 : i32
        %add3A_1583 = arith.addi %mul3A_1581, %add3A_1582 : i32
        %get3A_1584 = arith.index_cast %add3A_1583 : i32 to index
        %get3A_1585 = arith.constant 0 : index
        %get3A_1586 = tpu.vector_load %arg15[%get3A_1584, %get3A_1585] {strides = array<i32>} : memref<128x128xf32, #tpu.memory_space<vmem>>, vector<1x16xf32>,
        %get3A_1587 = vector.shape_cast %get3A_1586 : vector<1x16xf32> to vector<16xf32>
        %mul3A_1588 = vector.broadcast %squeeze3A_1579 : f32 to vector<16xf32>
        %mul3A_1589 = arith.mulf %get3A_1587, %mul3A_1588 : vector<16xf32>
        %swap3A_1590 = arith.index_cast %add3A_1583 : i32 to index
        %swap3A_1591 = arith.constant 0 : index
        %swap3A_1592 = tpu.vector_load %arg15[%swap3A_1590, %swap3A_1591] {strides = array<i32>} : memref<128x128xf32, #tpu.memory_space<vmem>>, vector<1x16xf32>,
        %swap3A_1593 = vector.shape_cast %swap3A_1592 : vector<1x16xf32> to vector<16xf32>
        %swap3A_1594 = vector.shape_cast %mul3A_1589 : vector<16xf32> to vector<1x16xf32>
        tpu.vector_store %arg15[%swap3A_1590, %swap3A_1591], %swap3A_1594 {strides = array<i32>} : memref<128x128xf32, #tpu.memory_space<vmem>>, vector<1x16xf32>,
        %get3A_1595 = arith.index_cast %add3A_1583 : i32 to index
        %get3A_1596 = arith.constant 16 : index
        %get3A_1597 = tpu.vector_load %arg15[%get3A_1595, %get3A_1596] {strides = array<i32>} : memref<128x128xf32, #tpu.memory_space<vmem>>, vector<1x16xf32>,
        %get3A_1598 = vector.shape_cast %get3A_1597 : vector<1x16xf32> to vector<16xf32>
        %mul3A_1599 = vector.broadcast %squeeze3A_1579 : f32 to vector<16xf32>
        %mul3A_1600 = arith.mulf %get3A_1598, %mul3A_1599 : vector<16xf32>
        %swap3A_1601 = arith.index_cast %add3A_1583 : i32 to index
        %swap3A_1602 = arith.constant 16 : index
        %swap3A_1603 = tpu.vector_load %arg15[%swap3A_1601, %swap3A_1602] {strides = array<i32>} : memref<128x128xf32, #tpu.memory_space<vmem>>, vector<1x16xf32>,
        %swap3A_1604 = vector.shape_cast %swap3A_1603 : vector<1x16xf32> to vector<16xf32>
        %swap3A_1605 = vector.shape_cast %mul3A_1600 : vector<16xf32> to vector<1x16xf32>
        tpu.vector_store %arg15[%swap3A_1601, %swap3A_1602], %swap3A_1605 {strides = array<i32>} : memref<128x128xf32, #tpu.memory_space<vmem>>, vector<1x16xf32>,
        %get3A_1606 = arith.index_cast %add3A_1583 : i32 to index
        %get3A_1607 = arith.constant 32 : index
        %get3A_1608 = tpu.vector_load %arg15[%get3A_1606, %get3A_1607] {strides = array<i32>} : memref<128x128xf32, #tpu.memory_space<vmem>>, vector<1x16xf32>,
        %get3A_1609 = vector.shape_cast %get3A_1608 : vector<1x16xf32> to vector<16xf32>
        %mul3A_1610 = vector.broadcast %squeeze3A_1579 : f32 to vector<16xf32>
        %mul3A_1611 = arith.mulf %get3A_1609, %mul3A_1610 : vector<16xf32>
        %swap3A_1612 = arith.index_cast %add3A_1583 : i32 to index
        %swap3A_1613 = arith.constant 32 : index
        %swap3A_1614 = tpu.vector_load %arg15[%swap3A_1612, %swap3A_1613] {strides = array<i32>} : memref<128x128xf32, #tpu.memory_space<vmem>>, vector<1x16xf32>,
        %swap3A_1615 = vector.shape_cast %swap3A_1614 : vector<1x16xf32> to vector<16xf32>
        %swap3A_1616 = vector.shape_cast %mul3A_1611 : vector<16xf32> to vector<1x16xf32>
        tpu.vector_store %arg15[%swap3A_1612, %swap3A_1613], %swap3A_1616 {strides = array<i32>} : memref<128x128xf32, #tpu.memory_space<vmem>>, vector<1x16xf32>,
        %get3A_1617 = arith.index_cast %add3A_1583 : i32 to index
        %get3A_1618 = arith.constant 48 : index
        %get3A_1619 = tpu.vector_load %arg15[%get3A_1617, %get3A_1618] {strides = array<i32>} : memref<128x128xf32, #tpu.memory_space<vmem>>, vector<1x16xf32>,
        %get3A_1620 = vector.shape_cast %get3A_1619 : vector<1x16xf32> to vector<16xf32>
        %mul3A_1621 = vector.broadcast %squeeze3A_1579 : f32 to vector<16xf32>
        %mul3A_1622 = arith.mulf %get3A_1620, %mul3A_1621 : vector<16xf32>
        %swap3A_1623 = arith.index_cast %add3A_1583 : i32 to index
        %swap3A_1624 = arith.constant 48 : index
        %swap3A_1625 = tpu.vector_load %arg15[%swap3A_1623, %swap3A_1624] {strides = array<i32>} : memref<128x128xf32, #tpu.memory_space<vmem>>, vector<1x16xf32>,
        %swap3A_1626 = vector.shape_cast %swap3A_1625 : vector<1x16xf32> to vector<16xf32>
        %swap3A_1627 = vector.shape_cast %mul3A_1622 : vector<16xf32> to vector<1x16xf32>
        tpu.vector_store %arg15[%swap3A_1623, %swap3A_1624], %swap3A_1627 {strides = array<i32>} : memref<128x128xf32, #tpu.memory_space<vmem>>, vector<1x16xf32>,
        %get3A_1628 = arith.index_cast %add3A_1583 : i32 to index
        %get3A_1629 = arith.constant 64 : index
        %get3A_1630 = tpu.vector_load %arg15[%get3A_1628, %get3A_1629] {strides = array<i32>} : memref<128x128xf32, #tpu.memory_space<vmem>>, vector<1x16xf32>,
        %get3A_1631 = vector.shape_cast %get3A_1630 : vector<1x16xf32> to vector<16xf32>
        %mul3A_1632 = vector.broadcast %squeeze3A_1579 : f32 to vector<16xf32>
        %mul3A_1633 = arith.mulf %get3A_1631, %mul3A_1632 : vector<16xf32>
        %swap3A_1634 = arith.index_cast %add3A_1583 : i32 to index
        %swap3A_1635 = arith.constant 64 : index
        %swap3A_1636 = tpu.vector_load %arg15[%swap3A_1634, %swap3A_1635] {strides = array<i32>} : memref<128x128xf32, #tpu.memory_space<vmem>>, vector<1x16xf32>,
        %swap3A_1637 = vector.shape_cast %swap3A_1636 : vector<1x16xf32> to vector<16xf32>
        %swap3A_1638 = vector.shape_cast %mul3A_1633 : vector<16xf32> to vector<1x16xf32>
        tpu.vector_store %arg15[%swap3A_1634, %swap3A_1635], %swap3A_1638 {strides = array<i32>} : memref<128x128xf32, #tpu.memory_space<vmem>>, vector<1x16xf32>,
        %get3A_1639 = arith.index_cast %add3A_1583 : i32 to index
        %get3A_1640 = arith.constant 80 : index
        %get3A_1641 = tpu.vector_load %arg15[%get3A_1639, %get3A_1640] {strides = array<i32>} : memref<128x128xf32, #tpu.memory_space<vmem>>, vector<1x16xf32>,
        %get3A_1642 = vector.shape_cast %get3A_1641 : vector<1x16xf32> to vector<16xf32>
        %mul3A_1643 = vector.broadcast %squeeze3A_1579 : f32 to vector<16xf32>
        %mul3A_1644 = arith.mulf %get3A_1642, %mul3A_1643 : vector<16xf32>
        %swap3A_1645 = arith.index_cast %add3A_1583 : i32 to index
        %swap3A_1646 = arith.constant 80 : index
        %swap3A_1647 = tpu.vector_load %arg15[%swap3A_1645, %swap3A_1646] {strides = array<i32>} : memref<128x128xf32, #tpu.memory_space<vmem>>, vector<1x16xf32>,
        %swap3A_1648 = vector.shape_cast %swap3A_1647 : vector<1x16xf32> to vector<16xf32>
        %swap3A_1649 = vector.shape_cast %mul3A_1644 : vector<16xf32> to vector<1x16xf32>
        tpu.vector_store %arg15[%swap3A_1645, %swap3A_1646], %swap3A_1649 {strides = array<i32>} : memref<128x128xf32, #tpu.memory_space<vmem>>, vector<1x16xf32>,
        %get3A_1650 = arith.index_cast %add3A_1583 : i32 to index
        %get3A_1651 = arith.constant 96 : index
        %get3A_1652 = tpu.vector_load %arg15[%get3A_1650, %get3A_1651] {strides = array<i32>} : memref<128x128xf32, #tpu.memory_space<vmem>>, vector<1x16xf32>,
        %get3A_1653 = vector.shape_cast %get3A_1652 : vector<1x16xf32> to vector<16xf32>
        %mul3A_1654 = vector.broadcast %squeeze3A_1579 : f32 to vector<16xf32>
        %mul3A_1655 = arith.mulf %get3A_1653, %mul3A_1654 : vector<16xf32>
        %swap3A_1656 = arith.index_cast %add3A_1583 : i32 to index
        %swap3A_1657 = arith.constant 96 : index
        %swap3A_1658 = tpu.vector_load %arg15[%swap3A_1656, %swap3A_1657] {strides = array<i32>} : memref<128x128xf32, #tpu.memory_space<vmem>>, vector<1x16xf32>,
        %swap3A_1659 = vector.shape_cast %swap3A_1658 : vector<1x16xf32> to vector<16xf32>
        %swap3A_1660 = vector.shape_cast %mul3A_1655 : vector<16xf32> to vector<1x16xf32>
        tpu.vector_store %arg15[%swap3A_1656, %swap3A_1657], %swap3A_1660 {strides = array<i32>} : memref<128x128xf32, #tpu.memory_space<vmem>>, vector<1x16xf32>,
        %get3A_1661 = arith.index_cast %add3A_1583 : i32 to index
        %get3A_1662 = arith.constant 112 : index
        %get3A_1663 = tpu.vector_load %arg15[%get3A_1661, %get3A_1662] {strides = array<i32>} : memref<128x128xf32, #tpu.memory_space<vmem>>, vector<1x16xf32>,
        %get3A_1664 = vector.shape_cast %get3A_1663 : vector<1x16xf32> to vector<16xf32>
        %mul3A_1665 = vector.broadcast %squeeze3A_1579 : f32 to vector<16xf32>
        %mul3A_1666 = arith.mulf %get3A_1664, %mul3A_1665 : vector<16xf32>
        %swap3A_1667 = arith.index_cast %add3A_1583 : i32 to index
        %swap3A_1668 = arith.constant 112 : index
        %swap3A_1669 = tpu.vector_load %arg15[%swap3A_1667, %swap3A_1668] {strides = array<i32>} : memref<128x128xf32, #tpu.memory_space<vmem>>, vector<1x16xf32>,
        %swap3A_1670 = vector.shape_cast %swap3A_1669 : vector<1x16xf32> to vector<16xf32>
        %swap3A_1671 = vector.shape_cast %mul3A_1666 : vector<16xf32> to vector<1x16xf32>
        tpu.vector_store %arg15[%swap3A_1667, %swap3A_1668], %swap3A_1671 {strides = array<i32>} : memref<128x128xf32, #tpu.memory_space<vmem>>, vector<1x16xf32>,
        %slice3A_1672 = vector.extract_strided_slice %get3A_357 {offsets = [14], sizes = [1], strides = [1]} : vector<16xf32> to vector<1xf32>
        %squeeze3A_1673 = vector.extract %slice3A_1672[0] : f32 from vector<1xf32>
        %mul3A_1674 = arith.constant 16 : i32
        %mul3A_1675 = arith.muli %scan3A_352, %mul3A_1674 : i32
        %add3A_1676 = arith.constant 14 : i32
        %add3A_1677 = arith.addi %mul3A_1675, %add3A_1676 : i32
        %get3A_1678 = arith.index_cast %add3A_1677 : i32 to index
        %get3A_1679 = arith.constant 0 : index
        %get3A_1680 = tpu.vector_load %arg15[%get3A_1678, %get3A_1679] {strides = array<i32>} : memref<128x128xf32, #tpu.memory_space<vmem>>, vector<1x16xf32>,
        %get3A_1681 = vector.shape_cast %get3A_1680 : vector<1x16xf32> to vector<16xf32>
        %mul3A_1682 = vector.broadcast %squeeze3A_1673 : f32 to vector<16xf32>
        %mul3A_1683 = arith.mulf %get3A_1681, %mul3A_1682 : vector<16xf32>
        %swap3A_1684 = arith.index_cast %add3A_1677 : i32 to index
        %swap3A_1685 = arith.constant 0 : index
        %swap3A_1686 = tpu.vector_load %arg15[%swap3A_1684, %swap3A_1685] {strides = array<i32>} : memref<128x128xf32, #tpu.memory_space<vmem>>, vector<1x16xf32>,
        %swap3A_1687 = vector.shape_cast %swap3A_1686 : vector<1x16xf32> to vector<16xf32>
        %swap3A_1688 = vector.shape_cast %mul3A_1683 : vector<16xf32> to vector<1x16xf32>
        tpu.vector_store %arg15[%swap3A_1684, %swap3A_1685], %swap3A_1688 {strides = array<i32>} : memref<128x128xf32, #tpu.memory_space<vmem>>, vector<1x16xf32>,
        %get3A_1689 = arith.index_cast %add3A_1677 : i32 to index
        %get3A_1690 = arith.constant 16 : index
        %get3A_1691 = tpu.vector_load %arg15[%get3A_1689, %get3A_1690] {strides = array<i32>} : memref<128x128xf32, #tpu.memory_space<vmem>>, vector<1x16xf32>,
        %get3A_1692 = vector.shape_cast %get3A_1691 : vector<1x16xf32> to vector<16xf32>
        %mul3A_1693 = vector.broadcast %squeeze3A_1673 : f32 to vector<16xf32>
        %mul3A_1694 = arith.mulf %get3A_1692, %mul3A_1693 : vector<16xf32>
        %swap3A_1695 = arith.index_cast %add3A_1677 : i32 to index
        %swap3A_1696 = arith.constant 16 : index
        %swap3A_1697 = tpu.vector_load %arg15[%swap3A_1695, %swap3A_1696] {strides = array<i32>} : memref<128x128xf32, #tpu.memory_space<vmem>>, vector<1x16xf32>,
        %swap3A_1698 = vector.shape_cast %swap3A_1697 : vector<1x16xf32> to vector<16xf32>
        %swap3A_1699 = vector.shape_cast %mul3A_1694 : vector<16xf32> to vector<1x16xf32>
        tpu.vector_store %arg15[%swap3A_1695, %swap3A_1696], %swap3A_1699 {strides = array<i32>} : memref<128x128xf32, #tpu.memory_space<vmem>>, vector<1x16xf32>,
        %get3A_1700 = arith.index_cast %add3A_1677 : i32 to index
        %get3A_1701 = arith.constant 32 : index
        %get3A_1702 = tpu.vector_load %arg15[%get3A_1700, %get3A_1701] {strides = array<i32>} : memref<128x128xf32, #tpu.memory_space<vmem>>, vector<1x16xf32>,
        %get3A_1703 = vector.shape_cast %get3A_1702 : vector<1x16xf32> to vector<16xf32>
        %mul3A_1704 = vector.broadcast %squeeze3A_1673 : f32 to vector<16xf32>
        %mul3A_1705 = arith.mulf %get3A_1703, %mul3A_1704 : vector<16xf32>
        %swap3A_1706 = arith.index_cast %add3A_1677 : i32 to index
        %swap3A_1707 = arith.constant 32 : index
        %swap3A_1708 = tpu.vector_load %arg15[%swap3A_1706, %swap3A_1707] {strides = array<i32>} : memref<128x128xf32, #tpu.memory_space<vmem>>, vector<1x16xf32>,
        %swap3A_1709 = vector.shape_cast %swap3A_1708 : vector<1x16xf32> to vector<16xf32>
        %swap3A_1710 = vector.shape_cast %mul3A_1705 : vector<16xf32> to vector<1x16xf32>
        tpu.vector_store %arg15[%swap3A_1706, %swap3A_1707], %swap3A_1710 {strides = array<i32>} : memref<128x128xf32, #tpu.memory_space<vmem>>, vector<1x16xf32>,
        %get3A_1711 = arith.index_cast %add3A_1677 : i32 to index
        %get3A_1712 = arith.constant 48 : index
        %get3A_1713 = tpu.vector_load %arg15[%get3A_1711, %get3A_1712] {strides = array<i32>} : memref<128x128xf32, #tpu.memory_space<vmem>>, vector<1x16xf32>,
        %get3A_1714 = vector.shape_cast %get3A_1713 : vector<1x16xf32> to vector<16xf32>
        %mul3A_1715 = vector.broadcast %squeeze3A_1673 : f32 to vector<16xf32>
        %mul3A_1716 = arith.mulf %get3A_1714, %mul3A_1715 : vector<16xf32>
        %swap3A_1717 = arith.index_cast %add3A_1677 : i32 to index
        %swap3A_1718 = arith.constant 48 : index
        %swap3A_1719 = tpu.vector_load %arg15[%swap3A_1717, %swap3A_1718] {strides = array<i32>} : memref<128x128xf32, #tpu.memory_space<vmem>>, vector<1x16xf32>,
        %swap3A_1720 = vector.shape_cast %swap3A_1719 : vector<1x16xf32> to vector<16xf32>
        %swap3A_1721 = vector.shape_cast %mul3A_1716 : vector<16xf32> to vector<1x16xf32>
        tpu.vector_store %arg15[%swap3A_1717, %swap3A_1718], %swap3A_1721 {strides = array<i32>} : memref<128x128xf32, #tpu.memory_space<vmem>>, vector<1x16xf32>,
        %get3A_1722 = arith.index_cast %add3A_1677 : i32 to index
        %get3A_1723 = arith.constant 64 : index
        %get3A_1724 = tpu.vector_load %arg15[%get3A_1722, %get3A_1723] {strides = array<i32>} : memref<128x128xf32, #tpu.memory_space<vmem>>, vector<1x16xf32>,
        %get3A_1725 = vector.shape_cast %get3A_1724 : vector<1x16xf32> to vector<16xf32>
        %mul3A_1726 = vector.broadcast %squeeze3A_1673 : f32 to vector<16xf32>
        %mul3A_1727 = arith.mulf %get3A_1725, %mul3A_1726 : vector<16xf32>
        %swap3A_1728 = arith.index_cast %add3A_1677 : i32 to index
        %swap3A_1729 = arith.constant 64 : index
        %swap3A_1730 = tpu.vector_load %arg15[%swap3A_1728, %swap3A_1729] {strides = array<i32>} : memref<128x128xf32, #tpu.memory_space<vmem>>, vector<1x16xf32>,
        %swap3A_1731 = vector.shape_cast %swap3A_1730 : vector<1x16xf32> to vector<16xf32>
        %swap3A_1732 = vector.shape_cast %mul3A_1727 : vector<16xf32> to vector<1x16xf32>
        tpu.vector_store %arg15[%swap3A_1728, %swap3A_1729], %swap3A_1732 {strides = array<i32>} : memref<128x128xf32, #tpu.memory_space<vmem>>, vector<1x16xf32>,
        %get3A_1733 = arith.index_cast %add3A_1677 : i32 to index
        %get3A_1734 = arith.constant 80 : index
        %get3A_1735 = tpu.vector_load %arg15[%get3A_1733, %get3A_1734] {strides = array<i32>} : memref<128x128xf32, #tpu.memory_space<vmem>>, vector<1x16xf32>,
        %get3A_1736 = vector.shape_cast %get3A_1735 : vector<1x16xf32> to vector<16xf32>
        %mul3A_1737 = vector.broadcast %squeeze3A_1673 : f32 to vector<16xf32>
        %mul3A_1738 = arith.mulf %get3A_1736, %mul3A_1737 : vector<16xf32>
        %swap3A_1739 = arith.index_cast %add3A_1677 : i32 to index
        %swap3A_1740 = arith.constant 80 : index
        %swap3A_1741 = tpu.vector_load %arg15[%swap3A_1739, %swap3A_1740] {strides = array<i32>} : memref<128x128xf32, #tpu.memory_space<vmem>>, vector<1x16xf32>,
        %swap3A_1742 = vector.shape_cast %swap3A_1741 : vector<1x16xf32> to vector<16xf32>
        %swap3A_1743 = vector.shape_cast %mul3A_1738 : vector<16xf32> to vector<1x16xf32>
        tpu.vector_store %arg15[%swap3A_1739, %swap3A_1740], %swap3A_1743 {strides = array<i32>} : memref<128x128xf32, #tpu.memory_space<vmem>>, vector<1x16xf32>,
        %get3A_1744 = arith.index_cast %add3A_1677 : i32 to index
        %get3A_1745 = arith.constant 96 : index
        %get3A_1746 = tpu.vector_load %arg15[%get3A_1744, %get3A_1745] {strides = array<i32>} : memref<128x128xf32, #tpu.memory_space<vmem>>, vector<1x16xf32>,
        %get3A_1747 = vector.shape_cast %get3A_1746 : vector<1x16xf32> to vector<16xf32>
        %mul3A_1748 = vector.broadcast %squeeze3A_1673 : f32 to vector<16xf32>
        %mul3A_1749 = arith.mulf %get3A_1747, %mul3A_1748 : vector<16xf32>
        %swap3A_1750 = arith.index_cast %add3A_1677 : i32 to index
        %swap3A_1751 = arith.constant 96 : index
        %swap3A_1752 = tpu.vector_load %arg15[%swap3A_1750, %swap3A_1751] {strides = array<i32>} : memref<128x128xf32, #tpu.memory_space<vmem>>, vector<1x16xf32>,
        %swap3A_1753 = vector.shape_cast %swap3A_1752 : vector<1x16xf32> to vector<16xf32>
        %swap3A_1754 = vector.shape_cast %mul3A_1749 : vector<16xf32> to vector<1x16xf32>
        tpu.vector_store %arg15[%swap3A_1750, %swap3A_1751], %swap3A_1754 {strides = array<i32>} : memref<128x128xf32, #tpu.memory_space<vmem>>, vector<1x16xf32>,
        %get3A_1755 = arith.index_cast %add3A_1677 : i32 to index
        %get3A_1756 = arith.constant 112 : index
        %get3A_1757 = tpu.vector_load %arg15[%get3A_1755, %get3A_1756] {strides = array<i32>} : memref<128x128xf32, #tpu.memory_space<vmem>>, vector<1x16xf32>,
        %get3A_1758 = vector.shape_cast %get3A_1757 : vector<1x16xf32> to vector<16xf32>
        %mul3A_1759 = vector.broadcast %squeeze3A_1673 : f32 to vector<16xf32>
        %mul3A_1760 = arith.mulf %get3A_1758, %mul3A_1759 : vector<16xf32>
        %swap3A_1761 = arith.index_cast %add3A_1677 : i32 to index
        %swap3A_1762 = arith.constant 112 : index
        %swap3A_1763 = tpu.vector_load %arg15[%swap3A_1761, %swap3A_1762] {strides = array<i32>} : memref<128x128xf32, #tpu.memory_space<vmem>>, vector<1x16xf32>,
        %swap3A_1764 = vector.shape_cast %swap3A_1763 : vector<1x16xf32> to vector<16xf32>
        %swap3A_1765 = vector.shape_cast %mul3A_1760 : vector<16xf32> to vector<1x16xf32>
        tpu.vector_store %arg15[%swap3A_1761, %swap3A_1762], %swap3A_1765 {strides = array<i32>} : memref<128x128xf32, #tpu.memory_space<vmem>>, vector<1x16xf32>,
        %slice3A_1766 = vector.extract_strided_slice %get3A_357 {offsets = [15], sizes = [1], strides = [1]} : vector<16xf32> to vector<1xf32>
        %squeeze3A_1767 = vector.extract %slice3A_1766[0] : f32 from vector<1xf32>
        %mul3A_1768 = arith.constant 16 : i32
        %mul3A_1769 = arith.muli %scan3A_352, %mul3A_1768 : i32
        %add3A_1770 = arith.constant 15 : i32
        %add3A_1771 = arith.addi %mul3A_1769, %add3A_1770 : i32
        %get3A_1772 = arith.index_cast %add3A_1771 : i32 to index
        %get3A_1773 = arith.constant 0 : index
        %get3A_1774 = tpu.vector_load %arg15[%get3A_1772, %get3A_1773] {strides = array<i32>} : memref<128x128xf32, #tpu.memory_space<vmem>>, vector<1x16xf32>,
        %get3A_1775 = vector.shape_cast %get3A_1774 : vector<1x16xf32> to vector<16xf32>
        %mul3A_1776 = vector.broadcast %squeeze3A_1767 : f32 to vector<16xf32>
        %mul3A_1777 = arith.mulf %get3A_1775, %mul3A_1776 : vector<16xf32>
        %swap3A_1778 = arith.index_cast %add3A_1771 : i32 to index
        %swap3A_1779 = arith.constant 0 : index
        %swap3A_1780 = tpu.vector_load %arg15[%swap3A_1778, %swap3A_1779] {strides = array<i32>} : memref<128x128xf32, #tpu.memory_space<vmem>>, vector<1x16xf32>,
        %swap3A_1781 = vector.shape_cast %swap3A_1780 : vector<1x16xf32> to vector<16xf32>
        %swap3A_1782 = vector.shape_cast %mul3A_1777 : vector<16xf32> to vector<1x16xf32>
        tpu.vector_store %arg15[%swap3A_1778, %swap3A_1779], %swap3A_1782 {strides = array<i32>} : memref<128x128xf32, #tpu.memory_space<vmem>>, vector<1x16xf32>,
        %get3A_1783 = arith.index_cast %add3A_1771 : i32 to index
        %get3A_1784 = arith.constant 16 : index
        %get3A_1785 = tpu.vector_load %arg15[%get3A_1783, %get3A_1784] {strides = array<i32>} : memref<128x128xf32, #tpu.memory_space<vmem>>, vector<1x16xf32>,
        %get3A_1786 = vector.shape_cast %get3A_1785 : vector<1x16xf32> to vector<16xf32>
        %mul3A_1787 = vector.broadcast %squeeze3A_1767 : f32 to vector<16xf32>
        %mul3A_1788 = arith.mulf %get3A_1786, %mul3A_1787 : vector<16xf32>
        %swap3A_1789 = arith.index_cast %add3A_1771 : i32 to index
        %swap3A_1790 = arith.constant 16 : index
        %swap3A_1791 = tpu.vector_load %arg15[%swap3A_1789, %swap3A_1790] {strides = array<i32>} : memref<128x128xf32, #tpu.memory_space<vmem>>, vector<1x16xf32>,
        %swap3A_1792 = vector.shape_cast %swap3A_1791 : vector<1x16xf32> to vector<16xf32>
        %swap3A_1793 = vector.shape_cast %mul3A_1788 : vector<16xf32> to vector<1x16xf32>
        tpu.vector_store %arg15[%swap3A_1789, %swap3A_1790], %swap3A_1793 {strides = array<i32>} : memref<128x128xf32, #tpu.memory_space<vmem>>, vector<1x16xf32>,
        %get3A_1794 = arith.index_cast %add3A_1771 : i32 to index
        %get3A_1795 = arith.constant 32 : index
        %get3A_1796 = tpu.vector_load %arg15[%get3A_1794, %get3A_1795] {strides = array<i32>} : memref<128x128xf32, #tpu.memory_space<vmem>>, vector<1x16xf32>,
        %get3A_1797 = vector.shape_cast %get3A_1796 : vector<1x16xf32> to vector<16xf32>
        %mul3A_1798 = vector.broadcast %squeeze3A_1767 : f32 to vector<16xf32>
        %mul3A_1799 = arith.mulf %get3A_1797, %mul3A_1798 : vector<16xf32>
        %swap3A_1800 = arith.index_cast %add3A_1771 : i32 to index
        %swap3A_1801 = arith.constant 32 : index
        %swap3A_1802 = tpu.vector_load %arg15[%swap3A_1800, %swap3A_1801] {strides = array<i32>} : memref<128x128xf32, #tpu.memory_space<vmem>>, vector<1x16xf32>,
        %swap3A_1803 = vector.shape_cast %swap3A_1802 : vector<1x16xf32> to vector<16xf32>
        %swap3A_1804 = vector.shape_cast %mul3A_1799 : vector<16xf32> to vector<1x16xf32>
        tpu.vector_store %arg15[%swap3A_1800, %swap3A_1801], %swap3A_1804 {strides = array<i32>} : memref<128x128xf32, #tpu.memory_space<vmem>>, vector<1x16xf32>,
        %get3A_1805 = arith.index_cast %add3A_1771 : i32 to index
        %get3A_1806 = arith.constant 48 : index
        %get3A_1807 = tpu.vector_load %arg15[%get3A_1805, %get3A_1806] {strides = array<i32>} : memref<128x128xf32, #tpu.memory_space<vmem>>, vector<1x16xf32>,
        %get3A_1808 = vector.shape_cast %get3A_1807 : vector<1x16xf32> to vector<16xf32>
        %mul3A_1809 = vector.broadcast %squeeze3A_1767 : f32 to vector<16xf32>
        %mul3A_1810 = arith.mulf %get3A_1808, %mul3A_1809 : vector<16xf32>
        %swap3A_1811 = arith.index_cast %add3A_1771 : i32 to index
        %swap3A_1812 = arith.constant 48 : index
        %swap3A_1813 = tpu.vector_load %arg15[%swap3A_1811, %swap3A_1812] {strides = array<i32>} : memref<128x128xf32, #tpu.memory_space<vmem>>, vector<1x16xf32>,
        %swap3A_1814 = vector.shape_cast %swap3A_1813 : vector<1x16xf32> to vector<16xf32>
        %swap3A_1815 = vector.shape_cast %mul3A_1810 : vector<16xf32> to vector<1x16xf32>
        tpu.vector_store %arg15[%swap3A_1811, %swap3A_1812], %swap3A_1815 {strides = array<i32>} : memref<128x128xf32, #tpu.memory_space<vmem>>, vector<1x16xf32>,
        %get3A_1816 = arith.index_cast %add3A_1771 : i32 to index
        %get3A_1817 = arith.constant 64 : index
        %get3A_1818 = tpu.vector_load %arg15[%get3A_1816, %get3A_1817] {strides = array<i32>} : memref<128x128xf32, #tpu.memory_space<vmem>>, vector<1x16xf32>,
        %get3A_1819 = vector.shape_cast %get3A_1818 : vector<1x16xf32> to vector<16xf32>
        %mul3A_1820 = vector.broadcast %squeeze3A_1767 : f32 to vector<16xf32>
        %mul3A_1821 = arith.mulf %get3A_1819, %mul3A_1820 : vector<16xf32>
        %swap3A_1822 = arith.index_cast %add3A_1771 : i32 to index
        %swap3A_1823 = arith.constant 64 : index
        %swap3A_1824 = tpu.vector_load %arg15[%swap3A_1822, %swap3A_1823] {strides = array<i32>} : memref<128x128xf32, #tpu.memory_space<vmem>>, vector<1x16xf32>,
        %swap3A_1825 = vector.shape_cast %swap3A_1824 : vector<1x16xf32> to vector<16xf32>
        %swap3A_1826 = vector.shape_cast %mul3A_1821 : vector<16xf32> to vector<1x16xf32>
        tpu.vector_store %arg15[%swap3A_1822, %swap3A_1823], %swap3A_1826 {strides = array<i32>} : memref<128x128xf32, #tpu.memory_space<vmem>>, vector<1x16xf32>,
        %get3A_1827 = arith.index_cast %add3A_1771 : i32 to index
        %get3A_1828 = arith.constant 80 : index
        %get3A_1829 = tpu.vector_load %arg15[%get3A_1827, %get3A_1828] {strides = array<i32>} : memref<128x128xf32, #tpu.memory_space<vmem>>, vector<1x16xf32>,
        %get3A_1830 = vector.shape_cast %get3A_1829 : vector<1x16xf32> to vector<16xf32>
        %mul3A_1831 = vector.broadcast %squeeze3A_1767 : f32 to vector<16xf32>
        %mul3A_1832 = arith.mulf %get3A_1830, %mul3A_1831 : vector<16xf32>
        %swap3A_1833 = arith.index_cast %add3A_1771 : i32 to index
        %swap3A_1834 = arith.constant 80 : index
        %swap3A_1835 = tpu.vector_load %arg15[%swap3A_1833, %swap3A_1834] {strides = array<i32>} : memref<128x128xf32, #tpu.memory_space<vmem>>, vector<1x16xf32>,
        %swap3A_1836 = vector.shape_cast %swap3A_1835 : vector<1x16xf32> to vector<16xf32>
        %swap3A_1837 = vector.shape_cast %mul3A_1832 : vector<16xf32> to vector<1x16xf32>
        tpu.vector_store %arg15[%swap3A_1833, %swap3A_1834], %swap3A_1837 {strides = array<i32>} : memref<128x128xf32, #tpu.memory_space<vmem>>, vector<1x16xf32>,
        %get3A_1838 = arith.index_cast %add3A_1771 : i32 to index
        %get3A_1839 = arith.constant 96 : index
        %get3A_1840 = tpu.vector_load %arg15[%get3A_1838, %get3A_1839] {strides = array<i32>} : memref<128x128xf32, #tpu.memory_space<vmem>>, vector<1x16xf32>,
        %get3A_1841 = vector.shape_cast %get3A_1840 : vector<1x16xf32> to vector<16xf32>
        %mul3A_1842 = vector.broadcast %squeeze3A_1767 : f32 to vector<16xf32>
        %mul3A_1843 = arith.mulf %get3A_1841, %mul3A_1842 : vector<16xf32>
        %swap3A_1844 = arith.index_cast %add3A_1771 : i32 to index
        %swap3A_1845 = arith.constant 96 : index
        %swap3A_1846 = tpu.vector_load %arg15[%swap3A_1844, %swap3A_1845] {strides = array<i32>} : memref<128x128xf32, #tpu.memory_space<vmem>>, vector<1x16xf32>,
        %swap3A_1847 = vector.shape_cast %swap3A_1846 : vector<1x16xf32> to vector<16xf32>
        %swap3A_1848 = vector.shape_cast %mul3A_1843 : vector<16xf32> to vector<1x16xf32>
        tpu.vector_store %arg15[%swap3A_1844, %swap3A_1845], %swap3A_1848 {strides = array<i32>} : memref<128x128xf32, #tpu.memory_space<vmem>>, vector<1x16xf32>,
        %get3A_1849 = arith.index_cast %add3A_1771 : i32 to index
        %get3A_1850 = arith.constant 112 : index
        %get3A_1851 = tpu.vector_load %arg15[%get3A_1849, %get3A_1850] {strides = array<i32>} : memref<128x128xf32, #tpu.memory_space<vmem>>, vector<1x16xf32>,
        %get3A_1852 = vector.shape_cast %get3A_1851 : vector<1x16xf32> to vector<16xf32>
        %mul3A_1853 = vector.broadcast %squeeze3A_1767 : f32 to vector<16xf32>
        %mul3A_1854 = arith.mulf %get3A_1852, %mul3A_1853 : vector<16xf32>
        %swap3A_1855 = arith.index_cast %add3A_1771 : i32 to index
        %swap3A_1856 = arith.constant 112 : index
        %swap3A_1857 = tpu.vector_load %arg15[%swap3A_1855, %swap3A_1856] {strides = array<i32>} : memref<128x128xf32, #tpu.memory_space<vmem>>, vector<1x16xf32>,
        %swap3A_1858 = vector.shape_cast %swap3A_1857 : vector<1x16xf32> to vector<16xf32>
        %swap3A_1859 = vector.shape_cast %mul3A_1854 : vector<16xf32> to vector<1x16xf32>
        tpu.vector_store %arg15[%swap3A_1855, %swap3A_1856], %swap3A_1859 {strides = array<i32>} : memref<128x128xf32, #tpu.memory_space<vmem>>, vector<1x16xf32>,
      }
      %scan3A_325 = arith.constant 8 : i32
      %dma_start3A_326 = arith.constant 0 : i32
      %dma_start3A_327 = arith.constant 0 : i32
      %dma_start3A_328 = tpu.memref_slice %arg7[%dma_start3A_326, %dma_start3A_327] : memref<10000x128xf32, #tpu.memory_space<vmem_shared>> -> memref<10000x128xf32, #tpu.memory_space<vmem_shared>>
      tpu.enqueue_indirect_dma source(%arg15 : memref<128x128xf32, #tpu.memory_space<vmem>>) target(%dma_start3A_328 : memref<10000x128xf32, #tpu.memory_space<vmem_shared>>) offsets(%arg11 : memref<128xi32, #tpu.memory_space<vmem>>) semaphore(%arg19 : memref<!tpu.dma_semaphore, #tpu.memory_space<semaphore_mem>>) {add = true}
      %dma_wait3A_329 = arith.constant 0 : i32
      %dma_wait3A_330 = arith.constant 0 : i32
      %dma_wait3A_331 = tpu.memref_slice %arg4[%dma_wait3A_329, %dma_wait3A_330] : memref<10000x128xf32, #tpu.memory_space<hbm>> -> memref<10000x128xf32, #tpu.memory_space<hbm>>
      tpu.wait_indirect_dma semaphore(%arg18 : memref<!tpu.dma_semaphore, #tpu.memory_space<semaphore_mem>>) src(%dma_wait3A_331 : memref<10000x128xf32, #tpu.memory_space<hbm>>) dst(%arg16 : memref<128x128xf32, #tpu.memory_space<vmem>>)
      %mul3A_332 = arith.constant 128 : i32
      %mul3A_333 = arith.muli %add3A_310, %mul3A_332 : i32
      %dma_wait3A_334 = tpu.memref_slice %arg3[%add3A, %mul3A_333] : memref<32x10240xf32, #tpu.memory_space<hbm>> -> memref<1x128xf32, #tpu.memory_space<hbm>>
      %dma_wait3A_335 = tpu.memref_squeeze %dma_wait3A_334 : memref<1x128xf32, #tpu.memory_space<hbm>> -> memref<128xf32, #tpu.memory_space<hbm>>
      %dma_wait3A_336 = tpu.memref_slice %arg3[%add3A, %mul3A_333] : memref<32x10240xf32, #tpu.memory_space<hbm>> -> memref<1x128xf32, #tpu.memory_space<hbm>>
      %dma_wait3A_337 = tpu.memref_squeeze %dma_wait3A_336 : memref<1x128xf32, #tpu.memory_space<hbm>> -> memref<128xf32, #tpu.memory_space<hbm>>
      tpu.wait_dma2 semaphore(%arg18 : memref<!tpu.dma_semaphore, #tpu.memory_space<semaphore_mem>>) src(%dma_wait3A_337 : memref<128xf32, #tpu.memory_space<hbm>>) dst(%arg14 : memref<128xf32, #tpu.memory_space<vmem>>)
      %scan3A_338 = arith.constant 0 : i32
      %scan3A_339 = arith.constant 0 : i32
      %scan3A_340 = arith.constant 8 : i32
      %scan3A_341 = arith.addi %scan3A_339, %scan3A_340 : i32
      %scan3A_342 = arith.constant 1 : i32
      scf.for %scan3A_352 = %scan3A_339 to %scan3A_341 step %scan3A_342  : i32 {
        %mul3A_353 = arith.constant 16 : i32
        %mul3A_354 = arith.muli %scan3A_352, %mul3A_353 : i32
        %get3A_355 = arith.index_cast %mul3A_354 : i32 to index
        %get3A_356 = tpu.vector_load %arg14[%get3A_355] {strides = array<i32>} : memref<128xf32, #tpu.memory_space<vmem>>, vector<16xf32>,
        %get3A_357 = vector.shape_cast %get3A_356 : vector<16xf32> to vector<16xf32>
        %slice3A = vector.extract_strided_slice %get3A_357 {offsets = [0], sizes = [1], strides = [1]} : vector<16xf32> to vector<1xf32>
        %squeeze3A = vector.extract %slice3A[0] : f32 from vector<1xf32>
        %mul3A_358 = arith.constant 16 : i32
        %mul3A_359 = arith.muli %scan3A_352, %mul3A_358 : i32
        %add3A_360 = arith.constant 0 : i32
        %add3A_361 = arith.addi %mul3A_359, %add3A_360 : i32
        %get3A_362 = arith.index_cast %add3A_361 : i32 to index
        %get3A_363 = arith.constant 0 : index
        %get3A_364 = tpu.vector_load %arg16[%get3A_362, %get3A_363] {strides = array<i32>} : memref<128x128xf32, #tpu.memory_space<vmem>>, vector<1x16xf32>,
        %get3A_365 = vector.shape_cast %get3A_364 : vector<1x16xf32> to vector<16xf32>
        %mul3A_366 = vector.broadcast %squeeze3A : f32 to vector<16xf32>
        %mul3A_367 = arith.mulf %get3A_365, %mul3A_366 : vector<16xf32>
        %swap3A_368 = arith.index_cast %add3A_361 : i32 to index
        %swap3A_369 = arith.constant 0 : index
        %swap3A_370 = tpu.vector_load %arg16[%swap3A_368, %swap3A_369] {strides = array<i32>} : memref<128x128xf32, #tpu.memory_space<vmem>>, vector<1x16xf32>,
        %swap3A_371 = vector.shape_cast %swap3A_370 : vector<1x16xf32> to vector<16xf32>
        %swap3A_372 = vector.shape_cast %mul3A_367 : vector<16xf32> to vector<1x16xf32>
        tpu.vector_store %arg16[%swap3A_368, %swap3A_369], %swap3A_372 {strides = array<i32>} : memref<128x128xf32, #tpu.memory_space<vmem>>, vector<1x16xf32>,
        %get3A_373 = arith.index_cast %add3A_361 : i32 to index
        %get3A_374 = arith.constant 16 : index
        %get3A_375 = tpu.vector_load %arg16[%get3A_373, %get3A_374] {strides = array<i32>} : memref<128x128xf32, #tpu.memory_space<vmem>>, vector<1x16xf32>,
        %get3A_376 = vector.shape_cast %get3A_375 : vector<1x16xf32> to vector<16xf32>
        %mul3A_377 = vector.broadcast %squeeze3A : f32 to vector<16xf32>
        %mul3A_378 = arith.mulf %get3A_376, %mul3A_377 : vector<16xf32>
        %swap3A_379 = arith.index_cast %add3A_361 : i32 to index
        %swap3A_380 = arith.constant 16 : index
        %swap3A_381 = tpu.vector_load %arg16[%swap3A_379, %swap3A_380] {strides = array<i32>} : memref<128x128xf32, #tpu.memory_space<vmem>>, vector<1x16xf32>,
        %swap3A_382 = vector.shape_cast %swap3A_381 : vector<1x16xf32> to vector<16xf32>
        %swap3A_383 = vector.shape_cast %mul3A_378 : vector<16xf32> to vector<1x16xf32>
        tpu.vector_store %arg16[%swap3A_379, %swap3A_380], %swap3A_383 {strides = array<i32>} : memref<128x128xf32, #tpu.memory_space<vmem>>, vector<1x16xf32>,
        %get3A_384 = arith.index_cast %add3A_361 : i32 to index
        %get3A_385 = arith.constant 32 : index
        %get3A_386 = tpu.vector_load %arg16[%get3A_384, %get3A_385] {strides = array<i32>} : memref<128x128xf32, #tpu.memory_space<vmem>>, vector<1x16xf32>,
        %get3A_387 = vector.shape_cast %get3A_386 : vector<1x16xf32> to vector<16xf32>
        %mul3A_388 = vector.broadcast %squeeze3A : f32 to vector<16xf32>
        %mul3A_389 = arith.mulf %get3A_387, %mul3A_388 : vector<16xf32>
        %swap3A_390 = arith.index_cast %add3A_361 : i32 to index
        %swap3A_391 = arith.constant 32 : index
        %swap3A_392 = tpu.vector_load %arg16[%swap3A_390, %swap3A_391] {strides = array<i32>} : memref<128x128xf32, #tpu.memory_space<vmem>>, vector<1x16xf32>,
        %swap3A_393 = vector.shape_cast %swap3A_392 : vector<1x16xf32> to vector<16xf32>
        %swap3A_394 = vector.shape_cast %mul3A_389 : vector<16xf32> to vector<1x16xf32>
        tpu.vector_store %arg16[%swap3A_390, %swap3A_391], %swap3A_394 {strides = array<i32>} : memref<128x128xf32, #tpu.memory_space<vmem>>, vector<1x16xf32>,
        %get3A_395 = arith.index_cast %add3A_361 : i32 to index
        %get3A_396 = arith.constant 48 : index
        %get3A_397 = tpu.vector_load %arg16[%get3A_395, %get3A_396] {strides = array<i32>} : memref<128x128xf32, #tpu.memory_space<vmem>>, vector<1x16xf32>,
        %get3A_398 = vector.shape_cast %get3A_397 : vector<1x16xf32> to vector<16xf32>
        %mul3A_399 = vector.broadcast %squeeze3A : f32 to vector<16xf32>
        %mul3A_400 = arith.mulf %get3A_398, %mul3A_399 : vector<16xf32>
        %swap3A_401 = arith.index_cast %add3A_361 : i32 to index
        %swap3A_402 = arith.constant 48 : index
        %swap3A_403 = tpu.vector_load %arg16[%swap3A_401, %swap3A_402] {strides = array<i32>} : memref<128x128xf32, #tpu.memory_space<vmem>>, vector<1x16xf32>,
        %swap3A_404 = vector.shape_cast %swap3A_403 : vector<1x16xf32> to vector<16xf32>
        %swap3A_405 = vector.shape_cast %mul3A_400 : vector<16xf32> to vector<1x16xf32>
        tpu.vector_store %arg16[%swap3A_401, %swap3A_402], %swap3A_405 {strides = array<i32>} : memref<128x128xf32, #tpu.memory_space<vmem>>, vector<1x16xf32>,
        %get3A_406 = arith.index_cast %add3A_361 : i32 to index
        %get3A_407 = arith.constant 64 : index
        %get3A_408 = tpu.vector_load %arg16[%get3A_406, %get3A_407] {strides = array<i32>} : memref<128x128xf32, #tpu.memory_space<vmem>>, vector<1x16xf32>,
        %get3A_409 = vector.shape_cast %get3A_408 : vector<1x16xf32> to vector<16xf32>
        %mul3A_410 = vector.broadcast %squeeze3A : f32 to vector<16xf32>
        %mul3A_411 = arith.mulf %get3A_409, %mul3A_410 : vector<16xf32>
        %swap3A_412 = arith.index_cast %add3A_361 : i32 to index
        %swap3A_413 = arith.constant 64 : index
        %swap3A_414 = tpu.vector_load %arg16[%swap3A_412, %swap3A_413] {strides = array<i32>} : memref<128x128xf32, #tpu.memory_space<vmem>>, vector<1x16xf32>,
        %swap3A_415 = vector.shape_cast %swap3A_414 : vector<1x16xf32> to vector<16xf32>
        %swap3A_416 = vector.shape_cast %mul3A_411 : vector<16xf32> to vector<1x16xf32>
        tpu.vector_store %arg16[%swap3A_412, %swap3A_413], %swap3A_416 {strides = array<i32>} : memref<128x128xf32, #tpu.memory_space<vmem>>, vector<1x16xf32>,
        %get3A_417 = arith.index_cast %add3A_361 : i32 to index
        %get3A_418 = arith.constant 80 : index
        %get3A_419 = tpu.vector_load %arg16[%get3A_417, %get3A_418] {strides = array<i32>} : memref<128x128xf32, #tpu.memory_space<vmem>>, vector<1x16xf32>,
        %get3A_420 = vector.shape_cast %get3A_419 : vector<1x16xf32> to vector<16xf32>
        %mul3A_421 = vector.broadcast %squeeze3A : f32 to vector<16xf32>
        %mul3A_422 = arith.mulf %get3A_420, %mul3A_421 : vector<16xf32>
        %swap3A_423 = arith.index_cast %add3A_361 : i32 to index
        %swap3A_424 = arith.constant 80 : index
        %swap3A_425 = tpu.vector_load %arg16[%swap3A_423, %swap3A_424] {strides = array<i32>} : memref<128x128xf32, #tpu.memory_space<vmem>>, vector<1x16xf32>,
        %swap3A_426 = vector.shape_cast %swap3A_425 : vector<1x16xf32> to vector<16xf32>
        %swap3A_427 = vector.shape_cast %mul3A_422 : vector<16xf32> to vector<1x16xf32>
        tpu.vector_store %arg16[%swap3A_423, %swap3A_424], %swap3A_427 {strides = array<i32>} : memref<128x128xf32, #tpu.memory_space<vmem>>, vector<1x16xf32>,
        %get3A_428 = arith.index_cast %add3A_361 : i32 to index
        %get3A_429 = arith.constant 96 : index
        %get3A_430 = tpu.vector_load %arg16[%get3A_428, %get3A_429] {strides = array<i32>} : memref<128x128xf32, #tpu.memory_space<vmem>>, vector<1x16xf32>,
        %get3A_431 = vector.shape_cast %get3A_430 : vector<1x16xf32> to vector<16xf32>
        %mul3A_432 = vector.broadcast %squeeze3A : f32 to vector<16xf32>
        %mul3A_433 = arith.mulf %get3A_431, %mul3A_432 : vector<16xf32>
        %swap3A_434 = arith.index_cast %add3A_361 : i32 to index
        %swap3A_435 = arith.constant 96 : index
        %swap3A_436 = tpu.vector_load %arg16[%swap3A_434, %swap3A_435] {strides = array<i32>} : memref<128x128xf32, #tpu.memory_space<vmem>>, vector<1x16xf32>,
        %swap3A_437 = vector.shape_cast %swap3A_436 : vector<1x16xf32> to vector<16xf32>
        %swap3A_438 = vector.shape_cast %mul3A_433 : vector<16xf32> to vector<1x16xf32>
        tpu.vector_store %arg16[%swap3A_434, %swap3A_435], %swap3A_438 {strides = array<i32>} : memref<128x128xf32, #tpu.memory_space<vmem>>, vector<1x16xf32>,
        %get3A_439 = arith.index_cast %add3A_361 : i32 to index
        %get3A_440 = arith.constant 112 : index
        %get3A_441 = tpu.vector_load %arg16[%get3A_439, %get3A_440] {strides = array<i32>} : memref<128x128xf32, #tpu.memory_space<vmem>>, vector<1x16xf32>,
        %get3A_442 = vector.shape_cast %get3A_441 : vector<1x16xf32> to vector<16xf32>
        %mul3A_443 = vector.broadcast %squeeze3A : f32 to vector<16xf32>
        %mul3A_444 = arith.mulf %get3A_442, %mul3A_443 : vector<16xf32>
        %swap3A_445 = arith.index_cast %add3A_361 : i32 to index
        %swap3A_446 = arith.constant 112 : index
        %swap3A_447 = tpu.vector_load %arg16[%swap3A_445, %swap3A_446] {strides = array<i32>} : memref<128x128xf32, #tpu.memory_space<vmem>>, vector<1x16xf32>,
        %swap3A_448 = vector.shape_cast %swap3A_447 : vector<1x16xf32> to vector<16xf32>
        %swap3A_449 = vector.shape_cast %mul3A_444 : vector<16xf32> to vector<1x16xf32>
        tpu.vector_store %arg16[%swap3A_445, %swap3A_446], %swap3A_449 {strides = array<i32>} : memref<128x128xf32, #tpu.memory_space<vmem>>, vector<1x16xf32>,
        %slice3A_450 = vector.extract_strided_slice %get3A_357 {offsets = [1], sizes = [1], strides = [1]} : vector<16xf32> to vector<1xf32>
        %squeeze3A_451 = vector.extract %slice3A_450[0] : f32 from vector<1xf32>
        %mul3A_452 = arith.constant 16 : i32
        %mul3A_453 = arith.muli %scan3A_352, %mul3A_452 : i32
        %add3A_454 = arith.constant 1 : i32
        %add3A_455 = arith.addi %mul3A_453, %add3A_454 : i32
        %get3A_456 = arith.index_cast %add3A_455 : i32 to index
        %get3A_457 = arith.constant 0 : index
        %get3A_458 = tpu.vector_load %arg16[%get3A_456, %get3A_457] {strides = array<i32>} : memref<128x128xf32, #tpu.memory_space<vmem>>, vector<1x16xf32>,
        %get3A_459 = vector.shape_cast %get3A_458 : vector<1x16xf32> to vector<16xf32>
        %mul3A_460 = vector.broadcast %squeeze3A_451 : f32 to vector<16xf32>
        %mul3A_461 = arith.mulf %get3A_459, %mul3A_460 : vector<16xf32>
        %swap3A_462 = arith.index_cast %add3A_455 : i32 to index
        %swap3A_463 = arith.constant 0 : index
        %swap3A_464 = tpu.vector_load %arg16[%swap3A_462, %swap3A_463] {strides = array<i32>} : memref<128x128xf32, #tpu.memory_space<vmem>>, vector<1x16xf32>,
        %swap3A_465 = vector.shape_cast %swap3A_464 : vector<1x16xf32> to vector<16xf32>
        %swap3A_466 = vector.shape_cast %mul3A_461 : vector<16xf32> to vector<1x16xf32>
        tpu.vector_store %arg16[%swap3A_462, %swap3A_463], %swap3A_466 {strides = array<i32>} : memref<128x128xf32, #tpu.memory_space<vmem>>, vector<1x16xf32>,
        %get3A_467 = arith.index_cast %add3A_455 : i32 to index
        %get3A_468 = arith.constant 16 : index
        %get3A_469 = tpu.vector_load %arg16[%get3A_467, %get3A_468] {strides = array<i32>} : memref<128x128xf32, #tpu.memory_space<vmem>>, vector<1x16xf32>,
        %get3A_470 = vector.shape_cast %get3A_469 : vector<1x16xf32> to vector<16xf32>
        %mul3A_471 = vector.broadcast %squeeze3A_451 : f32 to vector<16xf32>
        %mul3A_472 = arith.mulf %get3A_470, %mul3A_471 : vector<16xf32>
        %swap3A_473 = arith.index_cast %add3A_455 : i32 to index
        %swap3A_474 = arith.constant 16 : index
        %swap3A_475 = tpu.vector_load %arg16[%swap3A_473, %swap3A_474] {strides = array<i32>} : memref<128x128xf32, #tpu.memory_space<vmem>>, vector<1x16xf32>,
        %swap3A_476 = vector.shape_cast %swap3A_475 : vector<1x16xf32> to vector<16xf32>
        %swap3A_477 = vector.shape_cast %mul3A_472 : vector<16xf32> to vector<1x16xf32>
        tpu.vector_store %arg16[%swap3A_473, %swap3A_474], %swap3A_477 {strides = array<i32>} : memref<128x128xf32, #tpu.memory_space<vmem>>, vector<1x16xf32>,
        %get3A_478 = arith.index_cast %add3A_455 : i32 to index
        %get3A_479 = arith.constant 32 : index
        %get3A_480 = tpu.vector_load %arg16[%get3A_478, %get3A_479] {strides = array<i32>} : memref<128x128xf32, #tpu.memory_space<vmem>>, vector<1x16xf32>,
        %get3A_481 = vector.shape_cast %get3A_480 : vector<1x16xf32> to vector<16xf32>
        %mul3A_482 = vector.broadcast %squeeze3A_451 : f32 to vector<16xf32>
        %mul3A_483 = arith.mulf %get3A_481, %mul3A_482 : vector<16xf32>
        %swap3A_484 = arith.index_cast %add3A_455 : i32 to index
        %swap3A_485 = arith.constant 32 : index
        %swap3A_486 = tpu.vector_load %arg16[%swap3A_484, %swap3A_485] {strides = array<i32>} : memref<128x128xf32, #tpu.memory_space<vmem>>, vector<1x16xf32>,
        %swap3A_487 = vector.shape_cast %swap3A_486 : vector<1x16xf32> to vector<16xf32>
        %swap3A_488 = vector.shape_cast %mul3A_483 : vector<16xf32> to vector<1x16xf32>
        tpu.vector_store %arg16[%swap3A_484, %swap3A_485], %swap3A_488 {strides = array<i32>} : memref<128x128xf32, #tpu.memory_space<vmem>>, vector<1x16xf32>,
        %get3A_489 = arith.index_cast %add3A_455 : i32 to index
        %get3A_490 = arith.constant 48 : index
        %get3A_491 = tpu.vector_load %arg16[%get3A_489, %get3A_490] {strides = array<i32>} : memref<128x128xf32, #tpu.memory_space<vmem>>, vector<1x16xf32>,
        %get3A_492 = vector.shape_cast %get3A_491 : vector<1x16xf32> to vector<16xf32>
        %mul3A_493 = vector.broadcast %squeeze3A_451 : f32 to vector<16xf32>
        %mul3A_494 = arith.mulf %get3A_492, %mul3A_493 : vector<16xf32>
        %swap3A_495 = arith.index_cast %add3A_455 : i32 to index
        %swap3A_496 = arith.constant 48 : index
        %swap3A_497 = tpu.vector_load %arg16[%swap3A_495, %swap3A_496] {strides = array<i32>} : memref<128x128xf32, #tpu.memory_space<vmem>>, vector<1x16xf32>,
        %swap3A_498 = vector.shape_cast %swap3A_497 : vector<1x16xf32> to vector<16xf32>
        %swap3A_499 = vector.shape_cast %mul3A_494 : vector<16xf32> to vector<1x16xf32>
        tpu.vector_store %arg16[%swap3A_495, %swap3A_496], %swap3A_499 {strides = array<i32>} : memref<128x128xf32, #tpu.memory_space<vmem>>, vector<1x16xf32>,
        %get3A_500 = arith.index_cast %add3A_455 : i32 to index
        %get3A_501 = arith.constant 64 : index
        %get3A_502 = tpu.vector_load %arg16[%get3A_500, %get3A_501] {strides = array<i32>} : memref<128x128xf32, #tpu.memory_space<vmem>>, vector<1x16xf32>,
        %get3A_503 = vector.shape_cast %get3A_502 : vector<1x16xf32> to vector<16xf32>
        %mul3A_504 = vector.broadcast %squeeze3A_451 : f32 to vector<16xf32>
        %mul3A_505 = arith.mulf %get3A_503, %mul3A_504 : vector<16xf32>
        %swap3A_506 = arith.index_cast %add3A_455 : i32 to index
        %swap3A_507 = arith.constant 64 : index
        %swap3A_508 = tpu.vector_load %arg16[%swap3A_506, %swap3A_507] {strides = array<i32>} : memref<128x128xf32, #tpu.memory_space<vmem>>, vector<1x16xf32>,
        %swap3A_509 = vector.shape_cast %swap3A_508 : vector<1x16xf32> to vector<16xf32>
        %swap3A_510 = vector.shape_cast %mul3A_505 : vector<16xf32> to vector<1x16xf32>
        tpu.vector_store %arg16[%swap3A_506, %swap3A_507], %swap3A_510 {strides = array<i32>} : memref<128x128xf32, #tpu.memory_space<vmem>>, vector<1x16xf32>,
        %get3A_511 = arith.index_cast %add3A_455 : i32 to index
        %get3A_512 = arith.constant 80 : index
        %get3A_513 = tpu.vector_load %arg16[%get3A_511, %get3A_512] {strides = array<i32>} : memref<128x128xf32, #tpu.memory_space<vmem>>, vector<1x16xf32>,
        %get3A_514 = vector.shape_cast %get3A_513 : vector<1x16xf32> to vector<16xf32>
        %mul3A_515 = vector.broadcast %squeeze3A_451 : f32 to vector<16xf32>
        %mul3A_516 = arith.mulf %get3A_514, %mul3A_515 : vector<16xf32>
        %swap3A_517 = arith.index_cast %add3A_455 : i32 to index
        %swap3A_518 = arith.constant 80 : index
        %swap3A_519 = tpu.vector_load %arg16[%swap3A_517, %swap3A_518] {strides = array<i32>} : memref<128x128xf32, #tpu.memory_space<vmem>>, vector<1x16xf32>,
        %swap3A_520 = vector.shape_cast %swap3A_519 : vector<1x16xf32> to vector<16xf32>
        %swap3A_521 = vector.shape_cast %mul3A_516 : vector<16xf32> to vector<1x16xf32>
        tpu.vector_store %arg16[%swap3A_517, %swap3A_518], %swap3A_521 {strides = array<i32>} : memref<128x128xf32, #tpu.memory_space<vmem>>, vector<1x16xf32>,
        %get3A_522 = arith.index_cast %add3A_455 : i32 to index
        %get3A_523 = arith.constant 96 : index
        %get3A_524 = tpu.vector_load %arg16[%get3A_522, %get3A_523] {strides = array<i32>} : memref<128x128xf32, #tpu.memory_space<vmem>>, vector<1x16xf32>,
        %get3A_525 = vector.shape_cast %get3A_524 : vector<1x16xf32> to vector<16xf32>
        %mul3A_526 = vector.broadcast %squeeze3A_451 : f32 to vector<16xf32>
        %mul3A_527 = arith.mulf %get3A_525, %mul3A_526 : vector<16xf32>
        %swap3A_528 = arith.index_cast %add3A_455 : i32 to index
        %swap3A_529 = arith.constant 96 : index
        %swap3A_530 = tpu.vector_load %arg16[%swap3A_528, %swap3A_529] {strides = array<i32>} : memref<128x128xf32, #tpu.memory_space<vmem>>, vector<1x16xf32>,
        %swap3A_531 = vector.shape_cast %swap3A_530 : vector<1x16xf32> to vector<16xf32>
        %swap3A_532 = vector.shape_cast %mul3A_527 : vector<16xf32> to vector<1x16xf32>
        tpu.vector_store %arg16[%swap3A_528, %swap3A_529], %swap3A_532 {strides = array<i32>} : memref<128x128xf32, #tpu.memory_space<vmem>>, vector<1x16xf32>,
        %get3A_533 = arith.index_cast %add3A_455 : i32 to index
        %get3A_534 = arith.constant 112 : index
        %get3A_535 = tpu.vector_load %arg16[%get3A_533, %get3A_534] {strides = array<i32>} : memref<128x128xf32, #tpu.memory_space<vmem>>, vector<1x16xf32>,
        %get3A_536 = vector.shape_cast %get3A_535 : vector<1x16xf32> to vector<16xf32>
        %mul3A_537 = vector.broadcast %squeeze3A_451 : f32 to vector<16xf32>
        %mul3A_538 = arith.mulf %get3A_536, %mul3A_537 : vector<16xf32>
        %swap3A_539 = arith.index_cast %add3A_455 : i32 to index
        %swap3A_540 = arith.constant 112 : index
        %swap3A_541 = tpu.vector_load %arg16[%swap3A_539, %swap3A_540] {strides = array<i32>} : memref<128x128xf32, #tpu.memory_space<vmem>>, vector<1x16xf32>,
        %swap3A_542 = vector.shape_cast %swap3A_541 : vector<1x16xf32> to vector<16xf32>
        %swap3A_543 = vector.shape_cast %mul3A_538 : vector<16xf32> to vector<1x16xf32>
        tpu.vector_store %arg16[%swap3A_539, %swap3A_540], %swap3A_543 {strides = array<i32>} : memref<128x128xf32, #tpu.memory_space<vmem>>, vector<1x16xf32>,
        %slice3A_544 = vector.extract_strided_slice %get3A_357 {offsets = [2], sizes = [1], strides = [1]} : vector<16xf32> to vector<1xf32>
        %squeeze3A_545 = vector.extract %slice3A_544[0] : f32 from vector<1xf32>
        %mul3A_546 = arith.constant 16 : i32
        %mul3A_547 = arith.muli %scan3A_352, %mul3A_546 : i32
        %add3A_548 = arith.constant 2 : i32
        %add3A_549 = arith.addi %mul3A_547, %add3A_548 : i32
        %get3A_550 = arith.index_cast %add3A_549 : i32 to index
        %get3A_551 = arith.constant 0 : index
        %get3A_552 = tpu.vector_load %arg16[%get3A_550, %get3A_551] {strides = array<i32>} : memref<128x128xf32, #tpu.memory_space<vmem>>, vector<1x16xf32>,
        %get3A_553 = vector.shape_cast %get3A_552 : vector<1x16xf32> to vector<16xf32>
        %mul3A_554 = vector.broadcast %squeeze3A_545 : f32 to vector<16xf32>
        %mul3A_555 = arith.mulf %get3A_553, %mul3A_554 : vector<16xf32>
        %swap3A_556 = arith.index_cast %add3A_549 : i32 to index
        %swap3A_557 = arith.constant 0 : index
        %swap3A_558 = tpu.vector_load %arg16[%swap3A_556, %swap3A_557] {strides = array<i32>} : memref<128x128xf32, #tpu.memory_space<vmem>>, vector<1x16xf32>,
        %swap3A_559 = vector.shape_cast %swap3A_558 : vector<1x16xf32> to vector<16xf32>
        %swap3A_560 = vector.shape_cast %mul3A_555 : vector<16xf32> to vector<1x16xf32>
        tpu.vector_store %arg16[%swap3A_556, %swap3A_557], %swap3A_560 {strides = array<i32>} : memref<128x128xf32, #tpu.memory_space<vmem>>, vector<1x16xf32>,
        %get3A_561 = arith.index_cast %add3A_549 : i32 to index
        %get3A_562 = arith.constant 16 : index
        %get3A_563 = tpu.vector_load %arg16[%get3A_561, %get3A_562] {strides = array<i32>} : memref<128x128xf32, #tpu.memory_space<vmem>>, vector<1x16xf32>,
        %get3A_564 = vector.shape_cast %get3A_563 : vector<1x16xf32> to vector<16xf32>
        %mul3A_565 = vector.broadcast %squeeze3A_545 : f32 to vector<16xf32>
        %mul3A_566 = arith.mulf %get3A_564, %mul3A_565 : vector<16xf32>
        %swap3A_567 = arith.index_cast %add3A_549 : i32 to index
        %swap3A_568 = arith.constant 16 : index
        %swap3A_569 = tpu.vector_load %arg16[%swap3A_567, %swap3A_568] {strides = array<i32>} : memref<128x128xf32, #tpu.memory_space<vmem>>, vector<1x16xf32>,
        %swap3A_570 = vector.shape_cast %swap3A_569 : vector<1x16xf32> to vector<16xf32>
        %swap3A_571 = vector.shape_cast %mul3A_566 : vector<16xf32> to vector<1x16xf32>
        tpu.vector_store %arg16[%swap3A_567, %swap3A_568], %swap3A_571 {strides = array<i32>} : memref<128x128xf32, #tpu.memory_space<vmem>>, vector<1x16xf32>,
        %get3A_572 = arith.index_cast %add3A_549 : i32 to index
        %get3A_573 = arith.constant 32 : index
        %get3A_574 = tpu.vector_load %arg16[%get3A_572, %get3A_573] {strides = array<i32>} : memref<128x128xf32, #tpu.memory_space<vmem>>, vector<1x16xf32>,
        %get3A_575 = vector.shape_cast %get3A_574 : vector<1x16xf32> to vector<16xf32>
        %mul3A_576 = vector.broadcast %squeeze3A_545 : f32 to vector<16xf32>
        %mul3A_577 = arith.mulf %get3A_575, %mul3A_576 : vector<16xf32>
        %swap3A_578 = arith.index_cast %add3A_549 : i32 to index
        %swap3A_579 = arith.constant 32 : index
        %swap3A_580 = tpu.vector_load %arg16[%swap3A_578, %swap3A_579] {strides = array<i32>} : memref<128x128xf32, #tpu.memory_space<vmem>>, vector<1x16xf32>,
        %swap3A_581 = vector.shape_cast %swap3A_580 : vector<1x16xf32> to vector<16xf32>
        %swap3A_582 = vector.shape_cast %mul3A_577 : vector<16xf32> to vector<1x16xf32>
        tpu.vector_store %arg16[%swap3A_578, %swap3A_579], %swap3A_582 {strides = array<i32>} : memref<128x128xf32, #tpu.memory_space<vmem>>, vector<1x16xf32>,
        %get3A_583 = arith.index_cast %add3A_549 : i32 to index
        %get3A_584 = arith.constant 48 : index
        %get3A_585 = tpu.vector_load %arg16[%get3A_583, %get3A_584] {strides = array<i32>} : memref<128x128xf32, #tpu.memory_space<vmem>>, vector<1x16xf32>,
        %get3A_586 = vector.shape_cast %get3A_585 : vector<1x16xf32> to vector<16xf32>
        %mul3A_587 = vector.broadcast %squeeze3A_545 : f32 to vector<16xf32>
        %mul3A_588 = arith.mulf %get3A_586, %mul3A_587 : vector<16xf32>
        %swap3A_589 = arith.index_cast %add3A_549 : i32 to index
        %swap3A_590 = arith.constant 48 : index
        %swap3A_591 = tpu.vector_load %arg16[%swap3A_589, %swap3A_590] {strides = array<i32>} : memref<128x128xf32, #tpu.memory_space<vmem>>, vector<1x16xf32>,
        %swap3A_592 = vector.shape_cast %swap3A_591 : vector<1x16xf32> to vector<16xf32>
        %swap3A_593 = vector.shape_cast %mul3A_588 : vector<16xf32> to vector<1x16xf32>
        tpu.vector_store %arg16[%swap3A_589, %swap3A_590], %swap3A_593 {strides = array<i32>} : memref<128x128xf32, #tpu.memory_space<vmem>>, vector<1x16xf32>,
        %get3A_594 = arith.index_cast %add3A_549 : i32 to index
        %get3A_595 = arith.constant 64 : index
        %get3A_596 = tpu.vector_load %arg16[%get3A_594, %get3A_595] {strides = array<i32>} : memref<128x128xf32, #tpu.memory_space<vmem>>, vector<1x16xf32>,
        %get3A_597 = vector.shape_cast %get3A_596 : vector<1x16xf32> to vector<16xf32>
        %mul3A_598 = vector.broadcast %squeeze3A_545 : f32 to vector<16xf32>
        %mul3A_599 = arith.mulf %get3A_597, %mul3A_598 : vector<16xf32>
        %swap3A_600 = arith.index_cast %add3A_549 : i32 to index
        %swap3A_601 = arith.constant 64 : index
        %swap3A_602 = tpu.vector_load %arg16[%swap3A_600, %swap3A_601] {strides = array<i32>} : memref<128x128xf32, #tpu.memory_space<vmem>>, vector<1x16xf32>,
        %swap3A_603 = vector.shape_cast %swap3A_602 : vector<1x16xf32> to vector<16xf32>
        %swap3A_604 = vector.shape_cast %mul3A_599 : vector<16xf32> to vector<1x16xf32>
        tpu.vector_store %arg16[%swap3A_600, %swap3A_601], %swap3A_604 {strides = array<i32>} : memref<128x128xf32, #tpu.memory_space<vmem>>, vector<1x16xf32>,
        %get3A_605 = arith.index_cast %add3A_549 : i32 to index
        %get3A_606 = arith.constant 80 : index
        %get3A_607 = tpu.vector_load %arg16[%get3A_605, %get3A_606] {strides = array<i32>} : memref<128x128xf32, #tpu.memory_space<vmem>>, vector<1x16xf32>,
        %get3A_608 = vector.shape_cast %get3A_607 : vector<1x16xf32> to vector<16xf32>
        %mul3A_609 = vector.broadcast %squeeze3A_545 : f32 to vector<16xf32>
        %mul3A_610 = arith.mulf %get3A_608, %mul3A_609 : vector<16xf32>
        %swap3A_611 = arith.index_cast %add3A_549 : i32 to index
        %swap3A_612 = arith.constant 80 : index
        %swap3A_613 = tpu.vector_load %arg16[%swap3A_611, %swap3A_612] {strides = array<i32>} : memref<128x128xf32, #tpu.memory_space<vmem>>, vector<1x16xf32>,
        %swap3A_614 = vector.shape_cast %swap3A_613 : vector<1x16xf32> to vector<16xf32>
        %swap3A_615 = vector.shape_cast %mul3A_610 : vector<16xf32> to vector<1x16xf32>
        tpu.vector_store %arg16[%swap3A_611, %swap3A_612], %swap3A_615 {strides = array<i32>} : memref<128x128xf32, #tpu.memory_space<vmem>>, vector<1x16xf32>,
        %get3A_616 = arith.index_cast %add3A_549 : i32 to index
        %get3A_617 = arith.constant 96 : index
        %get3A_618 = tpu.vector_load %arg16[%get3A_616, %get3A_617] {strides = array<i32>} : memref<128x128xf32, #tpu.memory_space<vmem>>, vector<1x16xf32>,
        %get3A_619 = vector.shape_cast %get3A_618 : vector<1x16xf32> to vector<16xf32>
        %mul3A_620 = vector.broadcast %squeeze3A_545 : f32 to vector<16xf32>
        %mul3A_621 = arith.mulf %get3A_619, %mul3A_620 : vector<16xf32>
        %swap3A_622 = arith.index_cast %add3A_549 : i32 to index
        %swap3A_623 = arith.constant 96 : index
        %swap3A_624 = tpu.vector_load %arg16[%swap3A_622, %swap3A_623] {strides = array<i32>} : memref<128x128xf32, #tpu.memory_space<vmem>>, vector<1x16xf32>,
        %swap3A_625 = vector.shape_cast %swap3A_624 : vector<1x16xf32> to vector<16xf32>
        %swap3A_626 = vector.shape_cast %mul3A_621 : vector<16xf32> to vector<1x16xf32>
        tpu.vector_store %arg16[%swap3A_622, %swap3A_623], %swap3A_626 {strides = array<i32>} : memref<128x128xf32, #tpu.memory_space<vmem>>, vector<1x16xf32>,
        %get3A_627 = arith.index_cast %add3A_549 : i32 to index
        %get3A_628 = arith.constant 112 : index
        %get3A_629 = tpu.vector_load %arg16[%get3A_627, %get3A_628] {strides = array<i32>} : memref<128x128xf32, #tpu.memory_space<vmem>>, vector<1x16xf32>,
        %get3A_630 = vector.shape_cast %get3A_629 : vector<1x16xf32> to vector<16xf32>
        %mul3A_631 = vector.broadcast %squeeze3A_545 : f32 to vector<16xf32>
        %mul3A_632 = arith.mulf %get3A_630, %mul3A_631 : vector<16xf32>
        %swap3A_633 = arith.index_cast %add3A_549 : i32 to index
        %swap3A_634 = arith.constant 112 : index
        %swap3A_635 = tpu.vector_load %arg16[%swap3A_633, %swap3A_634] {strides = array<i32>} : memref<128x128xf32, #tpu.memory_space<vmem>>, vector<1x16xf32>,
        %swap3A_636 = vector.shape_cast %swap3A_635 : vector<1x16xf32> to vector<16xf32>
        %swap3A_637 = vector.shape_cast %mul3A_632 : vector<16xf32> to vector<1x16xf32>
        tpu.vector_store %arg16[%swap3A_633, %swap3A_634], %swap3A_637 {strides = array<i32>} : memref<128x128xf32, #tpu.memory_space<vmem>>, vector<1x16xf32>,
        %slice3A_638 = vector.extract_strided_slice %get3A_357 {offsets = [3], sizes = [1], strides = [1]} : vector<16xf32> to vector<1xf32>
        %squeeze3A_639 = vector.extract %slice3A_638[0] : f32 from vector<1xf32>
        %mul3A_640 = arith.constant 16 : i32
        %mul3A_641 = arith.muli %scan3A_352, %mul3A_640 : i32
        %add3A_642 = arith.constant 3 : i32
        %add3A_643 = arith.addi %mul3A_641, %add3A_642 : i32
        %get3A_644 = arith.index_cast %add3A_643 : i32 to index
        %get3A_645 = arith.constant 0 : index
        %get3A_646 = tpu.vector_load %arg16[%get3A_644, %get3A_645] {strides = array<i32>} : memref<128x128xf32, #tpu.memory_space<vmem>>, vector<1x16xf32>,
        %get3A_647 = vector.shape_cast %get3A_646 : vector<1x16xf32> to vector<16xf32>
        %mul3A_648 = vector.broadcast %squeeze3A_639 : f32 to vector<16xf32>
        %mul3A_649 = arith.mulf %get3A_647, %mul3A_648 : vector<16xf32>
        %swap3A_650 = arith.index_cast %add3A_643 : i32 to index
        %swap3A_651 = arith.constant 0 : index
        %swap3A_652 = tpu.vector_load %arg16[%swap3A_650, %swap3A_651] {strides = array<i32>} : memref<128x128xf32, #tpu.memory_space<vmem>>, vector<1x16xf32>,
        %swap3A_653 = vector.shape_cast %swap3A_652 : vector<1x16xf32> to vector<16xf32>
        %swap3A_654 = vector.shape_cast %mul3A_649 : vector<16xf32> to vector<1x16xf32>
        tpu.vector_store %arg16[%swap3A_650, %swap3A_651], %swap3A_654 {strides = array<i32>} : memref<128x128xf32, #tpu.memory_space<vmem>>, vector<1x16xf32>,
        %get3A_655 = arith.index_cast %add3A_643 : i32 to index
        %get3A_656 = arith.constant 16 : index
        %get3A_657 = tpu.vector_load %arg16[%get3A_655, %get3A_656] {strides = array<i32>} : memref<128x128xf32, #tpu.memory_space<vmem>>, vector<1x16xf32>,
        %get3A_658 = vector.shape_cast %get3A_657 : vector<1x16xf32> to vector<16xf32>
        %mul3A_659 = vector.broadcast %squeeze3A_639 : f32 to vector<16xf32>
        %mul3A_660 = arith.mulf %get3A_658, %mul3A_659 : vector<16xf32>
        %swap3A_661 = arith.index_cast %add3A_643 : i32 to index
        %swap3A_662 = arith.constant 16 : index
        %swap3A_663 = tpu.vector_load %arg16[%swap3A_661, %swap3A_662] {strides = array<i32>} : memref<128x128xf32, #tpu.memory_space<vmem>>, vector<1x16xf32>,
        %swap3A_664 = vector.shape_cast %swap3A_663 : vector<1x16xf32> to vector<16xf32>
        %swap3A_665 = vector.shape_cast %mul3A_660 : vector<16xf32> to vector<1x16xf32>
        tpu.vector_store %arg16[%swap3A_661, %swap3A_662], %swap3A_665 {strides = array<i32>} : memref<128x128xf32, #tpu.memory_space<vmem>>, vector<1x16xf32>,
        %get3A_666 = arith.index_cast %add3A_643 : i32 to index
        %get3A_667 = arith.constant 32 : index
        %get3A_668 = tpu.vector_load %arg16[%get3A_666, %get3A_667] {strides = array<i32>} : memref<128x128xf32, #tpu.memory_space<vmem>>, vector<1x16xf32>,
        %get3A_669 = vector.shape_cast %get3A_668 : vector<1x16xf32> to vector<16xf32>
        %mul3A_670 = vector.broadcast %squeeze3A_639 : f32 to vector<16xf32>
        %mul3A_671 = arith.mulf %get3A_669, %mul3A_670 : vector<16xf32>
        %swap3A_672 = arith.index_cast %add3A_643 : i32 to index
        %swap3A_673 = arith.constant 32 : index
        %swap3A_674 = tpu.vector_load %arg16[%swap3A_672, %swap3A_673] {strides = array<i32>} : memref<128x128xf32, #tpu.memory_space<vmem>>, vector<1x16xf32>,
        %swap3A_675 = vector.shape_cast %swap3A_674 : vector<1x16xf32> to vector<16xf32>
        %swap3A_676 = vector.shape_cast %mul3A_671 : vector<16xf32> to vector<1x16xf32>
        tpu.vector_store %arg16[%swap3A_672, %swap3A_673], %swap3A_676 {strides = array<i32>} : memref<128x128xf32, #tpu.memory_space<vmem>>, vector<1x16xf32>,
        %get3A_677 = arith.index_cast %add3A_643 : i32 to index
        %get3A_678 = arith.constant 48 : index
        %get3A_679 = tpu.vector_load %arg16[%get3A_677, %get3A_678] {strides = array<i32>} : memref<128x128xf32, #tpu.memory_space<vmem>>, vector<1x16xf32>,
        %get3A_680 = vector.shape_cast %get3A_679 : vector<1x16xf32> to vector<16xf32>
        %mul3A_681 = vector.broadcast %squeeze3A_639 : f32 to vector<16xf32>
        %mul3A_682 = arith.mulf %get3A_680, %mul3A_681 : vector<16xf32>
        %swap3A_683 = arith.index_cast %add3A_643 : i32 to index
        %swap3A_684 = arith.constant 48 : index
        %swap3A_685 = tpu.vector_load %arg16[%swap3A_683, %swap3A_684] {strides = array<i32>} : memref<128x128xf32, #tpu.memory_space<vmem>>, vector<1x16xf32>,
        %swap3A_686 = vector.shape_cast %swap3A_685 : vector<1x16xf32> to vector<16xf32>
        %swap3A_687 = vector.shape_cast %mul3A_682 : vector<16xf32> to vector<1x16xf32>
        tpu.vector_store %arg16[%swap3A_683, %swap3A_684], %swap3A_687 {strides = array<i32>} : memref<128x128xf32, #tpu.memory_space<vmem>>, vector<1x16xf32>,
        %get3A_688 = arith.index_cast %add3A_643 : i32 to index
        %get3A_689 = arith.constant 64 : index
        %get3A_690 = tpu.vector_load %arg16[%get3A_688, %get3A_689] {strides = array<i32>} : memref<128x128xf32, #tpu.memory_space<vmem>>, vector<1x16xf32>,
        %get3A_691 = vector.shape_cast %get3A_690 : vector<1x16xf32> to vector<16xf32>
        %mul3A_692 = vector.broadcast %squeeze3A_639 : f32 to vector<16xf32>
        %mul3A_693 = arith.mulf %get3A_691, %mul3A_692 : vector<16xf32>
        %swap3A_694 = arith.index_cast %add3A_643 : i32 to index
        %swap3A_695 = arith.constant 64 : index
        %swap3A_696 = tpu.vector_load %arg16[%swap3A_694, %swap3A_695] {strides = array<i32>} : memref<128x128xf32, #tpu.memory_space<vmem>>, vector<1x16xf32>,
        %swap3A_697 = vector.shape_cast %swap3A_696 : vector<1x16xf32> to vector<16xf32>
        %swap3A_698 = vector.shape_cast %mul3A_693 : vector<16xf32> to vector<1x16xf32>
        tpu.vector_store %arg16[%swap3A_694, %swap3A_695], %swap3A_698 {strides = array<i32>} : memref<128x128xf32, #tpu.memory_space<vmem>>, vector<1x16xf32>,
        %get3A_699 = arith.index_cast %add3A_643 : i32 to index
        %get3A_700 = arith.constant 80 : index
        %get3A_701 = tpu.vector_load %arg16[%get3A_699, %get3A_700] {strides = array<i32>} : memref<128x128xf32, #tpu.memory_space<vmem>>, vector<1x16xf32>,
        %get3A_702 = vector.shape_cast %get3A_701 : vector<1x16xf32> to vector<16xf32>
        %mul3A_703 = vector.broadcast %squeeze3A_639 : f32 to vector<16xf32>
        %mul3A_704 = arith.mulf %get3A_702, %mul3A_703 : vector<16xf32>
        %swap3A_705 = arith.index_cast %add3A_643 : i32 to index
        %swap3A_706 = arith.constant 80 : index
        %swap3A_707 = tpu.vector_load %arg16[%swap3A_705, %swap3A_706] {strides = array<i32>} : memref<128x128xf32, #tpu.memory_space<vmem>>, vector<1x16xf32>,
        %swap3A_708 = vector.shape_cast %swap3A_707 : vector<1x16xf32> to vector<16xf32>
        %swap3A_709 = vector.shape_cast %mul3A_704 : vector<16xf32> to vector<1x16xf32>
        tpu.vector_store %arg16[%swap3A_705, %swap3A_706], %swap3A_709 {strides = array<i32>} : memref<128x128xf32, #tpu.memory_space<vmem>>, vector<1x16xf32>,
        %get3A_710 = arith.index_cast %add3A_643 : i32 to index
        %get3A_711 = arith.constant 96 : index
        %get3A_712 = tpu.vector_load %arg16[%get3A_710, %get3A_711] {strides = array<i32>} : memref<128x128xf32, #tpu.memory_space<vmem>>, vector<1x16xf32>,
        %get3A_713 = vector.shape_cast %get3A_712 : vector<1x16xf32> to vector<16xf32>
        %mul3A_714 = vector.broadcast %squeeze3A_639 : f32 to vector<16xf32>
        %mul3A_715 = arith.mulf %get3A_713, %mul3A_714 : vector<16xf32>
        %swap3A_716 = arith.index_cast %add3A_643 : i32 to index
        %swap3A_717 = arith.constant 96 : index
        %swap3A_718 = tpu.vector_load %arg16[%swap3A_716, %swap3A_717] {strides = array<i32>} : memref<128x128xf32, #tpu.memory_space<vmem>>, vector<1x16xf32>,
        %swap3A_719 = vector.shape_cast %swap3A_718 : vector<1x16xf32> to vector<16xf32>
        %swap3A_720 = vector.shape_cast %mul3A_715 : vector<16xf32> to vector<1x16xf32>
        tpu.vector_store %arg16[%swap3A_716, %swap3A_717], %swap3A_720 {strides = array<i32>} : memref<128x128xf32, #tpu.memory_space<vmem>>, vector<1x16xf32>,
        %get3A_721 = arith.index_cast %add3A_643 : i32 to index
        %get3A_722 = arith.constant 112 : index
        %get3A_723 = tpu.vector_load %arg16[%get3A_721, %get3A_722] {strides = array<i32>} : memref<128x128xf32, #tpu.memory_space<vmem>>, vector<1x16xf32>,
        %get3A_724 = vector.shape_cast %get3A_723 : vector<1x16xf32> to vector<16xf32>
        %mul3A_725 = vector.broadcast %squeeze3A_639 : f32 to vector<16xf32>
        %mul3A_726 = arith.mulf %get3A_724, %mul3A_725 : vector<16xf32>
        %swap3A_727 = arith.index_cast %add3A_643 : i32 to index
        %swap3A_728 = arith.constant 112 : index
        %swap3A_729 = tpu.vector_load %arg16[%swap3A_727, %swap3A_728] {strides = array<i32>} : memref<128x128xf32, #tpu.memory_space<vmem>>, vector<1x16xf32>,
        %swap3A_730 = vector.shape_cast %swap3A_729 : vector<1x16xf32> to vector<16xf32>
        %swap3A_731 = vector.shape_cast %mul3A_726 : vector<16xf32> to vector<1x16xf32>
        tpu.vector_store %arg16[%swap3A_727, %swap3A_728], %swap3A_731 {strides = array<i32>} : memref<128x128xf32, #tpu.memory_space<vmem>>, vector<1x16xf32>,
        %slice3A_732 = vector.extract_strided_slice %get3A_357 {offsets = [4], sizes = [1], strides = [1]} : vector<16xf32> to vector<1xf32>
        %squeeze3A_733 = vector.extract %slice3A_732[0] : f32 from vector<1xf32>
        %mul3A_734 = arith.constant 16 : i32
        %mul3A_735 = arith.muli %scan3A_352, %mul3A_734 : i32
        %add3A_736 = arith.constant 4 : i32
        %add3A_737 = arith.addi %mul3A_735, %add3A_736 : i32
        %get3A_738 = arith.index_cast %add3A_737 : i32 to index
        %get3A_739 = arith.constant 0 : index
        %get3A_740 = tpu.vector_load %arg16[%get3A_738, %get3A_739] {strides = array<i32>} : memref<128x128xf32, #tpu.memory_space<vmem>>, vector<1x16xf32>,
        %get3A_741 = vector.shape_cast %get3A_740 : vector<1x16xf32> to vector<16xf32>
        %mul3A_742 = vector.broadcast %squeeze3A_733 : f32 to vector<16xf32>
        %mul3A_743 = arith.mulf %get3A_741, %mul3A_742 : vector<16xf32>
        %swap3A_744 = arith.index_cast %add3A_737 : i32 to index
        %swap3A_745 = arith.constant 0 : index
        %swap3A_746 = tpu.vector_load %arg16[%swap3A_744, %swap3A_745] {strides = array<i32>} : memref<128x128xf32, #tpu.memory_space<vmem>>, vector<1x16xf32>,
        %swap3A_747 = vector.shape_cast %swap3A_746 : vector<1x16xf32> to vector<16xf32>
        %swap3A_748 = vector.shape_cast %mul3A_743 : vector<16xf32> to vector<1x16xf32>
        tpu.vector_store %arg16[%swap3A_744, %swap3A_745], %swap3A_748 {strides = array<i32>} : memref<128x128xf32, #tpu.memory_space<vmem>>, vector<1x16xf32>,
        %get3A_749 = arith.index_cast %add3A_737 : i32 to index
        %get3A_750 = arith.constant 16 : index
        %get3A_751 = tpu.vector_load %arg16[%get3A_749, %get3A_750] {strides = array<i32>} : memref<128x128xf32, #tpu.memory_space<vmem>>, vector<1x16xf32>,
        %get3A_752 = vector.shape_cast %get3A_751 : vector<1x16xf32> to vector<16xf32>
        %mul3A_753 = vector.broadcast %squeeze3A_733 : f32 to vector<16xf32>
        %mul3A_754 = arith.mulf %get3A_752, %mul3A_753 : vector<16xf32>
        %swap3A_755 = arith.index_cast %add3A_737 : i32 to index
        %swap3A_756 = arith.constant 16 : index
        %swap3A_757 = tpu.vector_load %arg16[%swap3A_755, %swap3A_756] {strides = array<i32>} : memref<128x128xf32, #tpu.memory_space<vmem>>, vector<1x16xf32>,
        %swap3A_758 = vector.shape_cast %swap3A_757 : vector<1x16xf32> to vector<16xf32>
        %swap3A_759 = vector.shape_cast %mul3A_754 : vector<16xf32> to vector<1x16xf32>
        tpu.vector_store %arg16[%swap3A_755, %swap3A_756], %swap3A_759 {strides = array<i32>} : memref<128x128xf32, #tpu.memory_space<vmem>>, vector<1x16xf32>,
        %get3A_760 = arith.index_cast %add3A_737 : i32 to index
        %get3A_761 = arith.constant 32 : index
        %get3A_762 = tpu.vector_load %arg16[%get3A_760, %get3A_761] {strides = array<i32>} : memref<128x128xf32, #tpu.memory_space<vmem>>, vector<1x16xf32>,
        %get3A_763 = vector.shape_cast %get3A_762 : vector<1x16xf32> to vector<16xf32>
        %mul3A_764 = vector.broadcast %squeeze3A_733 : f32 to vector<16xf32>
        %mul3A_765 = arith.mulf %get3A_763, %mul3A_764 : vector<16xf32>
        %swap3A_766 = arith.index_cast %add3A_737 : i32 to index
        %swap3A_767 = arith.constant 32 : index
        %swap3A_768 = tpu.vector_load %arg16[%swap3A_766, %swap3A_767] {strides = array<i32>} : memref<128x128xf32, #tpu.memory_space<vmem>>, vector<1x16xf32>,
        %swap3A_769 = vector.shape_cast %swap3A_768 : vector<1x16xf32> to vector<16xf32>
        %swap3A_770 = vector.shape_cast %mul3A_765 : vector<16xf32> to vector<1x16xf32>
        tpu.vector_store %arg16[%swap3A_766, %swap3A_767], %swap3A_770 {strides = array<i32>} : memref<128x128xf32, #tpu.memory_space<vmem>>, vector<1x16xf32>,
        %get3A_771 = arith.index_cast %add3A_737 : i32 to index
        %get3A_772 = arith.constant 48 : index
        %get3A_773 = tpu.vector_load %arg16[%get3A_771, %get3A_772] {strides = array<i32>} : memref<128x128xf32, #tpu.memory_space<vmem>>, vector<1x16xf32>,
        %get3A_774 = vector.shape_cast %get3A_773 : vector<1x16xf32> to vector<16xf32>
        %mul3A_775 = vector.broadcast %squeeze3A_733 : f32 to vector<16xf32>
        %mul3A_776 = arith.mulf %get3A_774, %mul3A_775 : vector<16xf32>
        %swap3A_777 = arith.index_cast %add3A_737 : i32 to index
        %swap3A_778 = arith.constant 48 : index
        %swap3A_779 = tpu.vector_load %arg16[%swap3A_777, %swap3A_778] {strides = array<i32>} : memref<128x128xf32, #tpu.memory_space<vmem>>, vector<1x16xf32>,
        %swap3A_780 = vector.shape_cast %swap3A_779 : vector<1x16xf32> to vector<16xf32>
        %swap3A_781 = vector.shape_cast %mul3A_776 : vector<16xf32> to vector<1x16xf32>
        tpu.vector_store %arg16[%swap3A_777, %swap3A_778], %swap3A_781 {strides = array<i32>} : memref<128x128xf32, #tpu.memory_space<vmem>>, vector<1x16xf32>,
        %get3A_782 = arith.index_cast %add3A_737 : i32 to index
        %get3A_783 = arith.constant 64 : index
        %get3A_784 = tpu.vector_load %arg16[%get3A_782, %get3A_783] {strides = array<i32>} : memref<128x128xf32, #tpu.memory_space<vmem>>, vector<1x16xf32>,
        %get3A_785 = vector.shape_cast %get3A_784 : vector<1x16xf32> to vector<16xf32>
        %mul3A_786 = vector.broadcast %squeeze3A_733 : f32 to vector<16xf32>
        %mul3A_787 = arith.mulf %get3A_785, %mul3A_786 : vector<16xf32>
        %swap3A_788 = arith.index_cast %add3A_737 : i32 to index
        %swap3A_789 = arith.constant 64 : index
        %swap3A_790 = tpu.vector_load %arg16[%swap3A_788, %swap3A_789] {strides = array<i32>} : memref<128x128xf32, #tpu.memory_space<vmem>>, vector<1x16xf32>,
        %swap3A_791 = vector.shape_cast %swap3A_790 : vector<1x16xf32> to vector<16xf32>
        %swap3A_792 = vector.shape_cast %mul3A_787 : vector<16xf32> to vector<1x16xf32>
        tpu.vector_store %arg16[%swap3A_788, %swap3A_789], %swap3A_792 {strides = array<i32>} : memref<128x128xf32, #tpu.memory_space<vmem>>, vector<1x16xf32>,
        %get3A_793 = arith.index_cast %add3A_737 : i32 to index
        %get3A_794 = arith.constant 80 : index
        %get3A_795 = tpu.vector_load %arg16[%get3A_793, %get3A_794] {strides = array<i32>} : memref<128x128xf32, #tpu.memory_space<vmem>>, vector<1x16xf32>,
        %get3A_796 = vector.shape_cast %get3A_795 : vector<1x16xf32> to vector<16xf32>
        %mul3A_797 = vector.broadcast %squeeze3A_733 : f32 to vector<16xf32>
        %mul3A_798 = arith.mulf %get3A_796, %mul3A_797 : vector<16xf32>
        %swap3A_799 = arith.index_cast %add3A_737 : i32 to index
        %swap3A_800 = arith.constant 80 : index
        %swap3A_801 = tpu.vector_load %arg16[%swap3A_799, %swap3A_800] {strides = array<i32>} : memref<128x128xf32, #tpu.memory_space<vmem>>, vector<1x16xf32>,
        %swap3A_802 = vector.shape_cast %swap3A_801 : vector<1x16xf32> to vector<16xf32>
        %swap3A_803 = vector.shape_cast %mul3A_798 : vector<16xf32> to vector<1x16xf32>
        tpu.vector_store %arg16[%swap3A_799, %swap3A_800], %swap3A_803 {strides = array<i32>} : memref<128x128xf32, #tpu.memory_space<vmem>>, vector<1x16xf32>,
        %get3A_804 = arith.index_cast %add3A_737 : i32 to index
        %get3A_805 = arith.constant 96 : index
        %get3A_806 = tpu.vector_load %arg16[%get3A_804, %get3A_805] {strides = array<i32>} : memref<128x128xf32, #tpu.memory_space<vmem>>, vector<1x16xf32>,
        %get3A_807 = vector.shape_cast %get3A_806 : vector<1x16xf32> to vector<16xf32>
        %mul3A_808 = vector.broadcast %squeeze3A_733 : f32 to vector<16xf32>
        %mul3A_809 = arith.mulf %get3A_807, %mul3A_808 : vector<16xf32>
        %swap3A_810 = arith.index_cast %add3A_737 : i32 to index
        %swap3A_811 = arith.constant 96 : index
        %swap3A_812 = tpu.vector_load %arg16[%swap3A_810, %swap3A_811] {strides = array<i32>} : memref<128x128xf32, #tpu.memory_space<vmem>>, vector<1x16xf32>,
        %swap3A_813 = vector.shape_cast %swap3A_812 : vector<1x16xf32> to vector<16xf32>
        %swap3A_814 = vector.shape_cast %mul3A_809 : vector<16xf32> to vector<1x16xf32>
        tpu.vector_store %arg16[%swap3A_810, %swap3A_811], %swap3A_814 {strides = array<i32>} : memref<128x128xf32, #tpu.memory_space<vmem>>, vector<1x16xf32>,
        %get3A_815 = arith.index_cast %add3A_737 : i32 to index
        %get3A_816 = arith.constant 112 : index
        %get3A_817 = tpu.vector_load %arg16[%get3A_815, %get3A_816] {strides = array<i32>} : memref<128x128xf32, #tpu.memory_space<vmem>>, vector<1x16xf32>,
        %get3A_818 = vector.shape_cast %get3A_817 : vector<1x16xf32> to vector<16xf32>
        %mul3A_819 = vector.broadcast %squeeze3A_733 : f32 to vector<16xf32>
        %mul3A_820 = arith.mulf %get3A_818, %mul3A_819 : vector<16xf32>
        %swap3A_821 = arith.index_cast %add3A_737 : i32 to index
        %swap3A_822 = arith.constant 112 : index
        %swap3A_823 = tpu.vector_load %arg16[%swap3A_821, %swap3A_822] {strides = array<i32>} : memref<128x128xf32, #tpu.memory_space<vmem>>, vector<1x16xf32>,
        %swap3A_824 = vector.shape_cast %swap3A_823 : vector<1x16xf32> to vector<16xf32>
        %swap3A_825 = vector.shape_cast %mul3A_820 : vector<16xf32> to vector<1x16xf32>
        tpu.vector_store %arg16[%swap3A_821, %swap3A_822], %swap3A_825 {strides = array<i32>} : memref<128x128xf32, #tpu.memory_space<vmem>>, vector<1x16xf32>,
        %slice3A_826 = vector.extract_strided_slice %get3A_357 {offsets = [5], sizes = [1], strides = [1]} : vector<16xf32> to vector<1xf32>
        %squeeze3A_827 = vector.extract %slice3A_826[0] : f32 from vector<1xf32>
        %mul3A_828 = arith.constant 16 : i32
        %mul3A_829 = arith.muli %scan3A_352, %mul3A_828 : i32
        %add3A_830 = arith.constant 5 : i32
        %add3A_831 = arith.addi %mul3A_829, %add3A_830 : i32
        %get3A_832 = arith.index_cast %add3A_831 : i32 to index
        %get3A_833 = arith.constant 0 : index
        %get3A_834 = tpu.vector_load %arg16[%get3A_832, %get3A_833] {strides = array<i32>} : memref<128x128xf32, #tpu.memory_space<vmem>>, vector<1x16xf32>,
        %get3A_835 = vector.shape_cast %get3A_834 : vector<1x16xf32> to vector<16xf32>
        %mul3A_836 = vector.broadcast %squeeze3A_827 : f32 to vector<16xf32>
        %mul3A_837 = arith.mulf %get3A_835, %mul3A_836 : vector<16xf32>
        %swap3A_838 = arith.index_cast %add3A_831 : i32 to index
        %swap3A_839 = arith.constant 0 : index
        %swap3A_840 = tpu.vector_load %arg16[%swap3A_838, %swap3A_839] {strides = array<i32>} : memref<128x128xf32, #tpu.memory_space<vmem>>, vector<1x16xf32>,
        %swap3A_841 = vector.shape_cast %swap3A_840 : vector<1x16xf32> to vector<16xf32>
        %swap3A_842 = vector.shape_cast %mul3A_837 : vector<16xf32> to vector<1x16xf32>
        tpu.vector_store %arg16[%swap3A_838, %swap3A_839], %swap3A_842 {strides = array<i32>} : memref<128x128xf32, #tpu.memory_space<vmem>>, vector<1x16xf32>,
        %get3A_843 = arith.index_cast %add3A_831 : i32 to index
        %get3A_844 = arith.constant 16 : index
        %get3A_845 = tpu.vector_load %arg16[%get3A_843, %get3A_844] {strides = array<i32>} : memref<128x128xf32, #tpu.memory_space<vmem>>, vector<1x16xf32>,
        %get3A_846 = vector.shape_cast %get3A_845 : vector<1x16xf32> to vector<16xf32>
        %mul3A_847 = vector.broadcast %squeeze3A_827 : f32 to vector<16xf32>
        %mul3A_848 = arith.mulf %get3A_846, %mul3A_847 : vector<16xf32>
        %swap3A_849 = arith.index_cast %add3A_831 : i32 to index
        %swap3A_850 = arith.constant 16 : index
        %swap3A_851 = tpu.vector_load %arg16[%swap3A_849, %swap3A_850] {strides = array<i32>} : memref<128x128xf32, #tpu.memory_space<vmem>>, vector<1x16xf32>,
        %swap3A_852 = vector.shape_cast %swap3A_851 : vector<1x16xf32> to vector<16xf32>
        %swap3A_853 = vector.shape_cast %mul3A_848 : vector<16xf32> to vector<1x16xf32>
        tpu.vector_store %arg16[%swap3A_849, %swap3A_850], %swap3A_853 {strides = array<i32>} : memref<128x128xf32, #tpu.memory_space<vmem>>, vector<1x16xf32>,
        %get3A_854 = arith.index_cast %add3A_831 : i32 to index
        %get3A_855 = arith.constant 32 : index
        %get3A_856 = tpu.vector_load %arg16[%get3A_854, %get3A_855] {strides = array<i32>} : memref<128x128xf32, #tpu.memory_space<vmem>>, vector<1x16xf32>,
        %get3A_857 = vector.shape_cast %get3A_856 : vector<1x16xf32> to vector<16xf32>
        %mul3A_858 = vector.broadcast %squeeze3A_827 : f32 to vector<16xf32>
        %mul3A_859 = arith.mulf %get3A_857, %mul3A_858 : vector<16xf32>
        %swap3A_860 = arith.index_cast %add3A_831 : i32 to index
        %swap3A_861 = arith.constant 32 : index
        %swap3A_862 = tpu.vector_load %arg16[%swap3A_860, %swap3A_861] {strides = array<i32>} : memref<128x128xf32, #tpu.memory_space<vmem>>, vector<1x16xf32>,
        %swap3A_863 = vector.shape_cast %swap3A_862 : vector<1x16xf32> to vector<16xf32>
        %swap3A_864 = vector.shape_cast %mul3A_859 : vector<16xf32> to vector<1x16xf32>
        tpu.vector_store %arg16[%swap3A_860, %swap3A_861], %swap3A_864 {strides = array<i32>} : memref<128x128xf32, #tpu.memory_space<vmem>>, vector<1x16xf32>,
        %get3A_865 = arith.index_cast %add3A_831 : i32 to index
        %get3A_866 = arith.constant 48 : index
        %get3A_867 = tpu.vector_load %arg16[%get3A_865, %get3A_866] {strides = array<i32>} : memref<128x128xf32, #tpu.memory_space<vmem>>, vector<1x16xf32>,
        %get3A_868 = vector.shape_cast %get3A_867 : vector<1x16xf32> to vector<16xf32>
        %mul3A_869 = vector.broadcast %squeeze3A_827 : f32 to vector<16xf32>
        %mul3A_870 = arith.mulf %get3A_868, %mul3A_869 : vector<16xf32>
        %swap3A_871 = arith.index_cast %add3A_831 : i32 to index
        %swap3A_872 = arith.constant 48 : index
        %swap3A_873 = tpu.vector_load %arg16[%swap3A_871, %swap3A_872] {strides = array<i32>} : memref<128x128xf32, #tpu.memory_space<vmem>>, vector<1x16xf32>,
        %swap3A_874 = vector.shape_cast %swap3A_873 : vector<1x16xf32> to vector<16xf32>
        %swap3A_875 = vector.shape_cast %mul3A_870 : vector<16xf32> to vector<1x16xf32>
        tpu.vector_store %arg16[%swap3A_871, %swap3A_872], %swap3A_875 {strides = array<i32>} : memref<128x128xf32, #tpu.memory_space<vmem>>, vector<1x16xf32>,
        %get3A_876 = arith.index_cast %add3A_831 : i32 to index
        %get3A_877 = arith.constant 64 : index
        %get3A_878 = tpu.vector_load %arg16[%get3A_876, %get3A_877] {strides = array<i32>} : memref<128x128xf32, #tpu.memory_space<vmem>>, vector<1x16xf32>,
        %get3A_879 = vector.shape_cast %get3A_878 : vector<1x16xf32> to vector<16xf32>
        %mul3A_880 = vector.broadcast %squeeze3A_827 : f32 to vector<16xf32>
        %mul3A_881 = arith.mulf %get3A_879, %mul3A_880 : vector<16xf32>
        %swap3A_882 = arith.index_cast %add3A_831 : i32 to index
        %swap3A_883 = arith.constant 64 : index
        %swap3A_884 = tpu.vector_load %arg16[%swap3A_882, %swap3A_883] {strides = array<i32>} : memref<128x128xf32, #tpu.memory_space<vmem>>, vector<1x16xf32>,
        %swap3A_885 = vector.shape_cast %swap3A_884 : vector<1x16xf32> to vector<16xf32>
        %swap3A_886 = vector.shape_cast %mul3A_881 : vector<16xf32> to vector<1x16xf32>
        tpu.vector_store %arg16[%swap3A_882, %swap3A_883], %swap3A_886 {strides = array<i32>} : memref<128x128xf32, #tpu.memory_space<vmem>>, vector<1x16xf32>,
        %get3A_887 = arith.index_cast %add3A_831 : i32 to index
        %get3A_888 = arith.constant 80 : index
        %get3A_889 = tpu.vector_load %arg16[%get3A_887, %get3A_888] {strides = array<i32>} : memref<128x128xf32, #tpu.memory_space<vmem>>, vector<1x16xf32>,
        %get3A_890 = vector.shape_cast %get3A_889 : vector<1x16xf32> to vector<16xf32>
        %mul3A_891 = vector.broadcast %squeeze3A_827 : f32 to vector<16xf32>
        %mul3A_892 = arith.mulf %get3A_890, %mul3A_891 : vector<16xf32>
        %swap3A_893 = arith.index_cast %add3A_831 : i32 to index
        %swap3A_894 = arith.constant 80 : index
        %swap3A_895 = tpu.vector_load %arg16[%swap3A_893, %swap3A_894] {strides = array<i32>} : memref<128x128xf32, #tpu.memory_space<vmem>>, vector<1x16xf32>,
        %swap3A_896 = vector.shape_cast %swap3A_895 : vector<1x16xf32> to vector<16xf32>
        %swap3A_897 = vector.shape_cast %mul3A_892 : vector<16xf32> to vector<1x16xf32>
        tpu.vector_store %arg16[%swap3A_893, %swap3A_894], %swap3A_897 {strides = array<i32>} : memref<128x128xf32, #tpu.memory_space<vmem>>, vector<1x16xf32>,
        %get3A_898 = arith.index_cast %add3A_831 : i32 to index
        %get3A_899 = arith.constant 96 : index
        %get3A_900 = tpu.vector_load %arg16[%get3A_898, %get3A_899] {strides = array<i32>} : memref<128x128xf32, #tpu.memory_space<vmem>>, vector<1x16xf32>,
        %get3A_901 = vector.shape_cast %get3A_900 : vector<1x16xf32> to vector<16xf32>
        %mul3A_902 = vector.broadcast %squeeze3A_827 : f32 to vector<16xf32>
        %mul3A_903 = arith.mulf %get3A_901, %mul3A_902 : vector<16xf32>
        %swap3A_904 = arith.index_cast %add3A_831 : i32 to index
        %swap3A_905 = arith.constant 96 : index
        %swap3A_906 = tpu.vector_load %arg16[%swap3A_904, %swap3A_905] {strides = array<i32>} : memref<128x128xf32, #tpu.memory_space<vmem>>, vector<1x16xf32>,
        %swap3A_907 = vector.shape_cast %swap3A_906 : vector<1x16xf32> to vector<16xf32>
        %swap3A_908 = vector.shape_cast %mul3A_903 : vector<16xf32> to vector<1x16xf32>
        tpu.vector_store %arg16[%swap3A_904, %swap3A_905], %swap3A_908 {strides = array<i32>} : memref<128x128xf32, #tpu.memory_space<vmem>>, vector<1x16xf32>,
        %get3A_909 = arith.index_cast %add3A_831 : i32 to index
        %get3A_910 = arith.constant 112 : index
        %get3A_911 = tpu.vector_load %arg16[%get3A_909, %get3A_910] {strides = array<i32>} : memref<128x128xf32, #tpu.memory_space<vmem>>, vector<1x16xf32>,
        %get3A_912 = vector.shape_cast %get3A_911 : vector<1x16xf32> to vector<16xf32>
        %mul3A_913 = vector.broadcast %squeeze3A_827 : f32 to vector<16xf32>
        %mul3A_914 = arith.mulf %get3A_912, %mul3A_913 : vector<16xf32>
        %swap3A_915 = arith.index_cast %add3A_831 : i32 to index
        %swap3A_916 = arith.constant 112 : index
        %swap3A_917 = tpu.vector_load %arg16[%swap3A_915, %swap3A_916] {strides = array<i32>} : memref<128x128xf32, #tpu.memory_space<vmem>>, vector<1x16xf32>,
        %swap3A_918 = vector.shape_cast %swap3A_917 : vector<1x16xf32> to vector<16xf32>
        %swap3A_919 = vector.shape_cast %mul3A_914 : vector<16xf32> to vector<1x16xf32>
        tpu.vector_store %arg16[%swap3A_915, %swap3A_916], %swap3A_919 {strides = array<i32>} : memref<128x128xf32, #tpu.memory_space<vmem>>, vector<1x16xf32>,
        %slice3A_920 = vector.extract_strided_slice %get3A_357 {offsets = [6], sizes = [1], strides = [1]} : vector<16xf32> to vector<1xf32>
        %squeeze3A_921 = vector.extract %slice3A_920[0] : f32 from vector<1xf32>
        %mul3A_922 = arith.constant 16 : i32
        %mul3A_923 = arith.muli %scan3A_352, %mul3A_922 : i32
        %add3A_924 = arith.constant 6 : i32
        %add3A_925 = arith.addi %mul3A_923, %add3A_924 : i32
        %get3A_926 = arith.index_cast %add3A_925 : i32 to index
        %get3A_927 = arith.constant 0 : index
        %get3A_928 = tpu.vector_load %arg16[%get3A_926, %get3A_927] {strides = array<i32>} : memref<128x128xf32, #tpu.memory_space<vmem>>, vector<1x16xf32>,
        %get3A_929 = vector.shape_cast %get3A_928 : vector<1x16xf32> to vector<16xf32>
        %mul3A_930 = vector.broadcast %squeeze3A_921 : f32 to vector<16xf32>
        %mul3A_931 = arith.mulf %get3A_929, %mul3A_930 : vector<16xf32>
        %swap3A_932 = arith.index_cast %add3A_925 : i32 to index
        %swap3A_933 = arith.constant 0 : index
        %swap3A_934 = tpu.vector_load %arg16[%swap3A_932, %swap3A_933] {strides = array<i32>} : memref<128x128xf32, #tpu.memory_space<vmem>>, vector<1x16xf32>,
        %swap3A_935 = vector.shape_cast %swap3A_934 : vector<1x16xf32> to vector<16xf32>
        %swap3A_936 = vector.shape_cast %mul3A_931 : vector<16xf32> to vector<1x16xf32>
        tpu.vector_store %arg16[%swap3A_932, %swap3A_933], %swap3A_936 {strides = array<i32>} : memref<128x128xf32, #tpu.memory_space<vmem>>, vector<1x16xf32>,
        %get3A_937 = arith.index_cast %add3A_925 : i32 to index
        %get3A_938 = arith.constant 16 : index
        %get3A_939 = tpu.vector_load %arg16[%get3A_937, %get3A_938] {strides = array<i32>} : memref<128x128xf32, #tpu.memory_space<vmem>>, vector<1x16xf32>,
        %get3A_940 = vector.shape_cast %get3A_939 : vector<1x16xf32> to vector<16xf32>
        %mul3A_941 = vector.broadcast %squeeze3A_921 : f32 to vector<16xf32>
        %mul3A_942 = arith.mulf %get3A_940, %mul3A_941 : vector<16xf32>
        %swap3A_943 = arith.index_cast %add3A_925 : i32 to index
        %swap3A_944 = arith.constant 16 : index
        %swap3A_945 = tpu.vector_load %arg16[%swap3A_943, %swap3A_944] {strides = array<i32>} : memref<128x128xf32, #tpu.memory_space<vmem>>, vector<1x16xf32>,
        %swap3A_946 = vector.shape_cast %swap3A_945 : vector<1x16xf32> to vector<16xf32>
        %swap3A_947 = vector.shape_cast %mul3A_942 : vector<16xf32> to vector<1x16xf32>
        tpu.vector_store %arg16[%swap3A_943, %swap3A_944], %swap3A_947 {strides = array<i32>} : memref<128x128xf32, #tpu.memory_space<vmem>>, vector<1x16xf32>,
        %get3A_948 = arith.index_cast %add3A_925 : i32 to index
        %get3A_949 = arith.constant 32 : index
        %get3A_950 = tpu.vector_load %arg16[%get3A_948, %get3A_949] {strides = array<i32>} : memref<128x128xf32, #tpu.memory_space<vmem>>, vector<1x16xf32>,
        %get3A_951 = vector.shape_cast %get3A_950 : vector<1x16xf32> to vector<16xf32>
        %mul3A_952 = vector.broadcast %squeeze3A_921 : f32 to vector<16xf32>
        %mul3A_953 = arith.mulf %get3A_951, %mul3A_952 : vector<16xf32>
        %swap3A_954 = arith.index_cast %add3A_925 : i32 to index
        %swap3A_955 = arith.constant 32 : index
        %swap3A_956 = tpu.vector_load %arg16[%swap3A_954, %swap3A_955] {strides = array<i32>} : memref<128x128xf32, #tpu.memory_space<vmem>>, vector<1x16xf32>,
        %swap3A_957 = vector.shape_cast %swap3A_956 : vector<1x16xf32> to vector<16xf32>
        %swap3A_958 = vector.shape_cast %mul3A_953 : vector<16xf32> to vector<1x16xf32>
        tpu.vector_store %arg16[%swap3A_954, %swap3A_955], %swap3A_958 {strides = array<i32>} : memref<128x128xf32, #tpu.memory_space<vmem>>, vector<1x16xf32>,
        %get3A_959 = arith.index_cast %add3A_925 : i32 to index
        %get3A_960 = arith.constant 48 : index
        %get3A_961 = tpu.vector_load %arg16[%get3A_959, %get3A_960] {strides = array<i32>} : memref<128x128xf32, #tpu.memory_space<vmem>>, vector<1x16xf32>,
        %get3A_962 = vector.shape_cast %get3A_961 : vector<1x16xf32> to vector<16xf32>
        %mul3A_963 = vector.broadcast %squeeze3A_921 : f32 to vector<16xf32>
        %mul3A_964 = arith.mulf %get3A_962, %mul3A_963 : vector<16xf32>
        %swap3A_965 = arith.index_cast %add3A_925 : i32 to index
        %swap3A_966 = arith.constant 48 : index
        %swap3A_967 = tpu.vector_load %arg16[%swap3A_965, %swap3A_966] {strides = array<i32>} : memref<128x128xf32, #tpu.memory_space<vmem>>, vector<1x16xf32>,
        %swap3A_968 = vector.shape_cast %swap3A_967 : vector<1x16xf32> to vector<16xf32>
        %swap3A_969 = vector.shape_cast %mul3A_964 : vector<16xf32> to vector<1x16xf32>
        tpu.vector_store %arg16[%swap3A_965, %swap3A_966], %swap3A_969 {strides = array<i32>} : memref<128x128xf32, #tpu.memory_space<vmem>>, vector<1x16xf32>,
        %get3A_970 = arith.index_cast %add3A_925 : i32 to index
        %get3A_971 = arith.constant 64 : index
        %get3A_972 = tpu.vector_load %arg16[%get3A_970, %get3A_971] {strides = array<i32>} : memref<128x128xf32, #tpu.memory_space<vmem>>, vector<1x16xf32>,
        %get3A_973 = vector.shape_cast %get3A_972 : vector<1x16xf32> to vector<16xf32>
        %mul3A_974 = vector.broadcast %squeeze3A_921 : f32 to vector<16xf32>
        %mul3A_975 = arith.mulf %get3A_973, %mul3A_974 : vector<16xf32>
        %swap3A_976 = arith.index_cast %add3A_925 : i32 to index
        %swap3A_977 = arith.constant 64 : index
        %swap3A_978 = tpu.vector_load %arg16[%swap3A_976, %swap3A_977] {strides = array<i32>} : memref<128x128xf32, #tpu.memory_space<vmem>>, vector<1x16xf32>,
        %swap3A_979 = vector.shape_cast %swap3A_978 : vector<1x16xf32> to vector<16xf32>
        %swap3A_980 = vector.shape_cast %mul3A_975 : vector<16xf32> to vector<1x16xf32>
        tpu.vector_store %arg16[%swap3A_976, %swap3A_977], %swap3A_980 {strides = array<i32>} : memref<128x128xf32, #tpu.memory_space<vmem>>, vector<1x16xf32>,
        %get3A_981 = arith.index_cast %add3A_925 : i32 to index
        %get3A_982 = arith.constant 80 : index
        %get3A_983 = tpu.vector_load %arg16[%get3A_981, %get3A_982] {strides = array<i32>} : memref<128x128xf32, #tpu.memory_space<vmem>>, vector<1x16xf32>,
        %get3A_984 = vector.shape_cast %get3A_983 : vector<1x16xf32> to vector<16xf32>
        %mul3A_985 = vector.broadcast %squeeze3A_921 : f32 to vector<16xf32>
        %mul3A_986 = arith.mulf %get3A_984, %mul3A_985 : vector<16xf32>
        %swap3A_987 = arith.index_cast %add3A_925 : i32 to index
        %swap3A_988 = arith.constant 80 : index
        %swap3A_989 = tpu.vector_load %arg16[%swap3A_987, %swap3A_988] {strides = array<i32>} : memref<128x128xf32, #tpu.memory_space<vmem>>, vector<1x16xf32>,
        %swap3A_990 = vector.shape_cast %swap3A_989 : vector<1x16xf32> to vector<16xf32>
        %swap3A_991 = vector.shape_cast %mul3A_986 : vector<16xf32> to vector<1x16xf32>
        tpu.vector_store %arg16[%swap3A_987, %swap3A_988], %swap3A_991 {strides = array<i32>} : memref<128x128xf32, #tpu.memory_space<vmem>>, vector<1x16xf32>,
        %get3A_992 = arith.index_cast %add3A_925 : i32 to index
        %get3A_993 = arith.constant 96 : index
        %get3A_994 = tpu.vector_load %arg16[%get3A_992, %get3A_993] {strides = array<i32>} : memref<128x128xf32, #tpu.memory_space<vmem>>, vector<1x16xf32>,
        %get3A_995 = vector.shape_cast %get3A_994 : vector<1x16xf32> to vector<16xf32>
        %mul3A_996 = vector.broadcast %squeeze3A_921 : f32 to vector<16xf32>
        %mul3A_997 = arith.mulf %get3A_995, %mul3A_996 : vector<16xf32>
        %swap3A_998 = arith.index_cast %add3A_925 : i32 to index
        %swap3A_999 = arith.constant 96 : index
        %swap3A_1000 = tpu.vector_load %arg16[%swap3A_998, %swap3A_999] {strides = array<i32>} : memref<128x128xf32, #tpu.memory_space<vmem>>, vector<1x16xf32>,
        %swap3A_1001 = vector.shape_cast %swap3A_1000 : vector<1x16xf32> to vector<16xf32>
        %swap3A_1002 = vector.shape_cast %mul3A_997 : vector<16xf32> to vector<1x16xf32>
        tpu.vector_store %arg16[%swap3A_998, %swap3A_999], %swap3A_1002 {strides = array<i32>} : memref<128x128xf32, #tpu.memory_space<vmem>>, vector<1x16xf32>,
        %get3A_1003 = arith.index_cast %add3A_925 : i32 to index
        %get3A_1004 = arith.constant 112 : index
        %get3A_1005 = tpu.vector_load %arg16[%get3A_1003, %get3A_1004] {strides = array<i32>} : memref<128x128xf32, #tpu.memory_space<vmem>>, vector<1x16xf32>,
        %get3A_1006 = vector.shape_cast %get3A_1005 : vector<1x16xf32> to vector<16xf32>
        %mul3A_1007 = vector.broadcast %squeeze3A_921 : f32 to vector<16xf32>
        %mul3A_1008 = arith.mulf %get3A_1006, %mul3A_1007 : vector<16xf32>
        %swap3A_1009 = arith.index_cast %add3A_925 : i32 to index
        %swap3A_1010 = arith.constant 112 : index
        %swap3A_1011 = tpu.vector_load %arg16[%swap3A_1009, %swap3A_1010] {strides = array<i32>} : memref<128x128xf32, #tpu.memory_space<vmem>>, vector<1x16xf32>,
        %swap3A_1012 = vector.shape_cast %swap3A_1011 : vector<1x16xf32> to vector<16xf32>
        %swap3A_1013 = vector.shape_cast %mul3A_1008 : vector<16xf32> to vector<1x16xf32>
        tpu.vector_store %arg16[%swap3A_1009, %swap3A_1010], %swap3A_1013 {strides = array<i32>} : memref<128x128xf32, #tpu.memory_space<vmem>>, vector<1x16xf32>,
        %slice3A_1014 = vector.extract_strided_slice %get3A_357 {offsets = [7], sizes = [1], strides = [1]} : vector<16xf32> to vector<1xf32>
        %squeeze3A_1015 = vector.extract %slice3A_1014[0] : f32 from vector<1xf32>
        %mul3A_1016 = arith.constant 16 : i32
        %mul3A_1017 = arith.muli %scan3A_352, %mul3A_1016 : i32
        %add3A_1018 = arith.constant 7 : i32
        %add3A_1019 = arith.addi %mul3A_1017, %add3A_1018 : i32
        %get3A_1020 = arith.index_cast %add3A_1019 : i32 to index
        %get3A_1021 = arith.constant 0 : index
        %get3A_1022 = tpu.vector_load %arg16[%get3A_1020, %get3A_1021] {strides = array<i32>} : memref<128x128xf32, #tpu.memory_space<vmem>>, vector<1x16xf32>,
        %get3A_1023 = vector.shape_cast %get3A_1022 : vector<1x16xf32> to vector<16xf32>
        %mul3A_1024 = vector.broadcast %squeeze3A_1015 : f32 to vector<16xf32>
        %mul3A_1025 = arith.mulf %get3A_1023, %mul3A_1024 : vector<16xf32>
        %swap3A_1026 = arith.index_cast %add3A_1019 : i32 to index
        %swap3A_1027 = arith.constant 0 : index
        %swap3A_1028 = tpu.vector_load %arg16[%swap3A_1026, %swap3A_1027] {strides = array<i32>} : memref<128x128xf32, #tpu.memory_space<vmem>>, vector<1x16xf32>,
        %swap3A_1029 = vector.shape_cast %swap3A_1028 : vector<1x16xf32> to vector<16xf32>
        %swap3A_1030 = vector.shape_cast %mul3A_1025 : vector<16xf32> to vector<1x16xf32>
        tpu.vector_store %arg16[%swap3A_1026, %swap3A_1027], %swap3A_1030 {strides = array<i32>} : memref<128x128xf32, #tpu.memory_space<vmem>>, vector<1x16xf32>,
        %get3A_1031 = arith.index_cast %add3A_1019 : i32 to index
        %get3A_1032 = arith.constant 16 : index
        %get3A_1033 = tpu.vector_load %arg16[%get3A_1031, %get3A_1032] {strides = array<i32>} : memref<128x128xf32, #tpu.memory_space<vmem>>, vector<1x16xf32>,
        %get3A_1034 = vector.shape_cast %get3A_1033 : vector<1x16xf32> to vector<16xf32>
        %mul3A_1035 = vector.broadcast %squeeze3A_1015 : f32 to vector<16xf32>
        %mul3A_1036 = arith.mulf %get3A_1034, %mul3A_1035 : vector<16xf32>
        %swap3A_1037 = arith.index_cast %add3A_1019 : i32 to index
        %swap3A_1038 = arith.constant 16 : index
        %swap3A_1039 = tpu.vector_load %arg16[%swap3A_1037, %swap3A_1038] {strides = array<i32>} : memref<128x128xf32, #tpu.memory_space<vmem>>, vector<1x16xf32>,
        %swap3A_1040 = vector.shape_cast %swap3A_1039 : vector<1x16xf32> to vector<16xf32>
        %swap3A_1041 = vector.shape_cast %mul3A_1036 : vector<16xf32> to vector<1x16xf32>
        tpu.vector_store %arg16[%swap3A_1037, %swap3A_1038], %swap3A_1041 {strides = array<i32>} : memref<128x128xf32, #tpu.memory_space<vmem>>, vector<1x16xf32>,
        %get3A_1042 = arith.index_cast %add3A_1019 : i32 to index
        %get3A_1043 = arith.constant 32 : index
        %get3A_1044 = tpu.vector_load %arg16[%get3A_1042, %get3A_1043] {strides = array<i32>} : memref<128x128xf32, #tpu.memory_space<vmem>>, vector<1x16xf32>,
        %get3A_1045 = vector.shape_cast %get3A_1044 : vector<1x16xf32> to vector<16xf32>
        %mul3A_1046 = vector.broadcast %squeeze3A_1015 : f32 to vector<16xf32>
        %mul3A_1047 = arith.mulf %get3A_1045, %mul3A_1046 : vector<16xf32>
        %swap3A_1048 = arith.index_cast %add3A_1019 : i32 to index
        %swap3A_1049 = arith.constant 32 : index
        %swap3A_1050 = tpu.vector_load %arg16[%swap3A_1048, %swap3A_1049] {strides = array<i32>} : memref<128x128xf32, #tpu.memory_space<vmem>>, vector<1x16xf32>,
        %swap3A_1051 = vector.shape_cast %swap3A_1050 : vector<1x16xf32> to vector<16xf32>
        %swap3A_1052 = vector.shape_cast %mul3A_1047 : vector<16xf32> to vector<1x16xf32>
        tpu.vector_store %arg16[%swap3A_1048, %swap3A_1049], %swap3A_1052 {strides = array<i32>} : memref<128x128xf32, #tpu.memory_space<vmem>>, vector<1x16xf32>,
        %get3A_1053 = arith.index_cast %add3A_1019 : i32 to index
        %get3A_1054 = arith.constant 48 : index
        %get3A_1055 = tpu.vector_load %arg16[%get3A_1053, %get3A_1054] {strides = array<i32>} : memref<128x128xf32, #tpu.memory_space<vmem>>, vector<1x16xf32>,
        %get3A_1056 = vector.shape_cast %get3A_1055 : vector<1x16xf32> to vector<16xf32>
        %mul3A_1057 = vector.broadcast %squeeze3A_1015 : f32 to vector<16xf32>
        %mul3A_1058 = arith.mulf %get3A_1056, %mul3A_1057 : vector<16xf32>
        %swap3A_1059 = arith.index_cast %add3A_1019 : i32 to index
        %swap3A_1060 = arith.constant 48 : index
        %swap3A_1061 = tpu.vector_load %arg16[%swap3A_1059, %swap3A_1060] {strides = array<i32>} : memref<128x128xf32, #tpu.memory_space<vmem>>, vector<1x16xf32>,
        %swap3A_1062 = vector.shape_cast %swap3A_1061 : vector<1x16xf32> to vector<16xf32>
        %swap3A_1063 = vector.shape_cast %mul3A_1058 : vector<16xf32> to vector<1x16xf32>
        tpu.vector_store %arg16[%swap3A_1059, %swap3A_1060], %swap3A_1063 {strides = array<i32>} : memref<128x128xf32, #tpu.memory_space<vmem>>, vector<1x16xf32>,
        %get3A_1064 = arith.index_cast %add3A_1019 : i32 to index
        %get3A_1065 = arith.constant 64 : index
        %get3A_1066 = tpu.vector_load %arg16[%get3A_1064, %get3A_1065] {strides = array<i32>} : memref<128x128xf32, #tpu.memory_space<vmem>>, vector<1x16xf32>,
        %get3A_1067 = vector.shape_cast %get3A_1066 : vector<1x16xf32> to vector<16xf32>
        %mul3A_1068 = vector.broadcast %squeeze3A_1015 : f32 to vector<16xf32>
        %mul3A_1069 = arith.mulf %get3A_1067, %mul3A_1068 : vector<16xf32>
        %swap3A_1070 = arith.index_cast %add3A_1019 : i32 to index
        %swap3A_1071 = arith.constant 64 : index
        %swap3A_1072 = tpu.vector_load %arg16[%swap3A_1070, %swap3A_1071] {strides = array<i32>} : memref<128x128xf32, #tpu.memory_space<vmem>>, vector<1x16xf32>,
        %swap3A_1073 = vector.shape_cast %swap3A_1072 : vector<1x16xf32> to vector<16xf32>
        %swap3A_1074 = vector.shape_cast %mul3A_1069 : vector<16xf32> to vector<1x16xf32>
        tpu.vector_store %arg16[%swap3A_1070, %swap3A_1071], %swap3A_1074 {strides = array<i32>} : memref<128x128xf32, #tpu.memory_space<vmem>>, vector<1x16xf32>,
        %get3A_1075 = arith.index_cast %add3A_1019 : i32 to index
        %get3A_1076 = arith.constant 80 : index
        %get3A_1077 = tpu.vector_load %arg16[%get3A_1075, %get3A_1076] {strides = array<i32>} : memref<128x128xf32, #tpu.memory_space<vmem>>, vector<1x16xf32>,
        %get3A_1078 = vector.shape_cast %get3A_1077 : vector<1x16xf32> to vector<16xf32>
        %mul3A_1079 = vector.broadcast %squeeze3A_1015 : f32 to vector<16xf32>
        %mul3A_1080 = arith.mulf %get3A_1078, %mul3A_1079 : vector<16xf32>
        %swap3A_1081 = arith.index_cast %add3A_1019 : i32 to index
        %swap3A_1082 = arith.constant 80 : index
        %swap3A_1083 = tpu.vector_load %arg16[%swap3A_1081, %swap3A_1082] {strides = array<i32>} : memref<128x128xf32, #tpu.memory_space<vmem>>, vector<1x16xf32>,
        %swap3A_1084 = vector.shape_cast %swap3A_1083 : vector<1x16xf32> to vector<16xf32>
        %swap3A_1085 = vector.shape_cast %mul3A_1080 : vector<16xf32> to vector<1x16xf32>
        tpu.vector_store %arg16[%swap3A_1081, %swap3A_1082], %swap3A_1085 {strides = array<i32>} : memref<128x128xf32, #tpu.memory_space<vmem>>, vector<1x16xf32>,
        %get3A_1086 = arith.index_cast %add3A_1019 : i32 to index
        %get3A_1087 = arith.constant 96 : index
        %get3A_1088 = tpu.vector_load %arg16[%get3A_1086, %get3A_1087] {strides = array<i32>} : memref<128x128xf32, #tpu.memory_space<vmem>>, vector<1x16xf32>,
        %get3A_1089 = vector.shape_cast %get3A_1088 : vector<1x16xf32> to vector<16xf32>
        %mul3A_1090 = vector.broadcast %squeeze3A_1015 : f32 to vector<16xf32>
        %mul3A_1091 = arith.mulf %get3A_1089, %mul3A_1090 : vector<16xf32>
        %swap3A_1092 = arith.index_cast %add3A_1019 : i32 to index
        %swap3A_1093 = arith.constant 96 : index
        %swap3A_1094 = tpu.vector_load %arg16[%swap3A_1092, %swap3A_1093] {strides = array<i32>} : memref<128x128xf32, #tpu.memory_space<vmem>>, vector<1x16xf32>,
        %swap3A_1095 = vector.shape_cast %swap3A_1094 : vector<1x16xf32> to vector<16xf32>
        %swap3A_1096 = vector.shape_cast %mul3A_1091 : vector<16xf32> to vector<1x16xf32>
        tpu.vector_store %arg16[%swap3A_1092, %swap3A_1093], %swap3A_1096 {strides = array<i32>} : memref<128x128xf32, #tpu.memory_space<vmem>>, vector<1x16xf32>,
        %get3A_1097 = arith.index_cast %add3A_1019 : i32 to index
        %get3A_1098 = arith.constant 112 : index
        %get3A_1099 = tpu.vector_load %arg16[%get3A_1097, %get3A_1098] {strides = array<i32>} : memref<128x128xf32, #tpu.memory_space<vmem>>, vector<1x16xf32>,
        %get3A_1100 = vector.shape_cast %get3A_1099 : vector<1x16xf32> to vector<16xf32>
        %mul3A_1101 = vector.broadcast %squeeze3A_1015 : f32 to vector<16xf32>
        %mul3A_1102 = arith.mulf %get3A_1100, %mul3A_1101 : vector<16xf32>
        %swap3A_1103 = arith.index_cast %add3A_1019 : i32 to index
        %swap3A_1104 = arith.constant 112 : index
        %swap3A_1105 = tpu.vector_load %arg16[%swap3A_1103, %swap3A_1104] {strides = array<i32>} : memref<128x128xf32, #tpu.memory_space<vmem>>, vector<1x16xf32>,
        %swap3A_1106 = vector.shape_cast %swap3A_1105 : vector<1x16xf32> to vector<16xf32>
        %swap3A_1107 = vector.shape_cast %mul3A_1102 : vector<16xf32> to vector<1x16xf32>
        tpu.vector_store %arg16[%swap3A_1103, %swap3A_1104], %swap3A_1107 {strides = array<i32>} : memref<128x128xf32, #tpu.memory_space<vmem>>, vector<1x16xf32>,
        %slice3A_1108 = vector.extract_strided_slice %get3A_357 {offsets = [8], sizes = [1], strides = [1]} : vector<16xf32> to vector<1xf32>
        %squeeze3A_1109 = vector.extract %slice3A_1108[0] : f32 from vector<1xf32>
        %mul3A_1110 = arith.constant 16 : i32
        %mul3A_1111 = arith.muli %scan3A_352, %mul3A_1110 : i32
        %add3A_1112 = arith.constant 8 : i32
        %add3A_1113 = arith.addi %mul3A_1111, %add3A_1112 : i32
        %get3A_1114 = arith.index_cast %add3A_1113 : i32 to index
        %get3A_1115 = arith.constant 0 : index
        %get3A_1116 = tpu.vector_load %arg16[%get3A_1114, %get3A_1115] {strides = array<i32>} : memref<128x128xf32, #tpu.memory_space<vmem>>, vector<1x16xf32>,
        %get3A_1117 = vector.shape_cast %get3A_1116 : vector<1x16xf32> to vector<16xf32>
        %mul3A_1118 = vector.broadcast %squeeze3A_1109 : f32 to vector<16xf32>
        %mul3A_1119 = arith.mulf %get3A_1117, %mul3A_1118 : vector<16xf32>
        %swap3A_1120 = arith.index_cast %add3A_1113 : i32 to index
        %swap3A_1121 = arith.constant 0 : index
        %swap3A_1122 = tpu.vector_load %arg16[%swap3A_1120, %swap3A_1121] {strides = array<i32>} : memref<128x128xf32, #tpu.memory_space<vmem>>, vector<1x16xf32>,
        %swap3A_1123 = vector.shape_cast %swap3A_1122 : vector<1x16xf32> to vector<16xf32>
        %swap3A_1124 = vector.shape_cast %mul3A_1119 : vector<16xf32> to vector<1x16xf32>
        tpu.vector_store %arg16[%swap3A_1120, %swap3A_1121], %swap3A_1124 {strides = array<i32>} : memref<128x128xf32, #tpu.memory_space<vmem>>, vector<1x16xf32>,
        %get3A_1125 = arith.index_cast %add3A_1113 : i32 to index
        %get3A_1126 = arith.constant 16 : index
        %get3A_1127 = tpu.vector_load %arg16[%get3A_1125, %get3A_1126] {strides = array<i32>} : memref<128x128xf32, #tpu.memory_space<vmem>>, vector<1x16xf32>,
        %get3A_1128 = vector.shape_cast %get3A_1127 : vector<1x16xf32> to vector<16xf32>
        %mul3A_1129 = vector.broadcast %squeeze3A_1109 : f32 to vector<16xf32>
        %mul3A_1130 = arith.mulf %get3A_1128, %mul3A_1129 : vector<16xf32>
        %swap3A_1131 = arith.index_cast %add3A_1113 : i32 to index
        %swap3A_1132 = arith.constant 16 : index
        %swap3A_1133 = tpu.vector_load %arg16[%swap3A_1131, %swap3A_1132] {strides = array<i32>} : memref<128x128xf32, #tpu.memory_space<vmem>>, vector<1x16xf32>,
        %swap3A_1134 = vector.shape_cast %swap3A_1133 : vector<1x16xf32> to vector<16xf32>
        %swap3A_1135 = vector.shape_cast %mul3A_1130 : vector<16xf32> to vector<1x16xf32>
        tpu.vector_store %arg16[%swap3A_1131, %swap3A_1132], %swap3A_1135 {strides = array<i32>} : memref<128x128xf32, #tpu.memory_space<vmem>>, vector<1x16xf32>,
        %get3A_1136 = arith.index_cast %add3A_1113 : i32 to index
        %get3A_1137 = arith.constant 32 : index
        %get3A_1138 = tpu.vector_load %arg16[%get3A_1136, %get3A_1137] {strides = array<i32>} : memref<128x128xf32, #tpu.memory_space<vmem>>, vector<1x16xf32>,
        %get3A_1139 = vector.shape_cast %get3A_1138 : vector<1x16xf32> to vector<16xf32>
        %mul3A_1140 = vector.broadcast %squeeze3A_1109 : f32 to vector<16xf32>
        %mul3A_1141 = arith.mulf %get3A_1139, %mul3A_1140 : vector<16xf32>
        %swap3A_1142 = arith.index_cast %add3A_1113 : i32 to index
        %swap3A_1143 = arith.constant 32 : index
        %swap3A_1144 = tpu.vector_load %arg16[%swap3A_1142, %swap3A_1143] {strides = array<i32>} : memref<128x128xf32, #tpu.memory_space<vmem>>, vector<1x16xf32>,
        %swap3A_1145 = vector.shape_cast %swap3A_1144 : vector<1x16xf32> to vector<16xf32>
        %swap3A_1146 = vector.shape_cast %mul3A_1141 : vector<16xf32> to vector<1x16xf32>
        tpu.vector_store %arg16[%swap3A_1142, %swap3A_1143], %swap3A_1146 {strides = array<i32>} : memref<128x128xf32, #tpu.memory_space<vmem>>, vector<1x16xf32>,
        %get3A_1147 = arith.index_cast %add3A_1113 : i32 to index
        %get3A_1148 = arith.constant 48 : index
        %get3A_1149 = tpu.vector_load %arg16[%get3A_1147, %get3A_1148] {strides = array<i32>} : memref<128x128xf32, #tpu.memory_space<vmem>>, vector<1x16xf32>,
        %get3A_1150 = vector.shape_cast %get3A_1149 : vector<1x16xf32> to vector<16xf32>
        %mul3A_1151 = vector.broadcast %squeeze3A_1109 : f32 to vector<16xf32>
        %mul3A_1152 = arith.mulf %get3A_1150, %mul3A_1151 : vector<16xf32>
        %swap3A_1153 = arith.index_cast %add3A_1113 : i32 to index
        %swap3A_1154 = arith.constant 48 : index
        %swap3A_1155 = tpu.vector_load %arg16[%swap3A_1153, %swap3A_1154] {strides = array<i32>} : memref<128x128xf32, #tpu.memory_space<vmem>>, vector<1x16xf32>,
        %swap3A_1156 = vector.shape_cast %swap3A_1155 : vector<1x16xf32> to vector<16xf32>
        %swap3A_1157 = vector.shape_cast %mul3A_1152 : vector<16xf32> to vector<1x16xf32>
        tpu.vector_store %arg16[%swap3A_1153, %swap3A_1154], %swap3A_1157 {strides = array<i32>} : memref<128x128xf32, #tpu.memory_space<vmem>>, vector<1x16xf32>,
        %get3A_1158 = arith.index_cast %add3A_1113 : i32 to index
        %get3A_1159 = arith.constant 64 : index
        %get3A_1160 = tpu.vector_load %arg16[%get3A_1158, %get3A_1159] {strides = array<i32>} : memref<128x128xf32, #tpu.memory_space<vmem>>, vector<1x16xf32>,
        %get3A_1161 = vector.shape_cast %get3A_1160 : vector<1x16xf32> to vector<16xf32>
        %mul3A_1162 = vector.broadcast %squeeze3A_1109 : f32 to vector<16xf32>
        %mul3A_1163 = arith.mulf %get3A_1161, %mul3A_1162 : vector<16xf32>
        %swap3A_1164 = arith.index_cast %add3A_1113 : i32 to index
        %swap3A_1165 = arith.constant 64 : index
        %swap3A_1166 = tpu.vector_load %arg16[%swap3A_1164, %swap3A_1165] {strides = array<i32>} : memref<128x128xf32, #tpu.memory_space<vmem>>, vector<1x16xf32>,
        %swap3A_1167 = vector.shape_cast %swap3A_1166 : vector<1x16xf32> to vector<16xf32>
        %swap3A_1168 = vector.shape_cast %mul3A_1163 : vector<16xf32> to vector<1x16xf32>
        tpu.vector_store %arg16[%swap3A_1164, %swap3A_1165], %swap3A_1168 {strides = array<i32>} : memref<128x128xf32, #tpu.memory_space<vmem>>, vector<1x16xf32>,
        %get3A_1169 = arith.index_cast %add3A_1113 : i32 to index
        %get3A_1170 = arith.constant 80 : index
        %get3A_1171 = tpu.vector_load %arg16[%get3A_1169, %get3A_1170] {strides = array<i32>} : memref<128x128xf32, #tpu.memory_space<vmem>>, vector<1x16xf32>,
        %get3A_1172 = vector.shape_cast %get3A_1171 : vector<1x16xf32> to vector<16xf32>
        %mul3A_1173 = vector.broadcast %squeeze3A_1109 : f32 to vector<16xf32>
        %mul3A_1174 = arith.mulf %get3A_1172, %mul3A_1173 : vector<16xf32>
        %swap3A_1175 = arith.index_cast %add3A_1113 : i32 to index
        %swap3A_1176 = arith.constant 80 : index
        %swap3A_1177 = tpu.vector_load %arg16[%swap3A_1175, %swap3A_1176] {strides = array<i32>} : memref<128x128xf32, #tpu.memory_space<vmem>>, vector<1x16xf32>,
        %swap3A_1178 = vector.shape_cast %swap3A_1177 : vector<1x16xf32> to vector<16xf32>
        %swap3A_1179 = vector.shape_cast %mul3A_1174 : vector<16xf32> to vector<1x16xf32>
        tpu.vector_store %arg16[%swap3A_1175, %swap3A_1176], %swap3A_1179 {strides = array<i32>} : memref<128x128xf32, #tpu.memory_space<vmem>>, vector<1x16xf32>,
        %get3A_1180 = arith.index_cast %add3A_1113 : i32 to index
        %get3A_1181 = arith.constant 96 : index
        %get3A_1182 = tpu.vector_load %arg16[%get3A_1180, %get3A_1181] {strides = array<i32>} : memref<128x128xf32, #tpu.memory_space<vmem>>, vector<1x16xf32>,
        %get3A_1183 = vector.shape_cast %get3A_1182 : vector<1x16xf32> to vector<16xf32>
        %mul3A_1184 = vector.broadcast %squeeze3A_1109 : f32 to vector<16xf32>
        %mul3A_1185 = arith.mulf %get3A_1183, %mul3A_1184 : vector<16xf32>
        %swap3A_1186 = arith.index_cast %add3A_1113 : i32 to index
        %swap3A_1187 = arith.constant 96 : index
        %swap3A_1188 = tpu.vector_load %arg16[%swap3A_1186, %swap3A_1187] {strides = array<i32>} : memref<128x128xf32, #tpu.memory_space<vmem>>, vector<1x16xf32>,
        %swap3A_1189 = vector.shape_cast %swap3A_1188 : vector<1x16xf32> to vector<16xf32>
        %swap3A_1190 = vector.shape_cast %mul3A_1185 : vector<16xf32> to vector<1x16xf32>
        tpu.vector_store %arg16[%swap3A_1186, %swap3A_1187], %swap3A_1190 {strides = array<i32>} : memref<128x128xf32, #tpu.memory_space<vmem>>, vector<1x16xf32>,
        %get3A_1191 = arith.index_cast %add3A_1113 : i32 to index
        %get3A_1192 = arith.constant 112 : index
        %get3A_1193 = tpu.vector_load %arg16[%get3A_1191, %get3A_1192] {strides = array<i32>} : memref<128x128xf32, #tpu.memory_space<vmem>>, vector<1x16xf32>,
        %get3A_1194 = vector.shape_cast %get3A_1193 : vector<1x16xf32> to vector<16xf32>
        %mul3A_1195 = vector.broadcast %squeeze3A_1109 : f32 to vector<16xf32>
        %mul3A_1196 = arith.mulf %get3A_1194, %mul3A_1195 : vector<16xf32>
        %swap3A_1197 = arith.index_cast %add3A_1113 : i32 to index
        %swap3A_1198 = arith.constant 112 : index
        %swap3A_1199 = tpu.vector_load %arg16[%swap3A_1197, %swap3A_1198] {strides = array<i32>} : memref<128x128xf32, #tpu.memory_space<vmem>>, vector<1x16xf32>,
        %swap3A_1200 = vector.shape_cast %swap3A_1199 : vector<1x16xf32> to vector<16xf32>
        %swap3A_1201 = vector.shape_cast %mul3A_1196 : vector<16xf32> to vector<1x16xf32>
        tpu.vector_store %arg16[%swap3A_1197, %swap3A_1198], %swap3A_1201 {strides = array<i32>} : memref<128x128xf32, #tpu.memory_space<vmem>>, vector<1x16xf32>,
        %slice3A_1202 = vector.extract_strided_slice %get3A_357 {offsets = [9], sizes = [1], strides = [1]} : vector<16xf32> to vector<1xf32>
        %squeeze3A_1203 = vector.extract %slice3A_1202[0] : f32 from vector<1xf32>
        %mul3A_1204 = arith.constant 16 : i32
        %mul3A_1205 = arith.muli %scan3A_352, %mul3A_1204 : i32
        %add3A_1206 = arith.constant 9 : i32
        %add3A_1207 = arith.addi %mul3A_1205, %add3A_1206 : i32
        %get3A_1208 = arith.index_cast %add3A_1207 : i32 to index
        %get3A_1209 = arith.constant 0 : index
        %get3A_1210 = tpu.vector_load %arg16[%get3A_1208, %get3A_1209] {strides = array<i32>} : memref<128x128xf32, #tpu.memory_space<vmem>>, vector<1x16xf32>,
        %get3A_1211 = vector.shape_cast %get3A_1210 : vector<1x16xf32> to vector<16xf32>
        %mul3A_1212 = vector.broadcast %squeeze3A_1203 : f32 to vector<16xf32>
        %mul3A_1213 = arith.mulf %get3A_1211, %mul3A_1212 : vector<16xf32>
        %swap3A_1214 = arith.index_cast %add3A_1207 : i32 to index
        %swap3A_1215 = arith.constant 0 : index
        %swap3A_1216 = tpu.vector_load %arg16[%swap3A_1214, %swap3A_1215] {strides = array<i32>} : memref<128x128xf32, #tpu.memory_space<vmem>>, vector<1x16xf32>,
        %swap3A_1217 = vector.shape_cast %swap3A_1216 : vector<1x16xf32> to vector<16xf32>
        %swap3A_1218 = vector.shape_cast %mul3A_1213 : vector<16xf32> to vector<1x16xf32>
        tpu.vector_store %arg16[%swap3A_1214, %swap3A_1215], %swap3A_1218 {strides = array<i32>} : memref<128x128xf32, #tpu.memory_space<vmem>>, vector<1x16xf32>,
        %get3A_1219 = arith.index_cast %add3A_1207 : i32 to index
        %get3A_1220 = arith.constant 16 : index
        %get3A_1221 = tpu.vector_load %arg16[%get3A_1219, %get3A_1220] {strides = array<i32>} : memref<128x128xf32, #tpu.memory_space<vmem>>, vector<1x16xf32>,
        %get3A_1222 = vector.shape_cast %get3A_1221 : vector<1x16xf32> to vector<16xf32>
        %mul3A_1223 = vector.broadcast %squeeze3A_1203 : f32 to vector<16xf32>
        %mul3A_1224 = arith.mulf %get3A_1222, %mul3A_1223 : vector<16xf32>
        %swap3A_1225 = arith.index_cast %add3A_1207 : i32 to index
        %swap3A_1226 = arith.constant 16 : index
        %swap3A_1227 = tpu.vector_load %arg16[%swap3A_1225, %swap3A_1226] {strides = array<i32>} : memref<128x128xf32, #tpu.memory_space<vmem>>, vector<1x16xf32>,
        %swap3A_1228 = vector.shape_cast %swap3A_1227 : vector<1x16xf32> to vector<16xf32>
        %swap3A_1229 = vector.shape_cast %mul3A_1224 : vector<16xf32> to vector<1x16xf32>
        tpu.vector_store %arg16[%swap3A_1225, %swap3A_1226], %swap3A_1229 {strides = array<i32>} : memref<128x128xf32, #tpu.memory_space<vmem>>, vector<1x16xf32>,
        %get3A_1230 = arith.index_cast %add3A_1207 : i32 to index
        %get3A_1231 = arith.constant 32 : index
        %get3A_1232 = tpu.vector_load %arg16[%get3A_1230, %get3A_1231] {strides = array<i32>} : memref<128x128xf32, #tpu.memory_space<vmem>>, vector<1x16xf32>,
        %get3A_1233 = vector.shape_cast %get3A_1232 : vector<1x16xf32> to vector<16xf32>
        %mul3A_1234 = vector.broadcast %squeeze3A_1203 : f32 to vector<16xf32>
        %mul3A_1235 = arith.mulf %get3A_1233, %mul3A_1234 : vector<16xf32>
        %swap3A_1236 = arith.index_cast %add3A_1207 : i32 to index
        %swap3A_1237 = arith.constant 32 : index
        %swap3A_1238 = tpu.vector_load %arg16[%swap3A_1236, %swap3A_1237] {strides = array<i32>} : memref<128x128xf32, #tpu.memory_space<vmem>>, vector<1x16xf32>,
        %swap3A_1239 = vector.shape_cast %swap3A_1238 : vector<1x16xf32> to vector<16xf32>
        %swap3A_1240 = vector.shape_cast %mul3A_1235 : vector<16xf32> to vector<1x16xf32>
        tpu.vector_store %arg16[%swap3A_1236, %swap3A_1237], %swap3A_1240 {strides = array<i32>} : memref<128x128xf32, #tpu.memory_space<vmem>>, vector<1x16xf32>,
        %get3A_1241 = arith.index_cast %add3A_1207 : i32 to index
        %get3A_1242 = arith.constant 48 : index
        %get3A_1243 = tpu.vector_load %arg16[%get3A_1241, %get3A_1242] {strides = array<i32>} : memref<128x128xf32, #tpu.memory_space<vmem>>, vector<1x16xf32>,
        %get3A_1244 = vector.shape_cast %get3A_1243 : vector<1x16xf32> to vector<16xf32>
        %mul3A_1245 = vector.broadcast %squeeze3A_1203 : f32 to vector<16xf32>
        %mul3A_1246 = arith.mulf %get3A_1244, %mul3A_1245 : vector<16xf32>
        %swap3A_1247 = arith.index_cast %add3A_1207 : i32 to index
        %swap3A_1248 = arith.constant 48 : index
        %swap3A_1249 = tpu.vector_load %arg16[%swap3A_1247, %swap3A_1248] {strides = array<i32>} : memref<128x128xf32, #tpu.memory_space<vmem>>, vector<1x16xf32>,
        %swap3A_1250 = vector.shape_cast %swap3A_1249 : vector<1x16xf32> to vector<16xf32>
        %swap3A_1251 = vector.shape_cast %mul3A_1246 : vector<16xf32> to vector<1x16xf32>
        tpu.vector_store %arg16[%swap3A_1247, %swap3A_1248], %swap3A_1251 {strides = array<i32>} : memref<128x128xf32, #tpu.memory_space<vmem>>, vector<1x16xf32>,
        %get3A_1252 = arith.index_cast %add3A_1207 : i32 to index
        %get3A_1253 = arith.constant 64 : index
        %get3A_1254 = tpu.vector_load %arg16[%get3A_1252, %get3A_1253] {strides = array<i32>} : memref<128x128xf32, #tpu.memory_space<vmem>>, vector<1x16xf32>,
        %get3A_1255 = vector.shape_cast %get3A_1254 : vector<1x16xf32> to vector<16xf32>
        %mul3A_1256 = vector.broadcast %squeeze3A_1203 : f32 to vector<16xf32>
        %mul3A_1257 = arith.mulf %get3A_1255, %mul3A_1256 : vector<16xf32>
        %swap3A_1258 = arith.index_cast %add3A_1207 : i32 to index
        %swap3A_1259 = arith.constant 64 : index
        %swap3A_1260 = tpu.vector_load %arg16[%swap3A_1258, %swap3A_1259] {strides = array<i32>} : memref<128x128xf32, #tpu.memory_space<vmem>>, vector<1x16xf32>,
        %swap3A_1261 = vector.shape_cast %swap3A_1260 : vector<1x16xf32> to vector<16xf32>
        %swap3A_1262 = vector.shape_cast %mul3A_1257 : vector<16xf32> to vector<1x16xf32>
        tpu.vector_store %arg16[%swap3A_1258, %swap3A_1259], %swap3A_1262 {strides = array<i32>} : memref<128x128xf32, #tpu.memory_space<vmem>>, vector<1x16xf32>,
        %get3A_1263 = arith.index_cast %add3A_1207 : i32 to index
        %get3A_1264 = arith.constant 80 : index
        %get3A_1265 = tpu.vector_load %arg16[%get3A_1263, %get3A_1264] {strides = array<i32>} : memref<128x128xf32, #tpu.memory_space<vmem>>, vector<1x16xf32>,
        %get3A_1266 = vector.shape_cast %get3A_1265 : vector<1x16xf32> to vector<16xf32>
        %mul3A_1267 = vector.broadcast %squeeze3A_1203 : f32 to vector<16xf32>
        %mul3A_1268 = arith.mulf %get3A_1266, %mul3A_1267 : vector<16xf32>
        %swap3A_1269 = arith.index_cast %add3A_1207 : i32 to index
        %swap3A_1270 = arith.constant 80 : index
        %swap3A_1271 = tpu.vector_load %arg16[%swap3A_1269, %swap3A_1270] {strides = array<i32>} : memref<128x128xf32, #tpu.memory_space<vmem>>, vector<1x16xf32>,
        %swap3A_1272 = vector.shape_cast %swap3A_1271 : vector<1x16xf32> to vector<16xf32>
        %swap3A_1273 = vector.shape_cast %mul3A_1268 : vector<16xf32> to vector<1x16xf32>
        tpu.vector_store %arg16[%swap3A_1269, %swap3A_1270], %swap3A_1273 {strides = array<i32>} : memref<128x128xf32, #tpu.memory_space<vmem>>, vector<1x16xf32>,
        %get3A_1274 = arith.index_cast %add3A_1207 : i32 to index
        %get3A_1275 = arith.constant 96 : index
        %get3A_1276 = tpu.vector_load %arg16[%get3A_1274, %get3A_1275] {strides = array<i32>} : memref<128x128xf32, #tpu.memory_space<vmem>>, vector<1x16xf32>,
        %get3A_1277 = vector.shape_cast %get3A_1276 : vector<1x16xf32> to vector<16xf32>
        %mul3A_1278 = vector.broadcast %squeeze3A_1203 : f32 to vector<16xf32>
        %mul3A_1279 = arith.mulf %get3A_1277, %mul3A_1278 : vector<16xf32>
        %swap3A_1280 = arith.index_cast %add3A_1207 : i32 to index
        %swap3A_1281 = arith.constant 96 : index
        %swap3A_1282 = tpu.vector_load %arg16[%swap3A_1280, %swap3A_1281] {strides = array<i32>} : memref<128x128xf32, #tpu.memory_space<vmem>>, vector<1x16xf32>,
        %swap3A_1283 = vector.shape_cast %swap3A_1282 : vector<1x16xf32> to vector<16xf32>
        %swap3A_1284 = vector.shape_cast %mul3A_1279 : vector<16xf32> to vector<1x16xf32>
        tpu.vector_store %arg16[%swap3A_1280, %swap3A_1281], %swap3A_1284 {strides = array<i32>} : memref<128x128xf32, #tpu.memory_space<vmem>>, vector<1x16xf32>,
        %get3A_1285 = arith.index_cast %add3A_1207 : i32 to index
        %get3A_1286 = arith.constant 112 : index
        %get3A_1287 = tpu.vector_load %arg16[%get3A_1285, %get3A_1286] {strides = array<i32>} : memref<128x128xf32, #tpu.memory_space<vmem>>, vector<1x16xf32>,
        %get3A_1288 = vector.shape_cast %get3A_1287 : vector<1x16xf32> to vector<16xf32>
        %mul3A_1289 = vector.broadcast %squeeze3A_1203 : f32 to vector<16xf32>
        %mul3A_1290 = arith.mulf %get3A_1288, %mul3A_1289 : vector<16xf32>
        %swap3A_1291 = arith.index_cast %add3A_1207 : i32 to index
        %swap3A_1292 = arith.constant 112 : index
        %swap3A_1293 = tpu.vector_load %arg16[%swap3A_1291, %swap3A_1292] {strides = array<i32>} : memref<128x128xf32, #tpu.memory_space<vmem>>, vector<1x16xf32>,
        %swap3A_1294 = vector.shape_cast %swap3A_1293 : vector<1x16xf32> to vector<16xf32>
        %swap3A_1295 = vector.shape_cast %mul3A_1290 : vector<16xf32> to vector<1x16xf32>
        tpu.vector_store %arg16[%swap3A_1291, %swap3A_1292], %swap3A_1295 {strides = array<i32>} : memref<128x128xf32, #tpu.memory_space<vmem>>, vector<1x16xf32>,
        %slice3A_1296 = vector.extract_strided_slice %get3A_357 {offsets = [10], sizes = [1], strides = [1]} : vector<16xf32> to vector<1xf32>
        %squeeze3A_1297 = vector.extract %slice3A_1296[0] : f32 from vector<1xf32>
        %mul3A_1298 = arith.constant 16 : i32
        %mul3A_1299 = arith.muli %scan3A_352, %mul3A_1298 : i32
        %add3A_1300 = arith.constant 10 : i32
        %add3A_1301 = arith.addi %mul3A_1299, %add3A_1300 : i32
        %get3A_1302 = arith.index_cast %add3A_1301 : i32 to index
        %get3A_1303 = arith.constant 0 : index
        %get3A_1304 = tpu.vector_load %arg16[%get3A_1302, %get3A_1303] {strides = array<i32>} : memref<128x128xf32, #tpu.memory_space<vmem>>, vector<1x16xf32>,
        %get3A_1305 = vector.shape_cast %get3A_1304 : vector<1x16xf32> to vector<16xf32>
        %mul3A_1306 = vector.broadcast %squeeze3A_1297 : f32 to vector<16xf32>
        %mul3A_1307 = arith.mulf %get3A_1305, %mul3A_1306 : vector<16xf32>
        %swap3A_1308 = arith.index_cast %add3A_1301 : i32 to index
        %swap3A_1309 = arith.constant 0 : index
        %swap3A_1310 = tpu.vector_load %arg16[%swap3A_1308, %swap3A_1309] {strides = array<i32>} : memref<128x128xf32, #tpu.memory_space<vmem>>, vector<1x16xf32>,
        %swap3A_1311 = vector.shape_cast %swap3A_1310 : vector<1x16xf32> to vector<16xf32>
        %swap3A_1312 = vector.shape_cast %mul3A_1307 : vector<16xf32> to vector<1x16xf32>
        tpu.vector_store %arg16[%swap3A_1308, %swap3A_1309], %swap3A_1312 {strides = array<i32>} : memref<128x128xf32, #tpu.memory_space<vmem>>, vector<1x16xf32>,
        %get3A_1313 = arith.index_cast %add3A_1301 : i32 to index
        %get3A_1314 = arith.constant 16 : index
        %get3A_1315 = tpu.vector_load %arg16[%get3A_1313, %get3A_1314] {strides = array<i32>} : memref<128x128xf32, #tpu.memory_space<vmem>>, vector<1x16xf32>,
        %get3A_1316 = vector.shape_cast %get3A_1315 : vector<1x16xf32> to vector<16xf32>
        %mul3A_1317 = vector.broadcast %squeeze3A_1297 : f32 to vector<16xf32>
        %mul3A_1318 = arith.mulf %get3A_1316, %mul3A_1317 : vector<16xf32>
        %swap3A_1319 = arith.index_cast %add3A_1301 : i32 to index
        %swap3A_1320 = arith.constant 16 : index
        %swap3A_1321 = tpu.vector_load %arg16[%swap3A_1319, %swap3A_1320] {strides = array<i32>} : memref<128x128xf32, #tpu.memory_space<vmem>>, vector<1x16xf32>,
        %swap3A_1322 = vector.shape_cast %swap3A_1321 : vector<1x16xf32> to vector<16xf32>
        %swap3A_1323 = vector.shape_cast %mul3A_1318 : vector<16xf32> to vector<1x16xf32>
        tpu.vector_store %arg16[%swap3A_1319, %swap3A_1320], %swap3A_1323 {strides = array<i32>} : memref<128x128xf32, #tpu.memory_space<vmem>>, vector<1x16xf32>,
        %get3A_1324 = arith.index_cast %add3A_1301 : i32 to index
        %get3A_1325 = arith.constant 32 : index
        %get3A_1326 = tpu.vector_load %arg16[%get3A_1324, %get3A_1325] {strides = array<i32>} : memref<128x128xf32, #tpu.memory_space<vmem>>, vector<1x16xf32>,
        %get3A_1327 = vector.shape_cast %get3A_1326 : vector<1x16xf32> to vector<16xf32>
        %mul3A_1328 = vector.broadcast %squeeze3A_1297 : f32 to vector<16xf32>
        %mul3A_1329 = arith.mulf %get3A_1327, %mul3A_1328 : vector<16xf32>
        %swap3A_1330 = arith.index_cast %add3A_1301 : i32 to index
        %swap3A_1331 = arith.constant 32 : index
        %swap3A_1332 = tpu.vector_load %arg16[%swap3A_1330, %swap3A_1331] {strides = array<i32>} : memref<128x128xf32, #tpu.memory_space<vmem>>, vector<1x16xf32>,
        %swap3A_1333 = vector.shape_cast %swap3A_1332 : vector<1x16xf32> to vector<16xf32>
        %swap3A_1334 = vector.shape_cast %mul3A_1329 : vector<16xf32> to vector<1x16xf32>
        tpu.vector_store %arg16[%swap3A_1330, %swap3A_1331], %swap3A_1334 {strides = array<i32>} : memref<128x128xf32, #tpu.memory_space<vmem>>, vector<1x16xf32>,
        %get3A_1335 = arith.index_cast %add3A_1301 : i32 to index
        %get3A_1336 = arith.constant 48 : index
        %get3A_1337 = tpu.vector_load %arg16[%get3A_1335, %get3A_1336] {strides = array<i32>} : memref<128x128xf32, #tpu.memory_space<vmem>>, vector<1x16xf32>,
        %get3A_1338 = vector.shape_cast %get3A_1337 : vector<1x16xf32> to vector<16xf32>
        %mul3A_1339 = vector.broadcast %squeeze3A_1297 : f32 to vector<16xf32>
        %mul3A_1340 = arith.mulf %get3A_1338, %mul3A_1339 : vector<16xf32>
        %swap3A_1341 = arith.index_cast %add3A_1301 : i32 to index
        %swap3A_1342 = arith.constant 48 : index
        %swap3A_1343 = tpu.vector_load %arg16[%swap3A_1341, %swap3A_1342] {strides = array<i32>} : memref<128x128xf32, #tpu.memory_space<vmem>>, vector<1x16xf32>,
        %swap3A_1344 = vector.shape_cast %swap3A_1343 : vector<1x16xf32> to vector<16xf32>
        %swap3A_1345 = vector.shape_cast %mul3A_1340 : vector<16xf32> to vector<1x16xf32>
        tpu.vector_store %arg16[%swap3A_1341, %swap3A_1342], %swap3A_1345 {strides = array<i32>} : memref<128x128xf32, #tpu.memory_space<vmem>>, vector<1x16xf32>,
        %get3A_1346 = arith.index_cast %add3A_1301 : i32 to index
        %get3A_1347 = arith.constant 64 : index
        %get3A_1348 = tpu.vector_load %arg16[%get3A_1346, %get3A_1347] {strides = array<i32>} : memref<128x128xf32, #tpu.memory_space<vmem>>, vector<1x16xf32>,
        %get3A_1349 = vector.shape_cast %get3A_1348 : vector<1x16xf32> to vector<16xf32>
        %mul3A_1350 = vector.broadcast %squeeze3A_1297 : f32 to vector<16xf32>
        %mul3A_1351 = arith.mulf %get3A_1349, %mul3A_1350 : vector<16xf32>
        %swap3A_1352 = arith.index_cast %add3A_1301 : i32 to index
        %swap3A_1353 = arith.constant 64 : index
        %swap3A_1354 = tpu.vector_load %arg16[%swap3A_1352, %swap3A_1353] {strides = array<i32>} : memref<128x128xf32, #tpu.memory_space<vmem>>, vector<1x16xf32>,
        %swap3A_1355 = vector.shape_cast %swap3A_1354 : vector<1x16xf32> to vector<16xf32>
        %swap3A_1356 = vector.shape_cast %mul3A_1351 : vector<16xf32> to vector<1x16xf32>
        tpu.vector_store %arg16[%swap3A_1352, %swap3A_1353], %swap3A_1356 {strides = array<i32>} : memref<128x128xf32, #tpu.memory_space<vmem>>, vector<1x16xf32>,
        %get3A_1357 = arith.index_cast %add3A_1301 : i32 to index
        %get3A_1358 = arith.constant 80 : index
        %get3A_1359 = tpu.vector_load %arg16[%get3A_1357, %get3A_1358] {strides = array<i32>} : memref<128x128xf32, #tpu.memory_space<vmem>>, vector<1x16xf32>,
        %get3A_1360 = vector.shape_cast %get3A_1359 : vector<1x16xf32> to vector<16xf32>
        %mul3A_1361 = vector.broadcast %squeeze3A_1297 : f32 to vector<16xf32>
        %mul3A_1362 = arith.mulf %get3A_1360, %mul3A_1361 : vector<16xf32>
        %swap3A_1363 = arith.index_cast %add3A_1301 : i32 to index
        %swap3A_1364 = arith.constant 80 : index
        %swap3A_1365 = tpu.vector_load %arg16[%swap3A_1363, %swap3A_1364] {strides = array<i32>} : memref<128x128xf32, #tpu.memory_space<vmem>>, vector<1x16xf32>,
        %swap3A_1366 = vector.shape_cast %swap3A_1365 : vector<1x16xf32> to vector<16xf32>
        %swap3A_1367 = vector.shape_cast %mul3A_1362 : vector<16xf32> to vector<1x16xf32>
        tpu.vector_store %arg16[%swap3A_1363, %swap3A_1364], %swap3A_1367 {strides = array<i32>} : memref<128x128xf32, #tpu.memory_space<vmem>>, vector<1x16xf32>,
        %get3A_1368 = arith.index_cast %add3A_1301 : i32 to index
        %get3A_1369 = arith.constant 96 : index
        %get3A_1370 = tpu.vector_load %arg16[%get3A_1368, %get3A_1369] {strides = array<i32>} : memref<128x128xf32, #tpu.memory_space<vmem>>, vector<1x16xf32>,
        %get3A_1371 = vector.shape_cast %get3A_1370 : vector<1x16xf32> to vector<16xf32>
        %mul3A_1372 = vector.broadcast %squeeze3A_1297 : f32 to vector<16xf32>
        %mul3A_1373 = arith.mulf %get3A_1371, %mul3A_1372 : vector<16xf32>
        %swap3A_1374 = arith.index_cast %add3A_1301 : i32 to index
        %swap3A_1375 = arith.constant 96 : index
        %swap3A_1376 = tpu.vector_load %arg16[%swap3A_1374, %swap3A_1375] {strides = array<i32>} : memref<128x128xf32, #tpu.memory_space<vmem>>, vector<1x16xf32>,
        %swap3A_1377 = vector.shape_cast %swap3A_1376 : vector<1x16xf32> to vector<16xf32>
        %swap3A_1378 = vector.shape_cast %mul3A_1373 : vector<16xf32> to vector<1x16xf32>
        tpu.vector_store %arg16[%swap3A_1374, %swap3A_1375], %swap3A_1378 {strides = array<i32>} : memref<128x128xf32, #tpu.memory_space<vmem>>, vector<1x16xf32>,
        %get3A_1379 = arith.index_cast %add3A_1301 : i32 to index
        %get3A_1380 = arith.constant 112 : index
        %get3A_1381 = tpu.vector_load %arg16[%get3A_1379, %get3A_1380] {strides = array<i32>} : memref<128x128xf32, #tpu.memory_space<vmem>>, vector<1x16xf32>,
        %get3A_1382 = vector.shape_cast %get3A_1381 : vector<1x16xf32> to vector<16xf32>
        %mul3A_1383 = vector.broadcast %squeeze3A_1297 : f32 to vector<16xf32>
        %mul3A_1384 = arith.mulf %get3A_1382, %mul3A_1383 : vector<16xf32>
        %swap3A_1385 = arith.index_cast %add3A_1301 : i32 to index
        %swap3A_1386 = arith.constant 112 : index
        %swap3A_1387 = tpu.vector_load %arg16[%swap3A_1385, %swap3A_1386] {strides = array<i32>} : memref<128x128xf32, #tpu.memory_space<vmem>>, vector<1x16xf32>,
        %swap3A_1388 = vector.shape_cast %swap3A_1387 : vector<1x16xf32> to vector<16xf32>
        %swap3A_1389 = vector.shape_cast %mul3A_1384 : vector<16xf32> to vector<1x16xf32>
        tpu.vector_store %arg16[%swap3A_1385, %swap3A_1386], %swap3A_1389 {strides = array<i32>} : memref<128x128xf32, #tpu.memory_space<vmem>>, vector<1x16xf32>,
        %slice3A_1390 = vector.extract_strided_slice %get3A_357 {offsets = [11], sizes = [1], strides = [1]} : vector<16xf32> to vector<1xf32>
        %squeeze3A_1391 = vector.extract %slice3A_1390[0] : f32 from vector<1xf32>
        %mul3A_1392 = arith.constant 16 : i32
        %mul3A_1393 = arith.muli %scan3A_352, %mul3A_1392 : i32
        %add3A_1394 = arith.constant 11 : i32
        %add3A_1395 = arith.addi %mul3A_1393, %add3A_1394 : i32
        %get3A_1396 = arith.index_cast %add3A_1395 : i32 to index
        %get3A_1397 = arith.constant 0 : index
        %get3A_1398 = tpu.vector_load %arg16[%get3A_1396, %get3A_1397] {strides = array<i32>} : memref<128x128xf32, #tpu.memory_space<vmem>>, vector<1x16xf32>,
        %get3A_1399 = vector.shape_cast %get3A_1398 : vector<1x16xf32> to vector<16xf32>
        %mul3A_1400 = vector.broadcast %squeeze3A_1391 : f32 to vector<16xf32>
        %mul3A_1401 = arith.mulf %get3A_1399, %mul3A_1400 : vector<16xf32>
        %swap3A_1402 = arith.index_cast %add3A_1395 : i32 to index
        %swap3A_1403 = arith.constant 0 : index
        %swap3A_1404 = tpu.vector_load %arg16[%swap3A_1402, %swap3A_1403] {strides = array<i32>} : memref<128x128xf32, #tpu.memory_space<vmem>>, vector<1x16xf32>,
        %swap3A_1405 = vector.shape_cast %swap3A_1404 : vector<1x16xf32> to vector<16xf32>
        %swap3A_1406 = vector.shape_cast %mul3A_1401 : vector<16xf32> to vector<1x16xf32>
        tpu.vector_store %arg16[%swap3A_1402, %swap3A_1403], %swap3A_1406 {strides = array<i32>} : memref<128x128xf32, #tpu.memory_space<vmem>>, vector<1x16xf32>,
        %get3A_1407 = arith.index_cast %add3A_1395 : i32 to index
        %get3A_1408 = arith.constant 16 : index
        %get3A_1409 = tpu.vector_load %arg16[%get3A_1407, %get3A_1408] {strides = array<i32>} : memref<128x128xf32, #tpu.memory_space<vmem>>, vector<1x16xf32>,
        %get3A_1410 = vector.shape_cast %get3A_1409 : vector<1x16xf32> to vector<16xf32>
        %mul3A_1411 = vector.broadcast %squeeze3A_1391 : f32 to vector<16xf32>
        %mul3A_1412 = arith.mulf %get3A_1410, %mul3A_1411 : vector<16xf32>
        %swap3A_1413 = arith.index_cast %add3A_1395 : i32 to index
        %swap3A_1414 = arith.constant 16 : index
        %swap3A_1415 = tpu.vector_load %arg16[%swap3A_1413, %swap3A_1414] {strides = array<i32>} : memref<128x128xf32, #tpu.memory_space<vmem>>, vector<1x16xf32>,
        %swap3A_1416 = vector.shape_cast %swap3A_1415 : vector<1x16xf32> to vector<16xf32>
        %swap3A_1417 = vector.shape_cast %mul3A_1412 : vector<16xf32> to vector<1x16xf32>
        tpu.vector_store %arg16[%swap3A_1413, %swap3A_1414], %swap3A_1417 {strides = array<i32>} : memref<128x128xf32, #tpu.memory_space<vmem>>, vector<1x16xf32>,
        %get3A_1418 = arith.index_cast %add3A_1395 : i32 to index
        %get3A_1419 = arith.constant 32 : index
        %get3A_1420 = tpu.vector_load %arg16[%get3A_1418, %get3A_1419] {strides = array<i32>} : memref<128x128xf32, #tpu.memory_space<vmem>>, vector<1x16xf32>,
        %get3A_1421 = vector.shape_cast %get3A_1420 : vector<1x16xf32> to vector<16xf32>
        %mul3A_1422 = vector.broadcast %squeeze3A_1391 : f32 to vector<16xf32>
        %mul3A_1423 = arith.mulf %get3A_1421, %mul3A_1422 : vector<16xf32>
        %swap3A_1424 = arith.index_cast %add3A_1395 : i32 to index
        %swap3A_1425 = arith.constant 32 : index
        %swap3A_1426 = tpu.vector_load %arg16[%swap3A_1424, %swap3A_1425] {strides = array<i32>} : memref<128x128xf32, #tpu.memory_space<vmem>>, vector<1x16xf32>,
        %swap3A_1427 = vector.shape_cast %swap3A_1426 : vector<1x16xf32> to vector<16xf32>
        %swap3A_1428 = vector.shape_cast %mul3A_1423 : vector<16xf32> to vector<1x16xf32>
        tpu.vector_store %arg16[%swap3A_1424, %swap3A_1425], %swap3A_1428 {strides = array<i32>} : memref<128x128xf32, #tpu.memory_space<vmem>>, vector<1x16xf32>,
        %get3A_1429 = arith.index_cast %add3A_1395 : i32 to index
        %get3A_1430 = arith.constant 48 : index
        %get3A_1431 = tpu.vector_load %arg16[%get3A_1429, %get3A_1430] {strides = array<i32>} : memref<128x128xf32, #tpu.memory_space<vmem>>, vector<1x16xf32>,
        %get3A_1432 = vector.shape_cast %get3A_1431 : vector<1x16xf32> to vector<16xf32>
        %mul3A_1433 = vector.broadcast %squeeze3A_1391 : f32 to vector<16xf32>
        %mul3A_1434 = arith.mulf %get3A_1432, %mul3A_1433 : vector<16xf32>
        %swap3A_1435 = arith.index_cast %add3A_1395 : i32 to index
        %swap3A_1436 = arith.constant 48 : index
        %swap3A_1437 = tpu.vector_load %arg16[%swap3A_1435, %swap3A_1436] {strides = array<i32>} : memref<128x128xf32, #tpu.memory_space<vmem>>, vector<1x16xf32>,
        %swap3A_1438 = vector.shape_cast %swap3A_1437 : vector<1x16xf32> to vector<16xf32>
        %swap3A_1439 = vector.shape_cast %mul3A_1434 : vector<16xf32> to vector<1x16xf32>
        tpu.vector_store %arg16[%swap3A_1435, %swap3A_1436], %swap3A_1439 {strides = array<i32>} : memref<128x128xf32, #tpu.memory_space<vmem>>, vector<1x16xf32>,
        %get3A_1440 = arith.index_cast %add3A_1395 : i32 to index
        %get3A_1441 = arith.constant 64 : index
        %get3A_1442 = tpu.vector_load %arg16[%get3A_1440, %get3A_1441] {strides = array<i32>} : memref<128x128xf32, #tpu.memory_space<vmem>>, vector<1x16xf32>,
        %get3A_1443 = vector.shape_cast %get3A_1442 : vector<1x16xf32> to vector<16xf32>
        %mul3A_1444 = vector.broadcast %squeeze3A_1391 : f32 to vector<16xf32>
        %mul3A_1445 = arith.mulf %get3A_1443, %mul3A_1444 : vector<16xf32>
        %swap3A_1446 = arith.index_cast %add3A_1395 : i32 to index
        %swap3A_1447 = arith.constant 64 : index
        %swap3A_1448 = tpu.vector_load %arg16[%swap3A_1446, %swap3A_1447] {strides = array<i32>} : memref<128x128xf32, #tpu.memory_space<vmem>>, vector<1x16xf32>,
        %swap3A_1449 = vector.shape_cast %swap3A_1448 : vector<1x16xf32> to vector<16xf32>
        %swap3A_1450 = vector.shape_cast %mul3A_1445 : vector<16xf32> to vector<1x16xf32>
        tpu.vector_store %arg16[%swap3A_1446, %swap3A_1447], %swap3A_1450 {strides = array<i32>} : memref<128x128xf32, #tpu.memory_space<vmem>>, vector<1x16xf32>,
        %get3A_1451 = arith.index_cast %add3A_1395 : i32 to index
        %get3A_1452 = arith.constant 80 : index
        %get3A_1453 = tpu.vector_load %arg16[%get3A_1451, %get3A_1452] {strides = array<i32>} : memref<128x128xf32, #tpu.memory_space<vmem>>, vector<1x16xf32>,
        %get3A_1454 = vector.shape_cast %get3A_1453 : vector<1x16xf32> to vector<16xf32>
        %mul3A_1455 = vector.broadcast %squeeze3A_1391 : f32 to vector<16xf32>
        %mul3A_1456 = arith.mulf %get3A_1454, %mul3A_1455 : vector<16xf32>
        %swap3A_1457 = arith.index_cast %add3A_1395 : i32 to index
        %swap3A_1458 = arith.constant 80 : index
        %swap3A_1459 = tpu.vector_load %arg16[%swap3A_1457, %swap3A_1458] {strides = array<i32>} : memref<128x128xf32, #tpu.memory_space<vmem>>, vector<1x16xf32>,
        %swap3A_1460 = vector.shape_cast %swap3A_1459 : vector<1x16xf32> to vector<16xf32>
        %swap3A_1461 = vector.shape_cast %mul3A_1456 : vector<16xf32> to vector<1x16xf32>
        tpu.vector_store %arg16[%swap3A_1457, %swap3A_1458], %swap3A_1461 {strides = array<i32>} : memref<128x128xf32, #tpu.memory_space<vmem>>, vector<1x16xf32>,
        %get3A_1462 = arith.index_cast %add3A_1395 : i32 to index
        %get3A_1463 = arith.constant 96 : index
        %get3A_1464 = tpu.vector_load %arg16[%get3A_1462, %get3A_1463] {strides = array<i32>} : memref<128x128xf32, #tpu.memory_space<vmem>>, vector<1x16xf32>,
        %get3A_1465 = vector.shape_cast %get3A_1464 : vector<1x16xf32> to vector<16xf32>
        %mul3A_1466 = vector.broadcast %squeeze3A_1391 : f32 to vector<16xf32>
        %mul3A_1467 = arith.mulf %get3A_1465, %mul3A_1466 : vector<16xf32>
        %swap3A_1468 = arith.index_cast %add3A_1395 : i32 to index
        %swap3A_1469 = arith.constant 96 : index
        %swap3A_1470 = tpu.vector_load %arg16[%swap3A_1468, %swap3A_1469] {strides = array<i32>} : memref<128x128xf32, #tpu.memory_space<vmem>>, vector<1x16xf32>,
        %swap3A_1471 = vector.shape_cast %swap3A_1470 : vector<1x16xf32> to vector<16xf32>
        %swap3A_1472 = vector.shape_cast %mul3A_1467 : vector<16xf32> to vector<1x16xf32>
        tpu.vector_store %arg16[%swap3A_1468, %swap3A_1469], %swap3A_1472 {strides = array<i32>} : memref<128x128xf32, #tpu.memory_space<vmem>>, vector<1x16xf32>,
        %get3A_1473 = arith.index_cast %add3A_1395 : i32 to index
        %get3A_1474 = arith.constant 112 : index
        %get3A_1475 = tpu.vector_load %arg16[%get3A_1473, %get3A_1474] {strides = array<i32>} : memref<128x128xf32, #tpu.memory_space<vmem>>, vector<1x16xf32>,
        %get3A_1476 = vector.shape_cast %get3A_1475 : vector<1x16xf32> to vector<16xf32>
        %mul3A_1477 = vector.broadcast %squeeze3A_1391 : f32 to vector<16xf32>
        %mul3A_1478 = arith.mulf %get3A_1476, %mul3A_1477 : vector<16xf32>
        %swap3A_1479 = arith.index_cast %add3A_1395 : i32 to index
        %swap3A_1480 = arith.constant 112 : index
        %swap3A_1481 = tpu.vector_load %arg16[%swap3A_1479, %swap3A_1480] {strides = array<i32>} : memref<128x128xf32, #tpu.memory_space<vmem>>, vector<1x16xf32>,
        %swap3A_1482 = vector.shape_cast %swap3A_1481 : vector<1x16xf32> to vector<16xf32>
        %swap3A_1483 = vector.shape_cast %mul3A_1478 : vector<16xf32> to vector<1x16xf32>
        tpu.vector_store %arg16[%swap3A_1479, %swap3A_1480], %swap3A_1483 {strides = array<i32>} : memref<128x128xf32, #tpu.memory_space<vmem>>, vector<1x16xf32>,
        %slice3A_1484 = vector.extract_strided_slice %get3A_357 {offsets = [12], sizes = [1], strides = [1]} : vector<16xf32> to vector<1xf32>
        %squeeze3A_1485 = vector.extract %slice3A_1484[0] : f32 from vector<1xf32>
        %mul3A_1486 = arith.constant 16 : i32
        %mul3A_1487 = arith.muli %scan3A_352, %mul3A_1486 : i32
        %add3A_1488 = arith.constant 12 : i32
        %add3A_1489 = arith.addi %mul3A_1487, %add3A_1488 : i32
        %get3A_1490 = arith.index_cast %add3A_1489 : i32 to index
        %get3A_1491 = arith.constant 0 : index
        %get3A_1492 = tpu.vector_load %arg16[%get3A_1490, %get3A_1491] {strides = array<i32>} : memref<128x128xf32, #tpu.memory_space<vmem>>, vector<1x16xf32>,
        %get3A_1493 = vector.shape_cast %get3A_1492 : vector<1x16xf32> to vector<16xf32>
        %mul3A_1494 = vector.broadcast %squeeze3A_1485 : f32 to vector<16xf32>
        %mul3A_1495 = arith.mulf %get3A_1493, %mul3A_1494 : vector<16xf32>
        %swap3A_1496 = arith.index_cast %add3A_1489 : i32 to index
        %swap3A_1497 = arith.constant 0 : index
        %swap3A_1498 = tpu.vector_load %arg16[%swap3A_1496, %swap3A_1497] {strides = array<i32>} : memref<128x128xf32, #tpu.memory_space<vmem>>, vector<1x16xf32>,
        %swap3A_1499 = vector.shape_cast %swap3A_1498 : vector<1x16xf32> to vector<16xf32>
        %swap3A_1500 = vector.shape_cast %mul3A_1495 : vector<16xf32> to vector<1x16xf32>
        tpu.vector_store %arg16[%swap3A_1496, %swap3A_1497], %swap3A_1500 {strides = array<i32>} : memref<128x128xf32, #tpu.memory_space<vmem>>, vector<1x16xf32>,
        %get3A_1501 = arith.index_cast %add3A_1489 : i32 to index
        %get3A_1502 = arith.constant 16 : index
        %get3A_1503 = tpu.vector_load %arg16[%get3A_1501, %get3A_1502] {strides = array<i32>} : memref<128x128xf32, #tpu.memory_space<vmem>>, vector<1x16xf32>,
        %get3A_1504 = vector.shape_cast %get3A_1503 : vector<1x16xf32> to vector<16xf32>
        %mul3A_1505 = vector.broadcast %squeeze3A_1485 : f32 to vector<16xf32>
        %mul3A_1506 = arith.mulf %get3A_1504, %mul3A_1505 : vector<16xf32>
        %swap3A_1507 = arith.index_cast %add3A_1489 : i32 to index
        %swap3A_1508 = arith.constant 16 : index
        %swap3A_1509 = tpu.vector_load %arg16[%swap3A_1507, %swap3A_1508] {strides = array<i32>} : memref<128x128xf32, #tpu.memory_space<vmem>>, vector<1x16xf32>,
        %swap3A_1510 = vector.shape_cast %swap3A_1509 : vector<1x16xf32> to vector<16xf32>
        %swap3A_1511 = vector.shape_cast %mul3A_1506 : vector<16xf32> to vector<1x16xf32>
        tpu.vector_store %arg16[%swap3A_1507, %swap3A_1508], %swap3A_1511 {strides = array<i32>} : memref<128x128xf32, #tpu.memory_space<vmem>>, vector<1x16xf32>,
        %get3A_1512 = arith.index_cast %add3A_1489 : i32 to index
        %get3A_1513 = arith.constant 32 : index
        %get3A_1514 = tpu.vector_load %arg16[%get3A_1512, %get3A_1513] {strides = array<i32>} : memref<128x128xf32, #tpu.memory_space<vmem>>, vector<1x16xf32>,
        %get3A_1515 = vector.shape_cast %get3A_1514 : vector<1x16xf32> to vector<16xf32>
        %mul3A_1516 = vector.broadcast %squeeze3A_1485 : f32 to vector<16xf32>
        %mul3A_1517 = arith.mulf %get3A_1515, %mul3A_1516 : vector<16xf32>
        %swap3A_1518 = arith.index_cast %add3A_1489 : i32 to index
        %swap3A_1519 = arith.constant 32 : index
        %swap3A_1520 = tpu.vector_load %arg16[%swap3A_1518, %swap3A_1519] {strides = array<i32>} : memref<128x128xf32, #tpu.memory_space<vmem>>, vector<1x16xf32>,
        %swap3A_1521 = vector.shape_cast %swap3A_1520 : vector<1x16xf32> to vector<16xf32>
        %swap3A_1522 = vector.shape_cast %mul3A_1517 : vector<16xf32> to vector<1x16xf32>
        tpu.vector_store %arg16[%swap3A_1518, %swap3A_1519], %swap3A_1522 {strides = array<i32>} : memref<128x128xf32, #tpu.memory_space<vmem>>, vector<1x16xf32>,
        %get3A_1523 = arith.index_cast %add3A_1489 : i32 to index
        %get3A_1524 = arith.constant 48 : index
        %get3A_1525 = tpu.vector_load %arg16[%get3A_1523, %get3A_1524] {strides = array<i32>} : memref<128x128xf32, #tpu.memory_space<vmem>>, vector<1x16xf32>,
        %get3A_1526 = vector.shape_cast %get3A_1525 : vector<1x16xf32> to vector<16xf32>
        %mul3A_1527 = vector.broadcast %squeeze3A_1485 : f32 to vector<16xf32>
        %mul3A_1528 = arith.mulf %get3A_1526, %mul3A_1527 : vector<16xf32>
        %swap3A_1529 = arith.index_cast %add3A_1489 : i32 to index
        %swap3A_1530 = arith.constant 48 : index
        %swap3A_1531 = tpu.vector_load %arg16[%swap3A_1529, %swap3A_1530] {strides = array<i32>} : memref<128x128xf32, #tpu.memory_space<vmem>>, vector<1x16xf32>,
        %swap3A_1532 = vector.shape_cast %swap3A_1531 : vector<1x16xf32> to vector<16xf32>
        %swap3A_1533 = vector.shape_cast %mul3A_1528 : vector<16xf32> to vector<1x16xf32>
        tpu.vector_store %arg16[%swap3A_1529, %swap3A_1530], %swap3A_1533 {strides = array<i32>} : memref<128x128xf32, #tpu.memory_space<vmem>>, vector<1x16xf32>,
        %get3A_1534 = arith.index_cast %add3A_1489 : i32 to index
        %get3A_1535 = arith.constant 64 : index
        %get3A_1536 = tpu.vector_load %arg16[%get3A_1534, %get3A_1535] {strides = array<i32>} : memref<128x128xf32, #tpu.memory_space<vmem>>, vector<1x16xf32>,
        %get3A_1537 = vector.shape_cast %get3A_1536 : vector<1x16xf32> to vector<16xf32>
        %mul3A_1538 = vector.broadcast %squeeze3A_1485 : f32 to vector<16xf32>
        %mul3A_1539 = arith.mulf %get3A_1537, %mul3A_1538 : vector<16xf32>
        %swap3A_1540 = arith.index_cast %add3A_1489 : i32 to index
        %swap3A_1541 = arith.constant 64 : index
        %swap3A_1542 = tpu.vector_load %arg16[%swap3A_1540, %swap3A_1541] {strides = array<i32>} : memref<128x128xf32, #tpu.memory_space<vmem>>, vector<1x16xf32>,
        %swap3A_1543 = vector.shape_cast %swap3A_1542 : vector<1x16xf32> to vector<16xf32>
        %swap3A_1544 = vector.shape_cast %mul3A_1539 : vector<16xf32> to vector<1x16xf32>
        tpu.vector_store %arg16[%swap3A_1540, %swap3A_1541], %swap3A_1544 {strides = array<i32>} : memref<128x128xf32, #tpu.memory_space<vmem>>, vector<1x16xf32>,
        %get3A_1545 = arith.index_cast %add3A_1489 : i32 to index
        %get3A_1546 = arith.constant 80 : index
        %get3A_1547 = tpu.vector_load %arg16[%get3A_1545, %get3A_1546] {strides = array<i32>} : memref<128x128xf32, #tpu.memory_space<vmem>>, vector<1x16xf32>,
        %get3A_1548 = vector.shape_cast %get3A_1547 : vector<1x16xf32> to vector<16xf32>
        %mul3A_1549 = vector.broadcast %squeeze3A_1485 : f32 to vector<16xf32>
        %mul3A_1550 = arith.mulf %get3A_1548, %mul3A_1549 : vector<16xf32>
        %swap3A_1551 = arith.index_cast %add3A_1489 : i32 to index
        %swap3A_1552 = arith.constant 80 : index
        %swap3A_1553 = tpu.vector_load %arg16[%swap3A_1551, %swap3A_1552] {strides = array<i32>} : memref<128x128xf32, #tpu.memory_space<vmem>>, vector<1x16xf32>,
        %swap3A_1554 = vector.shape_cast %swap3A_1553 : vector<1x16xf32> to vector<16xf32>
        %swap3A_1555 = vector.shape_cast %mul3A_1550 : vector<16xf32> to vector<1x16xf32>
        tpu.vector_store %arg16[%swap3A_1551, %swap3A_1552], %swap3A_1555 {strides = array<i32>} : memref<128x128xf32, #tpu.memory_space<vmem>>, vector<1x16xf32>,
        %get3A_1556 = arith.index_cast %add3A_1489 : i32 to index
        %get3A_1557 = arith.constant 96 : index
        %get3A_1558 = tpu.vector_load %arg16[%get3A_1556, %get3A_1557] {strides = array<i32>} : memref<128x128xf32, #tpu.memory_space<vmem>>, vector<1x16xf32>,
        %get3A_1559 = vector.shape_cast %get3A_1558 : vector<1x16xf32> to vector<16xf32>
        %mul3A_1560 = vector.broadcast %squeeze3A_1485 : f32 to vector<16xf32>
        %mul3A_1561 = arith.mulf %get3A_1559, %mul3A_1560 : vector<16xf32>
        %swap3A_1562 = arith.index_cast %add3A_1489 : i32 to index
        %swap3A_1563 = arith.constant 96 : index
        %swap3A_1564 = tpu.vector_load %arg16[%swap3A_1562, %swap3A_1563] {strides = array<i32>} : memref<128x128xf32, #tpu.memory_space<vmem>>, vector<1x16xf32>,
        %swap3A_1565 = vector.shape_cast %swap3A_1564 : vector<1x16xf32> to vector<16xf32>
        %swap3A_1566 = vector.shape_cast %mul3A_1561 : vector<16xf32> to vector<1x16xf32>
        tpu.vector_store %arg16[%swap3A_1562, %swap3A_1563], %swap3A_1566 {strides = array<i32>} : memref<128x128xf32, #tpu.memory_space<vmem>>, vector<1x16xf32>,
        %get3A_1567 = arith.index_cast %add3A_1489 : i32 to index
        %get3A_1568 = arith.constant 112 : index
        %get3A_1569 = tpu.vector_load %arg16[%get3A_1567, %get3A_1568] {strides = array<i32>} : memref<128x128xf32, #tpu.memory_space<vmem>>, vector<1x16xf32>,
        %get3A_1570 = vector.shape_cast %get3A_1569 : vector<1x16xf32> to vector<16xf32>
        %mul3A_1571 = vector.broadcast %squeeze3A_1485 : f32 to vector<16xf32>
        %mul3A_1572 = arith.mulf %get3A_1570, %mul3A_1571 : vector<16xf32>
        %swap3A_1573 = arith.index_cast %add3A_1489 : i32 to index
        %swap3A_1574 = arith.constant 112 : index
        %swap3A_1575 = tpu.vector_load %arg16[%swap3A_1573, %swap3A_1574] {strides = array<i32>} : memref<128x128xf32, #tpu.memory_space<vmem>>, vector<1x16xf32>,
        %swap3A_1576 = vector.shape_cast %swap3A_1575 : vector<1x16xf32> to vector<16xf32>
        %swap3A_1577 = vector.shape_cast %mul3A_1572 : vector<16xf32> to vector<1x16xf32>
        tpu.vector_store %arg16[%swap3A_1573, %swap3A_1574], %swap3A_1577 {strides = array<i32>} : memref<128x128xf32, #tpu.memory_space<vmem>>, vector<1x16xf32>,
        %slice3A_1578 = vector.extract_strided_slice %get3A_357 {offsets = [13], sizes = [1], strides = [1]} : vector<16xf32> to vector<1xf32>
        %squeeze3A_1579 = vector.extract %slice3A_1578[0] : f32 from vector<1xf32>
        %mul3A_1580 = arith.constant 16 : i32
        %mul3A_1581 = arith.muli %scan3A_352, %mul3A_1580 : i32
        %add3A_1582 = arith.constant 13 : i32
        %add3A_1583 = arith.addi %mul3A_1581, %add3A_1582 : i32
        %get3A_1584 = arith.index_cast %add3A_1583 : i32 to index
        %get3A_1585 = arith.constant 0 : index
        %get3A_1586 = tpu.vector_load %arg16[%get3A_1584, %get3A_1585] {strides = array<i32>} : memref<128x128xf32, #tpu.memory_space<vmem>>, vector<1x16xf32>,
        %get3A_1587 = vector.shape_cast %get3A_1586 : vector<1x16xf32> to vector<16xf32>
        %mul3A_1588 = vector.broadcast %squeeze3A_1579 : f32 to vector<16xf32>
        %mul3A_1589 = arith.mulf %get3A_1587, %mul3A_1588 : vector<16xf32>
        %swap3A_1590 = arith.index_cast %add3A_1583 : i32 to index
        %swap3A_1591 = arith.constant 0 : index
        %swap3A_1592 = tpu.vector_load %arg16[%swap3A_1590, %swap3A_1591] {strides = array<i32>} : memref<128x128xf32, #tpu.memory_space<vmem>>, vector<1x16xf32>,
        %swap3A_1593 = vector.shape_cast %swap3A_1592 : vector<1x16xf32> to vector<16xf32>
        %swap3A_1594 = vector.shape_cast %mul3A_1589 : vector<16xf32> to vector<1x16xf32>
        tpu.vector_store %arg16[%swap3A_1590, %swap3A_1591], %swap3A_1594 {strides = array<i32>} : memref<128x128xf32, #tpu.memory_space<vmem>>, vector<1x16xf32>,
        %get3A_1595 = arith.index_cast %add3A_1583 : i32 to index
        %get3A_1596 = arith.constant 16 : index
        %get3A_1597 = tpu.vector_load %arg16[%get3A_1595, %get3A_1596] {strides = array<i32>} : memref<128x128xf32, #tpu.memory_space<vmem>>, vector<1x16xf32>,
        %get3A_1598 = vector.shape_cast %get3A_1597 : vector<1x16xf32> to vector<16xf32>
        %mul3A_1599 = vector.broadcast %squeeze3A_1579 : f32 to vector<16xf32>
        %mul3A_1600 = arith.mulf %get3A_1598, %mul3A_1599 : vector<16xf32>
        %swap3A_1601 = arith.index_cast %add3A_1583 : i32 to index
        %swap3A_1602 = arith.constant 16 : index
        %swap3A_1603 = tpu.vector_load %arg16[%swap3A_1601, %swap3A_1602] {strides = array<i32>} : memref<128x128xf32, #tpu.memory_space<vmem>>, vector<1x16xf32>,
        %swap3A_1604 = vector.shape_cast %swap3A_1603 : vector<1x16xf32> to vector<16xf32>
        %swap3A_1605 = vector.shape_cast %mul3A_1600 : vector<16xf32> to vector<1x16xf32>
        tpu.vector_store %arg16[%swap3A_1601, %swap3A_1602], %swap3A_1605 {strides = array<i32>} : memref<128x128xf32, #tpu.memory_space<vmem>>, vector<1x16xf32>,
        %get3A_1606 = arith.index_cast %add3A_1583 : i32 to index
        %get3A_1607 = arith.constant 32 : index
        %get3A_1608 = tpu.vector_load %arg16[%get3A_1606, %get3A_1607] {strides = array<i32>} : memref<128x128xf32, #tpu.memory_space<vmem>>, vector<1x16xf32>,
        %get3A_1609 = vector.shape_cast %get3A_1608 : vector<1x16xf32> to vector<16xf32>
        %mul3A_1610 = vector.broadcast %squeeze3A_1579 : f32 to vector<16xf32>
        %mul3A_1611 = arith.mulf %get3A_1609, %mul3A_1610 : vector<16xf32>
        %swap3A_1612 = arith.index_cast %add3A_1583 : i32 to index
        %swap3A_1613 = arith.constant 32 : index
        %swap3A_1614 = tpu.vector_load %arg16[%swap3A_1612, %swap3A_1613] {strides = array<i32>} : memref<128x128xf32, #tpu.memory_space<vmem>>, vector<1x16xf32>,
        %swap3A_1615 = vector.shape_cast %swap3A_1614 : vector<1x16xf32> to vector<16xf32>
        %swap3A_1616 = vector.shape_cast %mul3A_1611 : vector<16xf32> to vector<1x16xf32>
        tpu.vector_store %arg16[%swap3A_1612, %swap3A_1613], %swap3A_1616 {strides = array<i32>} : memref<128x128xf32, #tpu.memory_space<vmem>>, vector<1x16xf32>,
        %get3A_1617 = arith.index_cast %add3A_1583 : i32 to index
        %get3A_1618 = arith.constant 48 : index
        %get3A_1619 = tpu.vector_load %arg16[%get3A_1617, %get3A_1618] {strides = array<i32>} : memref<128x128xf32, #tpu.memory_space<vmem>>, vector<1x16xf32>,
        %get3A_1620 = vector.shape_cast %get3A_1619 : vector<1x16xf32> to vector<16xf32>
        %mul3A_1621 = vector.broadcast %squeeze3A_1579 : f32 to vector<16xf32>
        %mul3A_1622 = arith.mulf %get3A_1620, %mul3A_1621 : vector<16xf32>
        %swap3A_1623 = arith.index_cast %add3A_1583 : i32 to index
        %swap3A_1624 = arith.constant 48 : index
        %swap3A_1625 = tpu.vector_load %arg16[%swap3A_1623, %swap3A_1624] {strides = array<i32>} : memref<128x128xf32, #tpu.memory_space<vmem>>, vector<1x16xf32>,
        %swap3A_1626 = vector.shape_cast %swap3A_1625 : vector<1x16xf32> to vector<16xf32>
        %swap3A_1627 = vector.shape_cast %mul3A_1622 : vector<16xf32> to vector<1x16xf32>
        tpu.vector_store %arg16[%swap3A_1623, %swap3A_1624], %swap3A_1627 {strides = array<i32>} : memref<128x128xf32, #tpu.memory_space<vmem>>, vector<1x16xf32>,
        %get3A_1628 = arith.index_cast %add3A_1583 : i32 to index
        %get3A_1629 = arith.constant 64 : index
        %get3A_1630 = tpu.vector_load %arg16[%get3A_1628, %get3A_1629] {strides = array<i32>} : memref<128x128xf32, #tpu.memory_space<vmem>>, vector<1x16xf32>,
        %get3A_1631 = vector.shape_cast %get3A_1630 : vector<1x16xf32> to vector<16xf32>
        %mul3A_1632 = vector.broadcast %squeeze3A_1579 : f32 to vector<16xf32>
        %mul3A_1633 = arith.mulf %get3A_1631, %mul3A_1632 : vector<16xf32>
        %swap3A_1634 = arith.index_cast %add3A_1583 : i32 to index
        %swap3A_1635 = arith.constant 64 : index
        %swap3A_1636 = tpu.vector_load %arg16[%swap3A_1634, %swap3A_1635] {strides = array<i32>} : memref<128x128xf32, #tpu.memory_space<vmem>>, vector<1x16xf32>,
        %swap3A_1637 = vector.shape_cast %swap3A_1636 : vector<1x16xf32> to vector<16xf32>
        %swap3A_1638 = vector.shape_cast %mul3A_1633 : vector<16xf32> to vector<1x16xf32>
        tpu.vector_store %arg16[%swap3A_1634, %swap3A_1635], %swap3A_1638 {strides = array<i32>} : memref<128x128xf32, #tpu.memory_space<vmem>>, vector<1x16xf32>,
        %get3A_1639 = arith.index_cast %add3A_1583 : i32 to index
        %get3A_1640 = arith.constant 80 : index
        %get3A_1641 = tpu.vector_load %arg16[%get3A_1639, %get3A_1640] {strides = array<i32>} : memref<128x128xf32, #tpu.memory_space<vmem>>, vector<1x16xf32>,
        %get3A_1642 = vector.shape_cast %get3A_1641 : vector<1x16xf32> to vector<16xf32>
        %mul3A_1643 = vector.broadcast %squeeze3A_1579 : f32 to vector<16xf32>
        %mul3A_1644 = arith.mulf %get3A_1642, %mul3A_1643 : vector<16xf32>
        %swap3A_1645 = arith.index_cast %add3A_1583 : i32 to index
        %swap3A_1646 = arith.constant 80 : index
        %swap3A_1647 = tpu.vector_load %arg16[%swap3A_1645, %swap3A_1646] {strides = array<i32>} : memref<128x128xf32, #tpu.memory_space<vmem>>, vector<1x16xf32>,
        %swap3A_1648 = vector.shape_cast %swap3A_1647 : vector<1x16xf32> to vector<16xf32>
        %swap3A_1649 = vector.shape_cast %mul3A_1644 : vector<16xf32> to vector<1x16xf32>
        tpu.vector_store %arg16[%swap3A_1645, %swap3A_1646], %swap3A_1649 {strides = array<i32>} : memref<128x128xf32, #tpu.memory_space<vmem>>, vector<1x16xf32>,
        %get3A_1650 = arith.index_cast %add3A_1583 : i32 to index
        %get3A_1651 = arith.constant 96 : index
        %get3A_1652 = tpu.vector_load %arg16[%get3A_1650, %get3A_1651] {strides = array<i32>} : memref<128x128xf32, #tpu.memory_space<vmem>>, vector<1x16xf32>,
        %get3A_1653 = vector.shape_cast %get3A_1652 : vector<1x16xf32> to vector<16xf32>
        %mul3A_1654 = vector.broadcast %squeeze3A_1579 : f32 to vector<16xf32>
        %mul3A_1655 = arith.mulf %get3A_1653, %mul3A_1654 : vector<16xf32>
        %swap3A_1656 = arith.index_cast %add3A_1583 : i32 to index
        %swap3A_1657 = arith.constant 96 : index
        %swap3A_1658 = tpu.vector_load %arg16[%swap3A_1656, %swap3A_1657] {strides = array<i32>} : memref<128x128xf32, #tpu.memory_space<vmem>>, vector<1x16xf32>,
        %swap3A_1659 = vector.shape_cast %swap3A_1658 : vector<1x16xf32> to vector<16xf32>
        %swap3A_1660 = vector.shape_cast %mul3A_1655 : vector<16xf32> to vector<1x16xf32>
        tpu.vector_store %arg16[%swap3A_1656, %swap3A_1657], %swap3A_1660 {strides = array<i32>} : memref<128x128xf32, #tpu.memory_space<vmem>>, vector<1x16xf32>,
        %get3A_1661 = arith.index_cast %add3A_1583 : i32 to index
        %get3A_1662 = arith.constant 112 : index
        %get3A_1663 = tpu.vector_load %arg16[%get3A_1661, %get3A_1662] {strides = array<i32>} : memref<128x128xf32, #tpu.memory_space<vmem>>, vector<1x16xf32>,
        %get3A_1664 = vector.shape_cast %get3A_1663 : vector<1x16xf32> to vector<16xf32>
        %mul3A_1665 = vector.broadcast %squeeze3A_1579 : f32 to vector<16xf32>
        %mul3A_1666 = arith.mulf %get3A_1664, %mul3A_1665 : vector<16xf32>
        %swap3A_1667 = arith.index_cast %add3A_1583 : i32 to index
        %swap3A_1668 = arith.constant 112 : index
        %swap3A_1669 = tpu.vector_load %arg16[%swap3A_1667, %swap3A_1668] {strides = array<i32>} : memref<128x128xf32, #tpu.memory_space<vmem>>, vector<1x16xf32>,
        %swap3A_1670 = vector.shape_cast %swap3A_1669 : vector<1x16xf32> to vector<16xf32>
        %swap3A_1671 = vector.shape_cast %mul3A_1666 : vector<16xf32> to vector<1x16xf32>
        tpu.vector_store %arg16[%swap3A_1667, %swap3A_1668], %swap3A_1671 {strides = array<i32>} : memref<128x128xf32, #tpu.memory_space<vmem>>, vector<1x16xf32>,
        %slice3A_1672 = vector.extract_strided_slice %get3A_357 {offsets = [14], sizes = [1], strides = [1]} : vector<16xf32> to vector<1xf32>
        %squeeze3A_1673 = vector.extract %slice3A_1672[0] : f32 from vector<1xf32>
        %mul3A_1674 = arith.constant 16 : i32
        %mul3A_1675 = arith.muli %scan3A_352, %mul3A_1674 : i32
        %add3A_1676 = arith.constant 14 : i32
        %add3A_1677 = arith.addi %mul3A_1675, %add3A_1676 : i32
        %get3A_1678 = arith.index_cast %add3A_1677 : i32 to index
        %get3A_1679 = arith.constant 0 : index
        %get3A_1680 = tpu.vector_load %arg16[%get3A_1678, %get3A_1679] {strides = array<i32>} : memref<128x128xf32, #tpu.memory_space<vmem>>, vector<1x16xf32>,
        %get3A_1681 = vector.shape_cast %get3A_1680 : vector<1x16xf32> to vector<16xf32>
        %mul3A_1682 = vector.broadcast %squeeze3A_1673 : f32 to vector<16xf32>
        %mul3A_1683 = arith.mulf %get3A_1681, %mul3A_1682 : vector<16xf32>
        %swap3A_1684 = arith.index_cast %add3A_1677 : i32 to index
        %swap3A_1685 = arith.constant 0 : index
        %swap3A_1686 = tpu.vector_load %arg16[%swap3A_1684, %swap3A_1685] {strides = array<i32>} : memref<128x128xf32, #tpu.memory_space<vmem>>, vector<1x16xf32>,
        %swap3A_1687 = vector.shape_cast %swap3A_1686 : vector<1x16xf32> to vector<16xf32>
        %swap3A_1688 = vector.shape_cast %mul3A_1683 : vector<16xf32> to vector<1x16xf32>
        tpu.vector_store %arg16[%swap3A_1684, %swap3A_1685], %swap3A_1688 {strides = array<i32>} : memref<128x128xf32, #tpu.memory_space<vmem>>, vector<1x16xf32>,
        %get3A_1689 = arith.index_cast %add3A_1677 : i32 to index
        %get3A_1690 = arith.constant 16 : index
        %get3A_1691 = tpu.vector_load %arg16[%get3A_1689, %get3A_1690] {strides = array<i32>} : memref<128x128xf32, #tpu.memory_space<vmem>>, vector<1x16xf32>,
        %get3A_1692 = vector.shape_cast %get3A_1691 : vector<1x16xf32> to vector<16xf32>
        %mul3A_1693 = vector.broadcast %squeeze3A_1673 : f32 to vector<16xf32>
        %mul3A_1694 = arith.mulf %get3A_1692, %mul3A_1693 : vector<16xf32>
        %swap3A_1695 = arith.index_cast %add3A_1677 : i32 to index
        %swap3A_1696 = arith.constant 16 : index
        %swap3A_1697 = tpu.vector_load %arg16[%swap3A_1695, %swap3A_1696] {strides = array<i32>} : memref<128x128xf32, #tpu.memory_space<vmem>>, vector<1x16xf32>,
        %swap3A_1698 = vector.shape_cast %swap3A_1697 : vector<1x16xf32> to vector<16xf32>
        %swap3A_1699 = vector.shape_cast %mul3A_1694 : vector<16xf32> to vector<1x16xf32>
        tpu.vector_store %arg16[%swap3A_1695, %swap3A_1696], %swap3A_1699 {strides = array<i32>} : memref<128x128xf32, #tpu.memory_space<vmem>>, vector<1x16xf32>,
        %get3A_1700 = arith.index_cast %add3A_1677 : i32 to index
        %get3A_1701 = arith.constant 32 : index
        %get3A_1702 = tpu.vector_load %arg16[%get3A_1700, %get3A_1701] {strides = array<i32>} : memref<128x128xf32, #tpu.memory_space<vmem>>, vector<1x16xf32>,
        %get3A_1703 = vector.shape_cast %get3A_1702 : vector<1x16xf32> to vector<16xf32>
        %mul3A_1704 = vector.broadcast %squeeze3A_1673 : f32 to vector<16xf32>
        %mul3A_1705 = arith.mulf %get3A_1703, %mul3A_1704 : vector<16xf32>
        %swap3A_1706 = arith.index_cast %add3A_1677 : i32 to index
        %swap3A_1707 = arith.constant 32 : index
        %swap3A_1708 = tpu.vector_load %arg16[%swap3A_1706, %swap3A_1707] {strides = array<i32>} : memref<128x128xf32, #tpu.memory_space<vmem>>, vector<1x16xf32>,
        %swap3A_1709 = vector.shape_cast %swap3A_1708 : vector<1x16xf32> to vector<16xf32>
        %swap3A_1710 = vector.shape_cast %mul3A_1705 : vector<16xf32> to vector<1x16xf32>
        tpu.vector_store %arg16[%swap3A_1706, %swap3A_1707], %swap3A_1710 {strides = array<i32>} : memref<128x128xf32, #tpu.memory_space<vmem>>, vector<1x16xf32>,
        %get3A_1711 = arith.index_cast %add3A_1677 : i32 to index
        %get3A_1712 = arith.constant 48 : index
        %get3A_1713 = tpu.vector_load %arg16[%get3A_1711, %get3A_1712] {strides = array<i32>} : memref<128x128xf32, #tpu.memory_space<vmem>>, vector<1x16xf32>,
        %get3A_1714 = vector.shape_cast %get3A_1713 : vector<1x16xf32> to vector<16xf32>
        %mul3A_1715 = vector.broadcast %squeeze3A_1673 : f32 to vector<16xf32>
        %mul3A_1716 = arith.mulf %get3A_1714, %mul3A_1715 : vector<16xf32>
        %swap3A_1717 = arith.index_cast %add3A_1677 : i32 to index
        %swap3A_1718 = arith.constant 48 : index
        %swap3A_1719 = tpu.vector_load %arg16[%swap3A_1717, %swap3A_1718] {strides = array<i32>} : memref<128x128xf32, #tpu.memory_space<vmem>>, vector<1x16xf32>,
        %swap3A_1720 = vector.shape_cast %swap3A_1719 : vector<1x16xf32> to vector<16xf32>
        %swap3A_1721 = vector.shape_cast %mul3A_1716 : vector<16xf32> to vector<1x16xf32>
        tpu.vector_store %arg16[%swap3A_1717, %swap3A_1718], %swap3A_1721 {strides = array<i32>} : memref<128x128xf32, #tpu.memory_space<vmem>>, vector<1x16xf32>,
        %get3A_1722 = arith.index_cast %add3A_1677 : i32 to index
        %get3A_1723 = arith.constant 64 : index
        %get3A_1724 = tpu.vector_load %arg16[%get3A_1722, %get3A_1723] {strides = array<i32>} : memref<128x128xf32, #tpu.memory_space<vmem>>, vector<1x16xf32>,
        %get3A_1725 = vector.shape_cast %get3A_1724 : vector<1x16xf32> to vector<16xf32>
        %mul3A_1726 = vector.broadcast %squeeze3A_1673 : f32 to vector<16xf32>
        %mul3A_1727 = arith.mulf %get3A_1725, %mul3A_1726 : vector<16xf32>
        %swap3A_1728 = arith.index_cast %add3A_1677 : i32 to index
        %swap3A_1729 = arith.constant 64 : index
        %swap3A_1730 = tpu.vector_load %arg16[%swap3A_1728, %swap3A_1729] {strides = array<i32>} : memref<128x128xf32, #tpu.memory_space<vmem>>, vector<1x16xf32>,
        %swap3A_1731 = vector.shape_cast %swap3A_1730 : vector<1x16xf32> to vector<16xf32>
        %swap3A_1732 = vector.shape_cast %mul3A_1727 : vector<16xf32> to vector<1x16xf32>
        tpu.vector_store %arg16[%swap3A_1728, %swap3A_1729], %swap3A_1732 {strides = array<i32>} : memref<128x128xf32, #tpu.memory_space<vmem>>, vector<1x16xf32>,
        %get3A_1733 = arith.index_cast %add3A_1677 : i32 to index
        %get3A_1734 = arith.constant 80 : index
        %get3A_1735 = tpu.vector_load %arg16[%get3A_1733, %get3A_1734] {strides = array<i32>} : memref<128x128xf32, #tpu.memory_space<vmem>>, vector<1x16xf32>,
        %get3A_1736 = vector.shape_cast %get3A_1735 : vector<1x16xf32> to vector<16xf32>
        %mul3A_1737 = vector.broadcast %squeeze3A_1673 : f32 to vector<16xf32>
        %mul3A_1738 = arith.mulf %get3A_1736, %mul3A_1737 : vector<16xf32>
        %swap3A_1739 = arith.index_cast %add3A_1677 : i32 to index
        %swap3A_1740 = arith.constant 80 : index
        %swap3A_1741 = tpu.vector_load %arg16[%swap3A_1739, %swap3A_1740] {strides = array<i32>} : memref<128x128xf32, #tpu.memory_space<vmem>>, vector<1x16xf32>,
        %swap3A_1742 = vector.shape_cast %swap3A_1741 : vector<1x16xf32> to vector<16xf32>
        %swap3A_1743 = vector.shape_cast %mul3A_1738 : vector<16xf32> to vector<1x16xf32>
        tpu.vector_store %arg16[%swap3A_1739, %swap3A_1740], %swap3A_1743 {strides = array<i32>} : memref<128x128xf32, #tpu.memory_space<vmem>>, vector<1x16xf32>,
        %get3A_1744 = arith.index_cast %add3A_1677 : i32 to index
        %get3A_1745 = arith.constant 96 : index
        %get3A_1746 = tpu.vector_load %arg16[%get3A_1744, %get3A_1745] {strides = array<i32>} : memref<128x128xf32, #tpu.memory_space<vmem>>, vector<1x16xf32>,
        %get3A_1747 = vector.shape_cast %get3A_1746 : vector<1x16xf32> to vector<16xf32>
        %mul3A_1748 = vector.broadcast %squeeze3A_1673 : f32 to vector<16xf32>
        %mul3A_1749 = arith.mulf %get3A_1747, %mul3A_1748 : vector<16xf32>
        %swap3A_1750 = arith.index_cast %add3A_1677 : i32 to index
        %swap3A_1751 = arith.constant 96 : index
        %swap3A_1752 = tpu.vector_load %arg16[%swap3A_1750, %swap3A_1751] {strides = array<i32>} : memref<128x128xf32, #tpu.memory_space<vmem>>, vector<1x16xf32>,
        %swap3A_1753 = vector.shape_cast %swap3A_1752 : vector<1x16xf32> to vector<16xf32>
        %swap3A_1754 = vector.shape_cast %mul3A_1749 : vector<16xf32> to vector<1x16xf32>
        tpu.vector_store %arg16[%swap3A_1750, %swap3A_1751], %swap3A_1754 {strides = array<i32>} : memref<128x128xf32, #tpu.memory_space<vmem>>, vector<1x16xf32>,
        %get3A_1755 = arith.index_cast %add3A_1677 : i32 to index
        %get3A_1756 = arith.constant 112 : index
        %get3A_1757 = tpu.vector_load %arg16[%get3A_1755, %get3A_1756] {strides = array<i32>} : memref<128x128xf32, #tpu.memory_space<vmem>>, vector<1x16xf32>,
        %get3A_1758 = vector.shape_cast %get3A_1757 : vector<1x16xf32> to vector<16xf32>
        %mul3A_1759 = vector.broadcast %squeeze3A_1673 : f32 to vector<16xf32>
        %mul3A_1760 = arith.mulf %get3A_1758, %mul3A_1759 : vector<16xf32>
        %swap3A_1761 = arith.index_cast %add3A_1677 : i32 to index
        %swap3A_1762 = arith.constant 112 : index
        %swap3A_1763 = tpu.vector_load %arg16[%swap3A_1761, %swap3A_1762] {strides = array<i32>} : memref<128x128xf32, #tpu.memory_space<vmem>>, vector<1x16xf32>,
        %swap3A_1764 = vector.shape_cast %swap3A_1763 : vector<1x16xf32> to vector<16xf32>
        %swap3A_1765 = vector.shape_cast %mul3A_1760 : vector<16xf32> to vector<1x16xf32>
        tpu.vector_store %arg16[%swap3A_1761, %swap3A_1762], %swap3A_1765 {strides = array<i32>} : memref<128x128xf32, #tpu.memory_space<vmem>>, vector<1x16xf32>,
        %slice3A_1766 = vector.extract_strided_slice %get3A_357 {offsets = [15], sizes = [1], strides = [1]} : vector<16xf32> to vector<1xf32>
        %squeeze3A_1767 = vector.extract %slice3A_1766[0] : f32 from vector<1xf32>
        %mul3A_1768 = arith.constant 16 : i32
        %mul3A_1769 = arith.muli %scan3A_352, %mul3A_1768 : i32
        %add3A_1770 = arith.constant 15 : i32
        %add3A_1771 = arith.addi %mul3A_1769, %add3A_1770 : i32
        %get3A_1772 = arith.index_cast %add3A_1771 : i32 to index
        %get3A_1773 = arith.constant 0 : index
        %get3A_1774 = tpu.vector_load %arg16[%get3A_1772, %get3A_1773] {strides = array<i32>} : memref<128x128xf32, #tpu.memory_space<vmem>>, vector<1x16xf32>,
        %get3A_1775 = vector.shape_cast %get3A_1774 : vector<1x16xf32> to vector<16xf32>
        %mul3A_1776 = vector.broadcast %squeeze3A_1767 : f32 to vector<16xf32>
        %mul3A_1777 = arith.mulf %get3A_1775, %mul3A_1776 : vector<16xf32>
        %swap3A_1778 = arith.index_cast %add3A_1771 : i32 to index
        %swap3A_1779 = arith.constant 0 : index
        %swap3A_1780 = tpu.vector_load %arg16[%swap3A_1778, %swap3A_1779] {strides = array<i32>} : memref<128x128xf32, #tpu.memory_space<vmem>>, vector<1x16xf32>,
        %swap3A_1781 = vector.shape_cast %swap3A_1780 : vector<1x16xf32> to vector<16xf32>
        %swap3A_1782 = vector.shape_cast %mul3A_1777 : vector<16xf32> to vector<1x16xf32>
        tpu.vector_store %arg16[%swap3A_1778, %swap3A_1779], %swap3A_1782 {strides = array<i32>} : memref<128x128xf32, #tpu.memory_space<vmem>>, vector<1x16xf32>,
        %get3A_1783 = arith.index_cast %add3A_1771 : i32 to index
        %get3A_1784 = arith.constant 16 : index
        %get3A_1785 = tpu.vector_load %arg16[%get3A_1783, %get3A_1784] {strides = array<i32>} : memref<128x128xf32, #tpu.memory_space<vmem>>, vector<1x16xf32>,
        %get3A_1786 = vector.shape_cast %get3A_1785 : vector<1x16xf32> to vector<16xf32>
        %mul3A_1787 = vector.broadcast %squeeze3A_1767 : f32 to vector<16xf32>
        %mul3A_1788 = arith.mulf %get3A_1786, %mul3A_1787 : vector<16xf32>
        %swap3A_1789 = arith.index_cast %add3A_1771 : i32 to index
        %swap3A_1790 = arith.constant 16 : index
        %swap3A_1791 = tpu.vector_load %arg16[%swap3A_1789, %swap3A_1790] {strides = array<i32>} : memref<128x128xf32, #tpu.memory_space<vmem>>, vector<1x16xf32>,
        %swap3A_1792 = vector.shape_cast %swap3A_1791 : vector<1x16xf32> to vector<16xf32>
        %swap3A_1793 = vector.shape_cast %mul3A_1788 : vector<16xf32> to vector<1x16xf32>
        tpu.vector_store %arg16[%swap3A_1789, %swap3A_1790], %swap3A_1793 {strides = array<i32>} : memref<128x128xf32, #tpu.memory_space<vmem>>, vector<1x16xf32>,
        %get3A_1794 = arith.index_cast %add3A_1771 : i32 to index
        %get3A_1795 = arith.constant 32 : index
        %get3A_1796 = tpu.vector_load %arg16[%get3A_1794, %get3A_1795] {strides = array<i32>} : memref<128x128xf32, #tpu.memory_space<vmem>>, vector<1x16xf32>,
        %get3A_1797 = vector.shape_cast %get3A_1796 : vector<1x16xf32> to vector<16xf32>
        %mul3A_1798 = vector.broadcast %squeeze3A_1767 : f32 to vector<16xf32>
        %mul3A_1799 = arith.mulf %get3A_1797, %mul3A_1798 : vector<16xf32>
        %swap3A_1800 = arith.index_cast %add3A_1771 : i32 to index
        %swap3A_1801 = arith.constant 32 : index
        %swap3A_1802 = tpu.vector_load %arg16[%swap3A_1800, %swap3A_1801] {strides = array<i32>} : memref<128x128xf32, #tpu.memory_space<vmem>>, vector<1x16xf32>,
        %swap3A_1803 = vector.shape_cast %swap3A_1802 : vector<1x16xf32> to vector<16xf32>
        %swap3A_1804 = vector.shape_cast %mul3A_1799 : vector<16xf32> to vector<1x16xf32>
        tpu.vector_store %arg16[%swap3A_1800, %swap3A_1801], %swap3A_1804 {strides = array<i32>} : memref<128x128xf32, #tpu.memory_space<vmem>>, vector<1x16xf32>,
        %get3A_1805 = arith.index_cast %add3A_1771 : i32 to index
        %get3A_1806 = arith.constant 48 : index
        %get3A_1807 = tpu.vector_load %arg16[%get3A_1805, %get3A_1806] {strides = array<i32>} : memref<128x128xf32, #tpu.memory_space<vmem>>, vector<1x16xf32>,
        %get3A_1808 = vector.shape_cast %get3A_1807 : vector<1x16xf32> to vector<16xf32>
        %mul3A_1809 = vector.broadcast %squeeze3A_1767 : f32 to vector<16xf32>
        %mul3A_1810 = arith.mulf %get3A_1808, %mul3A_1809 : vector<16xf32>
        %swap3A_1811 = arith.index_cast %add3A_1771 : i32 to index
        %swap3A_1812 = arith.constant 48 : index
        %swap3A_1813 = tpu.vector_load %arg16[%swap3A_1811, %swap3A_1812] {strides = array<i32>} : memref<128x128xf32, #tpu.memory_space<vmem>>, vector<1x16xf32>,
        %swap3A_1814 = vector.shape_cast %swap3A_1813 : vector<1x16xf32> to vector<16xf32>
        %swap3A_1815 = vector.shape_cast %mul3A_1810 : vector<16xf32> to vector<1x16xf32>
        tpu.vector_store %arg16[%swap3A_1811, %swap3A_1812], %swap3A_1815 {strides = array<i32>} : memref<128x128xf32, #tpu.memory_space<vmem>>, vector<1x16xf32>,
        %get3A_1816 = arith.index_cast %add3A_1771 : i32 to index
        %get3A_1817 = arith.constant 64 : index
        %get3A_1818 = tpu.vector_load %arg16[%get3A_1816, %get3A_1817] {strides = array<i32>} : memref<128x128xf32, #tpu.memory_space<vmem>>, vector<1x16xf32>,
        %get3A_1819 = vector.shape_cast %get3A_1818 : vector<1x16xf32> to vector<16xf32>
        %mul3A_1820 = vector.broadcast %squeeze3A_1767 : f32 to vector<16xf32>
        %mul3A_1821 = arith.mulf %get3A_1819, %mul3A_1820 : vector<16xf32>
        %swap3A_1822 = arith.index_cast %add3A_1771 : i32 to index
        %swap3A_1823 = arith.constant 64 : index
        %swap3A_1824 = tpu.vector_load %arg16[%swap3A_1822, %swap3A_1823] {strides = array<i32>} : memref<128x128xf32, #tpu.memory_space<vmem>>, vector<1x16xf32>,
        %swap3A_1825 = vector.shape_cast %swap3A_1824 : vector<1x16xf32> to vector<16xf32>
        %swap3A_1826 = vector.shape_cast %mul3A_1821 : vector<16xf32> to vector<1x16xf32>
        tpu.vector_store %arg16[%swap3A_1822, %swap3A_1823], %swap3A_1826 {strides = array<i32>} : memref<128x128xf32, #tpu.memory_space<vmem>>, vector<1x16xf32>,
        %get3A_1827 = arith.index_cast %add3A_1771 : i32 to index
        %get3A_1828 = arith.constant 80 : index
        %get3A_1829 = tpu.vector_load %arg16[%get3A_1827, %get3A_1828] {strides = array<i32>} : memref<128x128xf32, #tpu.memory_space<vmem>>, vector<1x16xf32>,
        %get3A_1830 = vector.shape_cast %get3A_1829 : vector<1x16xf32> to vector<16xf32>
        %mul3A_1831 = vector.broadcast %squeeze3A_1767 : f32 to vector<16xf32>
        %mul3A_1832 = arith.mulf %get3A_1830, %mul3A_1831 : vector<16xf32>
        %swap3A_1833 = arith.index_cast %add3A_1771 : i32 to index
        %swap3A_1834 = arith.constant 80 : index
        %swap3A_1835 = tpu.vector_load %arg16[%swap3A_1833, %swap3A_1834] {strides = array<i32>} : memref<128x128xf32, #tpu.memory_space<vmem>>, vector<1x16xf32>,
        %swap3A_1836 = vector.shape_cast %swap3A_1835 : vector<1x16xf32> to vector<16xf32>
        %swap3A_1837 = vector.shape_cast %mul3A_1832 : vector<16xf32> to vector<1x16xf32>
        tpu.vector_store %arg16[%swap3A_1833, %swap3A_1834], %swap3A_1837 {strides = array<i32>} : memref<128x128xf32, #tpu.memory_space<vmem>>, vector<1x16xf32>,
        %get3A_1838 = arith.index_cast %add3A_1771 : i32 to index
        %get3A_1839 = arith.constant 96 : index
        %get3A_1840 = tpu.vector_load %arg16[%get3A_1838, %get3A_1839] {strides = array<i32>} : memref<128x128xf32, #tpu.memory_space<vmem>>, vector<1x16xf32>,
        %get3A_1841 = vector.shape_cast %get3A_1840 : vector<1x16xf32> to vector<16xf32>
        %mul3A_1842 = vector.broadcast %squeeze3A_1767 : f32 to vector<16xf32>
        %mul3A_1843 = arith.mulf %get3A_1841, %mul3A_1842 : vector<16xf32>
        %swap3A_1844 = arith.index_cast %add3A_1771 : i32 to index
        %swap3A_1845 = arith.constant 96 : index
        %swap3A_1846 = tpu.vector_load %arg16[%swap3A_1844, %swap3A_1845] {strides = array<i32>} : memref<128x128xf32, #tpu.memory_space<vmem>>, vector<1x16xf32>,
        %swap3A_1847 = vector.shape_cast %swap3A_1846 : vector<1x16xf32> to vector<16xf32>
        %swap3A_1848 = vector.shape_cast %mul3A_1843 : vector<16xf32> to vector<1x16xf32>
        tpu.vector_store %arg16[%swap3A_1844, %swap3A_1845], %swap3A_1848 {strides = array<i32>} : memref<128x128xf32, #tpu.memory_space<vmem>>, vector<1x16xf32>,
        %get3A_1849 = arith.index_cast %add3A_1771 : i32 to index
        %get3A_1850 = arith.constant 112 : index
        %get3A_1851 = tpu.vector_load %arg16[%get3A_1849, %get3A_1850] {strides = array<i32>} : memref<128x128xf32, #tpu.memory_space<vmem>>, vector<1x16xf32>,
        %get3A_1852 = vector.shape_cast %get3A_1851 : vector<1x16xf32> to vector<16xf32>
        %mul3A_1853 = vector.broadcast %squeeze3A_1767 : f32 to vector<16xf32>
        %mul3A_1854 = arith.mulf %get3A_1852, %mul3A_1853 : vector<16xf32>
        %swap3A_1855 = arith.index_cast %add3A_1771 : i32 to index
        %swap3A_1856 = arith.constant 112 : index
        %swap3A_1857 = tpu.vector_load %arg16[%swap3A_1855, %swap3A_1856] {strides = array<i32>} : memref<128x128xf32, #tpu.memory_space<vmem>>, vector<1x16xf32>,
        %swap3A_1858 = vector.shape_cast %swap3A_1857 : vector<1x16xf32> to vector<16xf32>
        %swap3A_1859 = vector.shape_cast %mul3A_1854 : vector<16xf32> to vector<1x16xf32>
        tpu.vector_store %arg16[%swap3A_1855, %swap3A_1856], %swap3A_1859 {strides = array<i32>} : memref<128x128xf32, #tpu.memory_space<vmem>>, vector<1x16xf32>,
      }
      %scan3A_343 = arith.constant 8 : i32
      %dma_start3A_344 = arith.constant 0 : i32
      %dma_start3A_345 = arith.constant 0 : i32
      %dma_start3A_346 = tpu.memref_slice %arg7[%dma_start3A_344, %dma_start3A_345] : memref<10000x128xf32, #tpu.memory_space<vmem_shared>> -> memref<10000x128xf32, #tpu.memory_space<vmem_shared>>
      tpu.enqueue_indirect_dma source(%arg16 : memref<128x128xf32, #tpu.memory_space<vmem>>) target(%dma_start3A_346 : memref<10000x128xf32, #tpu.memory_space<vmem_shared>>) offsets(%arg12 : memref<128xi32, #tpu.memory_space<vmem>>) semaphore(%arg20 : memref<!tpu.dma_semaphore, #tpu.memory_space<semaphore_mem>>) {add = true}
      %lt3A_347 = arith.constant 39 : i32
      %lt3A_348 = arith.cmpi slt, %scan3A_304, %lt3A_347 : i32
      %convert_element_type3A_349 = arith.extui %lt3A_348 : i1 to i32
      %cond3A_350 = arith.constant 0 : i32
      %cond3A_351 = arith.cmpi ne, %convert_element_type3A_349, %cond3A_350 : i32
      scf.if %cond3A_351 {
        %dma_wait3A_352 = arith.constant 0 : i32
        %dma_wait3A_353 = arith.constant 0 : i32
        %dma_wait3A_354 = tpu.memref_slice %arg7[%dma_wait3A_352, %dma_wait3A_353] : memref<10000x128xf32, #tpu.memory_space<vmem_shared>> -> memref<10000x128xf32, #tpu.memory_space<vmem_shared>>
        tpu.wait_indirect_dma semaphore(%arg19 : memref<!tpu.dma_semaphore, #tpu.memory_space<semaphore_mem>>) src(%arg15 : memref<128x128xf32, #tpu.memory_space<vmem>>) dst(%dma_wait3A_354 : memref<10000x128xf32, #tpu.memory_space<vmem_shared>>)
        %add3A_355 = arith.constant 2 : i32
        %add3A_356 = arith.addi %mul3A_306, %add3A_355 : i32
        %mul3A_357 = arith.constant 128 : i32
        %mul3A_358 = arith.muli %add3A_356, %mul3A_357 : i32
        %add3A_359 = arith.constant 0 : i32
        %add3A_360 = arith.addi %mul3A_358, %add3A_359 : i32
        %get3A_361 = arith.index_cast %add3A_360 : i32 to index
        %get3A_362 = tpu.vector_load %arg8[%get3A_361] {strides = array<i32>} : memref<10240xi32, #tpu.memory_space<vmem>>, vector<16xi32>,
        %get3A_363 = vector.shape_cast %get3A_362 : vector<16xi32> to vector<16xi32>
        %and3A_364 = arith.constant 65535 : i32
        %and3A_365 = vector.broadcast %and3A_364 : i32 to vector<16xi32>
        %and3A_366 = arith.andi %get3A_363, %and3A_365 : vector<16xi32>
        %swap3A_367 = arith.constant 0 : index
        %swap3A_368 = tpu.vector_load %arg9[%swap3A_367] {strides = array<i32>} : memref<128xi32, #tpu.memory_space<vmem>>, vector<16xi32>,
        %swap3A_369 = vector.shape_cast %swap3A_368 : vector<16xi32> to vector<16xi32>
        %swap3A_370 = vector.shape_cast %and3A_366 : vector<16xi32> to vector<16xi32>
        tpu.vector_store %arg9[%swap3A_367], %swap3A_370 {strides = array<i32>} : memref<128xi32, #tpu.memory_space<vmem>>, vector<16xi32>,
        %shift_right_logical3A_371 = arith.constant 16 : i32
        %shift_right_logical3A_372 = vector.broadcast %shift_right_logical3A_371 : i32 to vector<16xi32>
        %shift_right_logical3A_373 = arith.shrui %get3A_363, %shift_right_logical3A_372 : vector<16xi32>
        %swap3A_374 = arith.constant 0 : index
        %swap3A_375 = tpu.vector_load %arg11[%swap3A_374] {strides = array<i32>} : memref<128xi32, #tpu.memory_space<vmem>>, vector<16xi32>,
        %swap3A_376 = vector.shape_cast %swap3A_375 : vector<16xi32> to vector<16xi32>
        %swap3A_377 = vector.shape_cast %shift_right_logical3A_373 : vector<16xi32> to vector<16xi32>
        tpu.vector_store %arg11[%swap3A_374], %swap3A_377 {strides = array<i32>} : memref<128xi32, #tpu.memory_space<vmem>>, vector<16xi32>,
        %mul3A_378 = arith.constant 128 : i32
        %mul3A_379 = arith.muli %add3A_356, %mul3A_378 : i32
        %add3A_380 = arith.constant 16 : i32
        %add3A_381 = arith.addi %mul3A_379, %add3A_380 : i32
        %get3A_382 = arith.index_cast %add3A_381 : i32 to index
        %get3A_383 = tpu.vector_load %arg8[%get3A_382] {strides = array<i32>} : memref<10240xi32, #tpu.memory_space<vmem>>, vector<16xi32>,
        %get3A_384 = vector.shape_cast %get3A_383 : vector<16xi32> to vector<16xi32>
        %and3A_385 = arith.constant 65535 : i32
        %and3A_386 = vector.broadcast %and3A_385 : i32 to vector<16xi32>
        %and3A_387 = arith.andi %get3A_384, %and3A_386 : vector<16xi32>
        %swap3A_388 = arith.constant 16 : index
        %swap3A_389 = tpu.vector_load %arg9[%swap3A_388] {strides = array<i32>} : memref<128xi32, #tpu.memory_space<vmem>>, vector<16xi32>,
        %swap3A_390 = vector.shape_cast %swap3A_389 : vector<16xi32> to vector<16xi32>
        %swap3A_391 = vector.shape_cast %and3A_387 : vector<16xi32> to vector<16xi32>
        tpu.vector_store %arg9[%swap3A_388], %swap3A_391 {strides = array<i32>} : memref<128xi32, #tpu.memory_space<vmem>>, vector<16xi32>,
        %shift_right_logical3A_392 = arith.constant 16 : i32
        %shift_right_logical3A_393 = vector.broadcast %shift_right_logical3A_392 : i32 to vector<16xi32>
        %shift_right_logical3A_394 = arith.shrui %get3A_384, %shift_right_logical3A_393 : vector<16xi32>
        %swap3A_395 = arith.constant 16 : index
        %swap3A_396 = tpu.vector_load %arg11[%swap3A_395] {strides = array<i32>} : memref<128xi32, #tpu.memory_space<vmem>>, vector<16xi32>,
        %swap3A_397 = vector.shape_cast %swap3A_396 : vector<16xi32> to vector<16xi32>
        %swap3A_398 = vector.shape_cast %shift_right_logical3A_394 : vector<16xi32> to vector<16xi32>
        tpu.vector_store %arg11[%swap3A_395], %swap3A_398 {strides = array<i32>} : memref<128xi32, #tpu.memory_space<vmem>>, vector<16xi32>,
        %mul3A_399 = arith.constant 128 : i32
        %mul3A_400 = arith.muli %add3A_356, %mul3A_399 : i32
        %add3A_401 = arith.constant 32 : i32
        %add3A_402 = arith.addi %mul3A_400, %add3A_401 : i32
        %get3A_403 = arith.index_cast %add3A_402 : i32 to index
        %get3A_404 = tpu.vector_load %arg8[%get3A_403] {strides = array<i32>} : memref<10240xi32, #tpu.memory_space<vmem>>, vector<16xi32>,
        %get3A_405 = vector.shape_cast %get3A_404 : vector<16xi32> to vector<16xi32>
        %and3A_406 = arith.constant 65535 : i32
        %and3A_407 = vector.broadcast %and3A_406 : i32 to vector<16xi32>
        %and3A_408 = arith.andi %get3A_405, %and3A_407 : vector<16xi32>
        %swap3A_409 = arith.constant 32 : index
        %swap3A_410 = tpu.vector_load %arg9[%swap3A_409] {strides = array<i32>} : memref<128xi32, #tpu.memory_space<vmem>>, vector<16xi32>,
        %swap3A_411 = vector.shape_cast %swap3A_410 : vector<16xi32> to vector<16xi32>
        %swap3A_412 = vector.shape_cast %and3A_408 : vector<16xi32> to vector<16xi32>
        tpu.vector_store %arg9[%swap3A_409], %swap3A_412 {strides = array<i32>} : memref<128xi32, #tpu.memory_space<vmem>>, vector<16xi32>,
        %shift_right_logical3A_413 = arith.constant 16 : i32
        %shift_right_logical3A_414 = vector.broadcast %shift_right_logical3A_413 : i32 to vector<16xi32>
        %shift_right_logical3A_415 = arith.shrui %get3A_405, %shift_right_logical3A_414 : vector<16xi32>
        %swap3A_416 = arith.constant 32 : index
        %swap3A_417 = tpu.vector_load %arg11[%swap3A_416] {strides = array<i32>} : memref<128xi32, #tpu.memory_space<vmem>>, vector<16xi32>,
        %swap3A_418 = vector.shape_cast %swap3A_417 : vector<16xi32> to vector<16xi32>
        %swap3A_419 = vector.shape_cast %shift_right_logical3A_415 : vector<16xi32> to vector<16xi32>
        tpu.vector_store %arg11[%swap3A_416], %swap3A_419 {strides = array<i32>} : memref<128xi32, #tpu.memory_space<vmem>>, vector<16xi32>,
        %mul3A_420 = arith.constant 128 : i32
        %mul3A_421 = arith.muli %add3A_356, %mul3A_420 : i32
        %add3A_422 = arith.constant 48 : i32
        %add3A_423 = arith.addi %mul3A_421, %add3A_422 : i32
        %get3A_424 = arith.index_cast %add3A_423 : i32 to index
        %get3A_425 = tpu.vector_load %arg8[%get3A_424] {strides = array<i32>} : memref<10240xi32, #tpu.memory_space<vmem>>, vector<16xi32>,
        %get3A_426 = vector.shape_cast %get3A_425 : vector<16xi32> to vector<16xi32>
        %and3A_427 = arith.constant 65535 : i32
        %and3A_428 = vector.broadcast %and3A_427 : i32 to vector<16xi32>
        %and3A_429 = arith.andi %get3A_426, %and3A_428 : vector<16xi32>
        %swap3A_430 = arith.constant 48 : index
        %swap3A_431 = tpu.vector_load %arg9[%swap3A_430] {strides = array<i32>} : memref<128xi32, #tpu.memory_space<vmem>>, vector<16xi32>,
        %swap3A_432 = vector.shape_cast %swap3A_431 : vector<16xi32> to vector<16xi32>
        %swap3A_433 = vector.shape_cast %and3A_429 : vector<16xi32> to vector<16xi32>
        tpu.vector_store %arg9[%swap3A_430], %swap3A_433 {strides = array<i32>} : memref<128xi32, #tpu.memory_space<vmem>>, vector<16xi32>,
        %shift_right_logical3A_434 = arith.constant 16 : i32
        %shift_right_logical3A_435 = vector.broadcast %shift_right_logical3A_434 : i32 to vector<16xi32>
        %shift_right_logical3A_436 = arith.shrui %get3A_426, %shift_right_logical3A_435 : vector<16xi32>
        %swap3A_437 = arith.constant 48 : index
        %swap3A_438 = tpu.vector_load %arg11[%swap3A_437] {strides = array<i32>} : memref<128xi32, #tpu.memory_space<vmem>>, vector<16xi32>,
        %swap3A_439 = vector.shape_cast %swap3A_438 : vector<16xi32> to vector<16xi32>
        %swap3A_440 = vector.shape_cast %shift_right_logical3A_436 : vector<16xi32> to vector<16xi32>
        tpu.vector_store %arg11[%swap3A_437], %swap3A_440 {strides = array<i32>} : memref<128xi32, #tpu.memory_space<vmem>>, vector<16xi32>,
        %mul3A_441 = arith.constant 128 : i32
        %mul3A_442 = arith.muli %add3A_356, %mul3A_441 : i32
        %add3A_443 = arith.constant 64 : i32
        %add3A_444 = arith.addi %mul3A_442, %add3A_443 : i32
        %get3A_445 = arith.index_cast %add3A_444 : i32 to index
        %get3A_446 = tpu.vector_load %arg8[%get3A_445] {strides = array<i32>} : memref<10240xi32, #tpu.memory_space<vmem>>, vector<16xi32>,
        %get3A_447 = vector.shape_cast %get3A_446 : vector<16xi32> to vector<16xi32>
        %and3A_448 = arith.constant 65535 : i32
        %and3A_449 = vector.broadcast %and3A_448 : i32 to vector<16xi32>
        %and3A_450 = arith.andi %get3A_447, %and3A_449 : vector<16xi32>
        %swap3A_451 = arith.constant 64 : index
        %swap3A_452 = tpu.vector_load %arg9[%swap3A_451] {strides = array<i32>} : memref<128xi32, #tpu.memory_space<vmem>>, vector<16xi32>,
        %swap3A_453 = vector.shape_cast %swap3A_452 : vector<16xi32> to vector<16xi32>
        %swap3A_454 = vector.shape_cast %and3A_450 : vector<16xi32> to vector<16xi32>
        tpu.vector_store %arg9[%swap3A_451], %swap3A_454 {strides = array<i32>} : memref<128xi32, #tpu.memory_space<vmem>>, vector<16xi32>,
        %shift_right_logical3A_455 = arith.constant 16 : i32
        %shift_right_logical3A_456 = vector.broadcast %shift_right_logical3A_455 : i32 to vector<16xi32>
        %shift_right_logical3A_457 = arith.shrui %get3A_447, %shift_right_logical3A_456 : vector<16xi32>
        %swap3A_458 = arith.constant 64 : index
        %swap3A_459 = tpu.vector_load %arg11[%swap3A_458] {strides = array<i32>} : memref<128xi32, #tpu.memory_space<vmem>>, vector<16xi32>,
        %swap3A_460 = vector.shape_cast %swap3A_459 : vector<16xi32> to vector<16xi32>
        %swap3A_461 = vector.shape_cast %shift_right_logical3A_457 : vector<16xi32> to vector<16xi32>
        tpu.vector_store %arg11[%swap3A_458], %swap3A_461 {strides = array<i32>} : memref<128xi32, #tpu.memory_space<vmem>>, vector<16xi32>,
        %mul3A_462 = arith.constant 128 : i32
        %mul3A_463 = arith.muli %add3A_356, %mul3A_462 : i32
        %add3A_464 = arith.constant 80 : i32
        %add3A_465 = arith.addi %mul3A_463, %add3A_464 : i32
        %get3A_466 = arith.index_cast %add3A_465 : i32 to index
        %get3A_467 = tpu.vector_load %arg8[%get3A_466] {strides = array<i32>} : memref<10240xi32, #tpu.memory_space<vmem>>, vector<16xi32>,
        %get3A_468 = vector.shape_cast %get3A_467 : vector<16xi32> to vector<16xi32>
        %and3A_469 = arith.constant 65535 : i32
        %and3A_470 = vector.broadcast %and3A_469 : i32 to vector<16xi32>
        %and3A_471 = arith.andi %get3A_468, %and3A_470 : vector<16xi32>
        %swap3A_472 = arith.constant 80 : index
        %swap3A_473 = tpu.vector_load %arg9[%swap3A_472] {strides = array<i32>} : memref<128xi32, #tpu.memory_space<vmem>>, vector<16xi32>,
        %swap3A_474 = vector.shape_cast %swap3A_473 : vector<16xi32> to vector<16xi32>
        %swap3A_475 = vector.shape_cast %and3A_471 : vector<16xi32> to vector<16xi32>
        tpu.vector_store %arg9[%swap3A_472], %swap3A_475 {strides = array<i32>} : memref<128xi32, #tpu.memory_space<vmem>>, vector<16xi32>,
        %shift_right_logical3A_476 = arith.constant 16 : i32
        %shift_right_logical3A_477 = vector.broadcast %shift_right_logical3A_476 : i32 to vector<16xi32>
        %shift_right_logical3A_478 = arith.shrui %get3A_468, %shift_right_logical3A_477 : vector<16xi32>
        %swap3A_479 = arith.constant 80 : index
        %swap3A_480 = tpu.vector_load %arg11[%swap3A_479] {strides = array<i32>} : memref<128xi32, #tpu.memory_space<vmem>>, vector<16xi32>,
        %swap3A_481 = vector.shape_cast %swap3A_480 : vector<16xi32> to vector<16xi32>
        %swap3A_482 = vector.shape_cast %shift_right_logical3A_478 : vector<16xi32> to vector<16xi32>
        tpu.vector_store %arg11[%swap3A_479], %swap3A_482 {strides = array<i32>} : memref<128xi32, #tpu.memory_space<vmem>>, vector<16xi32>,
        %mul3A_483 = arith.constant 128 : i32
        %mul3A_484 = arith.muli %add3A_356, %mul3A_483 : i32
        %add3A_485 = arith.constant 96 : i32
        %add3A_486 = arith.addi %mul3A_484, %add3A_485 : i32
        %get3A_487 = arith.index_cast %add3A_486 : i32 to index
        %get3A_488 = tpu.vector_load %arg8[%get3A_487] {strides = array<i32>} : memref<10240xi32, #tpu.memory_space<vmem>>, vector<16xi32>,
        %get3A_489 = vector.shape_cast %get3A_488 : vector<16xi32> to vector<16xi32>
        %and3A_490 = arith.constant 65535 : i32
        %and3A_491 = vector.broadcast %and3A_490 : i32 to vector<16xi32>
        %and3A_492 = arith.andi %get3A_489, %and3A_491 : vector<16xi32>
        %swap3A_493 = arith.constant 96 : index
        %swap3A_494 = tpu.vector_load %arg9[%swap3A_493] {strides = array<i32>} : memref<128xi32, #tpu.memory_space<vmem>>, vector<16xi32>,
        %swap3A_495 = vector.shape_cast %swap3A_494 : vector<16xi32> to vector<16xi32>
        %swap3A_496 = vector.shape_cast %and3A_492 : vector<16xi32> to vector<16xi32>
        tpu.vector_store %arg9[%swap3A_493], %swap3A_496 {strides = array<i32>} : memref<128xi32, #tpu.memory_space<vmem>>, vector<16xi32>,
        %shift_right_logical3A_497 = arith.constant 16 : i32
        %shift_right_logical3A_498 = vector.broadcast %shift_right_logical3A_497 : i32 to vector<16xi32>
        %shift_right_logical3A_499 = arith.shrui %get3A_489, %shift_right_logical3A_498 : vector<16xi32>
        %swap3A_500 = arith.constant 96 : index
        %swap3A_501 = tpu.vector_load %arg11[%swap3A_500] {strides = array<i32>} : memref<128xi32, #tpu.memory_space<vmem>>, vector<16xi32>,
        %swap3A_502 = vector.shape_cast %swap3A_501 : vector<16xi32> to vector<16xi32>
        %swap3A_503 = vector.shape_cast %shift_right_logical3A_499 : vector<16xi32> to vector<16xi32>
        tpu.vector_store %arg11[%swap3A_500], %swap3A_503 {strides = array<i32>} : memref<128xi32, #tpu.memory_space<vmem>>, vector<16xi32>,
        %mul3A_504 = arith.constant 128 : i32
        %mul3A_505 = arith.muli %add3A_356, %mul3A_504 : i32
        %add3A_506 = arith.constant 112 : i32
        %add3A_507 = arith.addi %mul3A_505, %add3A_506 : i32
        %get3A_508 = arith.index_cast %add3A_507 : i32 to index
        %get3A_509 = tpu.vector_load %arg8[%get3A_508] {strides = array<i32>} : memref<10240xi32, #tpu.memory_space<vmem>>, vector<16xi32>,
        %get3A_510 = vector.shape_cast %get3A_509 : vector<16xi32> to vector<16xi32>
        %and3A_511 = arith.constant 65535 : i32
        %and3A_512 = vector.broadcast %and3A_511 : i32 to vector<16xi32>
        %and3A_513 = arith.andi %get3A_510, %and3A_512 : vector<16xi32>
        %swap3A_514 = arith.constant 112 : index
        %swap3A_515 = tpu.vector_load %arg9[%swap3A_514] {strides = array<i32>} : memref<128xi32, #tpu.memory_space<vmem>>, vector<16xi32>,
        %swap3A_516 = vector.shape_cast %swap3A_515 : vector<16xi32> to vector<16xi32>
        %swap3A_517 = vector.shape_cast %and3A_513 : vector<16xi32> to vector<16xi32>
        tpu.vector_store %arg9[%swap3A_514], %swap3A_517 {strides = array<i32>} : memref<128xi32, #tpu.memory_space<vmem>>, vector<16xi32>,
        %shift_right_logical3A_518 = arith.constant 16 : i32
        %shift_right_logical3A_519 = vector.broadcast %shift_right_logical3A_518 : i32 to vector<16xi32>
        %shift_right_logical3A_520 = arith.shrui %get3A_510, %shift_right_logical3A_519 : vector<16xi32>
        %swap3A_521 = arith.constant 112 : index
        %swap3A_522 = tpu.vector_load %arg11[%swap3A_521] {strides = array<i32>} : memref<128xi32, #tpu.memory_space<vmem>>, vector<16xi32>,
        %swap3A_523 = vector.shape_cast %swap3A_522 : vector<16xi32> to vector<16xi32>
        %swap3A_524 = vector.shape_cast %shift_right_logical3A_520 : vector<16xi32> to vector<16xi32>
        tpu.vector_store %arg11[%swap3A_521], %swap3A_524 {strides = array<i32>} : memref<128xi32, #tpu.memory_space<vmem>>, vector<16xi32>,
        %add3A_525 = arith.constant 2 : i32
        %add3A_526 = arith.addi %mul3A_306, %add3A_525 : i32
        %dma_start3A_527 = arith.constant 0 : i32
        %dma_start3A_528 = arith.constant 0 : i32
        %dma_start3A_529 = tpu.memref_slice %arg4[%dma_start3A_527, %dma_start3A_528] : memref<10000x128xf32, #tpu.memory_space<hbm>> -> memref<10000x128xf32, #tpu.memory_space<hbm>>
        tpu.enqueue_indirect_dma source(%dma_start3A_529 : memref<10000x128xf32, #tpu.memory_space<hbm>>) target(%arg15 : memref<128x128xf32, #tpu.memory_space<vmem>>) offsets(%arg9 : memref<128xi32, #tpu.memory_space<vmem>>) semaphore(%arg17 : memref<!tpu.dma_semaphore, #tpu.memory_space<semaphore_mem>>)
        %mul3A_530 = arith.constant 128 : i32
        %mul3A_531 = arith.muli %add3A_526, %mul3A_530 : i32
        %dma_start3A_532 = tpu.memref_slice %arg3[%add3A, %mul3A_531] : memref<32x10240xf32, #tpu.memory_space<hbm>> -> memref<1x128xf32, #tpu.memory_space<hbm>>
        %dma_start3A_533 = tpu.memref_squeeze %dma_start3A_532 : memref<1x128xf32, #tpu.memory_space<hbm>> -> memref<128xf32, #tpu.memory_space<hbm>>
        %dma_start3A_534 = tpu.memref_slice %arg3[%add3A, %mul3A_531] : memref<32x10240xf32, #tpu.memory_space<hbm>> -> memref<1x128xf32, #tpu.memory_space<hbm>>
        %dma_start3A_535 = tpu.memref_squeeze %dma_start3A_534 : memref<1x128xf32, #tpu.memory_space<hbm>> -> memref<128xf32, #tpu.memory_space<hbm>>
        tpu.enqueue_dma source(%dma_start3A_535 : memref<128xf32, #tpu.memory_space<hbm>>) target(%arg13 : memref<128xf32, #tpu.memory_space<vmem>>) target_semaphore(%arg17 : memref<!tpu.dma_semaphore, #tpu.memory_space<semaphore_mem>>)
        %dma_wait3A_536 = arith.constant 0 : i32
        %dma_wait3A_537 = arith.constant 0 : i32
        %dma_wait3A_538 = tpu.memref_slice %arg7[%dma_wait3A_536, %dma_wait3A_537] : memref<10000x128xf32, #tpu.memory_space<vmem_shared>> -> memref<10000x128xf32, #tpu.memory_space<vmem_shared>>
        tpu.wait_indirect_dma semaphore(%arg20 : memref<!tpu.dma_semaphore, #tpu.memory_space<semaphore_mem>>) src(%arg16 : memref<128x128xf32, #tpu.memory_space<vmem>>) dst(%dma_wait3A_538 : memref<10000x128xf32, #tpu.memory_space<vmem_shared>>)
        %add3A_539 = arith.constant 2 : i32
        %add3A_540 = arith.addi %add3A_310, %add3A_539 : i32
        %mul3A_541 = arith.constant 128 : i32
        %mul3A_542 = arith.muli %add3A_540, %mul3A_541 : i32
        %add3A_543 = arith.constant 0 : i32
        %add3A_544 = arith.addi %mul3A_542, %add3A_543 : i32
        %get3A_545 = arith.index_cast %add3A_544 : i32 to index
        %get3A_546 = tpu.vector_load %arg8[%get3A_545] {strides = array<i32>} : memref<10240xi32, #tpu.memory_space<vmem>>, vector<16xi32>,
        %get3A_547 = vector.shape_cast %get3A_546 : vector<16xi32> to vector<16xi32>
        %and3A_548 = arith.constant 65535 : i32
        %and3A_549 = vector.broadcast %and3A_548 : i32 to vector<16xi32>
        %and3A_550 = arith.andi %get3A_547, %and3A_549 : vector<16xi32>
        %swap3A_551 = arith.constant 0 : index
        %swap3A_552 = tpu.vector_load %arg10[%swap3A_551] {strides = array<i32>} : memref<128xi32, #tpu.memory_space<vmem>>, vector<16xi32>,
        %swap3A_553 = vector.shape_cast %swap3A_552 : vector<16xi32> to vector<16xi32>
        %swap3A_554 = vector.shape_cast %and3A_550 : vector<16xi32> to vector<16xi32>
        tpu.vector_store %arg10[%swap3A_551], %swap3A_554 {strides = array<i32>} : memref<128xi32, #tpu.memory_space<vmem>>, vector<16xi32>,
        %shift_right_logical3A_555 = arith.constant 16 : i32
        %shift_right_logical3A_556 = vector.broadcast %shift_right_logical3A_555 : i32 to vector<16xi32>
        %shift_right_logical3A_557 = arith.shrui %get3A_547, %shift_right_logical3A_556 : vector<16xi32>
        %swap3A_558 = arith.constant 0 : index
        %swap3A_559 = tpu.vector_load %arg12[%swap3A_558] {strides = array<i32>} : memref<128xi32, #tpu.memory_space<vmem>>, vector<16xi32>,
        %swap3A_560 = vector.shape_cast %swap3A_559 : vector<16xi32> to vector<16xi32>
        %swap3A_561 = vector.shape_cast %shift_right_logical3A_557 : vector<16xi32> to vector<16xi32>
        tpu.vector_store %arg12[%swap3A_558], %swap3A_561 {strides = array<i32>} : memref<128xi32, #tpu.memory_space<vmem>>, vector<16xi32>,
        %mul3A_562 = arith.constant 128 : i32
        %mul3A_563 = arith.muli %add3A_540, %mul3A_562 : i32
        %add3A_564 = arith.constant 16 : i32
        %add3A_565 = arith.addi %mul3A_563, %add3A_564 : i32
        %get3A_566 = arith.index_cast %add3A_565 : i32 to index
        %get3A_567 = tpu.vector_load %arg8[%get3A_566] {strides = array<i32>} : memref<10240xi32, #tpu.memory_space<vmem>>, vector<16xi32>,
        %get3A_568 = vector.shape_cast %get3A_567 : vector<16xi32> to vector<16xi32>
        %and3A_569 = arith.constant 65535 : i32
        %and3A_570 = vector.broadcast %and3A_569 : i32 to vector<16xi32>
        %and3A_571 = arith.andi %get3A_568, %and3A_570 : vector<16xi32>
        %swap3A_572 = arith.constant 16 : index
        %swap3A_573 = tpu.vector_load %arg10[%swap3A_572] {strides = array<i32>} : memref<128xi32, #tpu.memory_space<vmem>>, vector<16xi32>,
        %swap3A_574 = vector.shape_cast %swap3A_573 : vector<16xi32> to vector<16xi32>
        %swap3A_575 = vector.shape_cast %and3A_571 : vector<16xi32> to vector<16xi32>
        tpu.vector_store %arg10[%swap3A_572], %swap3A_575 {strides = array<i32>} : memref<128xi32, #tpu.memory_space<vmem>>, vector<16xi32>,
        %shift_right_logical3A_576 = arith.constant 16 : i32
        %shift_right_logical3A_577 = vector.broadcast %shift_right_logical3A_576 : i32 to vector<16xi32>
        %shift_right_logical3A_578 = arith.shrui %get3A_568, %shift_right_logical3A_577 : vector<16xi32>
        %swap3A_579 = arith.constant 16 : index
        %swap3A_580 = tpu.vector_load %arg12[%swap3A_579] {strides = array<i32>} : memref<128xi32, #tpu.memory_space<vmem>>, vector<16xi32>,
        %swap3A_581 = vector.shape_cast %swap3A_580 : vector<16xi32> to vector<16xi32>
        %swap3A_582 = vector.shape_cast %shift_right_logical3A_578 : vector<16xi32> to vector<16xi32>
        tpu.vector_store %arg12[%swap3A_579], %swap3A_582 {strides = array<i32>} : memref<128xi32, #tpu.memory_space<vmem>>, vector<16xi32>,
        %mul3A_583 = arith.constant 128 : i32
        %mul3A_584 = arith.muli %add3A_540, %mul3A_583 : i32
        %add3A_585 = arith.constant 32 : i32
        %add3A_586 = arith.addi %mul3A_584, %add3A_585 : i32
        %get3A_587 = arith.index_cast %add3A_586 : i32 to index
        %get3A_588 = tpu.vector_load %arg8[%get3A_587] {strides = array<i32>} : memref<10240xi32, #tpu.memory_space<vmem>>, vector<16xi32>,
        %get3A_589 = vector.shape_cast %get3A_588 : vector<16xi32> to vector<16xi32>
        %and3A_590 = arith.constant 65535 : i32
        %and3A_591 = vector.broadcast %and3A_590 : i32 to vector<16xi32>
        %and3A_592 = arith.andi %get3A_589, %and3A_591 : vector<16xi32>
        %swap3A_593 = arith.constant 32 : index
        %swap3A_594 = tpu.vector_load %arg10[%swap3A_593] {strides = array<i32>} : memref<128xi32, #tpu.memory_space<vmem>>, vector<16xi32>,
        %swap3A_595 = vector.shape_cast %swap3A_594 : vector<16xi32> to vector<16xi32>
        %swap3A_596 = vector.shape_cast %and3A_592 : vector<16xi32> to vector<16xi32>
        tpu.vector_store %arg10[%swap3A_593], %swap3A_596 {strides = array<i32>} : memref<128xi32, #tpu.memory_space<vmem>>, vector<16xi32>,
        %shift_right_logical3A_597 = arith.constant 16 : i32
        %shift_right_logical3A_598 = vector.broadcast %shift_right_logical3A_597 : i32 to vector<16xi32>
        %shift_right_logical3A_599 = arith.shrui %get3A_589, %shift_right_logical3A_598 : vector<16xi32>
        %swap3A_600 = arith.constant 32 : index
        %swap3A_601 = tpu.vector_load %arg12[%swap3A_600] {strides = array<i32>} : memref<128xi32, #tpu.memory_space<vmem>>, vector<16xi32>,
        %swap3A_602 = vector.shape_cast %swap3A_601 : vector<16xi32> to vector<16xi32>
        %swap3A_603 = vector.shape_cast %shift_right_logical3A_599 : vector<16xi32> to vector<16xi32>
        tpu.vector_store %arg12[%swap3A_600], %swap3A_603 {strides = array<i32>} : memref<128xi32, #tpu.memory_space<vmem>>, vector<16xi32>,
        %mul3A_604 = arith.constant 128 : i32
        %mul3A_605 = arith.muli %add3A_540, %mul3A_604 : i32
        %add3A_606 = arith.constant 48 : i32
        %add3A_607 = arith.addi %mul3A_605, %add3A_606 : i32
        %get3A_608 = arith.index_cast %add3A_607 : i32 to index
        %get3A_609 = tpu.vector_load %arg8[%get3A_608] {strides = array<i32>} : memref<10240xi32, #tpu.memory_space<vmem>>, vector<16xi32>,
        %get3A_610 = vector.shape_cast %get3A_609 : vector<16xi32> to vector<16xi32>
        %and3A_611 = arith.constant 65535 : i32
        %and3A_612 = vector.broadcast %and3A_611 : i32 to vector<16xi32>
        %and3A_613 = arith.andi %get3A_610, %and3A_612 : vector<16xi32>
        %swap3A_614 = arith.constant 48 : index
        %swap3A_615 = tpu.vector_load %arg10[%swap3A_614] {strides = array<i32>} : memref<128xi32, #tpu.memory_space<vmem>>, vector<16xi32>,
        %swap3A_616 = vector.shape_cast %swap3A_615 : vector<16xi32> to vector<16xi32>
        %swap3A_617 = vector.shape_cast %and3A_613 : vector<16xi32> to vector<16xi32>
        tpu.vector_store %arg10[%swap3A_614], %swap3A_617 {strides = array<i32>} : memref<128xi32, #tpu.memory_space<vmem>>, vector<16xi32>,
        %shift_right_logical3A_618 = arith.constant 16 : i32
        %shift_right_logical3A_619 = vector.broadcast %shift_right_logical3A_618 : i32 to vector<16xi32>
        %shift_right_logical3A_620 = arith.shrui %get3A_610, %shift_right_logical3A_619 : vector<16xi32>
        %swap3A_621 = arith.constant 48 : index
        %swap3A_622 = tpu.vector_load %arg12[%swap3A_621] {strides = array<i32>} : memref<128xi32, #tpu.memory_space<vmem>>, vector<16xi32>,
        %swap3A_623 = vector.shape_cast %swap3A_622 : vector<16xi32> to vector<16xi32>
        %swap3A_624 = vector.shape_cast %shift_right_logical3A_620 : vector<16xi32> to vector<16xi32>
        tpu.vector_store %arg12[%swap3A_621], %swap3A_624 {strides = array<i32>} : memref<128xi32, #tpu.memory_space<vmem>>, vector<16xi32>,
        %mul3A_625 = arith.constant 128 : i32
        %mul3A_626 = arith.muli %add3A_540, %mul3A_625 : i32
        %add3A_627 = arith.constant 64 : i32
        %add3A_628 = arith.addi %mul3A_626, %add3A_627 : i32
        %get3A_629 = arith.index_cast %add3A_628 : i32 to index
        %get3A_630 = tpu.vector_load %arg8[%get3A_629] {strides = array<i32>} : memref<10240xi32, #tpu.memory_space<vmem>>, vector<16xi32>,
        %get3A_631 = vector.shape_cast %get3A_630 : vector<16xi32> to vector<16xi32>
        %and3A_632 = arith.constant 65535 : i32
        %and3A_633 = vector.broadcast %and3A_632 : i32 to vector<16xi32>
        %and3A_634 = arith.andi %get3A_631, %and3A_633 : vector<16xi32>
        %swap3A_635 = arith.constant 64 : index
        %swap3A_636 = tpu.vector_load %arg10[%swap3A_635] {strides = array<i32>} : memref<128xi32, #tpu.memory_space<vmem>>, vector<16xi32>,
        %swap3A_637 = vector.shape_cast %swap3A_636 : vector<16xi32> to vector<16xi32>
        %swap3A_638 = vector.shape_cast %and3A_634 : vector<16xi32> to vector<16xi32>
        tpu.vector_store %arg10[%swap3A_635], %swap3A_638 {strides = array<i32>} : memref<128xi32, #tpu.memory_space<vmem>>, vector<16xi32>,
        %shift_right_logical3A_639 = arith.constant 16 : i32
        %shift_right_logical3A_640 = vector.broadcast %shift_right_logical3A_639 : i32 to vector<16xi32>
        %shift_right_logical3A_641 = arith.shrui %get3A_631, %shift_right_logical3A_640 : vector<16xi32>
        %swap3A_642 = arith.constant 64 : index
        %swap3A_643 = tpu.vector_load %arg12[%swap3A_642] {strides = array<i32>} : memref<128xi32, #tpu.memory_space<vmem>>, vector<16xi32>,
        %swap3A_644 = vector.shape_cast %swap3A_643 : vector<16xi32> to vector<16xi32>
        %swap3A_645 = vector.shape_cast %shift_right_logical3A_641 : vector<16xi32> to vector<16xi32>
        tpu.vector_store %arg12[%swap3A_642], %swap3A_645 {strides = array<i32>} : memref<128xi32, #tpu.memory_space<vmem>>, vector<16xi32>,
        %mul3A_646 = arith.constant 128 : i32
        %mul3A_647 = arith.muli %add3A_540, %mul3A_646 : i32
        %add3A_648 = arith.constant 80 : i32
        %add3A_649 = arith.addi %mul3A_647, %add3A_648 : i32
        %get3A_650 = arith.index_cast %add3A_649 : i32 to index
        %get3A_651 = tpu.vector_load %arg8[%get3A_650] {strides = array<i32>} : memref<10240xi32, #tpu.memory_space<vmem>>, vector<16xi32>,
        %get3A_652 = vector.shape_cast %get3A_651 : vector<16xi32> to vector<16xi32>
        %and3A_653 = arith.constant 65535 : i32
        %and3A_654 = vector.broadcast %and3A_653 : i32 to vector<16xi32>
        %and3A_655 = arith.andi %get3A_652, %and3A_654 : vector<16xi32>
        %swap3A_656 = arith.constant 80 : index
        %swap3A_657 = tpu.vector_load %arg10[%swap3A_656] {strides = array<i32>} : memref<128xi32, #tpu.memory_space<vmem>>, vector<16xi32>,
        %swap3A_658 = vector.shape_cast %swap3A_657 : vector<16xi32> to vector<16xi32>
        %swap3A_659 = vector.shape_cast %and3A_655 : vector<16xi32> to vector<16xi32>
        tpu.vector_store %arg10[%swap3A_656], %swap3A_659 {strides = array<i32>} : memref<128xi32, #tpu.memory_space<vmem>>, vector<16xi32>,
        %shift_right_logical3A_660 = arith.constant 16 : i32
        %shift_right_logical3A_661 = vector.broadcast %shift_right_logical3A_660 : i32 to vector<16xi32>
        %shift_right_logical3A_662 = arith.shrui %get3A_652, %shift_right_logical3A_661 : vector<16xi32>
        %swap3A_663 = arith.constant 80 : index
        %swap3A_664 = tpu.vector_load %arg12[%swap3A_663] {strides = array<i32>} : memref<128xi32, #tpu.memory_space<vmem>>, vector<16xi32>,
        %swap3A_665 = vector.shape_cast %swap3A_664 : vector<16xi32> to vector<16xi32>
        %swap3A_666 = vector.shape_cast %shift_right_logical3A_662 : vector<16xi32> to vector<16xi32>
        tpu.vector_store %arg12[%swap3A_663], %swap3A_666 {strides = array<i32>} : memref<128xi32, #tpu.memory_space<vmem>>, vector<16xi32>,
        %mul3A_667 = arith.constant 128 : i32
        %mul3A_668 = arith.muli %add3A_540, %mul3A_667 : i32
        %add3A_669 = arith.constant 96 : i32
        %add3A_670 = arith.addi %mul3A_668, %add3A_669 : i32
        %get3A_671 = arith.index_cast %add3A_670 : i32 to index
        %get3A_672 = tpu.vector_load %arg8[%get3A_671] {strides = array<i32>} : memref<10240xi32, #tpu.memory_space<vmem>>, vector<16xi32>,
        %get3A_673 = vector.shape_cast %get3A_672 : vector<16xi32> to vector<16xi32>
        %and3A_674 = arith.constant 65535 : i32
        %and3A_675 = vector.broadcast %and3A_674 : i32 to vector<16xi32>
        %and3A_676 = arith.andi %get3A_673, %and3A_675 : vector<16xi32>
        %swap3A_677 = arith.constant 96 : index
        %swap3A_678 = tpu.vector_load %arg10[%swap3A_677] {strides = array<i32>} : memref<128xi32, #tpu.memory_space<vmem>>, vector<16xi32>,
        %swap3A_679 = vector.shape_cast %swap3A_678 : vector<16xi32> to vector<16xi32>
        %swap3A_680 = vector.shape_cast %and3A_676 : vector<16xi32> to vector<16xi32>
        tpu.vector_store %arg10[%swap3A_677], %swap3A_680 {strides = array<i32>} : memref<128xi32, #tpu.memory_space<vmem>>, vector<16xi32>,
        %shift_right_logical3A_681 = arith.constant 16 : i32
        %shift_right_logical3A_682 = vector.broadcast %shift_right_logical3A_681 : i32 to vector<16xi32>
        %shift_right_logical3A_683 = arith.shrui %get3A_673, %shift_right_logical3A_682 : vector<16xi32>
        %swap3A_684 = arith.constant 96 : index
        %swap3A_685 = tpu.vector_load %arg12[%swap3A_684] {strides = array<i32>} : memref<128xi32, #tpu.memory_space<vmem>>, vector<16xi32>,
        %swap3A_686 = vector.shape_cast %swap3A_685 : vector<16xi32> to vector<16xi32>
        %swap3A_687 = vector.shape_cast %shift_right_logical3A_683 : vector<16xi32> to vector<16xi32>
        tpu.vector_store %arg12[%swap3A_684], %swap3A_687 {strides = array<i32>} : memref<128xi32, #tpu.memory_space<vmem>>, vector<16xi32>,
        %mul3A_688 = arith.constant 128 : i32
        %mul3A_689 = arith.muli %add3A_540, %mul3A_688 : i32
        %add3A_690 = arith.constant 112 : i32
        %add3A_691 = arith.addi %mul3A_689, %add3A_690 : i32
        %get3A_692 = arith.index_cast %add3A_691 : i32 to index
        %get3A_693 = tpu.vector_load %arg8[%get3A_692] {strides = array<i32>} : memref<10240xi32, #tpu.memory_space<vmem>>, vector<16xi32>,
        %get3A_694 = vector.shape_cast %get3A_693 : vector<16xi32> to vector<16xi32>
        %and3A_695 = arith.constant 65535 : i32
        %and3A_696 = vector.broadcast %and3A_695 : i32 to vector<16xi32>
        %and3A_697 = arith.andi %get3A_694, %and3A_696 : vector<16xi32>
        %swap3A_698 = arith.constant 112 : index
        %swap3A_699 = tpu.vector_load %arg10[%swap3A_698] {strides = array<i32>} : memref<128xi32, #tpu.memory_space<vmem>>, vector<16xi32>,
        %swap3A_700 = vector.shape_cast %swap3A_699 : vector<16xi32> to vector<16xi32>
        %swap3A_701 = vector.shape_cast %and3A_697 : vector<16xi32> to vector<16xi32>
        tpu.vector_store %arg10[%swap3A_698], %swap3A_701 {strides = array<i32>} : memref<128xi32, #tpu.memory_space<vmem>>, vector<16xi32>,
        %shift_right_logical3A_702 = arith.constant 16 : i32
        %shift_right_logical3A_703 = vector.broadcast %shift_right_logical3A_702 : i32 to vector<16xi32>
        %shift_right_logical3A_704 = arith.shrui %get3A_694, %shift_right_logical3A_703 : vector<16xi32>
        %swap3A_705 = arith.constant 112 : index
        %swap3A_706 = tpu.vector_load %arg12[%swap3A_705] {strides = array<i32>} : memref<128xi32, #tpu.memory_space<vmem>>, vector<16xi32>,
        %swap3A_707 = vector.shape_cast %swap3A_706 : vector<16xi32> to vector<16xi32>
        %swap3A_708 = vector.shape_cast %shift_right_logical3A_704 : vector<16xi32> to vector<16xi32>
        tpu.vector_store %arg12[%swap3A_705], %swap3A_708 {strides = array<i32>} : memref<128xi32, #tpu.memory_space<vmem>>, vector<16xi32>,
        %add3A_709 = arith.constant 2 : i32
        %add3A_710 = arith.addi %add3A_310, %add3A_709 : i32
        %dma_start3A_711 = arith.constant 0 : i32
        %dma_start3A_712 = arith.constant 0 : i32
        %dma_start3A_713 = tpu.memref_slice %arg4[%dma_start3A_711, %dma_start3A_712] : memref<10000x128xf32, #tpu.memory_space<hbm>> -> memref<10000x128xf32, #tpu.memory_space<hbm>>
        tpu.enqueue_indirect_dma source(%dma_start3A_713 : memref<10000x128xf32, #tpu.memory_space<hbm>>) target(%arg16 : memref<128x128xf32, #tpu.memory_space<vmem>>) offsets(%arg10 : memref<128xi32, #tpu.memory_space<vmem>>) semaphore(%arg18 : memref<!tpu.dma_semaphore, #tpu.memory_space<semaphore_mem>>)
        %mul3A_714 = arith.constant 128 : i32
        %mul3A_715 = arith.muli %add3A_710, %mul3A_714 : i32
        %dma_start3A_716 = tpu.memref_slice %arg3[%add3A, %mul3A_715] : memref<32x10240xf32, #tpu.memory_space<hbm>> -> memref<1x128xf32, #tpu.memory_space<hbm>>
        %dma_start3A_717 = tpu.memref_squeeze %dma_start3A_716 : memref<1x128xf32, #tpu.memory_space<hbm>> -> memref<128xf32, #tpu.memory_space<hbm>>
        %dma_start3A_718 = tpu.memref_slice %arg3[%add3A, %mul3A_715] : memref<32x10240xf32, #tpu.memory_space<hbm>> -> memref<1x128xf32, #tpu.memory_space<hbm>>
        %dma_start3A_719 = tpu.memref_squeeze %dma_start3A_718 : memref<1x128xf32, #tpu.memory_space<hbm>> -> memref<128xf32, #tpu.memory_space<hbm>>
        tpu.enqueue_dma source(%dma_start3A_719 : memref<128xf32, #tpu.memory_space<hbm>>) target(%arg14 : memref<128xf32, #tpu.memory_space<vmem>>) target_semaphore(%arg18 : memref<!tpu.dma_semaphore, #tpu.memory_space<semaphore_mem>>)
      } else {
      }
    }
    %scan3A_292 = arith.constant 40 : i32
    %dma_wait3A = arith.constant 0 : i32
    %dma_wait3A_293 = arith.constant 0 : i32
    %dma_wait3A_294 = tpu.memref_slice %arg7[%dma_wait3A, %dma_wait3A_293] : memref<10000x128xf32, #tpu.memory_space<vmem_shared>> -> memref<10000x128xf32, #tpu.memory_space<vmem_shared>>
    tpu.wait_indirect_dma semaphore(%arg19 : memref<!tpu.dma_semaphore, #tpu.memory_space<semaphore_mem>>) src(%arg15 : memref<128x128xf32, #tpu.memory_space<vmem>>) dst(%dma_wait3A_294 : memref<10000x128xf32, #tpu.memory_space<vmem_shared>>)
    %dma_wait3A_295 = arith.constant 0 : i32
    %dma_wait3A_296 = arith.constant 0 : i32
    %dma_wait3A_297 = tpu.memref_slice %arg7[%dma_wait3A_295, %dma_wait3A_296] : memref<10000x128xf32, #tpu.memory_space<vmem_shared>> -> memref<10000x128xf32, #tpu.memory_space<vmem_shared>>
    tpu.wait_indirect_dma semaphore(%arg20 : memref<!tpu.dma_semaphore, #tpu.memory_space<semaphore_mem>>) src(%arg16 : memref<128x128xf32, #tpu.memory_space<vmem>>) dst(%dma_wait3A_297 : memref<10000x128xf32, #tpu.memory_space<vmem_shared>>)
    %barrier3A_298 = arith.constant 0 : index
    tpu.barrier barrier_id(%barrier3A_298)
    %lt3A_299 = arith.constant 10 : i32
    %lt3A_300 = arith.cmpi slt, %arg1, %lt3A_299 : i32
    %convert_element_type3A_301 = arith.extui %lt3A_300 : i1 to i32
    %cond3A_302 = arith.constant 0 : i32
    %cond3A_303 = arith.cmpi ne, %convert_element_type3A_301, %cond3A_302 : i32
    scf.if %cond3A_303 {
      %mul3A_304 = arith.constant 1000 : i32
      %mul3A_305 = arith.muli %arg1, %mul3A_304 : i32
      "tpu.region"() ({
        %run_scoped3A = tpu.sem_alloc : memref<!tpu.dma_semaphore, #tpu.memory_space<semaphore_mem>>
        %dma_start3A_306 = arith.constant 0 : i32
        %dma_start3A_307 = tpu.memref_slice %arg6[%arg0, %mul3A_305, %dma_start3A_306] : memref<2x10000x128xf32, #tpu.memory_space<hbm>> -> memref<1x1000x128xf32, #tpu.memory_space<hbm>>
        %dma_start3A_308 = tpu.memref_squeeze %dma_start3A_307 : memref<1x1000x128xf32, #tpu.memory_space<hbm>> -> memref<1000x128xf32, #tpu.memory_space<hbm>>
        %dma_start3A_309 = arith.constant 0 : i32
        %dma_start3A_310 = tpu.memref_slice %arg7[%mul3A_305, %dma_start3A_309] : memref<10000x128xf32, #tpu.memory_space<vmem_shared>> -> memref<1000x128xf32, #tpu.memory_space<vmem_shared>>
        tpu.enqueue_dma source(%dma_start3A_310 : memref<1000x128xf32, #tpu.memory_space<vmem_shared>>) target(%dma_start3A_308 : memref<1000x128xf32, #tpu.memory_space<hbm>>) target_semaphore(%run_scoped3A : memref<!tpu.dma_semaphore, #tpu.memory_space<semaphore_mem>>)
        %dma_wait3A_311 = arith.constant 0 : i32
        %dma_wait3A_312 = tpu.memref_slice %arg6[%arg0, %mul3A_305, %dma_wait3A_311] : memref<2x10000x128xf32, #tpu.memory_space<hbm>> -> memref<1x1000x128xf32, #tpu.memory_space<hbm>>
        %dma_wait3A_313 = tpu.memref_squeeze %dma_wait3A_312 : memref<1x1000x128xf32, #tpu.memory_space<hbm>> -> memref<1000x128xf32, #tpu.memory_space<hbm>>
        %dma_wait3A_314 = arith.constant 0 : i32
        %dma_wait3A_315 = tpu.memref_slice %arg7[%mul3A_305, %dma_wait3A_314] : memref<10000x128xf32, #tpu.memory_space<vmem_shared>> -> memref<1000x128xf32, #tpu.memory_space<vmem_shared>>
        tpu.wait_dma2 semaphore(%run_scoped3A : memref<!tpu.dma_semaphore, #tpu.memory_space<semaphore_mem>>) src(%dma_wait3A_315 : memref<1000x128xf32, #tpu.memory_space<vmem_shared>>) dst(%dma_wait3A_313 : memref<1000x128xf32, #tpu.memory_space<hbm>>)
        tpu.yield
      }) : () -> ()
    } else {
    }
    return
  }
}

module attributes {stable_mosaic.version = 14 : i64} {
  func.func @body(%arg0: i32, %arg1: memref<2x1000x128xf32, #tpu.memory_space<vmem>>, %arg2: memref<1000x128xf32, #tpu.memory_space<vmem>>) attributes {dimension_semantics = [#tpu.dimension_semantics<arbitrary>], iteration_bounds = array<i64: 10>, scalar_prefetch = 0 : i64, scratch_operands = 0 : i64, tpu.core_type = #tpu.core_type<tc>, window_params = [{transform_indices = @transform_0, window_bounds = array<i64: 2, 1000, 128>}, {transform_indices = @transform_1, window_bounds = array<i64: 1000, 128>}]} {
    %get3A = arith.constant 0 : index
    %get3A_0 = arith.constant 0 : index
    %get3A_1 = arith.constant 0 : index
    %get3A_2 = vector.load %arg1[%get3A, %get3A_0, %get3A_1] : memref<2x1000x128xf32, #tpu.memory_space<vmem>>, vector<1x1000x128xf32>
    %get3A_3 = vector.shape_cast %get3A_2 : vector<1x1000x128xf32> to vector<1000x128xf32>
    %get3A_4 = arith.constant 1 : index
    %get3A_5 = arith.constant 0 : index
    %get3A_6 = arith.constant 0 : index
    %get3A_7 = vector.load %arg1[%get3A_4, %get3A_5, %get3A_6] : memref<2x1000x128xf32, #tpu.memory_space<vmem>>, vector<1x1000x128xf32>
    %get3A_8 = vector.shape_cast %get3A_7 : vector<1x1000x128xf32> to vector<1000x128xf32>
    %add3A = arith.addf %get3A_3, %get3A_8 : vector<1000x128xf32>
    %swap3A = arith.constant 0 : index
    %swap3A_9 = arith.constant 0 : index
    %swap3A_10 = vector.load %arg2[%swap3A, %swap3A_9] : memref<1000x128xf32, #tpu.memory_space<vmem>>, vector<1000x128xf32>
    tpu.vector_store %arg2[%swap3A, %swap3A_9], %add3A {strides = array<i32>} : memref<1000x128xf32, #tpu.memory_space<vmem>>, vector<1000x128xf32>,
    return
  }
  func.func @transform_0(%arg0: i32) -> (i32, i32, i32) {
    %c0_i32 = arith.constant 0 : i32
    %c0_i32_0 = arith.constant 0 : i32
    %c0_i32_1 = arith.constant 0 : i32
    return %c0_i32, %arg0, %c0_i32_0 : i32, i32, i32
  }
  func.func @transform_1(%arg0: i32) -> (i32, i32) {
    %c0_i32 = arith.constant 0 : i32
    %c0_i32_0 = arith.constant 0 : i32
    return %arg0, %c0_i32 : i32, i32
  }
}

</mosaic_0001>

<sc_bundles>
// kernel: kernel.4.cloned.1.call-start
scs
__scs_entry_jumppad:
0x0: {  	(pc) =	sbr.rel $0x88, $3  }
0x1: {  	(tag) =	ssettag $0x0;
	lr =	simm.s32 $0x1  }
0x2: {  	[smem:$0x3F9E] =	sst lr;
	_ =	strace $0xD0000000  }
0x3: {  	_ = 	snop  }
0x4: {  	_ = 	snop  }
0x5: {  	_ = 	snop  }
0x6: {  	_ = 	snop  }
0x7: {  	_ = 	snop  }
__scs_overlays_trampoline_lowered:
0x8: {  	[smem:$0x3FAD] =	sst s0  }
0x9: {  	[smem:$0x3FAE] =	sst s1  }
0xa: {  	[smem:$0x3FAF] =	sst s2  }
0xb: {  	[smem:$0x3FB0] =	sst s3  }
0xc: {  	[smem:$0x3FB1] =	sst s4  }
0xd: {  	[smem:$0x3FB2] =	sst s5  }
0xe: {  	[smem:$0x3FB3] =	sst s6  }
0xf: {  	[smem:$0x3FB4] =	sst s7  }
0x10: {  	[smem:$0x3FB5] =	sst s8  }
0x11: {  	[smem:$0x3FB6] =	sst s9;
	s0 =	simm.s32 @!p0 $0x0  }
0x12: {  	s1 =	sld [smem:$0x3F9C];
	s0 =	simm.s32 @p0 $0x1  }
0x13: {  	[smem:$0x3FB7] =	sst s0;
	s0 =	simm.s32 @!p1 $0x0  }
0x14: {  	s2 =	sld [smem:$0x3F9B];
	s0 =	simm.s32 @p1 $0x1  }
0x15: {  	[smem:$0x3FB8] =	sst s0;
	s0 =	simm.s32 @!p2 $0x0  }
0x16: {  	s3 =	sld [smem:$0x3FDB];
	s0 =	simm.s32 @p2 $0x1  }
0x17: {  	s4 =	simm.s32 $0x1BF5;
	[smem:$0x3FBA] =	sst s0  }
0x18: {  	s0 =	sld [smem:$0x3F9D];
	_ =	swait.ge [sflag:s4], $0x0  }
0x19: {  	s7 =	sld [smem:$0x3F9E]  }
0x1a: {  	s8 =	sadd.s32 $0xFFFFE003, lr  }
0x1b: {  	s9 =	sadd.s32 $0xFFFFFEF7, lr;
	s5 =	simm.s32 $0xFFFFFFFF;
	p2 =	slt.u32 s8, $0xFFFFF086  }
0x1c: {  	p1 =	slt.u32 s9, $0xF7A;
	s5 =	simm.s32 @!p2 $0x0  }
0x1d: {  	s5 =	simm.s32 @p1 $0x1;
	p0 =	seq.s32 s7, s2  }
0x1e: {  	s7 =	smul.u32 @!p0 $0xF7A, s2;
	p2 =	seq.s32 @!p0 s5, $0x0  }
0x1f: {  	s9 =	smul.u32 $0xF7A, s1;
	s8 =	simm.s32 @!p0 $0x1BF5;
	p2 =	por !p2, p0  }
0x20: {  	[sflag:s8] =	ssyncset.s32 @!p0 $0xFFFFF086;
	s6 =	sadd.s32 @!p0 s3, s7;
	s7 =	simm.s32 @!p0 $0x108  }
0x21: {  	s3 =	sadd.s32 s3, s9;
	s6 =	sadd.s32 @!p0 $0x88, s6;
	s7 =	simm.s32 @p2 $0x1082  }
0x22: {  	[simem:s7], [sflag:s8] =	dma.local @!p0 [hbm:s6], $0xF7A  }
0x23: {  	s9 =	sor.u32 $0xD0000000, s2;
	s6 =	simm.s32 $0x108;
	_ =	swait.ge @!p0 [sflag:s8], $0x0  }
0x24: {  	s3 =	sadd.s32 $0x88, s3;
	s6 =	simm.s32 @!p1 $0x1082;
	[sflag:s4] =	ssyncset.s32 $0xFFFFF086  }
0x25: {  	[simem:s6], [sflag:s4] =	dma.local [hbm:s3], $0xF7A  }
0x26: {  	[smem:$0x3F9E] =	sst s1;
	(tag) =	ssettag s2;
	_ =	strace s9  }
0x27: {  	s1 =	sld [smem:$0x3FAE]  }
0x28: {  	s2 =	sld [smem:$0x3FAF]  }
0x29: {  	s4 =	sld [smem:$0x3FB1]  }
0x2a: {  	p0 =	seq.s32 s5, $0x0;
	s5 =	sld [smem:$0x3FB2]  }
0x2b: {  	s6 =	sld [smem:$0x3FB3]  }
0x2c: {  	s7 =	sld [smem:$0x3FB4]  }
0x2d: {  	s3 =	simm.s32 $0x108;
	s8 =	sld [smem:$0x3FB5]  }
0x2e: {  	s3 =	simm.s32 @!p0 $0x1082;
	s9 =	sld [smem:$0x3FB6]  }
0x2f: {  	lr =	sadd.s32 s0, s3;
	s0 =	sld [smem:$0x3FAD]  }
0x30: {  	s3 =	sld [smem:$0x3FB0]  }
0x31: {  	[smem:$0x3FB9] =	sst s10  }
0x32: {  	s10 =	sld [smem:$0x3FB7];
	_ =	sdelay $0x3  }
0x33: {  	p0 =	seq.s32 s10, $0x1;
	s10 =	sld [smem:$0x3FB9];
	_ =	sdelay $0x3  }
0x34: {  	[smem:$0x3FB9] =	sst s10  }
0x35: {  	s10 =	sld [smem:$0x3FB8];
	_ =	sdelay $0x3  }
0x36: {  	p1 =	seq.s32 s10, $0x1;
	s10 =	sld [smem:$0x3FB9];
	_ =	sdelay $0x3  }
0x37: {  	[smem:$0x3FB9] =	sst s10  }
0x38: {  	s10 =	sld [smem:$0x3FBA]  }
0x39: {  	_ = 	snop;
	(pc) =	sbr.ind lr, $3  }
0x3a: {  	_ = 	snop  }
0x3b: {  	_ = 	snop  }
0x3c: {  	p2 =	seq.s32 s10, $0x1;
	s10 =	sld [smem:$0x3FB9]  }
0x3d: {  	_ =	shalt  }
0x3e: {  	_ =	shalt  }
0x3f: {  	_ =	shalt  }
0x40: {  	_ =	shalt  }
0x41: {  	_ =	shalt  }
0x42: {  	_ =	shalt  }
0x43: {  	_ =	shalt  }
0x44: {  	_ =	shalt  }
0x45: {  	_ =	shalt  }
0x46: {  	_ =	shalt  }
0x47: {  	_ =	shalt  }
0x48: {  	_ =	shalt  }
0x49: {  	_ =	shalt  }
0x4a: {  	_ =	shalt  }
0x4b: {  	_ =	shalt  }
0x4c: {  	_ =	shalt  }
0x4d: {  	_ =	shalt  }
0x4e: {  	_ =	shalt  }
0x4f: {  	_ =	shalt  }
0x50: {  	_ =	shalt  }
0x51: {  	_ =	shalt  }
0x52: {  	_ =	shalt  }
0x53: {  	_ =	shalt  }
0x54: {  	_ =	shalt  }
0x55: {  	_ =	shalt  }
0x56: {  	_ =	shalt  }
0x57: {  	_ =	shalt  }
0x58: {  	_ =	shalt  }
0x59: {  	_ =	shalt  }
0x5a: {  	_ =	shalt  }
0x5b: {  	_ =	shalt  }
0x5c: {  	_ =	shalt  }
0x5d: {  	_ =	shalt  }
0x5e: {  	_ =	shalt  }
0x5f: {  	_ =	shalt  }
0x60: {  	_ =	shalt  }
0x61: {  	_ =	shalt  }
0x62: {  	_ =	shalt  }
0x63: {  	_ =	shalt  }
0x64: {  	_ =	shalt  }
0x65: {  	_ =	shalt  }
0x66: {  	_ =	shalt  }
0x67: {  	_ =	shalt  }
0x68: {  	_ =	shalt  }
0x69: {  	_ =	shalt  }
0x6a: {  	_ =	shalt  }
0x6b: {  	_ =	shalt  }
0x6c: {  	_ =	shalt  }
0x6d: {  	_ =	shalt  }
0x6e: {  	_ =	shalt  }
0x6f: {  	_ =	shalt  }
0x70: {  	_ =	shalt  }
0x71: {  	_ =	shalt  }
0x72: {  	_ =	shalt  }
0x73: {  	_ =	shalt  }
0x74: {  	_ =	shalt  }
0x75: {  	_ =	shalt  }
0x76: {  	_ =	shalt  }
0x77: {  	_ =	shalt  }
0x78: {  	_ =	shalt  }
0x79: {  	_ =	shalt  }
0x7a: {  	_ =	shalt  }
0x7b: {  	_ =	shalt  }
0x7c: {  	_ =	shalt  }
0x7d: {  	_ =	shalt  }
0x7e: {  	_ =	shalt  }
0x7f: {  	_ =	shalt  }
0x80: {  	_ =	shalt  }
0x81: {  	_ =	shalt  }
0x82: {  	_ =	shalt  }
0x83: {  	_ =	shalt  }
0x84: {  	_ =	shalt  }
0x85: {  	_ =	shalt  }
0x86: {  	_ =	shalt  }
0x87: {  	_ =	shalt  }
.Lfunc_end0:
.L_simem_size_0:
called_computation_lowered:
.L_overlay_start_0:
0x88: {  	s2 =	sld [smem:$0x3FD9]  }
0x89: {  	s3 =	sld [smem:$0x3FFE];
	_ =	sdelay $0x1  }
0x8a: {  	s1 =	srdreg.scid  }
0x8b: {  	s0 =	sand.u32 $0x1, s1  }
0x8c: {  	s17 =	sshll.u32 s0, $0xA;
	s2 =	sadd.s32 s3, s2  }
0x8d: {  	s2 =	sadd.s32 s2, s17  }
0x8e: {  	[smem:$0x3FC5] =	sst s2  }
0x8f: {  	_ = 	snop  }
0x90: {  	s2 =	sld [smem:$0x3FC7]  }
0x91: {  	s18 =	sld [smem:$0x3FD0];
	(tm) =	ssettm $0x1  }
0x92: {  	s4 =	sld [smem:$0x3FFB];
	_ =	sdelay $0x3  }
0x93: {  	_ =	strace s4  }
0x94: {  	s4 =	sld [smem:$0x3FFC];
	_ =	sdelay $0x3  }
0x95: {  	_ =	strace s4  }
0x96: {  	s4 =	sld [smem:$0x3FFD];
	_ =	sdelay $0x3  }
0x97: {  	_ =	strace s4  }
0x98: {  	_ =	strace $0x8FFFFFFF  }
0x99: {  	s19 =	sld [smem:$0x3FDB];
	_ =	sdelay $0x1  }
0x9a: {  	s5 =	simm.s32 $_scs_section_size  }
0x9b: {  	s6 =	simm.s32 $_size__tile_overlayer_lowered;
	s7 =	simm.s32 $_tile_overlayer_lowered  }
0x9c: {  	s22 =	simm.s32 $0x1BFF;
	s21 =	sshll.u32 s7, $0x1;
	s4 =	sadd.s32 s5, s19  }
0x9d: {  	s8 =	simm.s32 $0x0;
	s20 =	sshll.u32 s6, $0x1;
	s6 =	sadd.s32 s21, s4  }
0x9e: {  	[timem:s8], [sflag:s22] =	dma.local [hbm:s6], s20  }
0x9f: {  	_ =	swait.ge [sflag:s22], s20  }
0xa0: {  	s5 =	ssub.s32 $0x0, s20;
	[sflag:s22] =	ssyncset.done $0x0  }
0xa1: {  	[sflag:s22] =	ssyncadd.s32 s5;
	_ =	sdelay $0x1  }
0xa2: {  	s23 =	simm.s32 $0x1B8B  }
0xa3: {  	_ =	swait.ge [sflag:s23], $0x1  }
0xa4: {  	[sflag:s23] =	ssyncset.done $0x0  }
0xa5: {  	s25 =	simm.s32 $0x1B8E;
	s24 =	sld [smem:$0x3FFE];
	[sflag:s23] =	ssyncadd.s32 $0xFFFFFFFF  }
0xa6: {  	s26 =	simm.s32 $execute0_lowered;
	[smem:$0x3FD2] =	sst s25  }
0xa7: {  	s6 =	sshll.u32 s26, $0x1;
	_ =	strace $0x80000046;
	[dreg:$0x1] =	wrdreg $0xFFFFFFFF  }
0xa8: {  	s28 =	simm.s32 $_size_execute0_lowered;
	s4 =	sadd.s32 s4, s6;
	[dreg:$0x0] =	wrdreg $0x0  }
0xa9: {  	s6 =	sshll.u32 s28, $0x1;
	[dreg:$0x2] =	wrdreg s4  }
0xaa: {  	[dreg:$0x3] =	wrdreg s6  }
0xab: {  	[dreg:$0x4] =	wrdreg $0xC0  }
0xac: {  	_ =	task [dreg:s8], $0x5FFFF  }
0xad: {  	[dreg:$0x1] =	wrdreg $0xFFFFFFFF  }
0xae: {  	[dreg:$0x0] =	wrdreg $0x60  }
0xaf: {  	[dreg:$0x2] =	wrdreg s18  }
0xb0: {  	[dreg:$0x3] =	wrdreg s24  }
0xb1: {  	[dreg:$0x4] =	wrdreg s2  }
0xb2: {  	[dreg:$0x5] =	wrdreg $0x0  }
0xb3: {  	[dreg:$0x6] =	wrdreg $0x9  }
0xb4: {  	_ =	task.clear_ibuf [dreg:s8], $0x7FFFF;
	_ =	strace $0x90000046  }
0xb5: {  	s29 =	simm.s32 $0x9;
	_ =	strace $0x80000048  }
0xb6: {  	_ =	swait.ge [sflag:s29], $0x1  }
0xb7: {  	[sflag:s29] =	ssyncadd.s32 $0xFFFFFFFF  }
0xb8: {  	_ =	strace $0x90000048  }
0xb9: {  	_ =	sfence  }
0xba: {  	s30 =	sld [smem:$0x0];
	_ =	sdelay $0x2  }
0xbb: {  	s31 =	sshll.u32 s1, $0xD;
	s1 =	sshrl.u32 s1, $0x2  }
0xbc: {  	s3 =	sand.u32 $0x4000, s31;
	s1 =	sadd.s32 s1, s30  }
0xbd: {  	s0 =	sor.u32 s3, s0;
	s1 =	sshll.u32 s1, $0x11  }
0xbe: {  	s0 =	sor.u32 s1, s0  }
0xbf: {  	s0 =	sadd.s32 $0x8F2B, s0  }
0xc0: {  	[sflag:s0] =	ssyncadd.remote.s32 $0x1  }
0xc1: {  	_ =	sfence.sel $0xFFFF  }
0xc2: {  	[dreg:$0x0] =	wrdreg $0xFFFFFFFF;
	(pc) =	sbr.abs _section_cstart, $3  }
0xc3: {  	[dreg:$0x1] =	wrdreg $0xFFFFFFFF  }
0xc4: {  	_ =	task.clear_ibuf [dreg:s8], $0x2FFFF;
	_ =	strace $0x9FFFFFFF  }
0xc5: {  	(tm) =	ssettm $0x7FFFFFFF  }
tec
execute0_lowered:
.L_overlay_start_1:
0x0: {  	(tag) =	ssettag $0x1  }
0x1: {  	s0 =	srdreg.scid  }
0x2: {  	s1 =	rddreg [dreg:$0x0];
	s21 =	stileid.u32  }
0x3: {  	s6 =	rddreg [dreg:$0x1];
	s13 =	simm.s32 $0x13880;
	s14 =	simm.s32 $0x5  }
0x4: {  	s15 =	simm.s32 $0x16080;
	s16 =	simm.s32 $0x16380;
	s17 =	simm.s32 $0x16280  }
0x5: {  	s18 =	simm.s32 $0x16100;
	s19 =	simm.s32 $0x1A380;
	s20 =	simm.s32 $0x16300  }
0x6: {  	s23 =	simm.s32 $0x1;
	s28 =	simm.s32 $0x3;
	s29 =	simm.s32 $0x4  }
0x7: {  	s30 =	simm.s32 $0x0;
	s0 =	sand.u32 $0x1, s0;
	s9 =	smul.u32 $0x1F400, s21  }
0x8: {  	s24 =	sshll.u32 s21, $0x7;
	s11 =	smul.u32 $0x7D000, s21;
	p0 =	sgt.u32 s21, $0x9  }
0x9: {  	s2 =	sshll.u32 s0, $0x4;
	s7 =	sand.u32 $0x380, s24;
	s25 =	smul.u32 $0x138800, s0  }
0xa: {  	s0 =	ssub.s32 $0x2, s0;
	s24 =	simm.s32 $0x16180;
	s3 =	sor.u32 s21, s2  }
0xb: {  	s2 =	rddreg [dreg:$0x2];
	s26 =	sshrl.u32 s0, $0x1;
	s4 =	sshrl.u32 s3, $0x3  }
0xc: {  	s31 =	sshrl.u32 s11, $0x2;
	s11 =	simm.s32 $0x80;
	s5 =	smul.u32 $0x14000, s4  }
0xd: {  	s3 =	rddreg [dreg:$0x3];
	s0 =	ssub.s32 s0, s26;
	s4 =	simm.s32 $0x0  }
0xe: {  	s26 =	simm.s32 $0x16200;
	[smem:$0x7FF] =	sst s4;
	s5 =	sor.u32 s7, s5  }
0xf: {  	_ =	strace $0x80000047;
	s7 =	sadd.s32 s9, s25;
	s25 =	simm.s32 $0x2  }
.Ltmp0:
0x10: {  	s8 =	sshrl.u32 s5, $0x3;
	s7 =	sshrl.u32 s7, $0x3;
	(pc) =	sbr.rel .LBB2_1-.Ltmp0, $4  }
0x11: {  	s5 =	sadd.s32 $0xA200, s6;
	s10 =	sadd.s32 s8, s6;
	s12 =	sadd.s32 s7, s6  }
0x12: {  	s6 =	sadd.s32 s1, s8;
	s1 =	sadd.s32 s31, s3;
	s7 =	sadd.s32 $0x200, s10  }
0x13: {  	s8 =	sadd.s32 $0x280, s10;
	s10 =	smax.u32 s0, $0x1;
	s0 =	sshll.u32 @!p0 s21, $0x6  }
0x14: {  	s9 =	sadd.s32 $0xE200, s12;
	s22 =	sshrl.u32 @!p0 s1, $0x3;
	s21 =	sor.u32 @!p0 $0x1C05, s0  }
.LBB2_8:
0x15: {  	_ =	swait.ge [sflag:s28], $0x4000  }
0x16: {  	[sflag:s28] =	ssyncset.done $0x0  }
0x17: {  	[sflag:s28] =	ssyncadd.s32 $0xFFFFC000  }
0x18: {  	_ =	swait.ge [sflag:s29], $0x4000  }
0x19: {  	s30 =	sadd.s32 $0x1, s30;
	[sflag:s29] =	ssyncset.done $0x0  }
0x1a: {  	p1 =	sne.s32 s30, s10;
	[sflag:s29] =	ssyncadd.s32 $0xFFFFC000  }
.Ltmp1:
0x1b: {  	s0 =	simm.s32 @!p0 $0x5;
	[bflag:$0x0] =	sbarrier.arrive $0xFFFF;
	(pc) =	sbr.rel @!p1 .LBB2_9-.Ltmp1, $4  }
0x1c: {  	[hbm:s9], [sflag:s21] =	dma.local @!p0 [spmem:s22], $0x3E80  }
0x1d: {  	_ =	swait.ge @!p0 [sflag:s0], $0x3E80  }
0x1e: {  	[sflag:s0] =	ssyncset.done @!p0 $0x0  }
0x1f: {  	[sflag:s0] =	ssyncadd.s32 @!p0 $0xFFFFC180  }
.LBB2_1:
0x20: {  	s0 =	simm.s32 $0x400  }
0x21: {  	[tilespmem:s13], [sflag:$0x5] =	stream.strided.gather [hbm4b:s6+s11], $0x2800, s0, s11, $0x38;
	[tilespmem:$0x1E380] =	vst v63  }
0x22: {  	_ =	swait.ge [sflag:s14], $0x2800  }
0x23: {  	[sflag:s14] =	ssyncset.done $0x0  }
0x24: {  	[sflag:s14] =	ssyncadd.s32 $0xFFFFD800  }
0x25: {  	v0 =	vld [tilespmem:$0x13880];
	_ =	sdelay $0x1  }
0x26: {  	v1 =	vld [tilespmem:$0x13890];
	_ =	sdelay $0x1  }
0x27: {  	v2 =	vld [tilespmem:$0x138A0]  }
0x28: {  	v3 =	vand.u32 $0xFFFF, v0  }
0x29: {  	v22 =	vld [tilespmem:$0x138B0];
	v0 =	vshrl.u32 v0, $0x10;
	[tilespmem:$0x16080] =	vst v3  }
0x2a: {  	v23 =	vand.u32 $0xFFFF, v1;
	[tilespmem:$0x16180] =	vst v0  }
0x2b: {  	v25 =	vld [tilespmem:$0x138C0];
	v24 =	vshrl.u32 v1, $0x10;
	[tilespmem:$0x16090] =	vst v23  }
0x2c: {  	v26 =	vand.u32 $0xFFFF, v2;
	[tilespmem:$0x16190] =	vst v24  }
0x2d: {  	v28 =	vld [tilespmem:$0x138D0];
	v27 =	vshrl.u32 v2, $0x10;
	[tilespmem:$0x160A0] =	vst v26  }
0x2e: {  	v29 =	vand.u32 $0xFFFF, v22;
	[tilespmem:$0x161A0] =	vst v27  }
0x2f: {  	v31 =	vld [tilespmem:$0x138E0];
	v30 =	vshrl.u32 v22, $0x10;
	[tilespmem:$0x160B0] =	vst v29  }
0x30: {  	v32 =	vand.u32 $0xFFFF, v25;
	[tilespmem:$0x161B0] =	vst v30  }
0x31: {  	v34 =	vld [tilespmem:$0x138F0];
	v33 =	vshrl.u32 v25, $0x10;
	[tilespmem:$0x160C0] =	vst v32  }
0x32: {  	v35 =	vand.u32 $0xFFFF, v28;
	[tilespmem:$0x161C0] =	vst v33  }
0x33: {  	v36 =	vshrl.u32 v28, $0x10;
	[tilespmem:$0x160D0] =	vst v35  }
0x34: {  	v37 =	vand.u32 $0xFFFF, v31;
	[tilespmem:$0x161D0] =	vst v36  }
0x35: {  	v38 =	vshrl.u32 v31, $0x10;
	[tilespmem:$0x160E0] =	vst v37  }
0x36: {  	v39 =	vand.u32 $0xFFFF, v34;
	[tilespmem:$0x161E0] =	vst v38  }
0x37: {  	v40 =	vshrl.u32 v34, $0x10;
	[tilespmem:$0x160F0] =	vst v39  }
0x38: {  	[tilespmem:$0x161F0] =	vst v40  }
0x39: {  	[tilespmem:s16], [sflag:$0x1] =	stream.indirect.gather [hbm4b:s2+s11], $0x80, s15, s11, $0xb8;
	[tilespmem:$0x1E380] =	vst v63  }
0x3a: {  	_ = 	snop  }
0x3b: {  	[tilespmem:s17], [sflag:$0x1] =	stream.linear.gather [hbm4b:s7+s4], $0x80, $0x38;
	[tilespmem:$0x1E380] =	vst v63  }
0x3c: {  	v41 =	vld [tilespmem:$0x13900];
	_ =	sdelay $0x1  }
0x3d: {  	v42 =	vld [tilespmem:$0x13910];
	_ =	sdelay $0x1  }
0x3e: {  	v43 =	vld [tilespmem:$0x13920]  }
0x3f: {  	v44 =	vand.u32 $0xFFFF, v41  }
0x40: {  	v45 =	vld [tilespmem:$0x13930];
	v0 =	vshrl.u32 v41, $0x10;
	[tilespmem:$0x16100] =	vst v44  }
0x41: {  	v46 =	vand.u32 $0xFFFF, v42;
	[tilespmem:$0x16200] =	vst v0  }
0x42: {  	v48 =	vld [tilespmem:$0x13940];
	v47 =	vshrl.u32 v42, $0x10;
	[tilespmem:$0x16110] =	vst v46  }
0x43: {  	v49 =	vand.u32 $0xFFFF, v43;
	[tilespmem:$0x16210] =	vst v47  }
0x44: {  	v51 =	vld [tilespmem:$0x13950];
	v50 =	vshrl.u32 v43, $0x10;
	[tilespmem:$0x16120] =	vst v49  }
0x45: {  	v52 =	vand.u32 $0xFFFF, v45;
	[tilespmem:$0x16220] =	vst v50  }
0x46: {  	v54 =	vld [tilespmem:$0x13960];
	v53 =	vshrl.u32 v45, $0x10;
	[tilespmem:$0x16130] =	vst v52  }
0x47: {  	v55 =	vand.u32 $0xFFFF, v48;
	[tilespmem:$0x16230] =	vst v53  }
0x48: {  	v57 =	vld [tilespmem:$0x13970];
	v56 =	vshrl.u32 v48, $0x10;
	[tilespmem:$0x16140] =	vst v55  }
0x49: {  	v58 =	vand.u32 $0xFFFF, v51;
	[tilespmem:$0x16240] =	vst v56  }
0x4a: {  	v59 =	vshrl.u32 v51, $0x10;
	[tilespmem:$0x16150] =	vst v58  }
0x4b: {  	v60 =	vand.u32 $0xFFFF, v54;
	[tilespmem:$0x16250] =	vst v59  }
0x4c: {  	v61 =	vshrl.u32 v54, $0x10;
	[tilespmem:$0x16160] =	vst v60  }
0x4d: {  	v62 =	vand.u32 $0xFFFF, v57;
	[tilespmem:$0x16260] =	vst v61  }
0x4e: {  	v63 =	vshrl.u32 v57, $0x10;
	[tilespmem:$0x16170] =	vst v62  }
0x4f: {  	[tilespmem:$0x16270] =	vst v63  }
0x50: {  	[tilespmem:s19], [sflag:$0x2] =	stream.indirect.gather [hbm4b:s2+s11], $0x80, s18, s11, $0xb8;
	[tilespmem:$0x1E380] =	vst v63  }
0x51: {  	s0 =	simm.s32 @!p0 $0x5  }
0x52: {  	[tilespmem:s20], [sflag:$0x2] =	stream.linear.gather [hbm4b:s8+s4], $0x80, $0x38;
	[tilespmem:$0x1E380] =	vst v63  }
0x53: {  	[spmem:s22], [sflag:s21] =	dma.local @!p0 [hbm:s5], $0x3E80  }
0x54: {  	_ =	swait.ge @!p0 [sflag:s0], $0x3E80  }
0x55: {  	[sflag:s0] =	ssyncset.done @!p0 $0x0  }
0x56: {  	[sflag:s0] =	ssyncadd.s32 @!p0 $0xFFFFC180  }
0x57: {  	s31 =	simm.s32 $0x0;
	[bflag:$0x0] =	sbarrier.arrive $0xFFFF  }
.LBB2_2:
0x58: {  	_ =	swait.ge [sflag:s23], $0x4000  }
0x59: {  	[sflag:s23] =	ssyncset.done $0x0  }
0x5a: {  	[sflag:s23] =	ssyncadd.s32 $0xFFFFC000  }
0x5b: {  	_ =	swait.ge [sflag:s23], $0x80  }
0x5c: {  	s0 =	simm.s32 $0x0;
	[sflag:s23] =	ssyncset.done $0x0  }
0x5d: {  	s1 =	simm.s32 $0x0;
	s0 =	sand.u32 $0x3FFFFFF0, s0;
	[sflag:s23] =	ssyncadd.s32 $0xFFFFFF80  }
0x5e: {  	s1 =	sand.u32 $0x3FFFF800, s1;
	v0 =	vld [tilespmem:s0+$0x16280]  }
0x5f: {  	v6 =	vld [tilespmem:s1+$0x16440]  }
0x60: {  	v2 =	vld [tilespmem:s1+$0x163A0]  }
0x61: {  	v3 =	vld [tilespmem:s1+$0x163B0]  }
0x62: {  	v9 =	vld [tilespmem:s1+$0x163E0]  }
0x63: {  	v10 =	vld [tilespmem:s1+$0x163F0];
	v1 =	vbroadcast v0, $0x0  }
0x64: {  	v11 =	vld [tilespmem:s1+$0x16400]  }
0x65: {  	v12 =	vld [tilespmem:s1+$0x16410];
	v2 =	vmul.f32 v2, v1  }
0x66: {  	v13 =	vld [tilespmem:s1+$0x16420];
	v3 =	vmul.f32 v3, v1  }
0x67: {  	v8 =	vld [tilespmem:s1+$0x16430];
	v28 =	vbroadcast v0, $0x1;
	v27 =	vmul.f32 v9, v1;
	[tilespmem:s1+$0x163A0] =	vst v2  }
0x68: {  	v7 =	vld [tilespmem:s1+$0x16450];
	v10 =	vmul.f32 v10, v1;
	[tilespmem:s1+$0x163B0] =	vst v3  }
0x69: {  	v5 =	vld [tilespmem:s1+$0x168F0];
	v11 =	vmul.f32 v11, v28;
	[tilespmem:s1+$0x163E0] =	vst v27  }
0x6a: {  	v30 =	vld [tilespmem:s1+$0x16470];
	v12 =	vmul.f32 v12, v28;
	[tilespmem:s1+$0x163F0] =	vst v10  }
0x6b: {  	v31 =	vld [tilespmem:s1+$0x16480];
	v13 =	vmul.f32 v13, v28;
	[tilespmem:s1+$0x16400] =	vst v11  }
0x6c: {  	v32 =	vld [tilespmem:s1+$0x16490];
	v8 =	vmul.f32 v8, v28;
	[tilespmem:s1+$0x16410] =	vst v12  }
0x6d: {  	v29 =	vld [tilespmem:s1+$0x16460];
	v6 =	vmul.f32 v6, v28;
	[tilespmem:s1+$0x16420] =	vst v13  }
0x6e: {  	v33 =	vld [tilespmem:s1+$0x164A0];
	v14 =	vbroadcast v0, $0x2;
	v7 =	vmul.f32 v7, v28;
	[tilespmem:s1+$0x16430] =	vst v8  }
0x6f: {  	v34 =	vld [tilespmem:s1+$0x164B0];
	v9 =	vmul.f32 v30, v28;
	[tilespmem:s1+$0x16440] =	vst v6  }
0x70: {  	v35 =	vld [tilespmem:s1+$0x164C0];
	v4 =	vbroadcast v0, $0xA;
	v37 =	vmul.f32 v31, v14;
	[tilespmem:s1+$0x16450] =	vst v7  }
0x71: {  	v36 =	vld [tilespmem:s1+$0x164D0];
	v39 =	vmul.f32 v32, v14;
	[tilespmem:s1+$0x16470] =	vst v9  }
0x72: {  	v38 =	vld [tilespmem:s1+$0x164E0];
	v2 =	vmul.f32 v5, v4;
	[tilespmem:s1+$0x16480] =	vst v37  }
0x73: {  	v40 =	vld [tilespmem:s1+$0x164F0];
	v10 =	vmul.f32 v29, v28;
	[tilespmem:s1+$0x16490] =	vst v39  }
0x74: {  	v41 =	vld [tilespmem:s1+$0x16500];
	v8 =	vmul.f32 v33, v14;
	[tilespmem:s1+$0x168F0] =	vst v2  }
0x75: {  	v42 =	vld [tilespmem:s1+$0x16510];
	v6 =	vmul.f32 v34, v14;
	[tilespmem:s1+$0x16460] =	vst v10  }
0x76: {  	v43 =	vld [tilespmem:s1+$0x16520];
	v7 =	vmul.f32 v35, v14;
	[tilespmem:s1+$0x164A0] =	vst v8  }
0x77: {  	v44 =	vld [tilespmem:s1+$0x16530];
	v46 =	vbroadcast v0, $0x3;
	v9 =	vmul.f32 v38, v14;
	[tilespmem:s1+$0x164B0] =	vst v6  }
0x78: {  	v45 =	vld [tilespmem:s1+$0x16540];
	v11 =	vmul.f32 v40, v14;
	[tilespmem:s1+$0x164C0] =	vst v7  }
0x79: {  	v47 =	vld [tilespmem:s1+$0x16550];
	v12 =	vmul.f32 v41, v46;
	[tilespmem:s1+$0x164E0] =	vst v9  }
0x7a: {  	v48 =	vld [tilespmem:s1+$0x16560];
	v10 =	vmul.f32 v36, v14;
	[tilespmem:s1+$0x164F0] =	vst v11  }
0x7b: {  	v49 =	vld [tilespmem:s1+$0x16570];
	v8 =	vmul.f32 v42, v46;
	[tilespmem:s1+$0x16500] =	vst v12  }
0x7c: {  	v50 =	vld [tilespmem:s1+$0x16580];
	v6 =	vmul.f32 v43, v46;
	[tilespmem:s1+$0x164D0] =	vst v10  }
0x7d: {  	v51 =	vld [tilespmem:s1+$0x16590];
	v7 =	vmul.f32 v44, v46;
	[tilespmem:s1+$0x16510] =	vst v8  }
0x7e: {  	v52 =	vld [tilespmem:s1+$0x165A0];
	v9 =	vmul.f32 v47, v46;
	[tilespmem:s1+$0x16520] =	vst v6  }
0x7f: {  	v53 =	vld [tilespmem:s1+$0x165B0];
	v11 =	vmul.f32 v48, v46;
	[tilespmem:s1+$0x16530] =	vst v7  }
0x80: {  	v54 =	vld [tilespmem:s1+$0x165C0];
	v55 =	vbroadcast v0, $0x4;
	v12 =	vmul.f32 v49, v46;
	[tilespmem:s1+$0x16550] =	vst v9  }
0x81: {  	v56 =	vld [tilespmem:s1+$0x165D0];
	v10 =	vmul.f32 v45, v46;
	[tilespmem:s1+$0x16560] =	vst v11  }
0x82: {  	v57 =	vld [tilespmem:s1+$0x165E0];
	v8 =	vmul.f32 v50, v55;
	[tilespmem:s1+$0x16570] =	vst v12  }
0x83: {  	v58 =	vld [tilespmem:s1+$0x165F0];
	v6 =	vmul.f32 v51, v55;
	[tilespmem:s1+$0x16540] =	vst v10  }
0x84: {  	v59 =	vld [tilespmem:s1+$0x16600];
	v7 =	vmul.f32 v52, v55;
	[tilespmem:s1+$0x16580] =	vst v8  }
0x85: {  	v60 =	vld [tilespmem:s1+$0x16610];
	v9 =	vmul.f32 v54, v55;
	[tilespmem:s1+$0x16590] =	vst v6  }
0x86: {  	v61 =	vld [tilespmem:s1+$0x16620];
	v11 =	vmul.f32 v56, v55;
	[tilespmem:s1+$0x165A0] =	vst v7  }
0x87: {  	v62 =	vld [tilespmem:s1+$0x16630];
	v12 =	vmul.f32 v57, v55;
	[tilespmem:s1+$0x165C0] =	vst v9  }
0x88: {  	v63 =	vld [tilespmem:s1+$0x16640];
	v16 =	vbroadcast v0, $0x5;
	v10 =	vmul.f32 v53, v55;
	[tilespmem:s1+$0x165D0] =	vst v11  }
0x89: {  	v17 =	vld [tilespmem:s1+$0x16650];
	v8 =	vmul.f32 v58, v55;
	[tilespmem:s1+$0x165E0] =	vst v12  }
0x8a: {  	v18 =	vld [tilespmem:s1+$0x16660];
	v6 =	vmul.f32 v59, v16;
	[tilespmem:s1+$0x165B0] =	vst v10  }
0x8b: {  	v19 =	vld [tilespmem:s1+$0x16670];
	v7 =	vmul.f32 v60, v16;
	[tilespmem:s1+$0x165F0] =	vst v8  }
0x8c: {  	v20 =	vld [tilespmem:s1+$0x16680];
	v9 =	vmul.f32 v62, v16;
	[tilespmem:s1+$0x16600] =	vst v6  }
0x8d: {  	v21 =	vld [tilespmem:s1+$0x16690];
	v11 =	vmul.f32 v63, v16;
	[tilespmem:s1+$0x16610] =	vst v7  }
0x8e: {  	v22 =	vld [tilespmem:s1+$0x166A0];
	v12 =	vmul.f32 v17, v16;
	[tilespmem:s1+$0x16630] =	vst v9  }
0x8f: {  	v23 =	vld [tilespmem:s1+$0x166B0];
	v10 =	vmul.f32 v61, v16;
	[tilespmem:s1+$0x16640] =	vst v11  }
0x90: {  	v24 =	vld [tilespmem:s1+$0x166C0];
	v25 =	vbroadcast v0, $0x6;
	v8 =	vmul.f32 v18, v16;
	[tilespmem:s1+$0x16650] =	vst v12  }
0x91: {  	v56 =	vld [tilespmem:s1+$0x16880];
	v6 =	vmul.f32 v19, v16;
	[tilespmem:s1+$0x16620] =	vst v10  }
0x92: {  	v26 =	vld [tilespmem:s1+$0x166D0];
	v7 =	vmul.f32 v20, v25;
	[tilespmem:s1+$0x16660] =	vst v8  }
0x93: {  	v30 =	vld [tilespmem:s1+$0x16710];
	v9 =	vmul.f32 v22, v25;
	[tilespmem:s1+$0x16670] =	vst v6  }
0x94: {  	v27 =	vld [tilespmem:s1+$0x166E0];
	v11 =	vmul.f32 v23, v25;
	[tilespmem:s1+$0x16680] =	vst v7  }
0x95: {  	v28 =	vld [tilespmem:s1+$0x166F0];
	v12 =	vmul.f32 v24, v25;
	[tilespmem:s1+$0x166A0] =	vst v9  }
0x96: {  	v31 =	vld [tilespmem:s1+$0x16720];
	v62 =	vmul.f32 v56, v4;
	[tilespmem:s1+$0x166B0] =	vst v11  }
0x97: {  	v32 =	vld [tilespmem:s1+$0x16730];
	v10 =	vmul.f32 v21, v25;
	[tilespmem:s1+$0x166C0] =	vst v12  }
0x98: {  	v3 =	vld [tilespmem:s1+$0x16900];
	v8 =	vmul.f32 v26, v25;
	[tilespmem:s1+$0x16880] =	vst v62  }
0x99: {  	v5 =	vld [tilespmem:s1+$0x16910];
	v34 =	vbroadcast v0, $0x7;
	v6 =	vmul.f32 v27, v25;
	[tilespmem:s1+$0x16690] =	vst v10  }
0x9a: {  	v29 =	vld [tilespmem:s1+$0x16700];
	v7 =	vmul.f32 v28, v25;
	[tilespmem:s1+$0x166D0] =	vst v8  }
0x9b: {  	v60 =	vld [tilespmem:s1+$0x168C0];
	v9 =	vmul.f32 v30, v34;
	[tilespmem:s1+$0x166E0] =	vst v6  }
0x9c: {  	v33 =	vld [tilespmem:s1+$0x16740];
	v24 =	vbroadcast v0, $0xB;
	v11 =	vmul.f32 v31, v34;
	[tilespmem:s1+$0x166F0] =	vst v7  }
0x9d: {  	v35 =	vld [tilespmem:s1+$0x16750];
	v12 =	vmul.f32 v32, v34;
	[tilespmem:s1+$0x16710] =	vst v9  }
0x9e: {  	v38 =	vld [tilespmem:s1+$0x16780];
	v3 =	vmul.f32 v3, v24;
	[tilespmem:s1+$0x16720] =	vst v11  }
0x9f: {  	v36 =	vld [tilespmem:s1+$0x16760];
	v5 =	vmul.f32 v5, v24;
	[tilespmem:s1+$0x16730] =	vst v12  }
0xa0: {  	v2 =	vld [tilespmem:s1+$0x16B50];
	v19 =	vmul.f32 v60, v4;
	[tilespmem:s1+$0x16900] =	vst v3  }
0xa1: {  	v39 =	vld [tilespmem:s1+$0x16790];
	v10 =	vmul.f32 v29, v34;
	[tilespmem:s1+$0x16910] =	vst v5  }
0xa2: {  	v40 =	vld [tilespmem:s1+$0x167A0];
	v8 =	vmul.f32 v33, v34;
	[tilespmem:s1+$0x168C0] =	vst v19  }
0xa3: {  	v43 =	vbroadcast v0, $0x8;
	v61 =	vld [tilespmem:s1+$0x168D0];
	v6 =	vmul.f32 v35, v34;
	[tilespmem:s1+$0x16700] =	vst v10  }
0xa4: {  	v16 =	vld [tilespmem:s1+$0x16380];
	v7 =	vmul.f32 v36, v34;
	[tilespmem:s1+$0x16740] =	vst v8  }
0xa5: {  	v37 =	vld [tilespmem:s1+$0x16770];
	v9 =	vmul.f32 v38, v43;
	[tilespmem:s1+$0x16750] =	vst v6  }
0xa6: {  	v41 =	vld [tilespmem:s1+$0x167B0];
	v11 =	vmul.f32 v39, v43;
	[tilespmem:s1+$0x16760] =	vst v7  }
0xa7: {  	v42 =	vld [tilespmem:s1+$0x167C0];
	v12 =	vmul.f32 v40, v43;
	[tilespmem:s1+$0x16780] =	vst v9  }
0xa8: {  	v44 =	vld [tilespmem:s1+$0x167D0];
	v21 =	vmul.f32 v61, v4;
	[tilespmem:s1+$0x16790] =	vst v11  }
0xa9: {  	v46 =	vld [tilespmem:s1+$0x167F0];
	v25 =	vmul.f32 v1, v16;
	[tilespmem:s1+$0x167A0] =	vst v12  }
0xaa: {  	v47 =	vld [tilespmem:s1+$0x16800];
	v10 =	vmul.f32 v37, v34;
	[tilespmem:s1+$0x168D0] =	vst v21  }
0xab: {  	v48 =	vld [tilespmem:s1+$0x16810];
	v8 =	vmul.f32 v41, v43;
	[tilespmem:s1+$0x16380] =	vst v25  }
0xac: {  	v6 =	vmul.f32 v42, v43;
	[tilespmem:s1+$0x16770] =	vst v10  }
0xad: {  	v52 =	vbroadcast v0, $0x9;
	v27 =	vld [tilespmem:s1+$0x16950];
	v7 =	vmul.f32 v44, v43;
	[tilespmem:s1+$0x167B0] =	vst v8  }
0xae: {  	v30 =	vld [tilespmem:s1+$0x16980];
	v9 =	vmul.f32 v46, v43;
	[tilespmem:s1+$0x167C0] =	vst v6  }
0xaf: {  	v28 =	vld [tilespmem:s1+$0x16960];
	v3 =	vbroadcast v0, $0xF;
	v11 =	vmul.f32 v47, v52;
	[tilespmem:s1+$0x167D0] =	vst v7  }
0xb0: {  	v45 =	vld [tilespmem:s1+$0x167E0];
	v12 =	vmul.f32 v48, v52;
	[tilespmem:s1+$0x167F0] =	vst v9  }
0xb1: {  	v49 =	vld [tilespmem:s1+$0x16820];
	v35 =	vbroadcast v0, $0xC;
	v2 =	vmul.f32 v2, v3;
	[tilespmem:s1+$0x16800] =	vst v11  }
0xb2: {  	v50 =	vld [tilespmem:s1+$0x16830];
	v32 =	vmul.f32 v27, v24;
	[tilespmem:s1+$0x16810] =	vst v12  }
0xb3: {  	v51 =	vld [tilespmem:s1+$0x16840];
	v14 =	vmul.f32 v30, v35;
	[tilespmem:s1+$0x16B50] =	vst v2  }
0xb4: {  	v54 =	vld [tilespmem:s1+$0x16860];
	v40 =	vmul.f32 v28, v24;
	[tilespmem:s1+$0x16950] =	vst v32  }
0xb5: {  	v55 =	vld [tilespmem:s1+$0x16870];
	v10 =	vmul.f32 v45, v43;
	[tilespmem:s1+$0x16980] =	vst v14  }
0xb6: {  	v18 =	vld [tilespmem:s1+$0x163C0];
	v8 =	vmul.f32 v49, v52;
	[tilespmem:s1+$0x16960] =	vst v40  }
0xb7: {  	v38 =	vld [tilespmem:s1+$0x169F0];
	v6 =	vmul.f32 v50, v52;
	[tilespmem:s1+$0x167E0] =	vst v10  }
0xb8: {  	v29 =	vld [tilespmem:s1+$0x16970];
	v7 =	vmul.f32 v51, v52;
	[tilespmem:s1+$0x16820] =	vst v8  }
0xb9: {  	v33 =	vld [tilespmem:s1+$0x169B0];
	v9 =	vmul.f32 v54, v52;
	[tilespmem:s1+$0x16830] =	vst v6  }
0xba: {  	v53 =	vld [tilespmem:s1+$0x16850];
	v11 =	vmul.f32 v55, v52;
	[tilespmem:s1+$0x16840] =	vst v7  }
0xbb: {  	v57 =	vld [tilespmem:s1+$0x16890];
	v2 =	vmul.f32 v18, v1;
	[tilespmem:s1+$0x16860] =	vst v9  }
0xbc: {  	v58 =	vld [tilespmem:s1+$0x168A0];
	v14 =	vmul.f32 v38, v35;
	[tilespmem:s1+$0x16870] =	vst v11  }
0xbd: {  	v59 =	vld [tilespmem:s1+$0x168B0];
	v5 =	vmul.f32 v29, v24;
	[tilespmem:s1+$0x163C0] =	vst v2  }
0xbe: {  	v63 =	vld [tilespmem:s1+$0x168E0];
	v62 =	vmul.f32 v33, v35;
	[tilespmem:s1+$0x169F0] =	vst v14  }
0xbf: {  	v17 =	vld [tilespmem:s1+$0x16390];
	v10 =	vmul.f32 v53, v52;
	[tilespmem:s1+$0x16970] =	vst v5  }
0xc0: {  	v20 =	vld [tilespmem:s1+$0x163D0];
	v8 =	vmul.f32 v57, v4;
	[tilespmem:s1+$0x169B0] =	vst v62  }
0xc1: {  	v61 =	vld [tilespmem:s1+$0x16B70];
	v6 =	vmul.f32 v58, v4;
	[tilespmem:s1+$0x16850] =	vst v10  }
0xc2: {  	v46 =	vld [tilespmem:s1+$0x16A60];
	v7 =	vmul.f32 v59, v4;
	[tilespmem:s1+$0x16890] =	vst v8  }
0xc3: {  	v22 =	vld [tilespmem:s1+$0x16920];
	v4 =	vmul.f32 v63, v4;
	[tilespmem:s1+$0x168A0] =	vst v6  }
0xc4: {  	v23 =	vld [tilespmem:s1+$0x16930];
	v11 =	vmul.f32 v17, v1;
	[tilespmem:s1+$0x168B0] =	vst v7  }
0xc5: {  	v26 =	vld [tilespmem:s1+$0x16940];
	v44 =	vbroadcast v0, $0xD;
	v1 =	vmul.f32 v20, v1;
	[tilespmem:s1+$0x168E0] =	vst v4  }
0xc6: {  	v31 =	vld [tilespmem:s1+$0x16990];
	v63 =	vmul.f32 v61, v3;
	[tilespmem:s1+$0x16390] =	vst v11  }
0xc7: {  	v34 =	vld [tilespmem:s1+$0x169C0];
	v51 =	vmul.f32 v46, v44;
	[tilespmem:s1+$0x163D0] =	vst v1  }
0xc8: {  	v41 =	vld [tilespmem:s1+$0x16A20];
	v6 =	vmul.f32 v22, v24;
	[tilespmem:s1+$0x16B70] =	vst v63  }
0xc9: {  	v7 =	vmul.f32 v23, v24;
	v1 =	vld [tilespmem:s1+$0x16A10];
	[tilespmem:s1+$0x16A60] =	vst v51  }
0xca: {  	v49 =	vld [tilespmem:s1+$0x16AA0];
	v4 =	vmul.f32 v26, v24;
	[tilespmem:s1+$0x16920] =	vst v6  }
0xcb: {  	v50 =	vld [tilespmem:s1+$0x16AB0];
	v8 =	vmul.f32 v31, v35;
	[tilespmem:s1+$0x16930] =	vst v7  }
0xcc: {  	v36 =	vld [tilespmem:s1+$0x169D0];
	v11 =	vmul.f32 v34, v35;
	[tilespmem:s1+$0x16940] =	vst v4  }
0xcd: {  	v37 =	vld [tilespmem:s1+$0x169E0];
	v0 =	vbroadcast v0, $0xE;
	v10 =	vmul.f32 v41, v44;
	[tilespmem:s1+$0x16990] =	vst v8  }
0xce: {  	v39 =	vld [tilespmem:s1+$0x16A00];
	[tilespmem:s1+$0x169C0] =	vst v11;
	v1 =	vmul.f32 v1, v44  }
0xcf: {  	v42 =	vld [tilespmem:s1+$0x16A30];
	v9 =	vmul.f32 v49, v0;
	[tilespmem:s1+$0x16A20] =	vst v10  }
0xd0: {  	v5 =	vmul.f32 v50, v0;
	[tilespmem:s1+$0x16A10] =	vst v1;
	v1 =	vld [tilespmem:s1+$0x16A80]  }
0xd1: {  	v48 =	vld [tilespmem:s1+$0x16A90];
	v7 =	vmul.f32 v36, v35;
	[tilespmem:s1+$0x16AA0] =	vst v9  }
0xd2: {  	v57 =	vld [tilespmem:s1+$0x16B20];
	v4 =	vmul.f32 v37, v35;
	[tilespmem:s1+$0x16AB0] =	vst v5  }
0xd3: {  	v45 =	vld [tilespmem:s1+$0x16A50];
	v8 =	vmul.f32 v39, v44;
	[tilespmem:s1+$0x169D0] =	vst v7  }
0xd4: {  	v47 =	vld [tilespmem:s1+$0x16A70];
	v11 =	vmul.f32 v42, v44;
	[tilespmem:s1+$0x169E0] =	vst v4  }
0xd5: {  	v43 =	vld [tilespmem:s1+$0x16A40];
	[tilespmem:s1+$0x16A00] =	vst v8;
	v1 =	vmul.f32 v1, v0  }
0xd6: {  	v55 =	vld [tilespmem:s1+$0x16B00];
	v10 =	vmul.f32 v48, v0;
	[tilespmem:s1+$0x16A30] =	vst v11  }
0xd7: {  	v5 =	vmul.f32 v57, v3;
	[tilespmem:s1+$0x16A80] =	vst v1;
	v1 =	vld [tilespmem:s1+$0x16AF0]  }
0xd8: {  	v52 =	vld [tilespmem:s1+$0x16AC0];
	v4 =	vmul.f32 v45, v44;
	[tilespmem:s1+$0x16A90] =	vst v10  }
0xd9: {  	v56 =	vld [tilespmem:s1+$0x16B10];
	v8 =	vmul.f32 v47, v44;
	[tilespmem:s1+$0x16B20] =	vst v5  }
0xda: {  	v54 =	vld [tilespmem:s1+$0x16AE0];
	v7 =	vmul.f32 v43, v44;
	[tilespmem:s1+$0x16A50] =	vst v4  }
0xdb: {  	v58 =	vld [tilespmem:s1+$0x16B30];
	v10 =	vmul.f32 v55, v3;
	[tilespmem:s1+$0x16A70] =	vst v8  }
0xdc: {  	v53 =	vld [tilespmem:s1+$0x16AD0];
	[tilespmem:s1+$0x16A40] =	vst v7;
	v1 =	vmul.f32 v1, v0  }
0xdd: {  	v59 =	vld [tilespmem:s1+$0x16B40];
	v4 =	vmul.f32 v52, v0;
	[tilespmem:s1+$0x16B00] =	vst v10  }
0xde: {  	v60 =	vld [tilespmem:s1+$0x16B60];
	[tilespmem:s1+$0x16AF0] =	vst v1;
	v1 =	vmul.f32 v56, v3  }
0xdf: {  	v8 =	vmul.f32 v54, v0;
	[tilespmem:s1+$0x16AC0] =	vst v4  }
0xe0: {  	v2 =	vld [tilespmem:s1+$0x169A0];
	[tilespmem:s1+$0x16B10] =	vst v1;
	v1 =	vmul.f32 v58, v3  }
0xe1: {  	[tilespmem:s1+$0x16AE0] =	vst v8;
	v0 =	vmul.f32 v53, v0  }
0xe2: {  	[tilespmem:s1+$0x16B30] =	vst v1;
	v1 =	vmul.f32 v59, v3  }
0xe3: {  	[tilespmem:s1+$0x16AD0] =	vst v0;
	v3 =	vmul.f32 v60, v3  }
0xe4: {  	[tilespmem:s1+$0x16B40] =	vst v1  }
0xe5: {  	s0 =	simm.s32 $0x1;
	v1 =	vmul.f32 v2, v35;
	[tilespmem:s1+$0x16B60] =	vst v3  }
.LBB2_3:
0xe6: {  	s12 =	sshll.u32 s0, $0x4  }
0xe7: {  	p1 =	sne.s32 s0, $0x7;
	[tilespmem:s1+$0x169A0] =	vst v1;
	s1 =	smov.u32 s0;
	s0 =	sadd.s32 $0x1, s0  }
0xe8: {  	s12 =	sand.u32 $0x3FFFFFF0, s12  }
0xe9: {  	s1 =	sshll.u32 s1, $0xB;
	v0 =	vld [tilespmem:s12+$0x16280]  }
0xea: {  	s1 =	sand.u32 $0x3FFFF800, s1  }
0xeb: {  	v7 =	vld [tilespmem:s1+$0x16440]  }
0xec: {  	v8 =	vld [tilespmem:s1+$0x16450]  }
0xed: {  	v9 =	vld [tilespmem:s1+$0x16430]  }
0xee: {  	v1 =	vbroadcast v0, $0x0;
	v2 =	vld [tilespmem:s1+$0x163A0];
	v6 =	vbroadcast v0, $0x4  }
0xef: {  	v4 =	vld [tilespmem:s1+$0x163B0]  }
0xf0: {  	v5 =	vld [tilespmem:s1+$0x168F0]  }
0xf1: {  	v10 =	vld [tilespmem:s1+$0x163E0]  }
0xf2: {  	v11 =	vld [tilespmem:s1+$0x163F0]  }
0xf3: {  	v3 =	vbroadcast v0, $0xA;
	v2 =	vmul.f32 v2, v1;
	v12 =	vld [tilespmem:s1+$0x16400]  }
0xf4: {  	v4 =	vmul.f32 v4, v1;
	v13 =	vld [tilespmem:s1+$0x16410]  }
0xf5: {  	[tilespmem:s1+$0x163A0] =	vst v2;
	v14 =	vld [tilespmem:s1+$0x16420];
	v2 =	vmul.f32 v5, v3  }
0xf6: {  	[tilespmem:s1+$0x163B0] =	vst v4;
	v5 =	vmul.f32 v10, v1;
	v10 =	vbroadcast v0, $0x1;
	v4 =	vld [tilespmem:s1+$0x16900]  }
0xf7: {  	v11 =	vmul.f32 v11, v1;
	[tilespmem:s1+$0x168F0] =	vst v2;
	v2 =	vld [tilespmem:s1+$0x16B50]  }
0xf8: {  	[tilespmem:s1+$0x163E0] =	vst v5;
	v12 =	vmul.f32 v12, v10;
	v5 =	vld [tilespmem:s1+$0x16910]  }
0xf9: {  	[tilespmem:s1+$0x163F0] =	vst v11;
	v11 =	vmul.f32 v13, v10;
	v13 =	vld [tilespmem:s1+$0x16460]  }
0xfa: {  	[tilespmem:s1+$0x16400] =	vst v12;
	v12 =	vmul.f32 v14, v10;
	v14 =	vld [tilespmem:s1+$0x16470]  }
0xfb: {  	v9 =	vmul.f32 v9, v10;
	[tilespmem:s1+$0x16410] =	vst v11;
	v11 =	vld [tilespmem:s1+$0x16480]  }
0xfc: {  	v7 =	vmul.f32 v7, v10;
	[tilespmem:s1+$0x16420] =	vst v12;
	v12 =	vld [tilespmem:s1+$0x16490]  }
0xfd: {  	v8 =	vmul.f32 v8, v10;
	[tilespmem:s1+$0x16430] =	vst v9;
	v9 =	vld [tilespmem:s1+$0x164A0]  }
0xfe: {  	[tilespmem:s1+$0x16440] =	vst v7;
	v7 =	vmul.f32 v13, v10;
	v13 =	vbroadcast v0, $0x2;
	v15 =	vld [tilespmem:s1+$0x164B0]  }
0xff: {  	[tilespmem:s1+$0x16450] =	vst v8;
	v8 =	vmul.f32 v14, v10;
	v10 =	vld [tilespmem:s1+$0x164C0]  }
0x100: {  	[tilespmem:s1+$0x16460] =	vst v7;
	v7 =	vmul.f32 v11, v13;
	v11 =	vld [tilespmem:s1+$0x164D0]  }
0x101: {  	[tilespmem:s1+$0x16470] =	vst v8;
	v8 =	vmul.f32 v12, v13;
	v12 =	vld [tilespmem:s1+$0x164E0]  }
0x102: {  	[tilespmem:s1+$0x16480] =	vst v7;
	v7 =	vmul.f32 v9, v13;
	v9 =	vld [tilespmem:s1+$0x164F0]  }
0x103: {  	[tilespmem:s1+$0x16490] =	vst v8;
	v8 =	vmul.f32 v15, v13;
	v14 =	vld [tilespmem:s1+$0x16500]  }
0x104: {  	[tilespmem:s1+$0x164A0] =	vst v7;
	v7 =	vmul.f32 v10, v13;
	v10 =	vld [tilespmem:s1+$0x16510]  }
0x105: {  	[tilespmem:s1+$0x164B0] =	vst v8;
	v8 =	vmul.f32 v11, v13;
	v11 =	vld [tilespmem:s1+$0x16520]  }
0x106: {  	[tilespmem:s1+$0x164C0] =	vst v7;
	v7 =	vmul.f32 v12, v13;
	v12 =	vbroadcast v0, $0x3;
	v15 =	vld [tilespmem:s1+$0x16530]  }
0x107: {  	[tilespmem:s1+$0x164D0] =	vst v8;
	v8 =	vmul.f32 v9, v13;
	v9 =	vld [tilespmem:s1+$0x16540]  }
0x108: {  	[tilespmem:s1+$0x164E0] =	vst v7;
	v7 =	vmul.f32 v14, v12;
	v13 =	vld [tilespmem:s1+$0x16550]  }
0x109: {  	[tilespmem:s1+$0x164F0] =	vst v8;
	v8 =	vmul.f32 v10, v12;
	v10 =	vld [tilespmem:s1+$0x16560]  }
0x10a: {  	[tilespmem:s1+$0x16500] =	vst v7;
	v7 =	vmul.f32 v11, v12;
	v11 =	vld [tilespmem:s1+$0x16570]  }
0x10b: {  	[tilespmem:s1+$0x16510] =	vst v8;
	v8 =	vmul.f32 v15, v12;
	v14 =	vld [tilespmem:s1+$0x16580]  }
0x10c: {  	[tilespmem:s1+$0x16520] =	vst v7;
	v7 =	vmul.f32 v9, v12;
	v9 =	vld [tilespmem:s1+$0x16590]  }
0x10d: {  	[tilespmem:s1+$0x16530] =	vst v8;
	v8 =	vmul.f32 v13, v12;
	v13 =	vld [tilespmem:s1+$0x165A0]  }
0x10e: {  	[tilespmem:s1+$0x16540] =	vst v7;
	v7 =	vmul.f32 v10, v12;
	v10 =	vld [tilespmem:s1+$0x165B0]  }
0x10f: {  	[tilespmem:s1+$0x16550] =	vst v8;
	v8 =	vmul.f32 v11, v12;
	v11 =	vld [tilespmem:s1+$0x165C0]  }
0x110: {  	[tilespmem:s1+$0x16560] =	vst v7;
	v7 =	vmul.f32 v14, v6;
	v12 =	vld [tilespmem:s1+$0x165D0]  }
0x111: {  	[tilespmem:s1+$0x16570] =	vst v8;
	v8 =	vmul.f32 v9, v6;
	v9 =	vld [tilespmem:s1+$0x165E0]  }
0x112: {  	[tilespmem:s1+$0x16580] =	vst v7;
	v7 =	vmul.f32 v13, v6;
	v13 =	vld [tilespmem:s1+$0x165F0]  }
0x113: {  	[tilespmem:s1+$0x16590] =	vst v8;
	v8 =	vmul.f32 v10, v6;
	v10 =	vld [tilespmem:s1+$0x16600]  }
0x114: {  	[tilespmem:s1+$0x165A0] =	vst v7;
	v7 =	vmul.f32 v11, v6;
	v11 =	vld [tilespmem:s1+$0x16610]  }
0x115: {  	[tilespmem:s1+$0x165B0] =	vst v8;
	v8 =	vmul.f32 v12, v6;
	v12 =	vld [tilespmem:s1+$0x16620]  }
0x116: {  	[tilespmem:s1+$0x165C0] =	vst v7;
	v7 =	vmul.f32 v9, v6;
	v9 =	vbroadcast v0, $0x5;
	v14 =	vld [tilespmem:s1+$0x16630]  }
0x117: {  	[tilespmem:s1+$0x165D0] =	vst v8;
	v6 =	vmul.f32 v13, v6;
	v8 =	vld [tilespmem:s1+$0x16640]  }
0x118: {  	[tilespmem:s1+$0x165E0] =	vst v7;
	v7 =	vmul.f32 v10, v9;
	v10 =	vld [tilespmem:s1+$0x16650]  }
0x119: {  	[tilespmem:s1+$0x165F0] =	vst v6;
	v6 =	vmul.f32 v11, v9;
	v11 =	vld [tilespmem:s1+$0x16660]  }
0x11a: {  	[tilespmem:s1+$0x16600] =	vst v7;
	v7 =	vmul.f32 v12, v9;
	v12 =	vld [tilespmem:s1+$0x16670]  }
0x11b: {  	[tilespmem:s1+$0x16610] =	vst v6;
	v6 =	vmul.f32 v14, v9;
	v13 =	vld [tilespmem:s1+$0x16680]  }
0x11c: {  	[tilespmem:s1+$0x16620] =	vst v7;
	v7 =	vmul.f32 v8, v9;
	v8 =	vld [tilespmem:s1+$0x16690]  }
0x11d: {  	[tilespmem:s1+$0x16630] =	vst v6;
	v6 =	vmul.f32 v10, v9;
	v10 =	vld [tilespmem:s1+$0x166A0]  }
0x11e: {  	[tilespmem:s1+$0x16640] =	vst v7;
	v7 =	vmul.f32 v11, v9;
	v11 =	vbroadcast v0, $0x6;
	v14 =	vld [tilespmem:s1+$0x166B0]  }
0x11f: {  	[tilespmem:s1+$0x16650] =	vst v6;
	v6 =	vmul.f32 v12, v9;
	v9 =	vld [tilespmem:s1+$0x166C0]  }
0x120: {  	[tilespmem:s1+$0x16660] =	vst v7;
	v7 =	vmul.f32 v13, v11;
	v12 =	vld [tilespmem:s1+$0x166D0]  }
0x121: {  	[tilespmem:s1+$0x16670] =	vst v6;
	v6 =	vmul.f32 v8, v11;
	v8 =	vld [tilespmem:s1+$0x166E0]  }
0x122: {  	[tilespmem:s1+$0x16680] =	vst v7;
	v7 =	vmul.f32 v10, v11;
	v10 =	vld [tilespmem:s1+$0x166F0]  }
0x123: {  	[tilespmem:s1+$0x16690] =	vst v6;
	v6 =	vmul.f32 v14, v11;
	v13 =	vld [tilespmem:s1+$0x16700]  }
0x124: {  	[tilespmem:s1+$0x166A0] =	vst v7;
	v7 =	vmul.f32 v9, v11;
	v9 =	vld [tilespmem:s1+$0x16710]  }
0x125: {  	[tilespmem:s1+$0x166B0] =	vst v6;
	v6 =	vmul.f32 v12, v11;
	v12 =	vld [tilespmem:s1+$0x16720]  }
0x126: {  	[tilespmem:s1+$0x166C0] =	vst v7;
	v7 =	vmul.f32 v8, v11;
	v8 =	vbroadcast v0, $0x7;
	v14 =	vld [tilespmem:s1+$0x16730]  }
0x127: {  	[tilespmem:s1+$0x166D0] =	vst v6;
	v6 =	vmul.f32 v10, v11;
	v10 =	vld [tilespmem:s1+$0x16740]  }
0x128: {  	[tilespmem:s1+$0x166E0] =	vst v7;
	v7 =	vmul.f32 v13, v8;
	v11 =	vld [tilespmem:s1+$0x16750]  }
0x129: {  	[tilespmem:s1+$0x166F0] =	vst v6;
	v6 =	vmul.f32 v9, v8;
	v9 =	vld [tilespmem:s1+$0x16760]  }
0x12a: {  	[tilespmem:s1+$0x16700] =	vst v7;
	v7 =	vmul.f32 v12, v8;
	v12 =	vld [tilespmem:s1+$0x16770]  }
0x12b: {  	[tilespmem:s1+$0x16710] =	vst v6;
	v6 =	vmul.f32 v14, v8;
	v13 =	vld [tilespmem:s1+$0x16780]  }
0x12c: {  	[tilespmem:s1+$0x16720] =	vst v7;
	v7 =	vmul.f32 v10, v8;
	v10 =	vld [tilespmem:s1+$0x16790]  }
0x12d: {  	[tilespmem:s1+$0x16730] =	vst v6;
	v6 =	vmul.f32 v11, v8;
	v11 =	vld [tilespmem:s1+$0x167A0]  }
0x12e: {  	[tilespmem:s1+$0x16740] =	vst v7;
	v7 =	vmul.f32 v9, v8;
	v9 =	vbroadcast v0, $0x8;
	v14 =	vld [tilespmem:s1+$0x167B0]  }
0x12f: {  	[tilespmem:s1+$0x16750] =	vst v6;
	v6 =	vmul.f32 v12, v8;
	v8 =	vld [tilespmem:s1+$0x167C0]  }
0x130: {  	[tilespmem:s1+$0x16760] =	vst v7;
	v7 =	vmul.f32 v13, v9;
	v12 =	vld [tilespmem:s1+$0x167D0]  }
0x131: {  	[tilespmem:s1+$0x16770] =	vst v6;
	v6 =	vmul.f32 v10, v9;
	v10 =	vld [tilespmem:s1+$0x167E0]  }
0x132: {  	[tilespmem:s1+$0x16780] =	vst v7;
	v7 =	vmul.f32 v11, v9;
	v11 =	vld [tilespmem:s1+$0x167F0]  }
0x133: {  	[tilespmem:s1+$0x16790] =	vst v6;
	v6 =	vmul.f32 v14, v9;
	v13 =	vld [tilespmem:s1+$0x16800]  }
0x134: {  	[tilespmem:s1+$0x167A0] =	vst v7;
	v7 =	vmul.f32 v8, v9;
	v8 =	vld [tilespmem:s1+$0x16810]  }
0x135: {  	[tilespmem:s1+$0x167B0] =	vst v6;
	v6 =	vmul.f32 v12, v9;
	v12 =	vld [tilespmem:s1+$0x16820]  }
0x136: {  	[tilespmem:s1+$0x167C0] =	vst v7;
	v7 =	vmul.f32 v10, v9;
	v10 =	vbroadcast v0, $0x9;
	v14 =	vld [tilespmem:s1+$0x16830]  }
0x137: {  	[tilespmem:s1+$0x167D0] =	vst v6;
	v6 =	vmul.f32 v11, v9;
	v9 =	vld [tilespmem:s1+$0x16840]  }
0x138: {  	[tilespmem:s1+$0x167E0] =	vst v7;
	v7 =	vmul.f32 v13, v10;
	v11 =	vld [tilespmem:s1+$0x16850]  }
0x139: {  	[tilespmem:s1+$0x167F0] =	vst v6;
	v6 =	vmul.f32 v8, v10;
	v8 =	vld [tilespmem:s1+$0x16860]  }
0x13a: {  	[tilespmem:s1+$0x16800] =	vst v7;
	v7 =	vmul.f32 v12, v10;
	v12 =	vld [tilespmem:s1+$0x16870]  }
0x13b: {  	[tilespmem:s1+$0x16810] =	vst v6;
	v6 =	vmul.f32 v14, v10;
	v13 =	vld [tilespmem:s1+$0x16880]  }
0x13c: {  	[tilespmem:s1+$0x16820] =	vst v7;
	v7 =	vmul.f32 v9, v10;
	v9 =	vld [tilespmem:s1+$0x16890]  }
0x13d: {  	[tilespmem:s1+$0x16830] =	vst v6;
	v6 =	vmul.f32 v11, v10;
	v11 =	vld [tilespmem:s1+$0x168A0]  }
0x13e: {  	[tilespmem:s1+$0x16840] =	vst v7;
	v7 =	vmul.f32 v8, v10;
	v8 =	vld [tilespmem:s1+$0x168B0]  }
0x13f: {  	[tilespmem:s1+$0x16850] =	vst v6;
	v6 =	vmul.f32 v12, v10;
	v10 =	vld [tilespmem:s1+$0x168C0]  }
0x140: {  	[tilespmem:s1+$0x16860] =	vst v7;
	v7 =	vmul.f32 v13, v3;
	v12 =	vld [tilespmem:s1+$0x168D0]  }
0x141: {  	[tilespmem:s1+$0x16870] =	vst v6;
	v6 =	vmul.f32 v9, v3;
	v9 =	vld [tilespmem:s1+$0x168E0]  }
0x142: {  	v13 =	vld [tilespmem:s1+$0x16380];
	[tilespmem:s1+$0x16880] =	vst v7;
	v7 =	vmul.f32 v11, v3  }
0x143: {  	v11 =	vld [tilespmem:s1+$0x16390];
	[tilespmem:s1+$0x16890] =	vst v6;
	v6 =	vmul.f32 v8, v3  }
0x144: {  	v8 =	vld [tilespmem:s1+$0x163C0];
	[tilespmem:s1+$0x168A0] =	vst v7;
	v7 =	vmul.f32 v10, v3  }
0x145: {  	v10 =	vld [tilespmem:s1+$0x163D0];
	[tilespmem:s1+$0x168B0] =	vst v6;
	v6 =	vmul.f32 v12, v3  }
0x146: {  	[tilespmem:s1+$0x168C0] =	vst v7;
	v7 =	vmul.f32 v9, v3;
	v9 =	vbroadcast v0, $0xB;
	v12 =	vld [tilespmem:s1+$0x16920]  }
0x147: {  	v3 =	vbroadcast v0, $0xF;
	v13 =	vmul.f32 v1, v13;
	[tilespmem:s1+$0x168D0] =	vst v6;
	v6 =	vld [tilespmem:s1+$0x16930]  }
0x148: {  	v11 =	vmul.f32 v11, v1;
	[tilespmem:s1+$0x168E0] =	vst v7;
	v4 =	vmul.f32 v4, v9;
	v7 =	vld [tilespmem:s1+$0x16940]  }
0x149: {  	v5 =	vmul.f32 v5, v9;
	[tilespmem:s1+$0x16380] =	vst v13;
	v8 =	vmul.f32 v8, v1;
	v13 =	vld [tilespmem:s1+$0x16950]  }
0x14a: {  	v2 =	vmul.f32 v2, v3;
	v10 =	vmul.f32 v10, v1;
	[tilespmem:s1+$0x16900] =	vst v4;
	v1 =	vld [tilespmem:s1+$0x16960]  }
0x14b: {  	[tilespmem:s1+$0x16910] =	vst v5;
	v4 =	vmul.f32 v12, v9;
	v5 =	vld [tilespmem:s1+$0x16970]  }
0x14c: {  	v6 =	vmul.f32 v6, v9;
	v12 =	vld [tilespmem:s1+$0x16980];
	[tilespmem:s1+$0x16B50] =	vst v2  }
0x14d: {  	[tilespmem:s1+$0x16390] =	vst v11;
	v2 =	vmul.f32 v7, v9;
	v7 =	vld [tilespmem:s1+$0x16990]  }
0x14e: {  	[tilespmem:s1+$0x163C0] =	vst v8;
	v8 =	vmul.f32 v13, v9;
	v11 =	vld [tilespmem:s1+$0x169A0]  }
0x14f: {  	v13 =	vbroadcast v0, $0xC;
	[tilespmem:s1+$0x16920] =	vst v4;
	v4 =	vmul.f32 v1, v9;
	v14 =	vld [tilespmem:s1+$0x169B0]  }
0x150: {  	[tilespmem:s1+$0x16950] =	vst v8;
	v5 =	vmul.f32 v5, v9;
	v8 =	vld [tilespmem:s1+$0x169C0]  }
0x151: {  	[tilespmem:s1+$0x16930] =	vst v6;
	v1 =	vmul.f32 v12, v13;
	v6 =	vld [tilespmem:s1+$0x169D0]  }
0x152: {  	[tilespmem:s1+$0x16940] =	vst v2;
	v2 =	vmul.f32 v7, v13;
	v7 =	vld [tilespmem:s1+$0x169E0]  }
0x153: {  	[tilespmem:s1+$0x16980] =	vst v1;
	v1 =	vmul.f32 v11, v13;
	v9 =	vld [tilespmem:s1+$0x169F0]  }
0x154: {  	[tilespmem:s1+$0x16990] =	vst v2;
	v2 =	vld [tilespmem:s1+$0x16A00]  }
0x155: {  	[tilespmem:s1+$0x163D0] =	vst v10;
	v8 =	vmul.f32 v8, v13;
	v10 =	vld [tilespmem:s1+$0x16A10]  }
0x156: {  	[tilespmem:s1+$0x16960] =	vst v4;
	v4 =	vmul.f32 v6, v13;
	v6 =	vld [tilespmem:s1+$0x16A20]  }
0x157: {  	[tilespmem:s1+$0x169C0] =	vst v8;
	v7 =	vmul.f32 v7, v13;
	v8 =	vbroadcast v0, $0xD;
	v11 =	vld [tilespmem:s1+$0x16A30]  }
0x158: {  	[tilespmem:s1+$0x169D0] =	vst v4;
	v4 =	vmul.f32 v9, v13;
	v9 =	vld [tilespmem:s1+$0x16A40]  }
0x159: {  	[tilespmem:s1+$0x169E0] =	vst v7;
	v2 =	vmul.f32 v2, v8;
	v7 =	vld [tilespmem:s1+$0x16A50]  }
0x15a: {  	[tilespmem:s1+$0x169F0] =	vst v4;
	v4 =	vmul.f32 v10, v8;
	v10 =	vld [tilespmem:s1+$0x16A60]  }
0x15b: {  	[tilespmem:s1+$0x16A00] =	vst v2;
	v2 =	vmul.f32 v6, v8;
	v6 =	vld [tilespmem:s1+$0x16A70]  }
0x15c: {  	[tilespmem:s1+$0x16A10] =	vst v4;
	v4 =	vmul.f32 v11, v8;
	v11 =	vld [tilespmem:s1+$0x16A80]  }
0x15d: {  	[tilespmem:s1+$0x16A20] =	vst v2;
	v2 =	vmul.f32 v9, v8;
	v9 =	vld [tilespmem:s1+$0x16A90]  }
0x15e: {  	[tilespmem:s1+$0x16A30] =	vst v4;
	v4 =	vmul.f32 v7, v8;
	v7 =	vld [tilespmem:s1+$0x16AA0]  }
0x15f: {  	v0 =	vbroadcast v0, $0xE;
	[tilespmem:s1+$0x16970] =	vst v5;
	v5 =	vmul.f32 v10, v8;
	v10 =	vld [tilespmem:s1+$0x16AB0]  }
0x160: {  	[tilespmem:s1+$0x16A50] =	vst v4;
	v4 =	vmul.f32 v6, v8;
	v6 =	vld [tilespmem:s1+$0x16AC0]  }
0x161: {  	[tilespmem:s1+$0x16A60] =	vst v5;
	v5 =	vmul.f32 v11, v0;
	v8 =	vld [tilespmem:s1+$0x16AD0]  }
0x162: {  	[tilespmem:s1+$0x16A70] =	vst v4;
	v4 =	vmul.f32 v9, v0;
	v9 =	vld [tilespmem:s1+$0x16AE0]  }
0x163: {  	[tilespmem:s1+$0x16A80] =	vst v5;
	v5 =	vmul.f32 v7, v0;
	v7 =	vld [tilespmem:s1+$0x16AF0]  }
0x164: {  	[tilespmem:s1+$0x16A90] =	vst v4;
	v4 =	vmul.f32 v10, v0;
	v10 =	vld [tilespmem:s1+$0x16B00]  }
0x165: {  	[tilespmem:s1+$0x16AA0] =	vst v5;
	v5 =	vmul.f32 v6, v0;
	v6 =	vld [tilespmem:s1+$0x16B10]  }
0x166: {  	[tilespmem:s1+$0x16AB0] =	vst v4;
	v4 =	vmul.f32 v8, v0;
	v8 =	vld [tilespmem:s1+$0x16B20]  }
0x167: {  	[tilespmem:s1+$0x16AC0] =	vst v5;
	v5 =	vmul.f32 v9, v0;
	v9 =	vld [tilespmem:s1+$0x16B30]  }
0x168: {  	[tilespmem:s1+$0x16A40] =	vst v2;
	v0 =	vmul.f32 v7, v0;
	v2 =	vld [tilespmem:s1+$0x16B40]  }
0x169: {  	[tilespmem:s1+$0x16AE0] =	vst v5;
	v5 =	vmul.f32 v10, v3;
	v7 =	vld [tilespmem:s1+$0x16B60]  }
0x16a: {  	[tilespmem:s1+$0x16AF0] =	vst v0;
	v0 =	vmul.f32 v6, v3;
	v6 =	vld [tilespmem:s1+$0x16B70]  }
0x16b: {  	[tilespmem:s1+$0x16B00] =	vst v5;
	v5 =	vmul.f32 v8, v3  }
0x16c: {  	[tilespmem:s1+$0x16B10] =	vst v0;
	v0 =	vmul.f32 v9, v3  }
0x16d: {  	v8 =	vmul.f32 v14, v13;
	[tilespmem:s1+$0x16B20] =	vst v5  }
0x16e: {  	[tilespmem:s1+$0x16B30] =	vst v0;
	v0 =	vmul.f32 v2, v3  }
.Ltmp2:
0x16f: {  	[tilespmem:s1+$0x169B0] =	vst v8;
	v2 =	vmul.f32 v6, v3;
	(pc) =	sbr.rel @p1 .LBB2_3-.Ltmp2, $4  }
0x170: {  	[tilespmem:s1+$0x16B40] =	vst v0  }
0x171: {  	v0 =	vmul.f32 v7, v3;
	[tilespmem:s1+$0x16B70] =	vst v2  }
0x172: {  	[tilespmem:s1+$0x16AD0] =	vst v4  }
0x173: {  	[tilespmem:s1+$0x16B60] =	vst v0  }
0x174: {  	[tilespmem:s1+$0x169A0] =	vst v1  }
0x175: {  	[spmem:s3] =	stream.indirect.scatter.add.f32 [tilespmem:s16], [sflag:$0x3], $0x80, s24, s11, $0xb8;
	[tilespmem:$0x1E380] =	vst v63  }
0x176: {  	_ =	swait.ge [sflag:s25], $0x4000  }
0x177: {  	[sflag:s25] =	ssyncset.done $0x0  }
0x178: {  	[sflag:s25] =	ssyncadd.s32 $0xFFFFC000  }
0x179: {  	_ =	swait.ge [sflag:s25], $0x80  }
0x17a: {  	s0 =	simm.s32 $0x0;
	[sflag:s25] =	ssyncset.done $0x0  }
0x17b: {  	s12 =	simm.s32 $0x0;
	s0 =	sand.u32 $0x3FFFFFF0, s0;
	[sflag:s25] =	ssyncadd.s32 $0xFFFFFF80  }
0x17c: {  	s1 =	sand.u32 $0x3FFFF800, s12;
	v0 =	vld [tilespmem:s0+$0x16300]  }
0x17d: {  	v6 =	vld [tilespmem:s1+$0x1A440]  }
0x17e: {  	v2 =	vld [tilespmem:s1+$0x1A3A0]  }
0x17f: {  	v3 =	vld [tilespmem:s1+$0x1A3B0]  }
0x180: {  	v9 =	vld [tilespmem:s1+$0x1A3E0]  }
0x181: {  	v10 =	vld [tilespmem:s1+$0x1A3F0];
	v1 =	vbroadcast v0, $0x0  }
0x182: {  	v11 =	vld [tilespmem:s1+$0x1A400]  }
0x183: {  	v12 =	vld [tilespmem:s1+$0x1A410];
	v2 =	vmul.f32 v2, v1  }
0x184: {  	v13 =	vld [tilespmem:s1+$0x1A420];
	v3 =	vmul.f32 v3, v1  }
0x185: {  	v8 =	vld [tilespmem:s1+$0x1A430];
	v28 =	vbroadcast v0, $0x1;
	v27 =	vmul.f32 v9, v1;
	[tilespmem:s1+$0x1A3A0] =	vst v2  }
0x186: {  	v7 =	vld [tilespmem:s1+$0x1A450];
	v10 =	vmul.f32 v10, v1;
	[tilespmem:s1+$0x1A3B0] =	vst v3  }
0x187: {  	v5 =	vld [tilespmem:s1+$0x1A8F0];
	v11 =	vmul.f32 v11, v28;
	[tilespmem:s1+$0x1A3E0] =	vst v27  }
0x188: {  	v30 =	vld [tilespmem:s1+$0x1A470];
	v12 =	vmul.f32 v12, v28;
	[tilespmem:s1+$0x1A3F0] =	vst v10  }
0x189: {  	v31 =	vld [tilespmem:s1+$0x1A480];
	v13 =	vmul.f32 v13, v28;
	[tilespmem:s1+$0x1A400] =	vst v11  }
0x18a: {  	v32 =	vld [tilespmem:s1+$0x1A490];
	v8 =	vmul.f32 v8, v28;
	[tilespmem:s1+$0x1A410] =	vst v12  }
0x18b: {  	v29 =	vld [tilespmem:s1+$0x1A460];
	v6 =	vmul.f32 v6, v28;
	[tilespmem:s1+$0x1A420] =	vst v13  }
0x18c: {  	v33 =	vld [tilespmem:s1+$0x1A4A0];
	v14 =	vbroadcast v0, $0x2;
	v7 =	vmul.f32 v7, v28;
	[tilespmem:s1+$0x1A430] =	vst v8  }
0x18d: {  	v34 =	vld [tilespmem:s1+$0x1A4B0];
	v9 =	vmul.f32 v30, v28;
	[tilespmem:s1+$0x1A440] =	vst v6  }
0x18e: {  	v35 =	vld [tilespmem:s1+$0x1A4C0];
	v4 =	vbroadcast v0, $0xA;
	v37 =	vmul.f32 v31, v14;
	[tilespmem:s1+$0x1A450] =	vst v7  }
0x18f: {  	v36 =	vld [tilespmem:s1+$0x1A4D0];
	v39 =	vmul.f32 v32, v14;
	[tilespmem:s1+$0x1A470] =	vst v9  }
0x190: {  	v38 =	vld [tilespmem:s1+$0x1A4E0];
	v2 =	vmul.f32 v5, v4;
	[tilespmem:s1+$0x1A480] =	vst v37  }
0x191: {  	v40 =	vld [tilespmem:s1+$0x1A4F0];
	v10 =	vmul.f32 v29, v28;
	[tilespmem:s1+$0x1A490] =	vst v39  }
0x192: {  	v41 =	vld [tilespmem:s1+$0x1A500];
	v8 =	vmul.f32 v33, v14;
	[tilespmem:s1+$0x1A8F0] =	vst v2  }
0x193: {  	v42 =	vld [tilespmem:s1+$0x1A510];
	v6 =	vmul.f32 v34, v14;
	[tilespmem:s1+$0x1A460] =	vst v10  }
0x194: {  	v43 =	vld [tilespmem:s1+$0x1A520];
	v7 =	vmul.f32 v35, v14;
	[tilespmem:s1+$0x1A4A0] =	vst v8  }
0x195: {  	v44 =	vld [tilespmem:s1+$0x1A530];
	v46 =	vbroadcast v0, $0x3;
	v9 =	vmul.f32 v38, v14;
	[tilespmem:s1+$0x1A4B0] =	vst v6  }
0x196: {  	v45 =	vld [tilespmem:s1+$0x1A540];
	v11 =	vmul.f32 v40, v14;
	[tilespmem:s1+$0x1A4C0] =	vst v7  }
0x197: {  	v47 =	vld [tilespmem:s1+$0x1A550];
	v12 =	vmul.f32 v41, v46;
	[tilespmem:s1+$0x1A4E0] =	vst v9  }
0x198: {  	v48 =	vld [tilespmem:s1+$0x1A560];
	v10 =	vmul.f32 v36, v14;
	[tilespmem:s1+$0x1A4F0] =	vst v11  }
0x199: {  	v49 =	vld [tilespmem:s1+$0x1A570];
	v8 =	vmul.f32 v42, v46;
	[tilespmem:s1+$0x1A500] =	vst v12  }
0x19a: {  	v50 =	vld [tilespmem:s1+$0x1A580];
	v6 =	vmul.f32 v43, v46;
	[tilespmem:s1+$0x1A4D0] =	vst v10  }
0x19b: {  	v51 =	vld [tilespmem:s1+$0x1A590];
	v7 =	vmul.f32 v44, v46;
	[tilespmem:s1+$0x1A510] =	vst v8  }
0x19c: {  	v52 =	vld [tilespmem:s1+$0x1A5A0];
	v9 =	vmul.f32 v47, v46;
	[tilespmem:s1+$0x1A520] =	vst v6  }
0x19d: {  	v53 =	vld [tilespmem:s1+$0x1A5B0];
	v11 =	vmul.f32 v48, v46;
	[tilespmem:s1+$0x1A530] =	vst v7  }
0x19e: {  	v54 =	vld [tilespmem:s1+$0x1A5C0];
	v55 =	vbroadcast v0, $0x4;
	v12 =	vmul.f32 v49, v46;
	[tilespmem:s1+$0x1A550] =	vst v9  }
0x19f: {  	v56 =	vld [tilespmem:s1+$0x1A5D0];
	v10 =	vmul.f32 v45, v46;
	[tilespmem:s1+$0x1A560] =	vst v11  }
0x1a0: {  	v57 =	vld [tilespmem:s1+$0x1A5E0];
	v8 =	vmul.f32 v50, v55;
	[tilespmem:s1+$0x1A570] =	vst v12  }
0x1a1: {  	v58 =	vld [tilespmem:s1+$0x1A5F0];
	v6 =	vmul.f32 v51, v55;
	[tilespmem:s1+$0x1A540] =	vst v10  }
0x1a2: {  	v59 =	vld [tilespmem:s1+$0x1A600];
	v7 =	vmul.f32 v52, v55;
	[tilespmem:s1+$0x1A580] =	vst v8  }
0x1a3: {  	v60 =	vld [tilespmem:s1+$0x1A610];
	v9 =	vmul.f32 v54, v55;
	[tilespmem:s1+$0x1A590] =	vst v6  }
0x1a4: {  	v61 =	vld [tilespmem:s1+$0x1A620];
	v11 =	vmul.f32 v56, v55;
	[tilespmem:s1+$0x1A5A0] =	vst v7  }
0x1a5: {  	v62 =	vld [tilespmem:s1+$0x1A630];
	v12 =	vmul.f32 v57, v55;
	[tilespmem:s1+$0x1A5C0] =	vst v9  }
0x1a6: {  	v63 =	vld [tilespmem:s1+$0x1A640];
	v16 =	vbroadcast v0, $0x5;
	v10 =	vmul.f32 v53, v55;
	[tilespmem:s1+$0x1A5D0] =	vst v11  }
0x1a7: {  	v17 =	vld [tilespmem:s1+$0x1A650];
	v8 =	vmul.f32 v58, v55;
	[tilespmem:s1+$0x1A5E0] =	vst v12  }
0x1a8: {  	v18 =	vld [tilespmem:s1+$0x1A660];
	v6 =	vmul.f32 v59, v16;
	[tilespmem:s1+$0x1A5B0] =	vst v10  }
0x1a9: {  	v19 =	vld [tilespmem:s1+$0x1A670];
	v7 =	vmul.f32 v60, v16;
	[tilespmem:s1+$0x1A5F0] =	vst v8  }
0x1aa: {  	v20 =	vld [tilespmem:s1+$0x1A680];
	v9 =	vmul.f32 v62, v16;
	[tilespmem:s1+$0x1A600] =	vst v6  }
0x1ab: {  	v21 =	vld [tilespmem:s1+$0x1A690];
	v11 =	vmul.f32 v63, v16;
	[tilespmem:s1+$0x1A610] =	vst v7  }
0x1ac: {  	v22 =	vld [tilespmem:s1+$0x1A6A0];
	v12 =	vmul.f32 v17, v16;
	[tilespmem:s1+$0x1A630] =	vst v9  }
0x1ad: {  	v23 =	vld [tilespmem:s1+$0x1A6B0];
	v10 =	vmul.f32 v61, v16;
	[tilespmem:s1+$0x1A640] =	vst v11  }
0x1ae: {  	v24 =	vld [tilespmem:s1+$0x1A6C0];
	v25 =	vbroadcast v0, $0x6;
	v8 =	vmul.f32 v18, v16;
	[tilespmem:s1+$0x1A650] =	vst v12  }
0x1af: {  	v56 =	vld [tilespmem:s1+$0x1A880];
	v6 =	vmul.f32 v19, v16;
	[tilespmem:s1+$0x1A620] =	vst v10  }
0x1b0: {  	v26 =	vld [tilespmem:s1+$0x1A6D0];
	v7 =	vmul.f32 v20, v25;
	[tilespmem:s1+$0x1A660] =	vst v8  }
0x1b1: {  	v30 =	vld [tilespmem:s1+$0x1A710];
	v9 =	vmul.f32 v22, v25;
	[tilespmem:s1+$0x1A670] =	vst v6  }
0x1b2: {  	v27 =	vld [tilespmem:s1+$0x1A6E0];
	v11 =	vmul.f32 v23, v25;
	[tilespmem:s1+$0x1A680] =	vst v7  }
0x1b3: {  	v28 =	vld [tilespmem:s1+$0x1A6F0];
	v12 =	vmul.f32 v24, v25;
	[tilespmem:s1+$0x1A6A0] =	vst v9  }
0x1b4: {  	v31 =	vld [tilespmem:s1+$0x1A720];
	v62 =	vmul.f32 v56, v4;
	[tilespmem:s1+$0x1A6B0] =	vst v11  }
0x1b5: {  	v32 =	vld [tilespmem:s1+$0x1A730];
	v10 =	vmul.f32 v21, v25;
	[tilespmem:s1+$0x1A6C0] =	vst v12  }
0x1b6: {  	v3 =	vld [tilespmem:s1+$0x1A900];
	v8 =	vmul.f32 v26, v25;
	[tilespmem:s1+$0x1A880] =	vst v62  }
0x1b7: {  	v5 =	vld [tilespmem:s1+$0x1A910];
	v34 =	vbroadcast v0, $0x7;
	v6 =	vmul.f32 v27, v25;
	[tilespmem:s1+$0x1A690] =	vst v10  }
0x1b8: {  	v29 =	vld [tilespmem:s1+$0x1A700];
	v7 =	vmul.f32 v28, v25;
	[tilespmem:s1+$0x1A6D0] =	vst v8  }
0x1b9: {  	v60 =	vld [tilespmem:s1+$0x1A8C0];
	v9 =	vmul.f32 v30, v34;
	[tilespmem:s1+$0x1A6E0] =	vst v6  }
0x1ba: {  	v33 =	vld [tilespmem:s1+$0x1A740];
	v24 =	vbroadcast v0, $0xB;
	v11 =	vmul.f32 v31, v34;
	[tilespmem:s1+$0x1A6F0] =	vst v7  }
0x1bb: {  	v35 =	vld [tilespmem:s1+$0x1A750];
	v12 =	vmul.f32 v32, v34;
	[tilespmem:s1+$0x1A710] =	vst v9  }
0x1bc: {  	v38 =	vld [tilespmem:s1+$0x1A780];
	v3 =	vmul.f32 v3, v24;
	[tilespmem:s1+$0x1A720] =	vst v11  }
0x1bd: {  	v36 =	vld [tilespmem:s1+$0x1A760];
	v5 =	vmul.f32 v5, v24;
	[tilespmem:s1+$0x1A730] =	vst v12  }
0x1be: {  	v2 =	vld [tilespmem:s1+$0x1AB50];
	v19 =	vmul.f32 v60, v4;
	[tilespmem:s1+$0x1A900] =	vst v3  }
0x1bf: {  	v39 =	vld [tilespmem:s1+$0x1A790];
	v10 =	vmul.f32 v29, v34;
	[tilespmem:s1+$0x1A910] =	vst v5  }
0x1c0: {  	v40 =	vld [tilespmem:s1+$0x1A7A0];
	v8 =	vmul.f32 v33, v34;
	[tilespmem:s1+$0x1A8C0] =	vst v19  }
0x1c1: {  	v43 =	vbroadcast v0, $0x8;
	v61 =	vld [tilespmem:s1+$0x1A8D0];
	v6 =	vmul.f32 v35, v34;
	[tilespmem:s1+$0x1A700] =	vst v10  }
0x1c2: {  	v16 =	vld [tilespmem:s1+$0x1A380];
	v7 =	vmul.f32 v36, v34;
	[tilespmem:s1+$0x1A740] =	vst v8  }
0x1c3: {  	v37 =	vld [tilespmem:s1+$0x1A770];
	v9 =	vmul.f32 v38, v43;
	[tilespmem:s1+$0x1A750] =	vst v6  }
0x1c4: {  	v41 =	vld [tilespmem:s1+$0x1A7B0];
	v11 =	vmul.f32 v39, v43;
	[tilespmem:s1+$0x1A760] =	vst v7  }
0x1c5: {  	v42 =	vld [tilespmem:s1+$0x1A7C0];
	v12 =	vmul.f32 v40, v43;
	[tilespmem:s1+$0x1A780] =	vst v9  }
0x1c6: {  	v44 =	vld [tilespmem:s1+$0x1A7D0];
	v21 =	vmul.f32 v61, v4;
	[tilespmem:s1+$0x1A790] =	vst v11  }
0x1c7: {  	v46 =	vld [tilespmem:s1+$0x1A7F0];
	v25 =	vmul.f32 v1, v16;
	[tilespmem:s1+$0x1A7A0] =	vst v12  }
0x1c8: {  	v47 =	vld [tilespmem:s1+$0x1A800];
	v10 =	vmul.f32 v37, v34;
	[tilespmem:s1+$0x1A8D0] =	vst v21  }
0x1c9: {  	v48 =	vld [tilespmem:s1+$0x1A810];
	v8 =	vmul.f32 v41, v43;
	[tilespmem:s1+$0x1A380] =	vst v25  }
0x1ca: {  	v6 =	vmul.f32 v42, v43;
	[tilespmem:s1+$0x1A770] =	vst v10  }
0x1cb: {  	v52 =	vbroadcast v0, $0x9;
	v27 =	vld [tilespmem:s1+$0x1A950];
	v7 =	vmul.f32 v44, v43;
	[tilespmem:s1+$0x1A7B0] =	vst v8  }
0x1cc: {  	v30 =	vld [tilespmem:s1+$0x1A980];
	v9 =	vmul.f32 v46, v43;
	[tilespmem:s1+$0x1A7C0] =	vst v6  }
0x1cd: {  	v28 =	vld [tilespmem:s1+$0x1A960];
	v3 =	vbroadcast v0, $0xF;
	v11 =	vmul.f32 v47, v52;
	[tilespmem:s1+$0x1A7D0] =	vst v7  }
0x1ce: {  	v45 =	vld [tilespmem:s1+$0x1A7E0];
	v12 =	vmul.f32 v48, v52;
	[tilespmem:s1+$0x1A7F0] =	vst v9  }
0x1cf: {  	v49 =	vld [tilespmem:s1+$0x1A820];
	v35 =	vbroadcast v0, $0xC;
	v2 =	vmul.f32 v2, v3;
	[tilespmem:s1+$0x1A800] =	vst v11  }
0x1d0: {  	v50 =	vld [tilespmem:s1+$0x1A830];
	v32 =	vmul.f32 v27, v24;
	[tilespmem:s1+$0x1A810] =	vst v12  }
0x1d1: {  	v51 =	vld [tilespmem:s1+$0x1A840];
	v14 =	vmul.f32 v30, v35;
	[tilespmem:s1+$0x1AB50] =	vst v2  }
0x1d2: {  	v54 =	vld [tilespmem:s1+$0x1A860];
	v40 =	vmul.f32 v28, v24;
	[tilespmem:s1+$0x1A950] =	vst v32  }
0x1d3: {  	v55 =	vld [tilespmem:s1+$0x1A870];
	v10 =	vmul.f32 v45, v43;
	[tilespmem:s1+$0x1A980] =	vst v14  }
0x1d4: {  	v18 =	vld [tilespmem:s1+$0x1A3C0];
	v8 =	vmul.f32 v49, v52;
	[tilespmem:s1+$0x1A960] =	vst v40  }
0x1d5: {  	v38 =	vld [tilespmem:s1+$0x1A9F0];
	v6 =	vmul.f32 v50, v52;
	[tilespmem:s1+$0x1A7E0] =	vst v10  }
0x1d6: {  	v29 =	vld [tilespmem:s1+$0x1A970];
	v7 =	vmul.f32 v51, v52;
	[tilespmem:s1+$0x1A820] =	vst v8  }
0x1d7: {  	v33 =	vld [tilespmem:s1+$0x1A9B0];
	v9 =	vmul.f32 v54, v52;
	[tilespmem:s1+$0x1A830] =	vst v6  }
0x1d8: {  	v53 =	vld [tilespmem:s1+$0x1A850];
	v11 =	vmul.f32 v55, v52;
	[tilespmem:s1+$0x1A840] =	vst v7  }
0x1d9: {  	v57 =	vld [tilespmem:s1+$0x1A890];
	v2 =	vmul.f32 v18, v1;
	[tilespmem:s1+$0x1A860] =	vst v9  }
0x1da: {  	v58 =	vld [tilespmem:s1+$0x1A8A0];
	v14 =	vmul.f32 v38, v35;
	[tilespmem:s1+$0x1A870] =	vst v11  }
0x1db: {  	v59 =	vld [tilespmem:s1+$0x1A8B0];
	v5 =	vmul.f32 v29, v24;
	[tilespmem:s1+$0x1A3C0] =	vst v2  }
0x1dc: {  	v63 =	vld [tilespmem:s1+$0x1A8E0];
	v62 =	vmul.f32 v33, v35;
	[tilespmem:s1+$0x1A9F0] =	vst v14  }
0x1dd: {  	v17 =	vld [tilespmem:s1+$0x1A390];
	v10 =	vmul.f32 v53, v52;
	[tilespmem:s1+$0x1A970] =	vst v5  }
0x1de: {  	v20 =	vld [tilespmem:s1+$0x1A3D0];
	v8 =	vmul.f32 v57, v4;
	[tilespmem:s1+$0x1A9B0] =	vst v62  }
0x1df: {  	v61 =	vld [tilespmem:s1+$0x1AB70];
	v6 =	vmul.f32 v58, v4;
	[tilespmem:s1+$0x1A850] =	vst v10  }
0x1e0: {  	v46 =	vld [tilespmem:s1+$0x1AA60];
	v7 =	vmul.f32 v59, v4;
	[tilespmem:s1+$0x1A890] =	vst v8  }
0x1e1: {  	v22 =	vld [tilespmem:s1+$0x1A920];
	v4 =	vmul.f32 v63, v4;
	[tilespmem:s1+$0x1A8A0] =	vst v6  }
0x1e2: {  	v23 =	vld [tilespmem:s1+$0x1A930];
	v11 =	vmul.f32 v17, v1;
	[tilespmem:s1+$0x1A8B0] =	vst v7  }
0x1e3: {  	v26 =	vld [tilespmem:s1+$0x1A940];
	v44 =	vbroadcast v0, $0xD;
	v1 =	vmul.f32 v20, v1;
	[tilespmem:s1+$0x1A8E0] =	vst v4  }
0x1e4: {  	v31 =	vld [tilespmem:s1+$0x1A990];
	v63 =	vmul.f32 v61, v3;
	[tilespmem:s1+$0x1A390] =	vst v11  }
0x1e5: {  	v34 =	vld [tilespmem:s1+$0x1A9C0];
	v51 =	vmul.f32 v46, v44;
	[tilespmem:s1+$0x1A3D0] =	vst v1  }
0x1e6: {  	v41 =	vld [tilespmem:s1+$0x1AA20];
	v6 =	vmul.f32 v22, v24;
	[tilespmem:s1+$0x1AB70] =	vst v63  }
0x1e7: {  	v7 =	vmul.f32 v23, v24;
	v1 =	vld [tilespmem:s1+$0x1AA10];
	[tilespmem:s1+$0x1AA60] =	vst v51  }
0x1e8: {  	v49 =	vld [tilespmem:s1+$0x1AAA0];
	v4 =	vmul.f32 v26, v24;
	[tilespmem:s1+$0x1A920] =	vst v6  }
0x1e9: {  	v50 =	vld [tilespmem:s1+$0x1AAB0];
	v8 =	vmul.f32 v31, v35;
	[tilespmem:s1+$0x1A930] =	vst v7  }
0x1ea: {  	v36 =	vld [tilespmem:s1+$0x1A9D0];
	v11 =	vmul.f32 v34, v35;
	[tilespmem:s1+$0x1A940] =	vst v4  }
0x1eb: {  	v37 =	vld [tilespmem:s1+$0x1A9E0];
	v0 =	vbroadcast v0, $0xE;
	v10 =	vmul.f32 v41, v44;
	[tilespmem:s1+$0x1A990] =	vst v8  }
0x1ec: {  	v39 =	vld [tilespmem:s1+$0x1AA00];
	[tilespmem:s1+$0x1A9C0] =	vst v11;
	v1 =	vmul.f32 v1, v44  }
0x1ed: {  	v42 =	vld [tilespmem:s1+$0x1AA30];
	v9 =	vmul.f32 v49, v0;
	[tilespmem:s1+$0x1AA20] =	vst v10  }
0x1ee: {  	v5 =	vmul.f32 v50, v0;
	[tilespmem:s1+$0x1AA10] =	vst v1;
	v1 =	vld [tilespmem:s1+$0x1AA80]  }
0x1ef: {  	v48 =	vld [tilespmem:s1+$0x1AA90];
	v7 =	vmul.f32 v36, v35;
	[tilespmem:s1+$0x1AAA0] =	vst v9  }
0x1f0: {  	v57 =	vld [tilespmem:s1+$0x1AB20];
	v4 =	vmul.f32 v37, v35;
	[tilespmem:s1+$0x1AAB0] =	vst v5  }
0x1f1: {  	v45 =	vld [tilespmem:s1+$0x1AA50];
	v8 =	vmul.f32 v39, v44;
	[tilespmem:s1+$0x1A9D0] =	vst v7  }
0x1f2: {  	v47 =	vld [tilespmem:s1+$0x1AA70];
	v11 =	vmul.f32 v42, v44;
	[tilespmem:s1+$0x1A9E0] =	vst v4  }
0x1f3: {  	v43 =	vld [tilespmem:s1+$0x1AA40];
	[tilespmem:s1+$0x1AA00] =	vst v8;
	v1 =	vmul.f32 v1, v0  }
0x1f4: {  	v55 =	vld [tilespmem:s1+$0x1AB00];
	v10 =	vmul.f32 v48, v0;
	[tilespmem:s1+$0x1AA30] =	vst v11  }
0x1f5: {  	v5 =	vmul.f32 v57, v3;
	[tilespmem:s1+$0x1AA80] =	vst v1;
	v1 =	vld [tilespmem:s1+$0x1AAF0]  }
0x1f6: {  	v52 =	vld [tilespmem:s1+$0x1AAC0];
	v4 =	vmul.f32 v45, v44;
	[tilespmem:s1+$0x1AA90] =	vst v10  }
0x1f7: {  	v56 =	vld [tilespmem:s1+$0x1AB10];
	v8 =	vmul.f32 v47, v44;
	[tilespmem:s1+$0x1AB20] =	vst v5  }
0x1f8: {  	v54 =	vld [tilespmem:s1+$0x1AAE0];
	v7 =	vmul.f32 v43, v44;
	[tilespmem:s1+$0x1AA50] =	vst v4  }
0x1f9: {  	v58 =	vld [tilespmem:s1+$0x1AB30];
	v10 =	vmul.f32 v55, v3;
	[tilespmem:s1+$0x1AA70] =	vst v8  }
0x1fa: {  	v53 =	vld [tilespmem:s1+$0x1AAD0];
	[tilespmem:s1+$0x1AA40] =	vst v7;
	v1 =	vmul.f32 v1, v0  }
0x1fb: {  	v59 =	vld [tilespmem:s1+$0x1AB40];
	v4 =	vmul.f32 v52, v0;
	[tilespmem:s1+$0x1AB00] =	vst v10  }
0x1fc: {  	v60 =	vld [tilespmem:s1+$0x1AB60];
	[tilespmem:s1+$0x1AAF0] =	vst v1;
	v1 =	vmul.f32 v56, v3  }
0x1fd: {  	v8 =	vmul.f32 v54, v0;
	[tilespmem:s1+$0x1AAC0] =	vst v4  }
0x1fe: {  	v2 =	vld [tilespmem:s1+$0x1A9A0];
	[tilespmem:s1+$0x1AB10] =	vst v1;
	v1 =	vmul.f32 v58, v3  }
0x1ff: {  	[tilespmem:s1+$0x1AAE0] =	vst v8;
	v0 =	vmul.f32 v53, v0  }
0x200: {  	[tilespmem:s1+$0x1AB30] =	vst v1;
	v1 =	vmul.f32 v59, v3  }
0x201: {  	[tilespmem:s1+$0x1AAD0] =	vst v0;
	v3 =	vmul.f32 v60, v3  }
0x202: {  	[tilespmem:s1+$0x1AB40] =	vst v1  }
0x203: {  	s0 =	simm.s32 $0x1;
	v1 =	vmul.f32 v2, v35;
	[tilespmem:s1+$0x1AB60] =	vst v3  }
.LBB2_5:
0x204: {  	s12 =	sshll.u32 s0, $0x4  }
0x205: {  	p1 =	sne.s32 s0, $0x7;
	[tilespmem:s1+$0x1A9A0] =	vst v1;
	s1 =	smov.u32 s0;
	s0 =	sadd.s32 $0x1, s0  }
0x206: {  	s12 =	sand.u32 $0x3FFFFFF0, s12  }
0x207: {  	s1 =	sshll.u32 s1, $0xB;
	v0 =	vld [tilespmem:s12+$0x16300]  }
0x208: {  	s1 =	sand.u32 $0x3FFFF800, s1  }
0x209: {  	v7 =	vld [tilespmem:s1+$0x1A440]  }
0x20a: {  	v8 =	vld [tilespmem:s1+$0x1A450]  }
0x20b: {  	v9 =	vld [tilespmem:s1+$0x1A430]  }
0x20c: {  	v1 =	vbroadcast v0, $0x0;
	v2 =	vld [tilespmem:s1+$0x1A3A0];
	v6 =	vbroadcast v0, $0x4  }
0x20d: {  	v4 =	vld [tilespmem:s1+$0x1A3B0]  }
0x20e: {  	v5 =	vld [tilespmem:s1+$0x1A8F0]  }
0x20f: {  	v10 =	vld [tilespmem:s1+$0x1A3E0]  }
0x210: {  	v11 =	vld [tilespmem:s1+$0x1A3F0]  }
0x211: {  	v3 =	vbroadcast v0, $0xA;
	v2 =	vmul.f32 v2, v1;
	v12 =	vld [tilespmem:s1+$0x1A400]  }
0x212: {  	v4 =	vmul.f32 v4, v1;
	v13 =	vld [tilespmem:s1+$0x1A410]  }
0x213: {  	[tilespmem:s1+$0x1A3A0] =	vst v2;
	v14 =	vld [tilespmem:s1+$0x1A420];
	v2 =	vmul.f32 v5, v3  }
0x214: {  	[tilespmem:s1+$0x1A3B0] =	vst v4;
	v5 =	vmul.f32 v10, v1;
	v10 =	vbroadcast v0, $0x1;
	v4 =	vld [tilespmem:s1+$0x1A900]  }
0x215: {  	v11 =	vmul.f32 v11, v1;
	[tilespmem:s1+$0x1A8F0] =	vst v2;
	v2 =	vld [tilespmem:s1+$0x1AB50]  }
0x216: {  	[tilespmem:s1+$0x1A3E0] =	vst v5;
	v12 =	vmul.f32 v12, v10;
	v5 =	vld [tilespmem:s1+$0x1A910]  }
0x217: {  	[tilespmem:s1+$0x1A3F0] =	vst v11;
	v11 =	vmul.f32 v13, v10;
	v13 =	vld [tilespmem:s1+$0x1A460]  }
0x218: {  	[tilespmem:s1+$0x1A400] =	vst v12;
	v12 =	vmul.f32 v14, v10;
	v14 =	vld [tilespmem:s1+$0x1A470]  }
0x219: {  	v9 =	vmul.f32 v9, v10;
	[tilespmem:s1+$0x1A410] =	vst v11;
	v11 =	vld [tilespmem:s1+$0x1A480]  }
0x21a: {  	v7 =	vmul.f32 v7, v10;
	[tilespmem:s1+$0x1A420] =	vst v12;
	v12 =	vld [tilespmem:s1+$0x1A490]  }
0x21b: {  	v8 =	vmul.f32 v8, v10;
	[tilespmem:s1+$0x1A430] =	vst v9;
	v9 =	vld [tilespmem:s1+$0x1A4A0]  }
0x21c: {  	[tilespmem:s1+$0x1A440] =	vst v7;
	v7 =	vmul.f32 v13, v10;
	v13 =	vbroadcast v0, $0x2;
	v15 =	vld [tilespmem:s1+$0x1A4B0]  }
0x21d: {  	[tilespmem:s1+$0x1A450] =	vst v8;
	v8 =	vmul.f32 v14, v10;
	v10 =	vld [tilespmem:s1+$0x1A4C0]  }
0x21e: {  	[tilespmem:s1+$0x1A460] =	vst v7;
	v7 =	vmul.f32 v11, v13;
	v11 =	vld [tilespmem:s1+$0x1A4D0]  }
0x21f: {  	[tilespmem:s1+$0x1A470] =	vst v8;
	v8 =	vmul.f32 v12, v13;
	v12 =	vld [tilespmem:s1+$0x1A4E0]  }
0x220: {  	[tilespmem:s1+$0x1A480] =	vst v7;
	v7 =	vmul.f32 v9, v13;
	v9 =	vld [tilespmem:s1+$0x1A4F0]  }
0x221: {  	[tilespmem:s1+$0x1A490] =	vst v8;
	v8 =	vmul.f32 v15, v13;
	v14 =	vld [tilespmem:s1+$0x1A500]  }
0x222: {  	[tilespmem:s1+$0x1A4A0] =	vst v7;
	v7 =	vmul.f32 v10, v13;
	v10 =	vld [tilespmem:s1+$0x1A510]  }
0x223: {  	[tilespmem:s1+$0x1A4B0] =	vst v8;
	v8 =	vmul.f32 v11, v13;
	v11 =	vld [tilespmem:s1+$0x1A520]  }
0x224: {  	[tilespmem:s1+$0x1A4C0] =	vst v7;
	v7 =	vmul.f32 v12, v13;
	v12 =	vbroadcast v0, $0x3;
	v15 =	vld [tilespmem:s1+$0x1A530]  }
0x225: {  	[tilespmem:s1+$0x1A4D0] =	vst v8;
	v8 =	vmul.f32 v9, v13;
	v9 =	vld [tilespmem:s1+$0x1A540]  }
0x226: {  	[tilespmem:s1+$0x1A4E0] =	vst v7;
	v7 =	vmul.f32 v14, v12;
	v13 =	vld [tilespmem:s1+$0x1A550]  }
0x227: {  	[tilespmem:s1+$0x1A4F0] =	vst v8;
	v8 =	vmul.f32 v10, v12;
	v10 =	vld [tilespmem:s1+$0x1A560]  }
0x228: {  	[tilespmem:s1+$0x1A500] =	vst v7;
	v7 =	vmul.f32 v11, v12;
	v11 =	vld [tilespmem:s1+$0x1A570]  }
0x229: {  	[tilespmem:s1+$0x1A510] =	vst v8;
	v8 =	vmul.f32 v15, v12;
	v14 =	vld [tilespmem:s1+$0x1A580]  }
0x22a: {  	[tilespmem:s1+$0x1A520] =	vst v7;
	v7 =	vmul.f32 v9, v12;
	v9 =	vld [tilespmem:s1+$0x1A590]  }
0x22b: {  	[tilespmem:s1+$0x1A530] =	vst v8;
	v8 =	vmul.f32 v13, v12;
	v13 =	vld [tilespmem:s1+$0x1A5A0]  }
0x22c: {  	[tilespmem:s1+$0x1A540] =	vst v7;
	v7 =	vmul.f32 v10, v12;
	v10 =	vld [tilespmem:s1+$0x1A5B0]  }
0x22d: {  	[tilespmem:s1+$0x1A550] =	vst v8;
	v8 =	vmul.f32 v11, v12;
	v11 =	vld [tilespmem:s1+$0x1A5C0]  }
0x22e: {  	[tilespmem:s1+$0x1A560] =	vst v7;
	v7 =	vmul.f32 v14, v6;
	v12 =	vld [tilespmem:s1+$0x1A5D0]  }
0x22f: {  	[tilespmem:s1+$0x1A570] =	vst v8;
	v8 =	vmul.f32 v9, v6;
	v9 =	vld [tilespmem:s1+$0x1A5E0]  }
0x230: {  	[tilespmem:s1+$0x1A580] =	vst v7;
	v7 =	vmul.f32 v13, v6;
	v13 =	vld [tilespmem:s1+$0x1A5F0]  }
0x231: {  	[tilespmem:s1+$0x1A590] =	vst v8;
	v8 =	vmul.f32 v10, v6;
	v10 =	vld [tilespmem:s1+$0x1A600]  }
0x232: {  	[tilespmem:s1+$0x1A5A0] =	vst v7;
	v7 =	vmul.f32 v11, v6;
	v11 =	vld [tilespmem:s1+$0x1A610]  }
0x233: {  	[tilespmem:s1+$0x1A5B0] =	vst v8;
	v8 =	vmul.f32 v12, v6;
	v12 =	vld [tilespmem:s1+$0x1A620]  }
0x234: {  	[tilespmem:s1+$0x1A5C0] =	vst v7;
	v7 =	vmul.f32 v9, v6;
	v9 =	vbroadcast v0, $0x5;
	v14 =	vld [tilespmem:s1+$0x1A630]  }
0x235: {  	[tilespmem:s1+$0x1A5D0] =	vst v8;
	v6 =	vmul.f32 v13, v6;
	v8 =	vld [tilespmem:s1+$0x1A640]  }
0x236: {  	[tilespmem:s1+$0x1A5E0] =	vst v7;
	v7 =	vmul.f32 v10, v9;
	v10 =	vld [tilespmem:s1+$0x1A650]  }
0x237: {  	[tilespmem:s1+$0x1A5F0] =	vst v6;
	v6 =	vmul.f32 v11, v9;
	v11 =	vld [tilespmem:s1+$0x1A660]  }
0x238: {  	[tilespmem:s1+$0x1A600] =	vst v7;
	v7 =	vmul.f32 v12, v9;
	v12 =	vld [tilespmem:s1+$0x1A670]  }
0x239: {  	[tilespmem:s1+$0x1A610] =	vst v6;
	v6 =	vmul.f32 v14, v9;
	v13 =	vld [tilespmem:s1+$0x1A680]  }
0x23a: {  	[tilespmem:s1+$0x1A620] =	vst v7;
	v7 =	vmul.f32 v8, v9;
	v8 =	vld [tilespmem:s1+$0x1A690]  }
0x23b: {  	[tilespmem:s1+$0x1A630] =	vst v6;
	v6 =	vmul.f32 v10, v9;
	v10 =	vld [tilespmem:s1+$0x1A6A0]  }
0x23c: {  	[tilespmem:s1+$0x1A640] =	vst v7;
	v7 =	vmul.f32 v11, v9;
	v11 =	vbroadcast v0, $0x6;
	v14 =	vld [tilespmem:s1+$0x1A6B0]  }
0x23d: {  	[tilespmem:s1+$0x1A650] =	vst v6;
	v6 =	vmul.f32 v12, v9;
	v9 =	vld [tilespmem:s1+$0x1A6C0]  }
0x23e: {  	[tilespmem:s1+$0x1A660] =	vst v7;
	v7 =	vmul.f32 v13, v11;
	v12 =	vld [tilespmem:s1+$0x1A6D0]  }
0x23f: {  	[tilespmem:s1+$0x1A670] =	vst v6;
	v6 =	vmul.f32 v8, v11;
	v8 =	vld [tilespmem:s1+$0x1A6E0]  }
0x240: {  	[tilespmem:s1+$0x1A680] =	vst v7;
	v7 =	vmul.f32 v10, v11;
	v10 =	vld [tilespmem:s1+$0x1A6F0]  }
0x241: {  	[tilespmem:s1+$0x1A690] =	vst v6;
	v6 =	vmul.f32 v14, v11;
	v13 =	vld [tilespmem:s1+$0x1A700]  }
0x242: {  	[tilespmem:s1+$0x1A6A0] =	vst v7;
	v7 =	vmul.f32 v9, v11;
	v9 =	vld [tilespmem:s1+$0x1A710]  }
0x243: {  	[tilespmem:s1+$0x1A6B0] =	vst v6;
	v6 =	vmul.f32 v12, v11;
	v12 =	vld [tilespmem:s1+$0x1A720]  }
0x244: {  	[tilespmem:s1+$0x1A6C0] =	vst v7;
	v7 =	vmul.f32 v8, v11;
	v8 =	vbroadcast v0, $0x7;
	v14 =	vld [tilespmem:s1+$0x1A730]  }
0x245: {  	[tilespmem:s1+$0x1A6D0] =	vst v6;
	v6 =	vmul.f32 v10, v11;
	v10 =	vld [tilespmem:s1+$0x1A740]  }
0x246: {  	[tilespmem:s1+$0x1A6E0] =	vst v7;
	v7 =	vmul.f32 v13, v8;
	v11 =	vld [tilespmem:s1+$0x1A750]  }
0x247: {  	[tilespmem:s1+$0x1A6F0] =	vst v6;
	v6 =	vmul.f32 v9, v8;
	v9 =	vld [tilespmem:s1+$0x1A760]  }
0x248: {  	[tilespmem:s1+$0x1A700] =	vst v7;
	v7 =	vmul.f32 v12, v8;
	v12 =	vld [tilespmem:s1+$0x1A770]  }
0x249: {  	[tilespmem:s1+$0x1A710] =	vst v6;
	v6 =	vmul.f32 v14, v8;
	v13 =	vld [tilespmem:s1+$0x1A780]  }
0x24a: {  	[tilespmem:s1+$0x1A720] =	vst v7;
	v7 =	vmul.f32 v10, v8;
	v10 =	vld [tilespmem:s1+$0x1A790]  }
0x24b: {  	[tilespmem:s1+$0x1A730] =	vst v6;
	v6 =	vmul.f32 v11, v8;
	v11 =	vld [tilespmem:s1+$0x1A7A0]  }
0x24c: {  	[tilespmem:s1+$0x1A740] =	vst v7;
	v7 =	vmul.f32 v9, v8;
	v9 =	vbroadcast v0, $0x8;
	v14 =	vld [tilespmem:s1+$0x1A7B0]  }
0x24d: {  	[tilespmem:s1+$0x1A750] =	vst v6;
	v6 =	vmul.f32 v12, v8;
	v8 =	vld [tilespmem:s1+$0x1A7C0]  }
0x24e: {  	[tilespmem:s1+$0x1A760] =	vst v7;
	v7 =	vmul.f32 v13, v9;
	v12 =	vld [tilespmem:s1+$0x1A7D0]  }
0x24f: {  	[tilespmem:s1+$0x1A770] =	vst v6;
	v6 =	vmul.f32 v10, v9;
	v10 =	vld [tilespmem:s1+$0x1A7E0]  }
0x250: {  	[tilespmem:s1+$0x1A780] =	vst v7;
	v7 =	vmul.f32 v11, v9;
	v11 =	vld [tilespmem:s1+$0x1A7F0]  }
0x251: {  	[tilespmem:s1+$0x1A790] =	vst v6;
	v6 =	vmul.f32 v14, v9;
	v13 =	vld [tilespmem:s1+$0x1A800]  }
0x252: {  	[tilespmem:s1+$0x1A7A0] =	vst v7;
	v7 =	vmul.f32 v8, v9;
	v8 =	vld [tilespmem:s1+$0x1A810]  }
0x253: {  	[tilespmem:s1+$0x1A7B0] =	vst v6;
	v6 =	vmul.f32 v12, v9;
	v12 =	vld [tilespmem:s1+$0x1A820]  }
0x254: {  	[tilespmem:s1+$0x1A7C0] =	vst v7;
	v7 =	vmul.f32 v10, v9;
	v10 =	vbroadcast v0, $0x9;
	v14 =	vld [tilespmem:s1+$0x1A830]  }
0x255: {  	[tilespmem:s1+$0x1A7D0] =	vst v6;
	v6 =	vmul.f32 v11, v9;
	v9 =	vld [tilespmem:s1+$0x1A840]  }
0x256: {  	[tilespmem:s1+$0x1A7E0] =	vst v7;
	v7 =	vmul.f32 v13, v10;
	v11 =	vld [tilespmem:s1+$0x1A850]  }
0x257: {  	[tilespmem:s1+$0x1A7F0] =	vst v6;
	v6 =	vmul.f32 v8, v10;
	v8 =	vld [tilespmem:s1+$0x1A860]  }
0x258: {  	[tilespmem:s1+$0x1A800] =	vst v7;
	v7 =	vmul.f32 v12, v10;
	v12 =	vld [tilespmem:s1+$0x1A870]  }
0x259: {  	[tilespmem:s1+$0x1A810] =	vst v6;
	v6 =	vmul.f32 v14, v10;
	v13 =	vld [tilespmem:s1+$0x1A880]  }
0x25a: {  	[tilespmem:s1+$0x1A820] =	vst v7;
	v7 =	vmul.f32 v9, v10;
	v9 =	vld [tilespmem:s1+$0x1A890]  }
0x25b: {  	[tilespmem:s1+$0x1A830] =	vst v6;
	v6 =	vmul.f32 v11, v10;
	v11 =	vld [tilespmem:s1+$0x1A8A0]  }
0x25c: {  	[tilespmem:s1+$0x1A840] =	vst v7;
	v7 =	vmul.f32 v8, v10;
	v8 =	vld [tilespmem:s1+$0x1A8B0]  }
0x25d: {  	[tilespmem:s1+$0x1A850] =	vst v6;
	v6 =	vmul.f32 v12, v10;
	v10 =	vld [tilespmem:s1+$0x1A8C0]  }
0x25e: {  	[tilespmem:s1+$0x1A860] =	vst v7;
	v7 =	vmul.f32 v13, v3;
	v12 =	vld [tilespmem:s1+$0x1A8D0]  }
0x25f: {  	[tilespmem:s1+$0x1A870] =	vst v6;
	v6 =	vmul.f32 v9, v3;
	v9 =	vld [tilespmem:s1+$0x1A8E0]  }
0x260: {  	v13 =	vld [tilespmem:s1+$0x1A380];
	[tilespmem:s1+$0x1A880] =	vst v7;
	v7 =	vmul.f32 v11, v3  }
0x261: {  	v11 =	vld [tilespmem:s1+$0x1A390];
	[tilespmem:s1+$0x1A890] =	vst v6;
	v6 =	vmul.f32 v8, v3  }
0x262: {  	v8 =	vld [tilespmem:s1+$0x1A3C0];
	[tilespmem:s1+$0x1A8A0] =	vst v7;
	v7 =	vmul.f32 v10, v3  }
0x263: {  	v10 =	vld [tilespmem:s1+$0x1A3D0];
	[tilespmem:s1+$0x1A8B0] =	vst v6;
	v6 =	vmul.f32 v12, v3  }
0x264: {  	[tilespmem:s1+$0x1A8C0] =	vst v7;
	v7 =	vmul.f32 v9, v3;
	v9 =	vbroadcast v0, $0xB;
	v12 =	vld [tilespmem:s1+$0x1A920]  }
0x265: {  	v3 =	vbroadcast v0, $0xF;
	v13 =	vmul.f32 v1, v13;
	[tilespmem:s1+$0x1A8D0] =	vst v6;
	v6 =	vld [tilespmem:s1+$0x1A930]  }
0x266: {  	v11 =	vmul.f32 v11, v1;
	[tilespmem:s1+$0x1A8E0] =	vst v7;
	v4 =	vmul.f32 v4, v9;
	v7 =	vld [tilespmem:s1+$0x1A940]  }
0x267: {  	v5 =	vmul.f32 v5, v9;
	[tilespmem:s1+$0x1A380] =	vst v13;
	v8 =	vmul.f32 v8, v1;
	v13 =	vld [tilespmem:s1+$0x1A950]  }
0x268: {  	v2 =	vmul.f32 v2, v3;
	v10 =	vmul.f32 v10, v1;
	[tilespmem:s1+$0x1A900] =	vst v4;
	v1 =	vld [tilespmem:s1+$0x1A960]  }
0x269: {  	[tilespmem:s1+$0x1A910] =	vst v5;
	v4 =	vmul.f32 v12, v9;
	v5 =	vld [tilespmem:s1+$0x1A970]  }
0x26a: {  	v6 =	vmul.f32 v6, v9;
	v12 =	vld [tilespmem:s1+$0x1A980];
	[tilespmem:s1+$0x1AB50] =	vst v2  }
0x26b: {  	[tilespmem:s1+$0x1A390] =	vst v11;
	v2 =	vmul.f32 v7, v9;
	v7 =	vld [tilespmem:s1+$0x1A990]  }
0x26c: {  	[tilespmem:s1+$0x1A3C0] =	vst v8;
	v8 =	vmul.f32 v13, v9;
	v11 =	vld [tilespmem:s1+$0x1A9A0]  }
0x26d: {  	v13 =	vbroadcast v0, $0xC;
	[tilespmem:s1+$0x1A920] =	vst v4;
	v4 =	vmul.f32 v1, v9;
	v14 =	vld [tilespmem:s1+$0x1A9B0]  }
0x26e: {  	[tilespmem:s1+$0x1A950] =	vst v8;
	v5 =	vmul.f32 v5, v9;
	v8 =	vld [tilespmem:s1+$0x1A9C0]  }
0x26f: {  	[tilespmem:s1+$0x1A930] =	vst v6;
	v1 =	vmul.f32 v12, v13;
	v6 =	vld [tilespmem:s1+$0x1A9D0]  }
0x270: {  	[tilespmem:s1+$0x1A940] =	vst v2;
	v2 =	vmul.f32 v7, v13;
	v7 =	vld [tilespmem:s1+$0x1A9E0]  }
0x271: {  	[tilespmem:s1+$0x1A980] =	vst v1;
	v1 =	vmul.f32 v11, v13;
	v9 =	vld [tilespmem:s1+$0x1A9F0]  }
0x272: {  	[tilespmem:s1+$0x1A990] =	vst v2;
	v2 =	vld [tilespmem:s1+$0x1AA00]  }
0x273: {  	[tilespmem:s1+$0x1A3D0] =	vst v10;
	v8 =	vmul.f32 v8, v13;
	v10 =	vld [tilespmem:s1+$0x1AA10]  }
0x274: {  	[tilespmem:s1+$0x1A960] =	vst v4;
	v4 =	vmul.f32 v6, v13;
	v6 =	vld [tilespmem:s1+$0x1AA20]  }
0x275: {  	[tilespmem:s1+$0x1A9C0] =	vst v8;
	v7 =	vmul.f32 v7, v13;
	v8 =	vbroadcast v0, $0xD;
	v11 =	vld [tilespmem:s1+$0x1AA30]  }
0x276: {  	[tilespmem:s1+$0x1A9D0] =	vst v4;
	v4 =	vmul.f32 v9, v13;
	v9 =	vld [tilespmem:s1+$0x1AA40]  }
0x277: {  	[tilespmem:s1+$0x1A9E0] =	vst v7;
	v2 =	vmul.f32 v2, v8;
	v7 =	vld [tilespmem:s1+$0x1AA50]  }
0x278: {  	[tilespmem:s1+$0x1A9F0] =	vst v4;
	v4 =	vmul.f32 v10, v8;
	v10 =	vld [tilespmem:s1+$0x1AA60]  }
0x279: {  	[tilespmem:s1+$0x1AA00] =	vst v2;
	v2 =	vmul.f32 v6, v8;
	v6 =	vld [tilespmem:s1+$0x1AA70]  }
0x27a: {  	[tilespmem:s1+$0x1AA10] =	vst v4;
	v4 =	vmul.f32 v11, v8;
	v11 =	vld [tilespmem:s1+$0x1AA80]  }
0x27b: {  	[tilespmem:s1+$0x1AA20] =	vst v2;
	v2 =	vmul.f32 v9, v8;
	v9 =	vld [tilespmem:s1+$0x1AA90]  }
0x27c: {  	[tilespmem:s1+$0x1AA30] =	vst v4;
	v4 =	vmul.f32 v7, v8;
	v7 =	vld [tilespmem:s1+$0x1AAA0]  }
0x27d: {  	v0 =	vbroadcast v0, $0xE;
	[tilespmem:s1+$0x1A970] =	vst v5;
	v5 =	vmul.f32 v10, v8;
	v10 =	vld [tilespmem:s1+$0x1AAB0]  }
0x27e: {  	[tilespmem:s1+$0x1AA50] =	vst v4;
	v4 =	vmul.f32 v6, v8;
	v6 =	vld [tilespmem:s1+$0x1AAC0]  }
0x27f: {  	[tilespmem:s1+$0x1AA60] =	vst v5;
	v5 =	vmul.f32 v11, v0;
	v8 =	vld [tilespmem:s1+$0x1AAD0]  }
0x280: {  	[tilespmem:s1+$0x1AA70] =	vst v4;
	v4 =	vmul.f32 v9, v0;
	v9 =	vld [tilespmem:s1+$0x1AAE0]  }
0x281: {  	[tilespmem:s1+$0x1AA80] =	vst v5;
	v5 =	vmul.f32 v7, v0;
	v7 =	vld [tilespmem:s1+$0x1AAF0]  }
0x282: {  	[tilespmem:s1+$0x1AA90] =	vst v4;
	v4 =	vmul.f32 v10, v0;
	v10 =	vld [tilespmem:s1+$0x1AB00]  }
0x283: {  	[tilespmem:s1+$0x1AAA0] =	vst v5;
	v5 =	vmul.f32 v6, v0;
	v6 =	vld [tilespmem:s1+$0x1AB10]  }
0x284: {  	[tilespmem:s1+$0x1AAB0] =	vst v4;
	v4 =	vmul.f32 v8, v0;
	v8 =	vld [tilespmem:s1+$0x1AB20]  }
0x285: {  	[tilespmem:s1+$0x1AAC0] =	vst v5;
	v5 =	vmul.f32 v9, v0;
	v9 =	vld [tilespmem:s1+$0x1AB30]  }
0x286: {  	[tilespmem:s1+$0x1AA40] =	vst v2;
	v0 =	vmul.f32 v7, v0;
	v2 =	vld [tilespmem:s1+$0x1AB40]  }
0x287: {  	[tilespmem:s1+$0x1AAE0] =	vst v5;
	v5 =	vmul.f32 v10, v3;
	v7 =	vld [tilespmem:s1+$0x1AB60]  }
0x288: {  	[tilespmem:s1+$0x1AAF0] =	vst v0;
	v0 =	vmul.f32 v6, v3;
	v6 =	vld [tilespmem:s1+$0x1AB70]  }
0x289: {  	[tilespmem:s1+$0x1AB00] =	vst v5;
	v5 =	vmul.f32 v8, v3  }
0x28a: {  	[tilespmem:s1+$0x1AB10] =	vst v0;
	v0 =	vmul.f32 v9, v3  }
0x28b: {  	v8 =	vmul.f32 v14, v13;
	[tilespmem:s1+$0x1AB20] =	vst v5  }
0x28c: {  	[tilespmem:s1+$0x1AB30] =	vst v0;
	v0 =	vmul.f32 v2, v3  }
.Ltmp3:
0x28d: {  	[tilespmem:s1+$0x1A9B0] =	vst v8;
	v2 =	vmul.f32 v6, v3;
	(pc) =	sbr.rel @p1 .LBB2_5-.Ltmp3, $4  }
0x28e: {  	[tilespmem:s1+$0x1AB40] =	vst v0  }
0x28f: {  	v0 =	vmul.f32 v7, v3;
	[tilespmem:s1+$0x1AB70] =	vst v2  }
0x290: {  	[tilespmem:s1+$0x1AAD0] =	vst v4  }
0x291: {  	[tilespmem:s1+$0x1AB60] =	vst v0  }
0x292: {  	p1 =	seq.s32 s31, $0x27  }
.Ltmp4:
0x293: {  	_ = 	snop;
	(pc) =	sbr.rel @p1 .LBB2_8-.Ltmp4, $3  }
0x294: {  	_ =	sdelay $0x1  }
0x295: {  	[tilespmem:s1+$0x1A9A0] =	vst v1  }
0x296: {  	[spmem:s3] =	stream.indirect.scatter.add.f32 [tilespmem:s19], [sflag:$0x4], $0x80, s26, s11, $0xb8;
	[tilespmem:$0x1E380] =	vst v63  }
0x297: {  	_ =	swait.ge [sflag:s28], $0x4000  }
0x298: {  	[sflag:s28] =	ssyncset.done $0x0  }
0x299: {  	s0 =	sshll.u32 s31, $0x8;
	[sflag:s28] =	ssyncadd.s32 $0xFFFFC000  }
0x29a: {  	v0 =	vld [tilespmem:s0+$0x13980];
	_ =	sdelay $0x4  }
0x29b: {  	v1 =	vand.u32 $0xFFFF, v0  }
0x29c: {  	v0 =	vshrl.u32 v0, $0x10;
	[tilespmem:$0x16080] =	vst v1  }
0x29d: {  	[tilespmem:$0x16180] =	vst v0  }
0x29e: {  	v0 =	vld [tilespmem:s0+$0x13990];
	_ =	sdelay $0x4  }
0x29f: {  	v48 =	vand.u32 $0xFFFF, v0  }
0x2a0: {  	v0 =	vshrl.u32 v0, $0x10;
	[tilespmem:$0x16090] =	vst v48  }
0x2a1: {  	[tilespmem:$0x16190] =	vst v0  }
0x2a2: {  	v0 =	vld [tilespmem:s0+$0x139A0];
	_ =	sdelay $0x4  }
0x2a3: {  	v49 =	vand.u32 $0xFFFF, v0  }
0x2a4: {  	v0 =	vshrl.u32 v0, $0x10;
	[tilespmem:$0x160A0] =	vst v49  }
0x2a5: {  	[tilespmem:$0x161A0] =	vst v0  }
0x2a6: {  	v0 =	vld [tilespmem:s0+$0x139B0];
	_ =	sdelay $0x4  }
0x2a7: {  	v50 =	vand.u32 $0xFFFF, v0  }
0x2a8: {  	v0 =	vshrl.u32 v0, $0x10;
	[tilespmem:$0x160B0] =	vst v50  }
0x2a9: {  	[tilespmem:$0x161B0] =	vst v0  }
0x2aa: {  	v0 =	vld [tilespmem:s0+$0x139C0];
	_ =	sdelay $0x4  }
0x2ab: {  	v51 =	vand.u32 $0xFFFF, v0  }
0x2ac: {  	v0 =	vshrl.u32 v0, $0x10;
	[tilespmem:$0x160C0] =	vst v51  }
0x2ad: {  	[tilespmem:$0x161C0] =	vst v0  }
0x2ae: {  	v0 =	vld [tilespmem:s0+$0x139D0];
	_ =	sdelay $0x4  }
0x2af: {  	v52 =	vand.u32 $0xFFFF, v0  }
0x2b0: {  	v0 =	vshrl.u32 v0, $0x10;
	[tilespmem:$0x160D0] =	vst v52  }
0x2b1: {  	[tilespmem:$0x161D0] =	vst v0  }
0x2b2: {  	v0 =	vld [tilespmem:s0+$0x139E0];
	_ =	sdelay $0x4  }
0x2b3: {  	v53 =	vand.u32 $0xFFFF, v0  }
0x2b4: {  	v0 =	vshrl.u32 v0, $0x10;
	[tilespmem:$0x160E0] =	vst v53  }
0x2b5: {  	[tilespmem:$0x161E0] =	vst v0  }
0x2b6: {  	v0 =	vld [tilespmem:s0+$0x139F0];
	_ =	sdelay $0x4  }
0x2b7: {  	v54 =	vand.u32 $0xFFFF, v0  }
0x2b8: {  	v0 =	vshrl.u32 v0, $0x10;
	[tilespmem:$0x160F0] =	vst v54  }
0x2b9: {  	s1 =	sadd.s32 s7, s0;
	[tilespmem:$0x161F0] =	vst v0  }
0x2ba: {  	[tilespmem:s16], [sflag:$0x1] =	stream.indirect.gather [hbm4b:s2+s11], $0x80, s15, s11, $0xb8;
	[tilespmem:$0x1E380] =	vst v63  }
0x2bb: {  	s12 =	sadd.s32 $0x100, s1  }
0x2bc: {  	[tilespmem:s17], [sflag:$0x1] =	stream.linear.gather [hbm4b:s12+s4], $0x80, $0x38;
	[tilespmem:$0x1E380] =	vst v63  }
0x2bd: {  	_ =	swait.ge [sflag:s29], $0x4000  }
0x2be: {  	[sflag:s29] =	ssyncset.done $0x0  }
0x2bf: {  	[sflag:s29] =	ssyncadd.s32 $0xFFFFC000  }
0x2c0: {  	v55 =	vld [tilespmem:s0+$0x13A00];
	_ =	sdelay $0x4  }
0x2c1: {  	v56 =	vand.u32 $0xFFFF, v55  }
0x2c2: {  	v0 =	vshrl.u32 v55, $0x10;
	[tilespmem:$0x16100] =	vst v56  }
0x2c3: {  	[tilespmem:$0x16200] =	vst v0  }
0x2c4: {  	v0 =	vld [tilespmem:s0+$0x13A10];
	_ =	sdelay $0x4  }
0x2c5: {  	v57 =	vand.u32 $0xFFFF, v0  }
0x2c6: {  	v0 =	vshrl.u32 v0, $0x10;
	[tilespmem:$0x16110] =	vst v57  }
0x2c7: {  	[tilespmem:$0x16210] =	vst v0  }
0x2c8: {  	v0 =	vld [tilespmem:s0+$0x13A20];
	_ =	sdelay $0x4  }
0x2c9: {  	v58 =	vand.u32 $0xFFFF, v0  }
0x2ca: {  	v0 =	vshrl.u32 v0, $0x10;
	[tilespmem:$0x16120] =	vst v58  }
0x2cb: {  	[tilespmem:$0x16220] =	vst v0  }
0x2cc: {  	v0 =	vld [tilespmem:s0+$0x13A30];
	_ =	sdelay $0x4  }
0x2cd: {  	v59 =	vand.u32 $0xFFFF, v0  }
0x2ce: {  	v0 =	vshrl.u32 v0, $0x10;
	[tilespmem:$0x16130] =	vst v59  }
0x2cf: {  	[tilespmem:$0x16230] =	vst v0  }
0x2d0: {  	v0 =	vld [tilespmem:s0+$0x13A40];
	_ =	sdelay $0x4  }
0x2d1: {  	v60 =	vand.u32 $0xFFFF, v0  }
0x2d2: {  	v0 =	vshrl.u32 v0, $0x10;
	[tilespmem:$0x16140] =	vst v60  }
0x2d3: {  	[tilespmem:$0x16240] =	vst v0  }
0x2d4: {  	v0 =	vld [tilespmem:s0+$0x13A50];
	_ =	sdelay $0x4  }
0x2d5: {  	v61 =	vand.u32 $0xFFFF, v0  }
0x2d6: {  	v0 =	vshrl.u32 v0, $0x10;
	[tilespmem:$0x16150] =	vst v61  }
0x2d7: {  	[tilespmem:$0x16250] =	vst v0  }
0x2d8: {  	v0 =	vld [tilespmem:s0+$0x13A60];
	_ =	sdelay $0x4  }
0x2d9: {  	v62 =	vand.u32 $0xFFFF, v0  }
0x2da: {  	v0 =	vshrl.u32 v0, $0x10;
	[tilespmem:$0x16160] =	vst v62  }
0x2db: {  	[tilespmem:$0x16260] =	vst v0  }
0x2dc: {  	v0 =	vld [tilespmem:s0+$0x13A70];
	_ =	sdelay $0x4  }
0x2dd: {  	v63 =	vand.u32 $0xFFFF, v0  }
.Ltmp5:
0x2de: {  	v0 =	vshrl.u32 v0, $0x10;
	[tilespmem:$0x16170] =	vst v63;
	(pc) =	sbr.rel .LBB2_2-.Ltmp5, $4  }
0x2df: {  	[tilespmem:$0x16270] =	vst v0  }
0x2e0: {  	[tilespmem:s19], [sflag:$0x2] =	stream.indirect.gather [hbm4b:s2+s11], $0x80, s18, s11, $0xb8;
	[tilespmem:$0x1E380] =	vst v63  }
0x2e1: {  	s31 =	sadd.s32 $0x1, s31;
	s12 =	sadd.s32 $0x180, s1  }
0x2e2: {  	[tilespmem:s20], [sflag:$0x2] =	stream.linear.gather [hbm4b:s12+s4], $0x80, $0x38;
	[tilespmem:$0x1E380] =	vst v63  }
.LBB2_9:
0x2e3: {  	_ =	sfence.sel $0x180000  }
0x2e4: {  	[bflag:$0x0] =	sbarrier.arrive $0xFFFF  }
0x2e5: {  	_ =	strace $0x90000047  }
0x2e6: {  	s0 =	stileid.u32;
	[bflag:$0x2] =	sbarrier.arrive $0xFFFF  }
0x2e7: {  	p0 =	sne.s32 s0, $0x0;
	s0 =	rddreg [dreg:$0x4]  }
0x2e8: {  	s0 =	sadd.s32 @!p0 $0x100000, s0  }
0x2e9: {  	[sflag:s0] =	ssyncadd.tile.s32 @!p0 $0x1;
	_ =	shalt  }
.Lfunc_end2:
_tile_overlayer_lowered:
.L_overlay_start_2:
0x2ea: {  	(tag) =	ssettag $0x2  }
0x2eb: {  	s0 =	rddreg [dreg:$0x0];
	s2 =	stileid.u32  }
0x2ec: {  	s1 =	rddreg [dreg:$0x1];
	p0 =	sne.s32 s2, $0x0  }
0x2ed: {  	s3 =	rddreg [dreg:$0x2];
	[bflag:$0x3] =	sbarrier.arrive $0xFFFF;
	s2 =	simm.s32 @!p0 $0x1C05  }
0x2ee: {  	[timem:s3], [sflag:s2] =	dma.local @!p0 [hbm:s0], s1  }
0x2ef: {  	s0 =	simm.s32 @!p0 $0x5  }
0x2f0: {  	_ =	swait.ge @!p0 [sflag:s0], s1  }
0x2f1: {  	s1 =	ssub.s32 @!p0 $0x0, s1;
	[sflag:s0] =	ssyncset.done @!p0 $0x0  }
0x2f2: {  	[sflag:s0] =	ssyncadd.s32 @!p0 s1  }
0x2f3: {  	[bflag:$0x3] =	sbarrier.arrive $0xFFFF  }
0x2f4: {  	_ =	shalt  }

</sc_bundles>
